<compile_context>
chip_gen: v7x
topology: tpu7x:2x2x1
jax: 0.10.2.dev20260603
libtpu: 0.0.44.dev20260713+nightly
codegen_flags: <defaults>
</compile_context>

<pallas_src>
import functools

import jax
import jax.numpy as jnp
from jax import lax
from jax.experimental import pallas as pl
from jax.experimental.pallas import tpu as pltpu
from jax.experimental.pallas import tpu_sc as plsc

N = 10000
E = 320000
F = 128
NT = 12

NC = 2
NS = 16
CHUNK = 128
RPT = 160
EP = NS * RPT * CHUNK
NP = 10240
RPN = NP // NS

_mesh = plsc.VectorSubcoreMesh(core_axis_name="c", subcore_axis_name="s")


@functools.partial(
    pl.kernel,
    out_type=jax.ShapeDtypeStruct((NC, NP), jnp.float32),
    mesh=_mesh,
    scratch_types=[
        pltpu.VMEM((RPT, CHUNK), jnp.int32),
        pltpu.VMEM((RPT, CHUNK), jnp.float32),
        pltpu.VMEM((RPN,), jnp.float32),
        pltpu.VMEM_SHARED((NP,), jnp.float32),
        pltpu.SemaphoreType.DMA,
    ],
)
def _sc_degrees(ei_hbm, w_hbm, deg_hbm, idx_v, w_v, buf_v, acc_sh, sem):
    c = lax.axis_index("c")
    s = lax.axis_index("s")

    pltpu.sync_copy(ei_hbm.at[c, pl.ds(s * RPT, RPT), :], idx_v)
    pltpu.sync_copy(w_hbm.at[pl.ds(s * RPT, RPT), :], w_v)

    def _z(i, _):
        buf_v[pl.ds(i * 16, 16)] = jnp.zeros((16,), jnp.float32)
        return _
    lax.fori_loop(0, RPN // 16, _z, 0)
    pltpu.sync_copy(buf_v, acc_sh.at[pl.ds(s * RPN, RPN)])
    plsc.subcore_barrier()

    def _sst(k):
        pltpu.async_copy(w_v.at[k], acc_sh.at[idx_v.at[k]], sem, add=True)

    def _fire(k, carry):
        _sst(k)
        return carry
    lax.fori_loop(0, 32, _fire, 0)

    def _body(k, carry):
        pltpu.make_async_copy(w_v.at[k], acc_sh.at[idx_v.at[k]], sem).wait()

        @pl.when(k + 32 < RPT)
        def _go():
            _sst(k + 32)
        return carry
    lax.fori_loop(0, RPT, _body, 0)
    plsc.subcore_barrier()

    pltpu.sync_copy(acc_sh.at[pl.ds(s * RPN, RPN)], buf_v)
    pltpu.sync_copy(buf_v, deg_hbm.at[c, pl.ds(s * RPN, RPN)])


def _table_body(x_ref, dego_ref, out_ref):
    xb = x_ref[...]
    d = dego_ref[...]
    scale = jnp.where(d > 0.0, 1.0 / d, 0.0)
    out_ref[0] = xb
    out_ref[1] = xb * scale


def _build_tables(x_pad, dego):
    nb = 10
    bs = NP // nb
    return pl.pallas_call(
        _table_body,
        grid=(nb,),
        in_specs=[
            pl.BlockSpec((bs, F), lambda i: (i, 0)),
            pl.BlockSpec((bs, 1), lambda i: (i, 0)),
        ],
        out_specs=pl.BlockSpec((2, bs, F), lambda i: (0, i, 0)),
        out_shape=jax.ShapeDtypeStruct((2, NP, F), jnp.float32),
    )(x_pad, dego)


NBUF = 2
HB = 16


@functools.partial(
    pl.kernel,
    out_type=jax.ShapeDtypeStruct((NC, NP, F), jnp.float32),
    mesh=_mesh,
    scratch_types=[
        pltpu.VMEM((2, HB, CHUNK), jnp.int32),
        pltpu.VMEM((2, HB, CHUNK), jnp.int32),
        pltpu.VMEM((NBUF, CHUNK, F), jnp.float32),
        pltpu.VMEM_SHARED((NP, F), jnp.float32),
        pltpu.SemaphoreType.DMA,
        pltpu.SemaphoreType.DMA,
        pltpu.SemaphoreType.DMA,
    ],
)
def _sc_edge_pass(tab_hbm, ri_hbm, ci_hbm, out_hbm, r_v, c_v, g_v, acc_sh,
                  sem0, sem1, sem2):
    c = lax.axis_index("c")
    s = lax.axis_index("s")

    def _z(i, _):
        g_v[0, i // 8, pl.ds((i % 8) * 16, 16)] = jnp.zeros((16,), jnp.float32)
        return _
    lax.fori_loop(0, CHUNK * F // 16, _z, 0)
    for j in range(RPN // CHUNK):
        pltpu.sync_copy(g_v.at[0], acc_sh.at[pl.ds(s * RPN + j * CHUNK, CHUNK), :])
    plsc.subcore_barrier()

    sems = (sem0, sem1)

    def _stage(blk, p):
        base = s * RPT + blk * HB
        pltpu.async_copy(ri_hbm.at[c, pl.ds(base, HB), :], r_v.at[p], sem2)
        pltpu.async_copy(ci_hbm.at[pl.ds(base, HB), :], c_v.at[p], sem2)

    def _stage_wait(blk, p):
        base = s * RPT + blk * HB
        pltpu.make_async_copy(ri_hbm.at[c, pl.ds(base, HB), :], r_v.at[p],
                              sem2).wait()
        pltpu.make_async_copy(ci_hbm.at[pl.ds(base, HB), :], c_v.at[p],
                              sem2).wait()

    def _start(p, k, b):
        pltpu.async_copy(tab_hbm.at[r_v.at[p, k]], g_v.at[b], sems[b])

    def _wait(p, k, b):
        pltpu.make_async_copy(tab_hbm.at[r_v.at[p, k]], g_v.at[b],
                              sems[b]).wait()

    _stage(0, 0)
    for blk in range(RPT // HB):
        p = blk & 1
        _stage_wait(blk, p)
        if blk + 1 < RPT // HB:
            _stage(blk + 1, 1 - p)
        for b in range(NBUF):
            _start(p, b, b)

        def _body(g, inner, p=p):
            for b in range(NBUF):
                k = g * NBUF + b
                _wait(p, k, b)
                pltpu.sync_copy(g_v.at[b], acc_sh.at[c_v.at[p, k]], add=True)

                @pl.when(k + NBUF < HB)
                def _go(b=b, k=k, p=p):
                    _start(p, k + NBUF, b)
            return inner

        lax.fori_loop(0, HB // NBUF, _body, 0)
    plsc.subcore_barrier()

    for j in range(RPN // CHUNK):
        r0 = s * RPN + j * CHUNK
        pltpu.sync_copy(acc_sh.at[pl.ds(r0, CHUNK), :], g_v.at[0])
        pltpu.sync_copy(g_v.at[0], out_hbm.at[c, pl.ds(r0, CHUNK), :])


def _dense_body(x_ref, sums_ref, din_ref,
                wz00_ref, wz10_ref, wz01_ref, wz11_ref,
                wh00_ref, wh10_ref, wh01_ref, wh11_ref,
                bz_ref, bh_ref, wl_ref, bl_ref, out_ref):
    xb = x_ref[...]
    S = sums_ref[0]
    O = sums_ref[1]
    din = din_ref[...]
    Ti = S * jnp.where(din > 0.0, 1.0 / din, 0.0)

    dot = functools.partial(jnp.dot, preferred_element_type=jnp.float32)
    zp = (dot(xb, wz00_ref[...] + wz10_ref[...]) + dot(O, wz01_ref[...])
          + dot(Ti, wz11_ref[...]) + bz_ref[...])
    hp = (dot(xb, wh00_ref[...] + wh10_ref[...]) + dot(O, wh01_ref[...])
          + dot(Ti, wh11_ref[...]) + bh_ref[...])
    z = jax.nn.sigmoid(zp)
    ht = jnp.tanh(hp)
    h = jax.nn.relu((1.0 - z) * ht)
    out_ref[...] = dot(h, wl_ref[...]) + bl_ref[...]


def _dense(x_pad, sums, din, Wz, bz, Wh, bh, W_lin, b_lin):
    nb = 10
    bs = NP // nb
    full = lambda shape: pl.BlockSpec(shape, lambda i: tuple(0 for _ in shape))
    return pl.pallas_call(
        _dense_body,
        grid=(nb,),
        in_specs=[
            pl.BlockSpec((bs, F), lambda i: (i, 0)),
            pl.BlockSpec((2, bs, F), lambda i: (0, i, 0)),
            pl.BlockSpec((bs, 1), lambda i: (i, 0)),
            full((F, F)), full((F, F)), full((F, F)), full((F, F)),
            full((F, F)), full((F, F)), full((F, F)), full((F, F)),
            full((1, F)), full((1, F)), full((F, NT)), full((1, NT)),
        ],
        out_specs=pl.BlockSpec((bs, NT), lambda i: (i, 0)),
        out_shape=jax.ShapeDtypeStruct((NP, NT), jnp.float32),
    )(x_pad, sums, din,
      Wz[0, 0, :F], Wz[1, 0, :F], Wz[0, 1, :F], Wz[1, 1, :F],
      Wh[0, 0, :F], Wh[1, 0, :F], Wh[0, 1, :F], Wh[1, 1, :F],
      bz.reshape(1, F), bh.reshape(1, F), W_lin, b_lin.reshape(1, NT))


def kernel(x, edge_index, edge_weight, Wz, bz, Wr, br, Wh, bh, W_lin, b_lin):
    row = edge_index[0].astype(jnp.int32)
    col = edge_index[1].astype(jnp.int32)
    w = edge_weight.astype(jnp.float32)

    npad = EP - E
    pad_idx = (N + (jnp.arange(npad, dtype=jnp.int32) % (NP - N)))
    row_p = jnp.concatenate([row, pad_idx])
    col_p = jnp.concatenate([col, pad_idx])
    w_p = jnp.concatenate([w, jnp.zeros((npad,), jnp.float32)])

    nrows = EP // CHUNK
    ei2 = jnp.stack([row_p, col_p]).reshape(NC, nrows, CHUNK)
    w2 = w_p.reshape(nrows, CHUNK)

    degs = _sc_degrees(ei2, w2)

    x_pad = jnp.concatenate(
        [x.astype(jnp.float32), jnp.zeros((NP - N, F), jnp.float32)])
    tables = _build_tables(x_pad, degs[0].reshape(NP, 1))
    tab_flat = tables.reshape(NC * NP, F)

    ri2 = jnp.stack([row_p, row_p + NP]).reshape(NC, nrows, CHUNK)
    ci2 = col_p.reshape(nrows, CHUNK)
    sums = _sc_edge_pass(tab_flat, ri2, ci2)

    out = _dense(x_pad, sums, degs[1].reshape(NP, 1),
                 Wz, bz, Wh, bh, W_lin, b_lin)
    return out[:N]

# --- scband reference (transcript-rebuilt; emitter-appended) ---
"""Pipeline reference for scband-dcrnnmodel-25451976196933 (READ-ONLY COPY).

The authoritative reference and input builder live on the scoring server;
editing this copy changes nothing except your own understanding.
"""

import jax, jax.numpy as jnp
import numpy as np

N_NODES = 10000
N_EDGES = 320000
F_IN = 128
HID = 128
K = 2
N_TARGET = 12


def setup_inputs(seed: int = 0):
    key = jax.random.key(seed)
    ks = jax.random.split(key, 11)
    x = jax.random.normal(ks[0], (N_NODES, F_IN), dtype=jnp.float32)
    edge_index = jax.random.randint(ks[1], (2, N_EDGES), 0, N_NODES)
    edge_weight = jax.random.uniform(ks[2], (N_EDGES,), dtype=jnp.float32)
    d_in = F_IN + HID
    s = 1.0 / np.sqrt(d_in)
    Wz = jax.random.uniform(ks[3], (2, K, d_in, HID), minval=-s, maxval=s, dtype=jnp.float32)
    bz = jnp.zeros((HID,), dtype=jnp.float32)
    Wr = jax.random.uniform(ks[4], (2, K, d_in, HID), minval=-s, maxval=s, dtype=jnp.float32)
    br = jnp.zeros((HID,), dtype=jnp.float32)
    Wh = jax.random.uniform(ks[5], (2, K, d_in, HID), minval=-s, maxval=s, dtype=jnp.float32)
    bh = jnp.zeros((HID,), dtype=jnp.float32)
    sl = 1.0 / np.sqrt(HID)
    W_lin = jax.random.uniform(ks[6], (HID, N_TARGET), minval=-sl, maxval=sl, dtype=jnp.float32)
    b_lin = jax.random.uniform(ks[7], (N_TARGET,), minval=-sl, maxval=sl, dtype=jnp.float32)
    return {"x": x, "edge_index": edge_index, "edge_weight": edge_weight,
            "Wz": Wz, "bz": bz, "Wr": Wr, "br": br, "Wh": Wh, "bh": bh,
            "W_lin": W_lin, "b_lin": b_lin}


def _dconv(X, row, col, norm_out, norm_in, W, b, n):
    # K=2 diffusion convolution: identity term (k=0) for both directions,
    # plus one propagation step (k=1) over out-normalized and in-normalized adjacency.
    H = X @ W[0, 0] + X @ W[1, 0]
    Tx1_o = jax.ops.segment_sum(norm_out[:, None] * X[row], col, num_segments=n)
    Tx1_i = jax.ops.segment_sum(norm_in[:, None] * X[row], col, num_segments=n)
    H = H + Tx1_o @ W[0, 1] + Tx1_i @ W[1, 1]
    return H + b


def _forward(x, edge_index, edge_weight, Wz, bz, Wr, br, Wh, bh, W_lin, b_lin):
    n = x.shape[0]
    row = edge_index[0]
    col = edge_index[1]
    # degree computation equivalent to to_dense_adj row/col sums
    deg_out = jax.ops.segment_sum(edge_weight, row, num_segments=n)
    deg_in = jax.ops.segment_sum(edge_weight, col, num_segments=n)
    norm_out = jnp.reciprocal(deg_out)[row]
    norm_in = jnp.reciprocal(deg_in)[col]
    # DCRNN GRU cell with H initialized to zeros
    H0 = jnp.zeros((n, HID), dtype=x.dtype)
    XH = jnp.concatenate([x, H0], axis=-1)
    Z = jax.nn.sigmoid(_dconv(XH, row, col, norm_out, norm_in, Wz, bz, n))
    R = jax.nn.sigmoid(_dconv(XH, row, col, norm_out, norm_in, Wr, br, n))
    XRH = jnp.concatenate([x, R * H0], axis=-1)
    H_tilde = jnp.tanh(_dconv(XRH, row, col, norm_out, norm_in, Wh, bh, n))
    H = Z * H0 + (1.0 - Z) * H_tilde
    # DCRNNModel head (regression branch)
    h = jax.nn.relu(H)
    return h @ W_lin + b_lin


def reference(x, edge_index, edge_weight, Wz, bz, Wr, br, Wh, bh, W_lin, b_lin):
    return _forward(x, edge_index, edge_weight, Wz, bz, Wr, br, Wh, bh, W_lin, b_lin)

if __name__ == "__main__":
    import jax
    _d = setup_inputs()
    print(jax.jit(kernel)(*tuple(_d.values())))

</pallas_src>

<mosaic_0001>
#map = affine_map<(d0, d1) -> (0, 0, 0)>
#map1 = affine_map<(d0, d1) -> (0, 0)>
module attributes {stable_mosaic.version = 14 : i64} {
  func.func @_sc_degrees(%arg0: i32, %arg1: i32, %arg2: memref<2x2560x128xi32, #tpu.memory_space<hbm>>, %arg3: memref<2560x128xf32, #tpu.memory_space<hbm>>, %arg4: memref<2x10240xf32, #tpu.memory_space<hbm>>, %arg5: memref<160x128xi32, #tpu.memory_space<vmem>>, %arg6: memref<160x128xf32, #tpu.memory_space<vmem>>, %arg7: memref<640xf32, #tpu.memory_space<vmem>>, %arg8: memref<10240xf32, #tpu.memory_space<vmem_shared>>, %arg9: memref<!tpu.dma_semaphore, #tpu.memory_space<semaphore_mem>>) attributes {dimension_semantics = [#tpu.dimension_semantics<core_parallel>, #tpu.dimension_semantics<subcore_parallel>], iteration_bounds = array<i64: 2, 16>, scalar_prefetch = 0 : i64, scratch_operands = 5 : i64, tpu.core_type = #tpu.core_type<sc_vector_subcore>, window_params = [{transform_indices = #map}, {transform_indices = #map1}, {transform_indices = #map1}]} {
    %mul3A = arith.constant 160 : i32
    %mul3A_0 = arith.muli %arg1, %mul3A : i32
    "tpu.region"() ({
      %run_scoped3A = tpu.sem_alloc : memref<!tpu.dma_semaphore, #tpu.memory_space<semaphore_mem>>
      %dma_start3A = arith.constant 0 : i32
      %dma_start3A_27 = tpu.memref_slice %arg2[%arg0, %mul3A_0, %dma_start3A] : memref<2x2560x128xi32, #tpu.memory_space<hbm>> -> memref<1x160x128xi32, #tpu.memory_space<hbm>>
      %dma_start3A_28 = tpu.memref_squeeze %dma_start3A_27 : memref<1x160x128xi32, #tpu.memory_space<hbm>> -> memref<160x128xi32, #tpu.memory_space<hbm>>
      %dma_start3A_29 = arith.constant 0 : i32
      %dma_start3A_30 = tpu.memref_slice %arg2[%arg0, %mul3A_0, %dma_start3A_29] : memref<2x2560x128xi32, #tpu.memory_space<hbm>> -> memref<1x160x128xi32, #tpu.memory_space<hbm>>
      %dma_start3A_31 = tpu.memref_squeeze %dma_start3A_30 : memref<1x160x128xi32, #tpu.memory_space<hbm>> -> memref<160x128xi32, #tpu.memory_space<hbm>>
      tpu.enqueue_dma source(%dma_start3A_31 : memref<160x128xi32, #tpu.memory_space<hbm>>) target(%arg5 : memref<160x128xi32, #tpu.memory_space<vmem>>) target_semaphore(%run_scoped3A : memref<!tpu.dma_semaphore, #tpu.memory_space<semaphore_mem>>)
      %dma_wait3A = arith.constant 0 : i32
      %dma_wait3A_32 = tpu.memref_slice %arg2[%arg0, %mul3A_0, %dma_wait3A] : memref<2x2560x128xi32, #tpu.memory_space<hbm>> -> memref<1x160x128xi32, #tpu.memory_space<hbm>>
      %dma_wait3A_33 = tpu.memref_squeeze %dma_wait3A_32 : memref<1x160x128xi32, #tpu.memory_space<hbm>> -> memref<160x128xi32, #tpu.memory_space<hbm>>
      %dma_wait3A_34 = arith.constant 0 : i32
      %dma_wait3A_35 = tpu.memref_slice %arg2[%arg0, %mul3A_0, %dma_wait3A_34] : memref<2x2560x128xi32, #tpu.memory_space<hbm>> -> memref<1x160x128xi32, #tpu.memory_space<hbm>>
      %dma_wait3A_36 = tpu.memref_squeeze %dma_wait3A_35 : memref<1x160x128xi32, #tpu.memory_space<hbm>> -> memref<160x128xi32, #tpu.memory_space<hbm>>
      tpu.wait_dma2 semaphore(%run_scoped3A : memref<!tpu.dma_semaphore, #tpu.memory_space<semaphore_mem>>) src(%dma_wait3A_36 : memref<160x128xi32, #tpu.memory_space<hbm>>) dst(%arg5 : memref<160x128xi32, #tpu.memory_space<vmem>>)
      tpu.yield
    }) : () -> ()
    %mul3A_1 = arith.constant 160 : i32
    %mul3A_2 = arith.muli %arg1, %mul3A_1 : i32
    "tpu.region"() ({
      %run_scoped3A = tpu.sem_alloc : memref<!tpu.dma_semaphore, #tpu.memory_space<semaphore_mem>>
      %dma_start3A = arith.constant 0 : i32
      %dma_start3A_27 = tpu.memref_slice %arg3[%mul3A_2, %dma_start3A] : memref<2560x128xf32, #tpu.memory_space<hbm>> -> memref<160x128xf32, #tpu.memory_space<hbm>>
      %dma_start3A_28 = arith.constant 0 : i32
      %dma_start3A_29 = tpu.memref_slice %arg3[%mul3A_2, %dma_start3A_28] : memref<2560x128xf32, #tpu.memory_space<hbm>> -> memref<160x128xf32, #tpu.memory_space<hbm>>
      tpu.enqueue_dma source(%dma_start3A_29 : memref<160x128xf32, #tpu.memory_space<hbm>>) target(%arg6 : memref<160x128xf32, #tpu.memory_space<vmem>>) target_semaphore(%run_scoped3A : memref<!tpu.dma_semaphore, #tpu.memory_space<semaphore_mem>>)
      %dma_wait3A = arith.constant 0 : i32
      %dma_wait3A_30 = tpu.memref_slice %arg3[%mul3A_2, %dma_wait3A] : memref<2560x128xf32, #tpu.memory_space<hbm>> -> memref<160x128xf32, #tpu.memory_space<hbm>>
      %dma_wait3A_31 = arith.constant 0 : i32
      %dma_wait3A_32 = tpu.memref_slice %arg3[%mul3A_2, %dma_wait3A_31] : memref<2560x128xf32, #tpu.memory_space<hbm>> -> memref<160x128xf32, #tpu.memory_space<hbm>>
      tpu.wait_dma2 semaphore(%run_scoped3A : memref<!tpu.dma_semaphore, #tpu.memory_space<semaphore_mem>>) src(%dma_wait3A_32 : memref<160x128xf32, #tpu.memory_space<hbm>>) dst(%arg6 : memref<160x128xf32, #tpu.memory_space<vmem>>)
      tpu.yield
    }) : () -> ()
    %scan3A = arith.constant 0 : i32
    %scan3A_3 = arith.constant 0 : i32
    %scan3A_4 = arith.constant 40 : i32
    %scan3A_5 = arith.addi %scan3A_3, %scan3A_4 : i32
    %scan3A_6 = arith.constant 1 : i32
    scf.for %scan3A_27 = %scan3A_3 to %scan3A_5 step %scan3A_6  : i32 {
      %broadcast_in_dim3A = arith.constant 0.000000e+00 : f32
      %broadcast_in_dim3A_28 = vector.broadcast %broadcast_in_dim3A : f32 to vector<16xf32>
      %mul3A_29 = arith.constant 16 : i32
      %mul3A_30 = arith.muli %scan3A_27, %mul3A_29 : i32
      %swap3A = arith.index_cast %mul3A_30 : i32 to index
      %swap3A_31 = tpu.vector_load %arg7[%swap3A] {strides = array<i32>} : memref<640xf32, #tpu.memory_space<vmem>>, vector<16xf32>,
      %swap3A_32 = vector.shape_cast %swap3A_31 : vector<16xf32> to vector<16xf32>
      %swap3A_33 = vector.shape_cast %broadcast_in_dim3A_28 : vector<16xf32> to vector<16xf32>
      tpu.vector_store %arg7[%swap3A], %swap3A_33 {strides = array<i32>} : memref<640xf32, #tpu.memory_space<vmem>>, vector<16xf32>,
    }
    %scan3A_7 = arith.constant 40 : i32
    %mul3A_8 = arith.constant 640 : i32
    %mul3A_9 = arith.muli %arg1, %mul3A_8 : i32
    "tpu.region"() ({
      %run_scoped3A = tpu.sem_alloc : memref<!tpu.dma_semaphore, #tpu.memory_space<semaphore_mem>>
      %dma_start3A = tpu.memref_slice %arg8[%mul3A_9] : memref<10240xf32, #tpu.memory_space<vmem_shared>> -> memref<640xf32, #tpu.memory_space<vmem_shared>>
      %dma_start3A_27 = tpu.memref_slice %arg8[%mul3A_9] : memref<10240xf32, #tpu.memory_space<vmem_shared>> -> memref<640xf32, #tpu.memory_space<vmem_shared>>
      tpu.enqueue_dma source(%arg7 : memref<640xf32, #tpu.memory_space<vmem>>) target(%dma_start3A_27 : memref<640xf32, #tpu.memory_space<vmem_shared>>) target_semaphore(%run_scoped3A : memref<!tpu.dma_semaphore, #tpu.memory_space<semaphore_mem>>)
      %dma_wait3A = tpu.memref_slice %arg8[%mul3A_9] : memref<10240xf32, #tpu.memory_space<vmem_shared>> -> memref<640xf32, #tpu.memory_space<vmem_shared>>
      %dma_wait3A_28 = tpu.memref_slice %arg8[%mul3A_9] : memref<10240xf32, #tpu.memory_space<vmem_shared>> -> memref<640xf32, #tpu.memory_space<vmem_shared>>
      tpu.wait_dma2 semaphore(%run_scoped3A : memref<!tpu.dma_semaphore, #tpu.memory_space<semaphore_mem>>) src(%arg7 : memref<640xf32, #tpu.memory_space<vmem>>) dst(%dma_wait3A_28 : memref<640xf32, #tpu.memory_space<vmem_shared>>)
      tpu.yield
    }) : () -> ()
    %barrier3A = arith.constant 0 : index
    tpu.barrier barrier_id(%barrier3A)
    %scan3A_10 = arith.constant 0 : i32
    %scan3A_11 = arith.constant 0 : i32
    %scan3A_12 = arith.constant 32 : i32
    %scan3A_13 = arith.addi %scan3A_11, %scan3A_12 : i32
    %scan3A_14 = arith.constant 1 : i32
    scf.for %scan3A_27 = %scan3A_11 to %scan3A_13 step %scan3A_14  : i32 {
      %dma_start3A = arith.constant 0 : i32
      %dma_start3A_28 = tpu.memref_slice %arg6[%scan3A_27, %dma_start3A] : memref<160x128xf32, #tpu.memory_space<vmem>> -> memref<1x128xf32, #tpu.memory_space<vmem>>
      %dma_start3A_29 = tpu.memref_squeeze %dma_start3A_28 : memref<1x128xf32, #tpu.memory_space<vmem>> -> memref<128xf32, #tpu.memory_space<vmem>>
      %dma_start3A_30 = arith.constant 0 : i32
      %dma_start3A_31 = tpu.memref_slice %arg5[%scan3A_27, %dma_start3A_30] : memref<160x128xi32, #tpu.memory_space<vmem>> -> memref<1x128xi32, #tpu.memory_space<vmem>>
      %dma_start3A_32 = tpu.memref_squeeze %dma_start3A_31 : memref<1x128xi32, #tpu.memory_space<vmem>> -> memref<128xi32, #tpu.memory_space<vmem>>
      %dma_start3A_33 = arith.constant 0 : i32
      %dma_start3A_34 = tpu.memref_slice %arg8[%dma_start3A_33] : memref<10240xf32, #tpu.memory_space<vmem_shared>> -> memref<10240xf32, #tpu.memory_space<vmem_shared>>
      tpu.enqueue_indirect_dma source(%dma_start3A_29 : memref<128xf32, #tpu.memory_space<vmem>>) target(%dma_start3A_34 : memref<10240xf32, #tpu.memory_space<vmem_shared>>) offsets(%dma_start3A_32 : memref<128xi32, #tpu.memory_space<vmem>>) semaphore(%arg9 : memref<!tpu.dma_semaphore, #tpu.memory_space<semaphore_mem>>) {add = true}
    }
    %scan3A_15 = arith.constant 32 : i32
    %scan3A_16 = arith.constant 0 : i32
    %scan3A_17 = arith.constant 0 : i32
    %scan3A_18 = arith.constant 160 : i32
    %scan3A_19 = arith.addi %scan3A_17, %scan3A_18 : i32
    %scan3A_20 = arith.constant 1 : i32
    scf.for %scan3A_27 = %scan3A_17 to %scan3A_19 step %scan3A_20  : i32 {
      %dma_wait3A = arith.constant 0 : i32
      %dma_wait3A_28 = tpu.memref_slice %arg6[%scan3A_27, %dma_wait3A] : memref<160x128xf32, #tpu.memory_space<vmem>> -> memref<1x128xf32, #tpu.memory_space<vmem>>
      %dma_wait3A_29 = tpu.memref_squeeze %dma_wait3A_28 : memref<1x128xf32, #tpu.memory_space<vmem>> -> memref<128xf32, #tpu.memory_space<vmem>>
      %dma_wait3A_30 = arith.constant 0 : i32
      %dma_wait3A_31 = tpu.memref_slice %arg5[%scan3A_27, %dma_wait3A_30] : memref<160x128xi32, #tpu.memory_space<vmem>> -> memref<1x128xi32, #tpu.memory_space<vmem>>
      %dma_wait3A_32 = tpu.memref_squeeze %dma_wait3A_31 : memref<1x128xi32, #tpu.memory_space<vmem>> -> memref<128xi32, #tpu.memory_space<vmem>>
      %dma_wait3A_33 = arith.constant 0 : i32
      %dma_wait3A_34 = tpu.memref_slice %arg8[%dma_wait3A_33] : memref<10240xf32, #tpu.memory_space<vmem_shared>> -> memref<10240xf32, #tpu.memory_space<vmem_shared>>
      tpu.wait_indirect_dma semaphore(%arg9 : memref<!tpu.dma_semaphore, #tpu.memory_space<semaphore_mem>>) src(%dma_wait3A_29 : memref<128xf32, #tpu.memory_space<vmem>>) dst(%dma_wait3A_34 : memref<10240xf32, #tpu.memory_space<vmem_shared>>)
      %add3A = arith.constant 32 : i32
      %add3A_35 = arith.addi %scan3A_27, %add3A : i32
      %lt3A = arith.constant 160 : i32
      %lt3A_36 = arith.cmpi slt, %add3A_35, %lt3A : i32
      %convert_element_type3A = arith.extui %lt3A_36 : i1 to i32
      %cond3A = arith.constant 0 : i32
      %cond3A_37 = arith.cmpi ne, %convert_element_type3A, %cond3A : i32
      scf.if %cond3A_37 {
        %add3A_38 = arith.constant 32 : i32
        %add3A_39 = arith.addi %scan3A_27, %add3A_38 : i32
        %dma_start3A = arith.constant 0 : i32
        %dma_start3A_40 = tpu.memref_slice %arg6[%add3A_39, %dma_start3A] : memref<160x128xf32, #tpu.memory_space<vmem>> -> memref<1x128xf32, #tpu.memory_space<vmem>>
        %dma_start3A_41 = tpu.memref_squeeze %dma_start3A_40 : memref<1x128xf32, #tpu.memory_space<vmem>> -> memref<128xf32, #tpu.memory_space<vmem>>
        %dma_start3A_42 = arith.constant 0 : i32
        %dma_start3A_43 = tpu.memref_slice %arg5[%add3A_39, %dma_start3A_42] : memref<160x128xi32, #tpu.memory_space<vmem>> -> memref<1x128xi32, #tpu.memory_space<vmem>>
        %dma_start3A_44 = tpu.memref_squeeze %dma_start3A_43 : memref<1x128xi32, #tpu.memory_space<vmem>> -> memref<128xi32, #tpu.memory_space<vmem>>
        %dma_start3A_45 = arith.constant 0 : i32
        %dma_start3A_46 = tpu.memref_slice %arg8[%dma_start3A_45] : memref<10240xf32, #tpu.memory_space<vmem_shared>> -> memref<10240xf32, #tpu.memory_space<vmem_shared>>
        tpu.enqueue_indirect_dma source(%dma_start3A_41 : memref<128xf32, #tpu.memory_space<vmem>>) target(%dma_start3A_46 : memref<10240xf32, #tpu.memory_space<vmem_shared>>) offsets(%dma_start3A_44 : memref<128xi32, #tpu.memory_space<vmem>>) semaphore(%arg9 : memref<!tpu.dma_semaphore, #tpu.memory_space<semaphore_mem>>) {add = true}
      } else {
      }
    }
    %scan3A_21 = arith.constant 160 : i32
    %barrier3A_22 = arith.constant 0 : index
    tpu.barrier barrier_id(%barrier3A_22)
    %mul3A_23 = arith.constant 640 : i32
    %mul3A_24 = arith.muli %arg1, %mul3A_23 : i32
    "tpu.region"() ({
      %run_scoped3A = tpu.sem_alloc : memref<!tpu.dma_semaphore, #tpu.memory_space<semaphore_mem>>
      %dma_start3A = tpu.memref_slice %arg8[%mul3A_24] : memref<10240xf32, #tpu.memory_space<vmem_shared>> -> memref<640xf32, #tpu.memory_space<vmem_shared>>
      %dma_start3A_27 = tpu.memref_slice %arg8[%mul3A_24] : memref<10240xf32, #tpu.memory_space<vmem_shared>> -> memref<640xf32, #tpu.memory_space<vmem_shared>>
      tpu.enqueue_dma source(%dma_start3A_27 : memref<640xf32, #tpu.memory_space<vmem_shared>>) target(%arg7 : memref<640xf32, #tpu.memory_space<vmem>>) target_semaphore(%run_scoped3A : memref<!tpu.dma_semaphore, #tpu.memory_space<semaphore_mem>>)
      %dma_wait3A = tpu.memref_slice %arg8[%mul3A_24] : memref<10240xf32, #tpu.memory_space<vmem_shared>> -> memref<640xf32, #tpu.memory_space<vmem_shared>>
      %dma_wait3A_28 = tpu.memref_slice %arg8[%mul3A_24] : memref<10240xf32, #tpu.memory_space<vmem_shared>> -> memref<640xf32, #tpu.memory_space<vmem_shared>>
      tpu.wait_dma2 semaphore(%run_scoped3A : memref<!tpu.dma_semaphore, #tpu.memory_space<semaphore_mem>>) src(%dma_wait3A_28 : memref<640xf32, #tpu.memory_space<vmem_shared>>) dst(%arg7 : memref<640xf32, #tpu.memory_space<vmem>>)
      tpu.yield
    }) : () -> ()
    %mul3A_25 = arith.constant 640 : i32
    %mul3A_26 = arith.muli %arg1, %mul3A_25 : i32
    "tpu.region"() ({
      %run_scoped3A = tpu.sem_alloc : memref<!tpu.dma_semaphore, #tpu.memory_space<semaphore_mem>>
      %dma_start3A = tpu.memref_slice %arg4[%arg0, %mul3A_26] : memref<2x10240xf32, #tpu.memory_space<hbm>> -> memref<1x640xf32, #tpu.memory_space<hbm>>
      %dma_start3A_27 = tpu.memref_squeeze %dma_start3A : memref<1x640xf32, #tpu.memory_space<hbm>> -> memref<640xf32, #tpu.memory_space<hbm>>
      %dma_start3A_28 = tpu.memref_slice %arg4[%arg0, %mul3A_26] : memref<2x10240xf32, #tpu.memory_space<hbm>> -> memref<1x640xf32, #tpu.memory_space<hbm>>
      %dma_start3A_29 = tpu.memref_squeeze %dma_start3A_28 : memref<1x640xf32, #tpu.memory_space<hbm>> -> memref<640xf32, #tpu.memory_space<hbm>>
      tpu.enqueue_dma source(%arg7 : memref<640xf32, #tpu.memory_space<vmem>>) target(%dma_start3A_29 : memref<640xf32, #tpu.memory_space<hbm>>) target_semaphore(%run_scoped3A : memref<!tpu.dma_semaphore, #tpu.memory_space<semaphore_mem>>)
      %dma_wait3A = tpu.memref_slice %arg4[%arg0, %mul3A_26] : memref<2x10240xf32, #tpu.memory_space<hbm>> -> memref<1x640xf32, #tpu.memory_space<hbm>>
      %dma_wait3A_30 = tpu.memref_squeeze %dma_wait3A : memref<1x640xf32, #tpu.memory_space<hbm>> -> memref<640xf32, #tpu.memory_space<hbm>>
      %dma_wait3A_31 = tpu.memref_slice %arg4[%arg0, %mul3A_26] : memref<2x10240xf32, #tpu.memory_space<hbm>> -> memref<1x640xf32, #tpu.memory_space<hbm>>
      %dma_wait3A_32 = tpu.memref_squeeze %dma_wait3A_31 : memref<1x640xf32, #tpu.memory_space<hbm>> -> memref<640xf32, #tpu.memory_space<hbm>>
      tpu.wait_dma2 semaphore(%run_scoped3A : memref<!tpu.dma_semaphore, #tpu.memory_space<semaphore_mem>>) src(%arg7 : memref<640xf32, #tpu.memory_space<vmem>>) dst(%dma_wait3A_32 : memref<640xf32, #tpu.memory_space<hbm>>)
      tpu.yield
    }) : () -> ()
    return
  }
}

#map = affine_map<(d0, d1) -> (0, 0)>
#map1 = affine_map<(d0, d1) -> (0, 0, 0)>
module attributes {stable_mosaic.version = 14 : i64} {
  func.func @_sc_edge_pass(%arg0: i32, %arg1: i32, %arg2: memref<20480x128xf32, #tpu.memory_space<hbm>>, %arg3: memref<2x2560x128xi32, #tpu.memory_space<hbm>>, %arg4: memref<2560x128xi32, #tpu.memory_space<hbm>>, %arg5: memref<2x10240x128xf32, #tpu.memory_space<hbm>>, %arg6: memref<2x16x128xi32, #tpu.memory_space<vmem>>, %arg7: memref<2x16x128xi32, #tpu.memory_space<vmem>>, %arg8: memref<2x128x128xf32, #tpu.memory_space<vmem>>, %arg9: memref<10240x128xf32, #tpu.memory_space<vmem_shared>>, %arg10: memref<!tpu.dma_semaphore, #tpu.memory_space<semaphore_mem>>, %arg11: memref<!tpu.dma_semaphore, #tpu.memory_space<semaphore_mem>>, %arg12: memref<!tpu.dma_semaphore, #tpu.memory_space<semaphore_mem>>) attributes {dimension_semantics = [#tpu.dimension_semantics<core_parallel>, #tpu.dimension_semantics<subcore_parallel>], iteration_bounds = array<i64: 2, 16>, scalar_prefetch = 0 : i64, scratch_operands = 7 : i64, tpu.core_type = #tpu.core_type<sc_vector_subcore>, window_params = [{transform_indices = #map}, {transform_indices = #map1}, {transform_indices = #map}, {transform_indices = #map1}]} {
    %scan3A = arith.constant 0 : i32
    %scan3A_0 = arith.constant 0 : i32
    %scan3A_1 = arith.constant 1024 : i32
    %scan3A_2 = arith.addi %scan3A_0, %scan3A_1 : i32
    %scan3A_3 = arith.constant 1 : i32
    scf.for %scan3A_1016 = %scan3A_0 to %scan3A_2 step %scan3A_3  : i32 {
      %broadcast_in_dim3A = arith.constant 0.000000e+00 : f32
      %broadcast_in_dim3A_1017 = vector.broadcast %broadcast_in_dim3A : f32 to vector<16xf32>
      %jit3A = arith.constant 8 : i32
      %div3A = arith.divsi %scan3A_1016, %jit3A : i32
      %sign3A = arith.constant 0 : i32
      %sign3A_1018 = arith.cmpi sgt, %scan3A_1016, %sign3A : i32
      %sign3A_1019 = arith.extui %sign3A_1018 : i1 to i32
      %sign3A_1020 = arith.constant 0 : i32
      %sign3A_1021 = arith.cmpi slt, %scan3A_1016, %sign3A_1020 : i32
      %sign3A_1022 = arith.extui %sign3A_1021 : i1 to i32
      %sign3A_1023 = arith.subi %sign3A_1019, %sign3A_1022 : i32
      %sign3A_1024 = arith.constant 0 : i32
      %sign3A_1025 = arith.cmpi sgt, %jit3A, %sign3A_1024 : i32
      %sign3A_1026 = arith.extui %sign3A_1025 : i1 to i32
      %sign3A_1027 = arith.constant 0 : i32
      %sign3A_1028 = arith.cmpi slt, %jit3A, %sign3A_1027 : i32
      %sign3A_1029 = arith.extui %sign3A_1028 : i1 to i32
      %sign3A_1030 = arith.subi %sign3A_1026, %sign3A_1029 : i32
      %ne3A = arith.cmpi ne, %sign3A_1023, %sign3A_1030 : i32
      %rem3A = arith.remsi %scan3A_1016, %jit3A : i32
      %ne3A_1031 = arith.constant 0 : i32
      %ne3A_1032 = arith.cmpi ne, %rem3A, %ne3A_1031 : i32
      %and3A = arith.andi %ne3A, %ne3A_1032 : i1
      %sub3A = arith.constant 1 : i32
      %sub3A_1033 = arith.subi %div3A, %sub3A : i32
      %select_n3A = arith.select %and3A, %sub3A_1033, %div3A : i32
      %jit3A_1034 = arith.constant 8 : i32
      %eq3A = arith.constant 0 : i32
      %eq3A_1035 = arith.cmpi eq, %jit3A_1034, %eq3A : i32
      %jit3A_1036 = arith.constant 1 : i32
      %select_n3A_1037 = arith.select %eq3A_1035, %jit3A_1036, %jit3A_1034 : i32
      %rem3A_1038 = arith.remsi %scan3A_1016, %select_n3A_1037 : i32
      %ne3A_1039 = arith.constant 0 : i32
      %ne3A_1040 = arith.cmpi ne, %rem3A_1038, %ne3A_1039 : i32
      %lt3A = arith.constant 0 : i32
      %lt3A_1041 = arith.cmpi slt, %rem3A_1038, %lt3A : i32
      %lt3A_1042 = arith.constant 0 : i32
      %lt3A_1043 = arith.cmpi slt, %select_n3A_1037, %lt3A_1042 : i32
      %ne3A_1044 = arith.xori %lt3A_1041, %lt3A_1043 : i1
      %and3A_1045 = arith.andi %ne3A_1044, %ne3A_1040 : i1
      %add3A_1046 = arith.addi %rem3A_1038, %select_n3A_1037 : i32
      %select_n3A_1047 = arith.select %and3A_1045, %add3A_1046, %rem3A_1038 : i32
      %mul3A_1048 = arith.constant 16 : i32
      %mul3A_1049 = arith.muli %select_n3A_1047, %mul3A_1048 : i32
      %swap3A = arith.constant 0 : i32
      %swap3A_1050 = arith.index_cast %swap3A : i32 to index
      %swap3A_1051 = arith.index_cast %select_n3A : i32 to index
      %swap3A_1052 = arith.index_cast %mul3A_1049 : i32 to index
      %swap3A_1053 = tpu.vector_load %arg8[%swap3A_1050, %swap3A_1051, %swap3A_1052] {strides = array<i32>} : memref<2x128x128xf32, #tpu.memory_space<vmem>>, vector<1x1x16xf32>,
      %swap3A_1054 = vector.shape_cast %swap3A_1053 : vector<1x1x16xf32> to vector<16xf32>
      %swap3A_1055 = vector.shape_cast %broadcast_in_dim3A_1017 : vector<16xf32> to vector<1x1x16xf32>
      tpu.vector_store %arg8[%swap3A_1050, %swap3A_1051, %swap3A_1052], %swap3A_1055 {strides = array<i32>} : memref<2x128x128xf32, #tpu.memory_space<vmem>>, vector<1x1x16xf32>,
    }
    %scan3A_4 = arith.constant 1024 : i32
    %mul3A = arith.constant 640 : i32
    %mul3A_5 = arith.muli %arg1, %mul3A : i32
    %add3A = arith.constant 0 : i32
    %add3A_6 = arith.addi %mul3A_5, %add3A : i32
    %run_scoped3A = arith.constant 0 : i32
    "tpu.region"() ({
      %run_scoped3A_1016 = tpu.sem_alloc : memref<!tpu.dma_semaphore, #tpu.memory_space<semaphore_mem>>
      %dma_start3A_1017 = arith.constant 0 : i32
      %dma_start3A_1018 = arith.constant 0 : i32
      %dma_start3A_1019 = tpu.memref_slice %arg8[%run_scoped3A, %dma_start3A_1017, %dma_start3A_1018] : memref<2x128x128xf32, #tpu.memory_space<vmem>> -> memref<1x128x128xf32, #tpu.memory_space<vmem>>
      %dma_start3A_1020 = tpu.memref_squeeze %dma_start3A_1019 : memref<1x128x128xf32, #tpu.memory_space<vmem>> -> memref<128x128xf32, #tpu.memory_space<vmem>>
      %dma_start3A_1021 = arith.constant 0 : i32
      %dma_start3A_1022 = tpu.memref_slice %arg9[%add3A_6, %dma_start3A_1021] : memref<10240x128xf32, #tpu.memory_space<vmem_shared>> -> memref<128x128xf32, #tpu.memory_space<vmem_shared>>
      %dma_start3A_1023 = arith.constant 0 : i32
      %dma_start3A_1024 = tpu.memref_slice %arg9[%add3A_6, %dma_start3A_1023] : memref<10240x128xf32, #tpu.memory_space<vmem_shared>> -> memref<128x128xf32, #tpu.memory_space<vmem_shared>>
      %dma_start3A_1025 = arith.constant 0 : i32
      %dma_start3A_1026 = arith.constant 0 : i32
      %dma_start3A_1027 = tpu.memref_slice %arg8[%run_scoped3A, %dma_start3A_1025, %dma_start3A_1026] : memref<2x128x128xf32, #tpu.memory_space<vmem>> -> memref<1x128x128xf32, #tpu.memory_space<vmem>>
      %dma_start3A_1028 = tpu.memref_squeeze %dma_start3A_1027 : memref<1x128x128xf32, #tpu.memory_space<vmem>> -> memref<128x128xf32, #tpu.memory_space<vmem>>
      tpu.enqueue_dma source(%dma_start3A_1028 : memref<128x128xf32, #tpu.memory_space<vmem>>) target(%dma_start3A_1024 : memref<128x128xf32, #tpu.memory_space<vmem_shared>>) target_semaphore(%run_scoped3A_1016 : memref<!tpu.dma_semaphore, #tpu.memory_space<semaphore_mem>>)
      %dma_wait3A_1029 = arith.constant 0 : i32
      %dma_wait3A_1030 = arith.constant 0 : i32
      %dma_wait3A_1031 = tpu.memref_slice %arg8[%run_scoped3A, %dma_wait3A_1029, %dma_wait3A_1030] : memref<2x128x128xf32, #tpu.memory_space<vmem>> -> memref<1x128x128xf32, #tpu.memory_space<vmem>>
      %dma_wait3A_1032 = tpu.memref_squeeze %dma_wait3A_1031 : memref<1x128x128xf32, #tpu.memory_space<vmem>> -> memref<128x128xf32, #tpu.memory_space<vmem>>
      %dma_wait3A_1033 = arith.constant 0 : i32
      %dma_wait3A_1034 = tpu.memref_slice %arg9[%add3A_6, %dma_wait3A_1033] : memref<10240x128xf32, #tpu.memory_space<vmem_shared>> -> memref<128x128xf32, #tpu.memory_space<vmem_shared>>
      %dma_wait3A_1035 = arith.constant 0 : i32
      %dma_wait3A_1036 = tpu.memref_slice %arg9[%add3A_6, %dma_wait3A_1035] : memref<10240x128xf32, #tpu.memory_space<vmem_shared>> -> memref<128x128xf32, #tpu.memory_space<vmem_shared>>
      %dma_wait3A_1037 = arith.constant 0 : i32
      %dma_wait3A_1038 = arith.constant 0 : i32
      %dma_wait3A_1039 = tpu.memref_slice %arg8[%run_scoped3A, %dma_wait3A_1037, %dma_wait3A_1038] : memref<2x128x128xf32, #tpu.memory_space<vmem>> -> memref<1x128x128xf32, #tpu.memory_space<vmem>>
      %dma_wait3A_1040 = tpu.memref_squeeze %dma_wait3A_1039 : memref<1x128x128xf32, #tpu.memory_space<vmem>> -> memref<128x128xf32, #tpu.memory_space<vmem>>
      tpu.wait_dma2 semaphore(%run_scoped3A_1016 : memref<!tpu.dma_semaphore, #tpu.memory_space<semaphore_mem>>) src(%dma_wait3A_1040 : memref<128x128xf32, #tpu.memory_space<vmem>>) dst(%dma_wait3A_1036 : memref<128x128xf32, #tpu.memory_space<vmem_shared>>)
      tpu.yield
    }) : () -> ()
    %mul3A_7 = arith.constant 640 : i32
    %mul3A_8 = arith.muli %arg1, %mul3A_7 : i32
    %add3A_9 = arith.constant 128 : i32
    %add3A_10 = arith.addi %mul3A_8, %add3A_9 : i32
    %run_scoped3A_11 = arith.constant 0 : i32
    "tpu.region"() ({
      %run_scoped3A_1016 = tpu.sem_alloc : memref<!tpu.dma_semaphore, #tpu.memory_space<semaphore_mem>>
      %dma_start3A_1017 = arith.constant 0 : i32
      %dma_start3A_1018 = arith.constant 0 : i32
      %dma_start3A_1019 = tpu.memref_slice %arg8[%run_scoped3A_11, %dma_start3A_1017, %dma_start3A_1018] : memref<2x128x128xf32, #tpu.memory_space<vmem>> -> memref<1x128x128xf32, #tpu.memory_space<vmem>>
      %dma_start3A_1020 = tpu.memref_squeeze %dma_start3A_1019 : memref<1x128x128xf32, #tpu.memory_space<vmem>> -> memref<128x128xf32, #tpu.memory_space<vmem>>
      %dma_start3A_1021 = arith.constant 0 : i32
      %dma_start3A_1022 = tpu.memref_slice %arg9[%add3A_10, %dma_start3A_1021] : memref<10240x128xf32, #tpu.memory_space<vmem_shared>> -> memref<128x128xf32, #tpu.memory_space<vmem_shared>>
      %dma_start3A_1023 = arith.constant 0 : i32
      %dma_start3A_1024 = tpu.memref_slice %arg9[%add3A_10, %dma_start3A_1023] : memref<10240x128xf32, #tpu.memory_space<vmem_shared>> -> memref<128x128xf32, #tpu.memory_space<vmem_shared>>
      %dma_start3A_1025 = arith.constant 0 : i32
      %dma_start3A_1026 = arith.constant 0 : i32
      %dma_start3A_1027 = tpu.memref_slice %arg8[%run_scoped3A_11, %dma_start3A_1025, %dma_start3A_1026] : memref<2x128x128xf32, #tpu.memory_space<vmem>> -> memref<1x128x128xf32, #tpu.memory_space<vmem>>
      %dma_start3A_1028 = tpu.memref_squeeze %dma_start3A_1027 : memref<1x128x128xf32, #tpu.memory_space<vmem>> -> memref<128x128xf32, #tpu.memory_space<vmem>>
      tpu.enqueue_dma source(%dma_start3A_1028 : memref<128x128xf32, #tpu.memory_space<vmem>>) target(%dma_start3A_1024 : memref<128x128xf32, #tpu.memory_space<vmem_shared>>) target_semaphore(%run_scoped3A_1016 : memref<!tpu.dma_semaphore, #tpu.memory_space<semaphore_mem>>)
      %dma_wait3A_1029 = arith.constant 0 : i32
      %dma_wait3A_1030 = arith.constant 0 : i32
      %dma_wait3A_1031 = tpu.memref_slice %arg8[%run_scoped3A_11, %dma_wait3A_1029, %dma_wait3A_1030] : memref<2x128x128xf32, #tpu.memory_space<vmem>> -> memref<1x128x128xf32, #tpu.memory_space<vmem>>
      %dma_wait3A_1032 = tpu.memref_squeeze %dma_wait3A_1031 : memref<1x128x128xf32, #tpu.memory_space<vmem>> -> memref<128x128xf32, #tpu.memory_space<vmem>>
      %dma_wait3A_1033 = arith.constant 0 : i32
      %dma_wait3A_1034 = tpu.memref_slice %arg9[%add3A_10, %dma_wait3A_1033] : memref<10240x128xf32, #tpu.memory_space<vmem_shared>> -> memref<128x128xf32, #tpu.memory_space<vmem_shared>>
      %dma_wait3A_1035 = arith.constant 0 : i32
      %dma_wait3A_1036 = tpu.memref_slice %arg9[%add3A_10, %dma_wait3A_1035] : memref<10240x128xf32, #tpu.memory_space<vmem_shared>> -> memref<128x128xf32, #tpu.memory_space<vmem_shared>>
      %dma_wait3A_1037 = arith.constant 0 : i32
      %dma_wait3A_1038 = arith.constant 0 : i32
      %dma_wait3A_1039 = tpu.memref_slice %arg8[%run_scoped3A_11, %dma_wait3A_1037, %dma_wait3A_1038] : memref<2x128x128xf32, #tpu.memory_space<vmem>> -> memref<1x128x128xf32, #tpu.memory_space<vmem>>
      %dma_wait3A_1040 = tpu.memref_squeeze %dma_wait3A_1039 : memref<1x128x128xf32, #tpu.memory_space<vmem>> -> memref<128x128xf32, #tpu.memory_space<vmem>>
      tpu.wait_dma2 semaphore(%run_scoped3A_1016 : memref<!tpu.dma_semaphore, #tpu.memory_space<semaphore_mem>>) src(%dma_wait3A_1040 : memref<128x128xf32, #tpu.memory_space<vmem>>) dst(%dma_wait3A_1036 : memref<128x128xf32, #tpu.memory_space<vmem_shared>>)
      tpu.yield
    }) : () -> ()
    %mul3A_12 = arith.constant 640 : i32
    %mul3A_13 = arith.muli %arg1, %mul3A_12 : i32
    %add3A_14 = arith.constant 256 : i32
    %add3A_15 = arith.addi %mul3A_13, %add3A_14 : i32
    %run_scoped3A_16 = arith.constant 0 : i32
    "tpu.region"() ({
      %run_scoped3A_1016 = tpu.sem_alloc : memref<!tpu.dma_semaphore, #tpu.memory_space<semaphore_mem>>
      %dma_start3A_1017 = arith.constant 0 : i32
      %dma_start3A_1018 = arith.constant 0 : i32
      %dma_start3A_1019 = tpu.memref_slice %arg8[%run_scoped3A_16, %dma_start3A_1017, %dma_start3A_1018] : memref<2x128x128xf32, #tpu.memory_space<vmem>> -> memref<1x128x128xf32, #tpu.memory_space<vmem>>
      %dma_start3A_1020 = tpu.memref_squeeze %dma_start3A_1019 : memref<1x128x128xf32, #tpu.memory_space<vmem>> -> memref<128x128xf32, #tpu.memory_space<vmem>>
      %dma_start3A_1021 = arith.constant 0 : i32
      %dma_start3A_1022 = tpu.memref_slice %arg9[%add3A_15, %dma_start3A_1021] : memref<10240x128xf32, #tpu.memory_space<vmem_shared>> -> memref<128x128xf32, #tpu.memory_space<vmem_shared>>
      %dma_start3A_1023 = arith.constant 0 : i32
      %dma_start3A_1024 = tpu.memref_slice %arg9[%add3A_15, %dma_start3A_1023] : memref<10240x128xf32, #tpu.memory_space<vmem_shared>> -> memref<128x128xf32, #tpu.memory_space<vmem_shared>>
      %dma_start3A_1025 = arith.constant 0 : i32
      %dma_start3A_1026 = arith.constant 0 : i32
      %dma_start3A_1027 = tpu.memref_slice %arg8[%run_scoped3A_16, %dma_start3A_1025, %dma_start3A_1026] : memref<2x128x128xf32, #tpu.memory_space<vmem>> -> memref<1x128x128xf32, #tpu.memory_space<vmem>>
      %dma_start3A_1028 = tpu.memref_squeeze %dma_start3A_1027 : memref<1x128x128xf32, #tpu.memory_space<vmem>> -> memref<128x128xf32, #tpu.memory_space<vmem>>
      tpu.enqueue_dma source(%dma_start3A_1028 : memref<128x128xf32, #tpu.memory_space<vmem>>) target(%dma_start3A_1024 : memref<128x128xf32, #tpu.memory_space<vmem_shared>>) target_semaphore(%run_scoped3A_1016 : memref<!tpu.dma_semaphore, #tpu.memory_space<semaphore_mem>>)
      %dma_wait3A_1029 = arith.constant 0 : i32
      %dma_wait3A_1030 = arith.constant 0 : i32
      %dma_wait3A_1031 = tpu.memref_slice %arg8[%run_scoped3A_16, %dma_wait3A_1029, %dma_wait3A_1030] : memref<2x128x128xf32, #tpu.memory_space<vmem>> -> memref<1x128x128xf32, #tpu.memory_space<vmem>>
      %dma_wait3A_1032 = tpu.memref_squeeze %dma_wait3A_1031 : memref<1x128x128xf32, #tpu.memory_space<vmem>> -> memref<128x128xf32, #tpu.memory_space<vmem>>
      %dma_wait3A_1033 = arith.constant 0 : i32
      %dma_wait3A_1034 = tpu.memref_slice %arg9[%add3A_15, %dma_wait3A_1033] : memref<10240x128xf32, #tpu.memory_space<vmem_shared>> -> memref<128x128xf32, #tpu.memory_space<vmem_shared>>
      %dma_wait3A_1035 = arith.constant 0 : i32
      %dma_wait3A_1036 = tpu.memref_slice %arg9[%add3A_15, %dma_wait3A_1035] : memref<10240x128xf32, #tpu.memory_space<vmem_shared>> -> memref<128x128xf32, #tpu.memory_space<vmem_shared>>
      %dma_wait3A_1037 = arith.constant 0 : i32
      %dma_wait3A_1038 = arith.constant 0 : i32
      %dma_wait3A_1039 = tpu.memref_slice %arg8[%run_scoped3A_16, %dma_wait3A_1037, %dma_wait3A_1038] : memref<2x128x128xf32, #tpu.memory_space<vmem>> -> memref<1x128x128xf32, #tpu.memory_space<vmem>>
      %dma_wait3A_1040 = tpu.memref_squeeze %dma_wait3A_1039 : memref<1x128x128xf32, #tpu.memory_space<vmem>> -> memref<128x128xf32, #tpu.memory_space<vmem>>
      tpu.wait_dma2 semaphore(%run_scoped3A_1016 : memref<!tpu.dma_semaphore, #tpu.memory_space<semaphore_mem>>) src(%dma_wait3A_1040 : memref<128x128xf32, #tpu.memory_space<vmem>>) dst(%dma_wait3A_1036 : memref<128x128xf32, #tpu.memory_space<vmem_shared>>)
      tpu.yield
    }) : () -> ()
    %mul3A_17 = arith.constant 640 : i32
    %mul3A_18 = arith.muli %arg1, %mul3A_17 : i32
    %add3A_19 = arith.constant 384 : i32
    %add3A_20 = arith.addi %mul3A_18, %add3A_19 : i32
    %run_scoped3A_21 = arith.constant 0 : i32
    "tpu.region"() ({
      %run_scoped3A_1016 = tpu.sem_alloc : memref<!tpu.dma_semaphore, #tpu.memory_space<semaphore_mem>>
      %dma_start3A_1017 = arith.constant 0 : i32
      %dma_start3A_1018 = arith.constant 0 : i32
      %dma_start3A_1019 = tpu.memref_slice %arg8[%run_scoped3A_21, %dma_start3A_1017, %dma_start3A_1018] : memref<2x128x128xf32, #tpu.memory_space<vmem>> -> memref<1x128x128xf32, #tpu.memory_space<vmem>>
      %dma_start3A_1020 = tpu.memref_squeeze %dma_start3A_1019 : memref<1x128x128xf32, #tpu.memory_space<vmem>> -> memref<128x128xf32, #tpu.memory_space<vmem>>
      %dma_start3A_1021 = arith.constant 0 : i32
      %dma_start3A_1022 = tpu.memref_slice %arg9[%add3A_20, %dma_start3A_1021] : memref<10240x128xf32, #tpu.memory_space<vmem_shared>> -> memref<128x128xf32, #tpu.memory_space<vmem_shared>>
      %dma_start3A_1023 = arith.constant 0 : i32
      %dma_start3A_1024 = tpu.memref_slice %arg9[%add3A_20, %dma_start3A_1023] : memref<10240x128xf32, #tpu.memory_space<vmem_shared>> -> memref<128x128xf32, #tpu.memory_space<vmem_shared>>
      %dma_start3A_1025 = arith.constant 0 : i32
      %dma_start3A_1026 = arith.constant 0 : i32
      %dma_start3A_1027 = tpu.memref_slice %arg8[%run_scoped3A_21, %dma_start3A_1025, %dma_start3A_1026] : memref<2x128x128xf32, #tpu.memory_space<vmem>> -> memref<1x128x128xf32, #tpu.memory_space<vmem>>
      %dma_start3A_1028 = tpu.memref_squeeze %dma_start3A_1027 : memref<1x128x128xf32, #tpu.memory_space<vmem>> -> memref<128x128xf32, #tpu.memory_space<vmem>>
      tpu.enqueue_dma source(%dma_start3A_1028 : memref<128x128xf32, #tpu.memory_space<vmem>>) target(%dma_start3A_1024 : memref<128x128xf32, #tpu.memory_space<vmem_shared>>) target_semaphore(%run_scoped3A_1016 : memref<!tpu.dma_semaphore, #tpu.memory_space<semaphore_mem>>)
      %dma_wait3A_1029 = arith.constant 0 : i32
      %dma_wait3A_1030 = arith.constant 0 : i32
      %dma_wait3A_1031 = tpu.memref_slice %arg8[%run_scoped3A_21, %dma_wait3A_1029, %dma_wait3A_1030] : memref<2x128x128xf32, #tpu.memory_space<vmem>> -> memref<1x128x128xf32, #tpu.memory_space<vmem>>
      %dma_wait3A_1032 = tpu.memref_squeeze %dma_wait3A_1031 : memref<1x128x128xf32, #tpu.memory_space<vmem>> -> memref<128x128xf32, #tpu.memory_space<vmem>>
      %dma_wait3A_1033 = arith.constant 0 : i32
      %dma_wait3A_1034 = tpu.memref_slice %arg9[%add3A_20, %dma_wait3A_1033] : memref<10240x128xf32, #tpu.memory_space<vmem_shared>> -> memref<128x128xf32, #tpu.memory_space<vmem_shared>>
      %dma_wait3A_1035 = arith.constant 0 : i32
      %dma_wait3A_1036 = tpu.memref_slice %arg9[%add3A_20, %dma_wait3A_1035] : memref<10240x128xf32, #tpu.memory_space<vmem_shared>> -> memref<128x128xf32, #tpu.memory_space<vmem_shared>>
      %dma_wait3A_1037 = arith.constant 0 : i32
      %dma_wait3A_1038 = arith.constant 0 : i32
      %dma_wait3A_1039 = tpu.memref_slice %arg8[%run_scoped3A_21, %dma_wait3A_1037, %dma_wait3A_1038] : memref<2x128x128xf32, #tpu.memory_space<vmem>> -> memref<1x128x128xf32, #tpu.memory_space<vmem>>
      %dma_wait3A_1040 = tpu.memref_squeeze %dma_wait3A_1039 : memref<1x128x128xf32, #tpu.memory_space<vmem>> -> memref<128x128xf32, #tpu.memory_space<vmem>>
      tpu.wait_dma2 semaphore(%run_scoped3A_1016 : memref<!tpu.dma_semaphore, #tpu.memory_space<semaphore_mem>>) src(%dma_wait3A_1040 : memref<128x128xf32, #tpu.memory_space<vmem>>) dst(%dma_wait3A_1036 : memref<128x128xf32, #tpu.memory_space<vmem_shared>>)
      tpu.yield
    }) : () -> ()
    %mul3A_22 = arith.constant 640 : i32
    %mul3A_23 = arith.muli %arg1, %mul3A_22 : i32
    %add3A_24 = arith.constant 512 : i32
    %add3A_25 = arith.addi %mul3A_23, %add3A_24 : i32
    %run_scoped3A_26 = arith.constant 0 : i32
    "tpu.region"() ({
      %run_scoped3A_1016 = tpu.sem_alloc : memref<!tpu.dma_semaphore, #tpu.memory_space<semaphore_mem>>
      %dma_start3A_1017 = arith.constant 0 : i32
      %dma_start3A_1018 = arith.constant 0 : i32
      %dma_start3A_1019 = tpu.memref_slice %arg8[%run_scoped3A_26, %dma_start3A_1017, %dma_start3A_1018] : memref<2x128x128xf32, #tpu.memory_space<vmem>> -> memref<1x128x128xf32, #tpu.memory_space<vmem>>
      %dma_start3A_1020 = tpu.memref_squeeze %dma_start3A_1019 : memref<1x128x128xf32, #tpu.memory_space<vmem>> -> memref<128x128xf32, #tpu.memory_space<vmem>>
      %dma_start3A_1021 = arith.constant 0 : i32
      %dma_start3A_1022 = tpu.memref_slice %arg9[%add3A_25, %dma_start3A_1021] : memref<10240x128xf32, #tpu.memory_space<vmem_shared>> -> memref<128x128xf32, #tpu.memory_space<vmem_shared>>
      %dma_start3A_1023 = arith.constant 0 : i32
      %dma_start3A_1024 = tpu.memref_slice %arg9[%add3A_25, %dma_start3A_1023] : memref<10240x128xf32, #tpu.memory_space<vmem_shared>> -> memref<128x128xf32, #tpu.memory_space<vmem_shared>>
      %dma_start3A_1025 = arith.constant 0 : i32
      %dma_start3A_1026 = arith.constant 0 : i32
      %dma_start3A_1027 = tpu.memref_slice %arg8[%run_scoped3A_26, %dma_start3A_1025, %dma_start3A_1026] : memref<2x128x128xf32, #tpu.memory_space<vmem>> -> memref<1x128x128xf32, #tpu.memory_space<vmem>>
      %dma_start3A_1028 = tpu.memref_squeeze %dma_start3A_1027 : memref<1x128x128xf32, #tpu.memory_space<vmem>> -> memref<128x128xf32, #tpu.memory_space<vmem>>
      tpu.enqueue_dma source(%dma_start3A_1028 : memref<128x128xf32, #tpu.memory_space<vmem>>) target(%dma_start3A_1024 : memref<128x128xf32, #tpu.memory_space<vmem_shared>>) target_semaphore(%run_scoped3A_1016 : memref<!tpu.dma_semaphore, #tpu.memory_space<semaphore_mem>>)
      %dma_wait3A_1029 = arith.constant 0 : i32
      %dma_wait3A_1030 = arith.constant 0 : i32
      %dma_wait3A_1031 = tpu.memref_slice %arg8[%run_scoped3A_26, %dma_wait3A_1029, %dma_wait3A_1030] : memref<2x128x128xf32, #tpu.memory_space<vmem>> -> memref<1x128x128xf32, #tpu.memory_space<vmem>>
      %dma_wait3A_1032 = tpu.memref_squeeze %dma_wait3A_1031 : memref<1x128x128xf32, #tpu.memory_space<vmem>> -> memref<128x128xf32, #tpu.memory_space<vmem>>
      %dma_wait3A_1033 = arith.constant 0 : i32
      %dma_wait3A_1034 = tpu.memref_slice %arg9[%add3A_25, %dma_wait3A_1033] : memref<10240x128xf32, #tpu.memory_space<vmem_shared>> -> memref<128x128xf32, #tpu.memory_space<vmem_shared>>
      %dma_wait3A_1035 = arith.constant 0 : i32
      %dma_wait3A_1036 = tpu.memref_slice %arg9[%add3A_25, %dma_wait3A_1035] : memref<10240x128xf32, #tpu.memory_space<vmem_shared>> -> memref<128x128xf32, #tpu.memory_space<vmem_shared>>
      %dma_wait3A_1037 = arith.constant 0 : i32
      %dma_wait3A_1038 = arith.constant 0 : i32
      %dma_wait3A_1039 = tpu.memref_slice %arg8[%run_scoped3A_26, %dma_wait3A_1037, %dma_wait3A_1038] : memref<2x128x128xf32, #tpu.memory_space<vmem>> -> memref<1x128x128xf32, #tpu.memory_space<vmem>>
      %dma_wait3A_1040 = tpu.memref_squeeze %dma_wait3A_1039 : memref<1x128x128xf32, #tpu.memory_space<vmem>> -> memref<128x128xf32, #tpu.memory_space<vmem>>
      tpu.wait_dma2 semaphore(%run_scoped3A_1016 : memref<!tpu.dma_semaphore, #tpu.memory_space<semaphore_mem>>) src(%dma_wait3A_1040 : memref<128x128xf32, #tpu.memory_space<vmem>>) dst(%dma_wait3A_1036 : memref<128x128xf32, #tpu.memory_space<vmem_shared>>)
      tpu.yield
    }) : () -> ()
    %barrier3A = arith.constant 0 : index
    tpu.barrier barrier_id(%barrier3A)
    %mul3A_27 = arith.constant 160 : i32
    %mul3A_28 = arith.muli %arg1, %mul3A_27 : i32
    %add3A_29 = arith.constant 0 : i32
    %add3A_30 = arith.addi %mul3A_28, %add3A_29 : i32
    %dma_start3A = arith.constant 0 : i32
    %dma_start3A_31 = arith.constant 0 : i32
    %dma_start3A_32 = arith.constant 0 : i32
    %dma_start3A_33 = tpu.memref_slice %arg6[%dma_start3A, %dma_start3A_31, %dma_start3A_32] : memref<2x16x128xi32, #tpu.memory_space<vmem>> -> memref<1x16x128xi32, #tpu.memory_space<vmem>>
    %dma_start3A_34 = tpu.memref_squeeze %dma_start3A_33 : memref<1x16x128xi32, #tpu.memory_space<vmem>> -> memref<16x128xi32, #tpu.memory_space<vmem>>
    %dma_start3A_35 = arith.constant 0 : i32
    %dma_start3A_36 = tpu.memref_slice %arg3[%arg0, %add3A_30, %dma_start3A_35] : memref<2x2560x128xi32, #tpu.memory_space<hbm>> -> memref<1x16x128xi32, #tpu.memory_space<hbm>>
    %dma_start3A_37 = tpu.memref_squeeze %dma_start3A_36 : memref<1x16x128xi32, #tpu.memory_space<hbm>> -> memref<16x128xi32, #tpu.memory_space<hbm>>
    %dma_start3A_38 = arith.constant 0 : i32
    %dma_start3A_39 = arith.constant 0 : i32
    %dma_start3A_40 = tpu.memref_slice %arg6[%dma_start3A, %dma_start3A_38, %dma_start3A_39] : memref<2x16x128xi32, #tpu.memory_space<vmem>> -> memref<1x16x128xi32, #tpu.memory_space<vmem>>
    %dma_start3A_41 = tpu.memref_squeeze %dma_start3A_40 : memref<1x16x128xi32, #tpu.memory_space<vmem>> -> memref<16x128xi32, #tpu.memory_space<vmem>>
    %dma_start3A_42 = arith.constant 0 : i32
    %dma_start3A_43 = tpu.memref_slice %arg3[%arg0, %add3A_30, %dma_start3A_42] : memref<2x2560x128xi32, #tpu.memory_space<hbm>> -> memref<1x16x128xi32, #tpu.memory_space<hbm>>
    %dma_start3A_44 = tpu.memref_squeeze %dma_start3A_43 : memref<1x16x128xi32, #tpu.memory_space<hbm>> -> memref<16x128xi32, #tpu.memory_space<hbm>>
    tpu.enqueue_dma source(%dma_start3A_44 : memref<16x128xi32, #tpu.memory_space<hbm>>) target(%dma_start3A_41 : memref<16x128xi32, #tpu.memory_space<vmem>>) target_semaphore(%arg12 : memref<!tpu.dma_semaphore, #tpu.memory_space<semaphore_mem>>)
    %dma_start3A_45 = arith.constant 0 : i32
    %dma_start3A_46 = arith.constant 0 : i32
    %dma_start3A_47 = arith.constant 0 : i32
    %dma_start3A_48 = tpu.memref_slice %arg7[%dma_start3A_45, %dma_start3A_46, %dma_start3A_47] : memref<2x16x128xi32, #tpu.memory_space<vmem>> -> memref<1x16x128xi32, #tpu.memory_space<vmem>>
    %dma_start3A_49 = tpu.memref_squeeze %dma_start3A_48 : memref<1x16x128xi32, #tpu.memory_space<vmem>> -> memref<16x128xi32, #tpu.memory_space<vmem>>
    %dma_start3A_50 = arith.constant 0 : i32
    %dma_start3A_51 = tpu.memref_slice %arg4[%add3A_30, %dma_start3A_50] : memref<2560x128xi32, #tpu.memory_space<hbm>> -> memref<16x128xi32, #tpu.memory_space<hbm>>
    %dma_start3A_52 = arith.constant 0 : i32
    %dma_start3A_53 = arith.constant 0 : i32
    %dma_start3A_54 = tpu.memref_slice %arg7[%dma_start3A_45, %dma_start3A_52, %dma_start3A_53] : memref<2x16x128xi32, #tpu.memory_space<vmem>> -> memref<1x16x128xi32, #tpu.memory_space<vmem>>
    %dma_start3A_55 = tpu.memref_squeeze %dma_start3A_54 : memref<1x16x128xi32, #tpu.memory_space<vmem>> -> memref<16x128xi32, #tpu.memory_space<vmem>>
    %dma_start3A_56 = arith.constant 0 : i32
    %dma_start3A_57 = tpu.memref_slice %arg4[%add3A_30, %dma_start3A_56] : memref<2560x128xi32, #tpu.memory_space<hbm>> -> memref<16x128xi32, #tpu.memory_space<hbm>>
    tpu.enqueue_dma source(%dma_start3A_57 : memref<16x128xi32, #tpu.memory_space<hbm>>) target(%dma_start3A_55 : memref<16x128xi32, #tpu.memory_space<vmem>>) target_semaphore(%arg12 : memref<!tpu.dma_semaphore, #tpu.memory_space<semaphore_mem>>)
    %mul3A_58 = arith.constant 160 : i32
    %mul3A_59 = arith.muli %arg1, %mul3A_58 : i32
    %add3A_60 = arith.constant 0 : i32
    %add3A_61 = arith.addi %mul3A_59, %add3A_60 : i32
    %dma_wait3A = arith.constant 0 : i32
    %dma_wait3A_62 = arith.constant 0 : i32
    %dma_wait3A_63 = arith.constant 0 : i32
    %dma_wait3A_64 = tpu.memref_slice %arg6[%dma_wait3A, %dma_wait3A_62, %dma_wait3A_63] : memref<2x16x128xi32, #tpu.memory_space<vmem>> -> memref<1x16x128xi32, #tpu.memory_space<vmem>>
    %dma_wait3A_65 = tpu.memref_squeeze %dma_wait3A_64 : memref<1x16x128xi32, #tpu.memory_space<vmem>> -> memref<16x128xi32, #tpu.memory_space<vmem>>
    %dma_wait3A_66 = arith.constant 0 : i32
    %dma_wait3A_67 = tpu.memref_slice %arg3[%arg0, %add3A_61, %dma_wait3A_66] : memref<2x2560x128xi32, #tpu.memory_space<hbm>> -> memref<1x16x128xi32, #tpu.memory_space<hbm>>
    %dma_wait3A_68 = tpu.memref_squeeze %dma_wait3A_67 : memref<1x16x128xi32, #tpu.memory_space<hbm>> -> memref<16x128xi32, #tpu.memory_space<hbm>>
    %dma_wait3A_69 = arith.constant 0 : i32
    %dma_wait3A_70 = arith.constant 0 : i32
    %dma_wait3A_71 = tpu.memref_slice %arg6[%dma_wait3A, %dma_wait3A_69, %dma_wait3A_70] : memref<2x16x128xi32, #tpu.memory_space<vmem>> -> memref<1x16x128xi32, #tpu.memory_space<vmem>>
    %dma_wait3A_72 = tpu.memref_squeeze %dma_wait3A_71 : memref<1x16x128xi32, #tpu.memory_space<vmem>> -> memref<16x128xi32, #tpu.memory_space<vmem>>
    %dma_wait3A_73 = arith.constant 0 : i32
    %dma_wait3A_74 = tpu.memref_slice %arg3[%arg0, %add3A_61, %dma_wait3A_73] : memref<2x2560x128xi32, #tpu.memory_space<hbm>> -> memref<1x16x128xi32, #tpu.memory_space<hbm>>
    %dma_wait3A_75 = tpu.memref_squeeze %dma_wait3A_74 : memref<1x16x128xi32, #tpu.memory_space<hbm>> -> memref<16x128xi32, #tpu.memory_space<hbm>>
    tpu.wait_dma2 semaphore(%arg12 : memref<!tpu.dma_semaphore, #tpu.memory_space<semaphore_mem>>) src(%dma_wait3A_75 : memref<16x128xi32, #tpu.memory_space<hbm>>) dst(%dma_wait3A_72 : memref<16x128xi32, #tpu.memory_space<vmem>>)
    %dma_wait3A_76 = arith.constant 0 : i32
    %dma_wait3A_77 = arith.constant 0 : i32
    %dma_wait3A_78 = arith.constant 0 : i32
    %dma_wait3A_79 = tpu.memref_slice %arg7[%dma_wait3A_76, %dma_wait3A_77, %dma_wait3A_78] : memref<2x16x128xi32, #tpu.memory_space<vmem>> -> memref<1x16x128xi32, #tpu.memory_space<vmem>>
    %dma_wait3A_80 = tpu.memref_squeeze %dma_wait3A_79 : memref<1x16x128xi32, #tpu.memory_space<vmem>> -> memref<16x128xi32, #tpu.memory_space<vmem>>
    %dma_wait3A_81 = arith.constant 0 : i32
    %dma_wait3A_82 = tpu.memref_slice %arg4[%add3A_61, %dma_wait3A_81] : memref<2560x128xi32, #tpu.memory_space<hbm>> -> memref<16x128xi32, #tpu.memory_space<hbm>>
    %dma_wait3A_83 = arith.constant 0 : i32
    %dma_wait3A_84 = arith.constant 0 : i32
    %dma_wait3A_85 = tpu.memref_slice %arg7[%dma_wait3A_76, %dma_wait3A_83, %dma_wait3A_84] : memref<2x16x128xi32, #tpu.memory_space<vmem>> -> memref<1x16x128xi32, #tpu.memory_space<vmem>>
    %dma_wait3A_86 = tpu.memref_squeeze %dma_wait3A_85 : memref<1x16x128xi32, #tpu.memory_space<vmem>> -> memref<16x128xi32, #tpu.memory_space<vmem>>
    %dma_wait3A_87 = arith.constant 0 : i32
    %dma_wait3A_88 = tpu.memref_slice %arg4[%add3A_61, %dma_wait3A_87] : memref<2560x128xi32, #tpu.memory_space<hbm>> -> memref<16x128xi32, #tpu.memory_space<hbm>>
    tpu.wait_dma2 semaphore(%arg12 : memref<!tpu.dma_semaphore, #tpu.memory_space<semaphore_mem>>) src(%dma_wait3A_88 : memref<16x128xi32, #tpu.memory_space<hbm>>) dst(%dma_wait3A_86 : memref<16x128xi32, #tpu.memory_space<vmem>>)
    %mul3A_89 = arith.constant 160 : i32
    %mul3A_90 = arith.muli %arg1, %mul3A_89 : i32
    %add3A_91 = arith.constant 16 : i32
    %add3A_92 = arith.addi %mul3A_90, %add3A_91 : i32
    %dma_start3A_93 = arith.constant 1 : i32
    %dma_start3A_94 = arith.constant 0 : i32
    %dma_start3A_95 = arith.constant 0 : i32
    %dma_start3A_96 = tpu.memref_slice %arg6[%dma_start3A_93, %dma_start3A_94, %dma_start3A_95] : memref<2x16x128xi32, #tpu.memory_space<vmem>> -> memref<1x16x128xi32, #tpu.memory_space<vmem>>
    %dma_start3A_97 = tpu.memref_squeeze %dma_start3A_96 : memref<1x16x128xi32, #tpu.memory_space<vmem>> -> memref<16x128xi32, #tpu.memory_space<vmem>>
    %dma_start3A_98 = arith.constant 0 : i32
    %dma_start3A_99 = tpu.memref_slice %arg3[%arg0, %add3A_92, %dma_start3A_98] : memref<2x2560x128xi32, #tpu.memory_space<hbm>> -> memref<1x16x128xi32, #tpu.memory_space<hbm>>
    %dma_start3A_100 = tpu.memref_squeeze %dma_start3A_99 : memref<1x16x128xi32, #tpu.memory_space<hbm>> -> memref<16x128xi32, #tpu.memory_space<hbm>>
    %dma_start3A_101 = arith.constant 0 : i32
    %dma_start3A_102 = arith.constant 0 : i32
    %dma_start3A_103 = tpu.memref_slice %arg6[%dma_start3A_93, %dma_start3A_101, %dma_start3A_102] : memref<2x16x128xi32, #tpu.memory_space<vmem>> -> memref<1x16x128xi32, #tpu.memory_space<vmem>>
    %dma_start3A_104 = tpu.memref_squeeze %dma_start3A_103 : memref<1x16x128xi32, #tpu.memory_space<vmem>> -> memref<16x128xi32, #tpu.memory_space<vmem>>
    %dma_start3A_105 = arith.constant 0 : i32
    %dma_start3A_106 = tpu.memref_slice %arg3[%arg0, %add3A_92, %dma_start3A_105] : memref<2x2560x128xi32, #tpu.memory_space<hbm>> -> memref<1x16x128xi32, #tpu.memory_space<hbm>>
    %dma_start3A_107 = tpu.memref_squeeze %dma_start3A_106 : memref<1x16x128xi32, #tpu.memory_space<hbm>> -> memref<16x128xi32, #tpu.memory_space<hbm>>
    tpu.enqueue_dma source(%dma_start3A_107 : memref<16x128xi32, #tpu.memory_space<hbm>>) target(%dma_start3A_104 : memref<16x128xi32, #tpu.memory_space<vmem>>) target_semaphore(%arg12 : memref<!tpu.dma_semaphore, #tpu.memory_space<semaphore_mem>>)
    %dma_start3A_108 = arith.constant 1 : i32
    %dma_start3A_109 = arith.constant 0 : i32
    %dma_start3A_110 = arith.constant 0 : i32
    %dma_start3A_111 = tpu.memref_slice %arg7[%dma_start3A_108, %dma_start3A_109, %dma_start3A_110] : memref<2x16x128xi32, #tpu.memory_space<vmem>> -> memref<1x16x128xi32, #tpu.memory_space<vmem>>
    %dma_start3A_112 = tpu.memref_squeeze %dma_start3A_111 : memref<1x16x128xi32, #tpu.memory_space<vmem>> -> memref<16x128xi32, #tpu.memory_space<vmem>>
    %dma_start3A_113 = arith.constant 0 : i32
    %dma_start3A_114 = tpu.memref_slice %arg4[%add3A_92, %dma_start3A_113] : memref<2560x128xi32, #tpu.memory_space<hbm>> -> memref<16x128xi32, #tpu.memory_space<hbm>>
    %dma_start3A_115 = arith.constant 0 : i32
    %dma_start3A_116 = arith.constant 0 : i32
    %dma_start3A_117 = tpu.memref_slice %arg7[%dma_start3A_108, %dma_start3A_115, %dma_start3A_116] : memref<2x16x128xi32, #tpu.memory_space<vmem>> -> memref<1x16x128xi32, #tpu.memory_space<vmem>>
    %dma_start3A_118 = tpu.memref_squeeze %dma_start3A_117 : memref<1x16x128xi32, #tpu.memory_space<vmem>> -> memref<16x128xi32, #tpu.memory_space<vmem>>
    %dma_start3A_119 = arith.constant 0 : i32
    %dma_start3A_120 = tpu.memref_slice %arg4[%add3A_92, %dma_start3A_119] : memref<2560x128xi32, #tpu.memory_space<hbm>> -> memref<16x128xi32, #tpu.memory_space<hbm>>
    tpu.enqueue_dma source(%dma_start3A_120 : memref<16x128xi32, #tpu.memory_space<hbm>>) target(%dma_start3A_118 : memref<16x128xi32, #tpu.memory_space<vmem>>) target_semaphore(%arg12 : memref<!tpu.dma_semaphore, #tpu.memory_space<semaphore_mem>>)
    %dma_start3A_121 = arith.constant 0 : i32
    %dma_start3A_122 = arith.constant 0 : i32
    %dma_start3A_123 = arith.constant 0 : i32
    %dma_start3A_124 = arith.constant 0 : i32
    %dma_start3A_125 = arith.constant 0 : i32
    %dma_start3A_126 = tpu.memref_slice %arg8[%dma_start3A_123, %dma_start3A_124, %dma_start3A_125] : memref<2x128x128xf32, #tpu.memory_space<vmem>> -> memref<1x128x128xf32, #tpu.memory_space<vmem>>
    %dma_start3A_127 = tpu.memref_squeeze %dma_start3A_126 : memref<1x128x128xf32, #tpu.memory_space<vmem>> -> memref<128x128xf32, #tpu.memory_space<vmem>>
    %dma_start3A_128 = arith.constant 0 : i32
    %dma_start3A_129 = tpu.memref_slice %arg6[%dma_start3A_121, %dma_start3A_122, %dma_start3A_128] : memref<2x16x128xi32, #tpu.memory_space<vmem>> -> memref<1x1x128xi32, #tpu.memory_space<vmem>>
    %dma_start3A_130 = tpu.memref_squeeze %dma_start3A_129 : memref<1x1x128xi32, #tpu.memory_space<vmem>> -> memref<128xi32, #tpu.memory_space<vmem>>
    %dma_start3A_131 = arith.constant 0 : i32
    %dma_start3A_132 = arith.constant 0 : i32
    %dma_start3A_133 = tpu.memref_slice %arg2[%dma_start3A_131, %dma_start3A_132] : memref<20480x128xf32, #tpu.memory_space<hbm>> -> memref<20480x128xf32, #tpu.memory_space<hbm>>
    tpu.enqueue_indirect_dma source(%dma_start3A_133 : memref<20480x128xf32, #tpu.memory_space<hbm>>) target(%dma_start3A_127 : memref<128x128xf32, #tpu.memory_space<vmem>>) offsets(%dma_start3A_130 : memref<128xi32, #tpu.memory_space<vmem>>) semaphore(%arg10 : memref<!tpu.dma_semaphore, #tpu.memory_space<semaphore_mem>>)
    %dma_start3A_134 = arith.constant 0 : i32
    %dma_start3A_135 = arith.constant 1 : i32
    %dma_start3A_136 = arith.constant 1 : i32
    %dma_start3A_137 = arith.constant 0 : i32
    %dma_start3A_138 = arith.constant 0 : i32
    %dma_start3A_139 = tpu.memref_slice %arg8[%dma_start3A_136, %dma_start3A_137, %dma_start3A_138] : memref<2x128x128xf32, #tpu.memory_space<vmem>> -> memref<1x128x128xf32, #tpu.memory_space<vmem>>
    %dma_start3A_140 = tpu.memref_squeeze %dma_start3A_139 : memref<1x128x128xf32, #tpu.memory_space<vmem>> -> memref<128x128xf32, #tpu.memory_space<vmem>>
    %dma_start3A_141 = arith.constant 0 : i32
    %dma_start3A_142 = tpu.memref_slice %arg6[%dma_start3A_134, %dma_start3A_135, %dma_start3A_141] : memref<2x16x128xi32, #tpu.memory_space<vmem>> -> memref<1x1x128xi32, #tpu.memory_space<vmem>>
    %dma_start3A_143 = tpu.memref_squeeze %dma_start3A_142 : memref<1x1x128xi32, #tpu.memory_space<vmem>> -> memref<128xi32, #tpu.memory_space<vmem>>
    %dma_start3A_144 = arith.constant 0 : i32
    %dma_start3A_145 = arith.constant 0 : i32
    %dma_start3A_146 = tpu.memref_slice %arg2[%dma_start3A_144, %dma_start3A_145] : memref<20480x128xf32, #tpu.memory_space<hbm>> -> memref<20480x128xf32, #tpu.memory_space<hbm>>
    tpu.enqueue_indirect_dma source(%dma_start3A_146 : memref<20480x128xf32, #tpu.memory_space<hbm>>) target(%dma_start3A_140 : memref<128x128xf32, #tpu.memory_space<vmem>>) offsets(%dma_start3A_143 : memref<128xi32, #tpu.memory_space<vmem>>) semaphore(%arg11 : memref<!tpu.dma_semaphore, #tpu.memory_space<semaphore_mem>>)
    %scan3A_147 = arith.constant 0 : i32
    %scan3A_148 = arith.constant 0 : i32
    %scan3A_149 = arith.constant 8 : i32
    %scan3A_150 = arith.addi %scan3A_148, %scan3A_149 : i32
    %scan3A_151 = arith.constant 1 : i32
    scf.for %scan3A_1016 = %scan3A_148 to %scan3A_150 step %scan3A_151  : i32 {
      %mul3A_1017 = arith.constant 2 : i32
      %mul3A_1018 = arith.muli %scan3A_1016, %mul3A_1017 : i32
      %add3A_1019 = arith.constant 0 : i32
      %add3A_1020 = arith.addi %mul3A_1018, %add3A_1019 : i32
      %dma_wait3A_1021 = arith.constant 0 : i32
      %dma_wait3A_1022 = arith.constant 0 : i32
      %dma_wait3A_1023 = arith.constant 0 : i32
      %dma_wait3A_1024 = arith.constant 0 : i32
      %dma_wait3A_1025 = tpu.memref_slice %arg8[%dma_wait3A_1022, %dma_wait3A_1023, %dma_wait3A_1024] : memref<2x128x128xf32, #tpu.memory_space<vmem>> -> memref<1x128x128xf32, #tpu.memory_space<vmem>>
      %dma_wait3A_1026 = tpu.memref_squeeze %dma_wait3A_1025 : memref<1x128x128xf32, #tpu.memory_space<vmem>> -> memref<128x128xf32, #tpu.memory_space<vmem>>
      %dma_wait3A_1027 = arith.constant 0 : i32
      %dma_wait3A_1028 = tpu.memref_slice %arg6[%dma_wait3A_1021, %add3A_1020, %dma_wait3A_1027] : memref<2x16x128xi32, #tpu.memory_space<vmem>> -> memref<1x1x128xi32, #tpu.memory_space<vmem>>
      %dma_wait3A_1029 = tpu.memref_squeeze %dma_wait3A_1028 : memref<1x1x128xi32, #tpu.memory_space<vmem>> -> memref<128xi32, #tpu.memory_space<vmem>>
      %dma_wait3A_1030 = arith.constant 0 : i32
      %dma_wait3A_1031 = arith.constant 0 : i32
      %dma_wait3A_1032 = tpu.memref_slice %arg2[%dma_wait3A_1030, %dma_wait3A_1031] : memref<20480x128xf32, #tpu.memory_space<hbm>> -> memref<20480x128xf32, #tpu.memory_space<hbm>>
      tpu.wait_indirect_dma semaphore(%arg10 : memref<!tpu.dma_semaphore, #tpu.memory_space<semaphore_mem>>) src(%dma_wait3A_1032 : memref<20480x128xf32, #tpu.memory_space<hbm>>) dst(%dma_wait3A_1026 : memref<128x128xf32, #tpu.memory_space<vmem>>)
      %run_scoped3A_1033 = arith.constant 0 : i32
      %run_scoped3A_1034 = arith.constant 0 : i32
      "tpu.region"() ({
        %run_scoped3A_1064 = tpu.sem_alloc : memref<!tpu.dma_semaphore, #tpu.memory_space<semaphore_mem>>
        %dma_start3A_1065 = arith.constant 0 : i32
        %dma_start3A_1066 = arith.constant 0 : i32
        %dma_start3A_1067 = tpu.memref_slice %arg8[%run_scoped3A_1033, %dma_start3A_1065, %dma_start3A_1066] : memref<2x128x128xf32, #tpu.memory_space<vmem>> -> memref<1x128x128xf32, #tpu.memory_space<vmem>>
        %dma_start3A_1068 = tpu.memref_squeeze %dma_start3A_1067 : memref<1x128x128xf32, #tpu.memory_space<vmem>> -> memref<128x128xf32, #tpu.memory_space<vmem>>
        %dma_start3A_1069 = arith.constant 0 : i32
        %dma_start3A_1070 = tpu.memref_slice %arg7[%run_scoped3A_1034, %add3A_1020, %dma_start3A_1069] : memref<2x16x128xi32, #tpu.memory_space<vmem>> -> memref<1x1x128xi32, #tpu.memory_space<vmem>>
        %dma_start3A_1071 = tpu.memref_squeeze %dma_start3A_1070 : memref<1x1x128xi32, #tpu.memory_space<vmem>> -> memref<128xi32, #tpu.memory_space<vmem>>
        %dma_start3A_1072 = arith.constant 0 : i32
        %dma_start3A_1073 = arith.constant 0 : i32
        %dma_start3A_1074 = tpu.memref_slice %arg9[%dma_start3A_1072, %dma_start3A_1073] : memref<10240x128xf32, #tpu.memory_space<vmem_shared>> -> memref<10240x128xf32, #tpu.memory_space<vmem_shared>>
        tpu.enqueue_indirect_dma source(%dma_start3A_1068 : memref<128x128xf32, #tpu.memory_space<vmem>>) target(%dma_start3A_1074 : memref<10240x128xf32, #tpu.memory_space<vmem_shared>>) offsets(%dma_start3A_1071 : memref<128xi32, #tpu.memory_space<vmem>>) semaphore(%run_scoped3A_1064 : memref<!tpu.dma_semaphore, #tpu.memory_space<semaphore_mem>>) {add = true}
        %dma_wait3A_1075 = arith.constant 0 : i32
        %dma_wait3A_1076 = arith.constant 0 : i32
        %dma_wait3A_1077 = tpu.memref_slice %arg8[%run_scoped3A_1033, %dma_wait3A_1075, %dma_wait3A_1076] : memref<2x128x128xf32, #tpu.memory_space<vmem>> -> memref<1x128x128xf32, #tpu.memory_space<vmem>>
        %dma_wait3A_1078 = tpu.memref_squeeze %dma_wait3A_1077 : memref<1x128x128xf32, #tpu.memory_space<vmem>> -> memref<128x128xf32, #tpu.memory_space<vmem>>
        %dma_wait3A_1079 = arith.constant 0 : i32
        %dma_wait3A_1080 = tpu.memref_slice %arg7[%run_scoped3A_1034, %add3A_1020, %dma_wait3A_1079] : memref<2x16x128xi32, #tpu.memory_space<vmem>> -> memref<1x1x128xi32, #tpu.memory_space<vmem>>
        %dma_wait3A_1081 = tpu.memref_squeeze %dma_wait3A_1080 : memref<1x1x128xi32, #tpu.memory_space<vmem>> -> memref<128xi32, #tpu.memory_space<vmem>>
        %dma_wait3A_1082 = arith.constant 0 : i32
        %dma_wait3A_1083 = arith.constant 0 : i32
        %dma_wait3A_1084 = tpu.memref_slice %arg9[%dma_wait3A_1082, %dma_wait3A_1083] : memref<10240x128xf32, #tpu.memory_space<vmem_shared>> -> memref<10240x128xf32, #tpu.memory_space<vmem_shared>>
        tpu.wait_indirect_dma semaphore(%run_scoped3A_1064 : memref<!tpu.dma_semaphore, #tpu.memory_space<semaphore_mem>>) src(%dma_wait3A_1078 : memref<128x128xf32, #tpu.memory_space<vmem>>) dst(%dma_wait3A_1084 : memref<10240x128xf32, #tpu.memory_space<vmem_shared>>)
        tpu.yield
      }) : () -> ()
      %add3A_1035 = arith.constant 2 : i32
      %add3A_1036 = arith.addi %add3A_1020, %add3A_1035 : i32
      %lt3A = arith.constant 16 : i32
      %lt3A_1037 = arith.cmpi slt, %add3A_1036, %lt3A : i32
      %convert_element_type3A = arith.extui %lt3A_1037 : i1 to i32
      %cond3A = arith.constant 0 : i32
      %cond3A_1038 = arith.cmpi ne, %convert_element_type3A, %cond3A : i32
      scf.if %cond3A_1038 {
        %add3A_1064 = arith.constant 2 : i32
        %add3A_1065 = arith.addi %add3A_1020, %add3A_1064 : i32
        %dma_start3A_1066 = arith.constant 0 : i32
        %dma_start3A_1067 = arith.constant 0 : i32
        %dma_start3A_1068 = arith.constant 0 : i32
        %dma_start3A_1069 = arith.constant 0 : i32
        %dma_start3A_1070 = tpu.memref_slice %arg8[%dma_start3A_1067, %dma_start3A_1068, %dma_start3A_1069] : memref<2x128x128xf32, #tpu.memory_space<vmem>> -> memref<1x128x128xf32, #tpu.memory_space<vmem>>
        %dma_start3A_1071 = tpu.memref_squeeze %dma_start3A_1070 : memref<1x128x128xf32, #tpu.memory_space<vmem>> -> memref<128x128xf32, #tpu.memory_space<vmem>>
        %dma_start3A_1072 = arith.constant 0 : i32
        %dma_start3A_1073 = tpu.memref_slice %arg6[%dma_start3A_1066, %add3A_1065, %dma_start3A_1072] : memref<2x16x128xi32, #tpu.memory_space<vmem>> -> memref<1x1x128xi32, #tpu.memory_space<vmem>>
        %dma_start3A_1074 = tpu.memref_squeeze %dma_start3A_1073 : memref<1x1x128xi32, #tpu.memory_space<vmem>> -> memref<128xi32, #tpu.memory_space<vmem>>
        %dma_start3A_1075 = arith.constant 0 : i32
        %dma_start3A_1076 = arith.constant 0 : i32
        %dma_start3A_1077 = tpu.memref_slice %arg2[%dma_start3A_1075, %dma_start3A_1076] : memref<20480x128xf32, #tpu.memory_space<hbm>> -> memref<20480x128xf32, #tpu.memory_space<hbm>>
        tpu.enqueue_indirect_dma source(%dma_start3A_1077 : memref<20480x128xf32, #tpu.memory_space<hbm>>) target(%dma_start3A_1071 : memref<128x128xf32, #tpu.memory_space<vmem>>) offsets(%dma_start3A_1074 : memref<128xi32, #tpu.memory_space<vmem>>) semaphore(%arg10 : memref<!tpu.dma_semaphore, #tpu.memory_space<semaphore_mem>>)
      } else {
      }
      %mul3A_1039 = arith.constant 2 : i32
      %mul3A_1040 = arith.muli %scan3A_1016, %mul3A_1039 : i32
      %add3A_1041 = arith.constant 1 : i32
      %add3A_1042 = arith.addi %mul3A_1040, %add3A_1041 : i32
      %dma_wait3A_1043 = arith.constant 0 : i32
      %dma_wait3A_1044 = arith.constant 1 : i32
      %dma_wait3A_1045 = arith.constant 0 : i32
      %dma_wait3A_1046 = arith.constant 0 : i32
      %dma_wait3A_1047 = tpu.memref_slice %arg8[%dma_wait3A_1044, %dma_wait3A_1045, %dma_wait3A_1046] : memref<2x128x128xf32, #tpu.memory_space<vmem>> -> memref<1x128x128xf32, #tpu.memory_space<vmem>>
      %dma_wait3A_1048 = tpu.memref_squeeze %dma_wait3A_1047 : memref<1x128x128xf32, #tpu.memory_space<vmem>> -> memref<128x128xf32, #tpu.memory_space<vmem>>
      %dma_wait3A_1049 = arith.constant 0 : i32
      %dma_wait3A_1050 = tpu.memref_slice %arg6[%dma_wait3A_1043, %add3A_1042, %dma_wait3A_1049] : memref<2x16x128xi32, #tpu.memory_space<vmem>> -> memref<1x1x128xi32, #tpu.memory_space<vmem>>
      %dma_wait3A_1051 = tpu.memref_squeeze %dma_wait3A_1050 : memref<1x1x128xi32, #tpu.memory_space<vmem>> -> memref<128xi32, #tpu.memory_space<vmem>>
      %dma_wait3A_1052 = arith.constant 0 : i32
      %dma_wait3A_1053 = arith.constant 0 : i32
      %dma_wait3A_1054 = tpu.memref_slice %arg2[%dma_wait3A_1052, %dma_wait3A_1053] : memref<20480x128xf32, #tpu.memory_space<hbm>> -> memref<20480x128xf32, #tpu.memory_space<hbm>>
      tpu.wait_indirect_dma semaphore(%arg11 : memref<!tpu.dma_semaphore, #tpu.memory_space<semaphore_mem>>) src(%dma_wait3A_1054 : memref<20480x128xf32, #tpu.memory_space<hbm>>) dst(%dma_wait3A_1048 : memref<128x128xf32, #tpu.memory_space<vmem>>)
      %run_scoped3A_1055 = arith.constant 1 : i32
      %run_scoped3A_1056 = arith.constant 0 : i32
      "tpu.region"() ({
        %run_scoped3A_1064 = tpu.sem_alloc : memref<!tpu.dma_semaphore, #tpu.memory_space<semaphore_mem>>
        %dma_start3A_1065 = arith.constant 0 : i32
        %dma_start3A_1066 = arith.constant 0 : i32
        %dma_start3A_1067 = tpu.memref_slice %arg8[%run_scoped3A_1055, %dma_start3A_1065, %dma_start3A_1066] : memref<2x128x128xf32, #tpu.memory_space<vmem>> -> memref<1x128x128xf32, #tpu.memory_space<vmem>>
        %dma_start3A_1068 = tpu.memref_squeeze %dma_start3A_1067 : memref<1x128x128xf32, #tpu.memory_space<vmem>> -> memref<128x128xf32, #tpu.memory_space<vmem>>
        %dma_start3A_1069 = arith.constant 0 : i32
        %dma_start3A_1070 = tpu.memref_slice %arg7[%run_scoped3A_1056, %add3A_1042, %dma_start3A_1069] : memref<2x16x128xi32, #tpu.memory_space<vmem>> -> memref<1x1x128xi32, #tpu.memory_space<vmem>>
        %dma_start3A_1071 = tpu.memref_squeeze %dma_start3A_1070 : memref<1x1x128xi32, #tpu.memory_space<vmem>> -> memref<128xi32, #tpu.memory_space<vmem>>
        %dma_start3A_1072 = arith.constant 0 : i32
        %dma_start3A_1073 = arith.constant 0 : i32
        %dma_start3A_1074 = tpu.memref_slice %arg9[%dma_start3A_1072, %dma_start3A_1073] : memref<10240x128xf32, #tpu.memory_space<vmem_shared>> -> memref<10240x128xf32, #tpu.memory_space<vmem_shared>>
        tpu.enqueue_indirect_dma source(%dma_start3A_1068 : memref<128x128xf32, #tpu.memory_space<vmem>>) target(%dma_start3A_1074 : memref<10240x128xf32, #tpu.memory_space<vmem_shared>>) offsets(%dma_start3A_1071 : memref<128xi32, #tpu.memory_space<vmem>>) semaphore(%run_scoped3A_1064 : memref<!tpu.dma_semaphore, #tpu.memory_space<semaphore_mem>>) {add = true}
        %dma_wait3A_1075 = arith.constant 0 : i32
        %dma_wait3A_1076 = arith.constant 0 : i32
        %dma_wait3A_1077 = tpu.memref_slice %arg8[%run_scoped3A_1055, %dma_wait3A_1075, %dma_wait3A_1076] : memref<2x128x128xf32, #tpu.memory_space<vmem>> -> memref<1x128x128xf32, #tpu.memory_space<vmem>>
        %dma_wait3A_1078 = tpu.memref_squeeze %dma_wait3A_1077 : memref<1x128x128xf32, #tpu.memory_space<vmem>> -> memref<128x128xf32, #tpu.memory_space<vmem>>
        %dma_wait3A_1079 = arith.constant 0 : i32
        %dma_wait3A_1080 = tpu.memref_slice %arg7[%run_scoped3A_1056, %add3A_1042, %dma_wait3A_1079] : memref<2x16x128xi32, #tpu.memory_space<vmem>> -> memref<1x1x128xi32, #tpu.memory_space<vmem>>
        %dma_wait3A_1081 = tpu.memref_squeeze %dma_wait3A_1080 : memref<1x1x128xi32, #tpu.memory_space<vmem>> -> memref<128xi32, #tpu.memory_space<vmem>>
        %dma_wait3A_1082 = arith.constant 0 : i32
        %dma_wait3A_1083 = arith.constant 0 : i32
        %dma_wait3A_1084 = tpu.memref_slice %arg9[%dma_wait3A_1082, %dma_wait3A_1083] : memref<10240x128xf32, #tpu.memory_space<vmem_shared>> -> memref<10240x128xf32, #tpu.memory_space<vmem_shared>>
        tpu.wait_indirect_dma semaphore(%run_scoped3A_1064 : memref<!tpu.dma_semaphore, #tpu.memory_space<semaphore_mem>>) src(%dma_wait3A_1078 : memref<128x128xf32, #tpu.memory_space<vmem>>) dst(%dma_wait3A_1084 : memref<10240x128xf32, #tpu.memory_space<vmem_shared>>)
        tpu.yield
      }) : () -> ()
      %add3A_1057 = arith.constant 2 : i32
      %add3A_1058 = arith.addi %add3A_1042, %add3A_1057 : i32
      %lt3A_1059 = arith.constant 16 : i32
      %lt3A_1060 = arith.cmpi slt, %add3A_1058, %lt3A_1059 : i32
      %convert_element_type3A_1061 = arith.extui %lt3A_1060 : i1 to i32
      %cond3A_1062 = arith.constant 0 : i32
      %cond3A_1063 = arith.cmpi ne, %convert_element_type3A_1061, %cond3A_1062 : i32
      scf.if %cond3A_1063 {
        %add3A_1064 = arith.constant 2 : i32
        %add3A_1065 = arith.addi %add3A_1042, %add3A_1064 : i32
        %dma_start3A_1066 = arith.constant 0 : i32
        %dma_start3A_1067 = arith.constant 1 : i32
        %dma_start3A_1068 = arith.constant 0 : i32
        %dma_start3A_1069 = arith.constant 0 : i32
        %dma_start3A_1070 = tpu.memref_slice %arg8[%dma_start3A_1067, %dma_start3A_1068, %dma_start3A_1069] : memref<2x128x128xf32, #tpu.memory_space<vmem>> -> memref<1x128x128xf32, #tpu.memory_space<vmem>>
        %dma_start3A_1071 = tpu.memref_squeeze %dma_start3A_1070 : memref<1x128x128xf32, #tpu.memory_space<vmem>> -> memref<128x128xf32, #tpu.memory_space<vmem>>
        %dma_start3A_1072 = arith.constant 0 : i32
        %dma_start3A_1073 = tpu.memref_slice %arg6[%dma_start3A_1066, %add3A_1065, %dma_start3A_1072] : memref<2x16x128xi32, #tpu.memory_space<vmem>> -> memref<1x1x128xi32, #tpu.memory_space<vmem>>
        %dma_start3A_1074 = tpu.memref_squeeze %dma_start3A_1073 : memref<1x1x128xi32, #tpu.memory_space<vmem>> -> memref<128xi32, #tpu.memory_space<vmem>>
        %dma_start3A_1075 = arith.constant 0 : i32
        %dma_start3A_1076 = arith.constant 0 : i32
        %dma_start3A_1077 = tpu.memref_slice %arg2[%dma_start3A_1075, %dma_start3A_1076] : memref<20480x128xf32, #tpu.memory_space<hbm>> -> memref<20480x128xf32, #tpu.memory_space<hbm>>
        tpu.enqueue_indirect_dma source(%dma_start3A_1077 : memref<20480x128xf32, #tpu.memory_space<hbm>>) target(%dma_start3A_1071 : memref<128x128xf32, #tpu.memory_space<vmem>>) offsets(%dma_start3A_1074 : memref<128xi32, #tpu.memory_space<vmem>>) semaphore(%arg11 : memref<!tpu.dma_semaphore, #tpu.memory_space<semaphore_mem>>)
      } else {
      }
    }
    %scan3A_152 = arith.constant 8 : i32
    %mul3A_153 = arith.constant 160 : i32
    %mul3A_154 = arith.muli %arg1, %mul3A_153 : i32
    %add3A_155 = arith.constant 16 : i32
    %add3A_156 = arith.addi %mul3A_154, %add3A_155 : i32
    %dma_wait3A_157 = arith.constant 1 : i32
    %dma_wait3A_158 = arith.constant 0 : i32
    %dma_wait3A_159 = arith.constant 0 : i32
    %dma_wait3A_160 = tpu.memref_slice %arg6[%dma_wait3A_157, %dma_wait3A_158, %dma_wait3A_159] : memref<2x16x128xi32, #tpu.memory_space<vmem>> -> memref<1x16x128xi32, #tpu.memory_space<vmem>>
    %dma_wait3A_161 = tpu.memref_squeeze %dma_wait3A_160 : memref<1x16x128xi32, #tpu.memory_space<vmem>> -> memref<16x128xi32, #tpu.memory_space<vmem>>
    %dma_wait3A_162 = arith.constant 0 : i32
    %dma_wait3A_163 = tpu.memref_slice %arg3[%arg0, %add3A_156, %dma_wait3A_162] : memref<2x2560x128xi32, #tpu.memory_space<hbm>> -> memref<1x16x128xi32, #tpu.memory_space<hbm>>
    %dma_wait3A_164 = tpu.memref_squeeze %dma_wait3A_163 : memref<1x16x128xi32, #tpu.memory_space<hbm>> -> memref<16x128xi32, #tpu.memory_space<hbm>>
    %dma_wait3A_165 = arith.constant 0 : i32
    %dma_wait3A_166 = arith.constant 0 : i32
    %dma_wait3A_167 = tpu.memref_slice %arg6[%dma_wait3A_157, %dma_wait3A_165, %dma_wait3A_166] : memref<2x16x128xi32, #tpu.memory_space<vmem>> -> memref<1x16x128xi32, #tpu.memory_space<vmem>>
    %dma_wait3A_168 = tpu.memref_squeeze %dma_wait3A_167 : memref<1x16x128xi32, #tpu.memory_space<vmem>> -> memref<16x128xi32, #tpu.memory_space<vmem>>
    %dma_wait3A_169 = arith.constant 0 : i32
    %dma_wait3A_170 = tpu.memref_slice %arg3[%arg0, %add3A_156, %dma_wait3A_169] : memref<2x2560x128xi32, #tpu.memory_space<hbm>> -> memref<1x16x128xi32, #tpu.memory_space<hbm>>
    %dma_wait3A_171 = tpu.memref_squeeze %dma_wait3A_170 : memref<1x16x128xi32, #tpu.memory_space<hbm>> -> memref<16x128xi32, #tpu.memory_space<hbm>>
    tpu.wait_dma2 semaphore(%arg12 : memref<!tpu.dma_semaphore, #tpu.memory_space<semaphore_mem>>) src(%dma_wait3A_171 : memref<16x128xi32, #tpu.memory_space<hbm>>) dst(%dma_wait3A_168 : memref<16x128xi32, #tpu.memory_space<vmem>>)
    %dma_wait3A_172 = arith.constant 1 : i32
    %dma_wait3A_173 = arith.constant 0 : i32
    %dma_wait3A_174 = arith.constant 0 : i32
    %dma_wait3A_175 = tpu.memref_slice %arg7[%dma_wait3A_172, %dma_wait3A_173, %dma_wait3A_174] : memref<2x16x128xi32, #tpu.memory_space<vmem>> -> memref<1x16x128xi32, #tpu.memory_space<vmem>>
    %dma_wait3A_176 = tpu.memref_squeeze %dma_wait3A_175 : memref<1x16x128xi32, #tpu.memory_space<vmem>> -> memref<16x128xi32, #tpu.memory_space<vmem>>
    %dma_wait3A_177 = arith.constant 0 : i32
    %dma_wait3A_178 = tpu.memref_slice %arg4[%add3A_156, %dma_wait3A_177] : memref<2560x128xi32, #tpu.memory_space<hbm>> -> memref<16x128xi32, #tpu.memory_space<hbm>>
    %dma_wait3A_179 = arith.constant 0 : i32
    %dma_wait3A_180 = arith.constant 0 : i32
    %dma_wait3A_181 = tpu.memref_slice %arg7[%dma_wait3A_172, %dma_wait3A_179, %dma_wait3A_180] : memref<2x16x128xi32, #tpu.memory_space<vmem>> -> memref<1x16x128xi32, #tpu.memory_space<vmem>>
    %dma_wait3A_182 = tpu.memref_squeeze %dma_wait3A_181 : memref<1x16x128xi32, #tpu.memory_space<vmem>> -> memref<16x128xi32, #tpu.memory_space<vmem>>
    %dma_wait3A_183 = arith.constant 0 : i32
    %dma_wait3A_184 = tpu.memref_slice %arg4[%add3A_156, %dma_wait3A_183] : memref<2560x128xi32, #tpu.memory_space<hbm>> -> memref<16x128xi32, #tpu.memory_space<hbm>>
    tpu.wait_dma2 semaphore(%arg12 : memref<!tpu.dma_semaphore, #tpu.memory_space<semaphore_mem>>) src(%dma_wait3A_184 : memref<16x128xi32, #tpu.memory_space<hbm>>) dst(%dma_wait3A_182 : memref<16x128xi32, #tpu.memory_space<vmem>>)
    %mul3A_185 = arith.constant 160 : i32
    %mul3A_186 = arith.muli %arg1, %mul3A_185 : i32
    %add3A_187 = arith.constant 32 : i32
    %add3A_188 = arith.addi %mul3A_186, %add3A_187 : i32
    %dma_start3A_189 = arith.constant 0 : i32
    %dma_start3A_190 = arith.constant 0 : i32
    %dma_start3A_191 = arith.constant 0 : i32
    %dma_start3A_192 = tpu.memref_slice %arg6[%dma_start3A_189, %dma_start3A_190, %dma_start3A_191] : memref<2x16x128xi32, #tpu.memory_space<vmem>> -> memref<1x16x128xi32, #tpu.memory_space<vmem>>
    %dma_start3A_193 = tpu.memref_squeeze %dma_start3A_192 : memref<1x16x128xi32, #tpu.memory_space<vmem>> -> memref<16x128xi32, #tpu.memory_space<vmem>>
    %dma_start3A_194 = arith.constant 0 : i32
    %dma_start3A_195 = tpu.memref_slice %arg3[%arg0, %add3A_188, %dma_start3A_194] : memref<2x2560x128xi32, #tpu.memory_space<hbm>> -> memref<1x16x128xi32, #tpu.memory_space<hbm>>
    %dma_start3A_196 = tpu.memref_squeeze %dma_start3A_195 : memref<1x16x128xi32, #tpu.memory_space<hbm>> -> memref<16x128xi32, #tpu.memory_space<hbm>>
    %dma_start3A_197 = arith.constant 0 : i32
    %dma_start3A_198 = arith.constant 0 : i32
    %dma_start3A_199 = tpu.memref_slice %arg6[%dma_start3A_189, %dma_start3A_197, %dma_start3A_198] : memref<2x16x128xi32, #tpu.memory_space<vmem>> -> memref<1x16x128xi32, #tpu.memory_space<vmem>>
    %dma_start3A_200 = tpu.memref_squeeze %dma_start3A_199 : memref<1x16x128xi32, #tpu.memory_space<vmem>> -> memref<16x128xi32, #tpu.memory_space<vmem>>
    %dma_start3A_201 = arith.constant 0 : i32
    %dma_start3A_202 = tpu.memref_slice %arg3[%arg0, %add3A_188, %dma_start3A_201] : memref<2x2560x128xi32, #tpu.memory_space<hbm>> -> memref<1x16x128xi32, #tpu.memory_space<hbm>>
    %dma_start3A_203 = tpu.memref_squeeze %dma_start3A_202 : memref<1x16x128xi32, #tpu.memory_space<hbm>> -> memref<16x128xi32, #tpu.memory_space<hbm>>
    tpu.enqueue_dma source(%dma_start3A_203 : memref<16x128xi32, #tpu.memory_space<hbm>>) target(%dma_start3A_200 : memref<16x128xi32, #tpu.memory_space<vmem>>) target_semaphore(%arg12 : memref<!tpu.dma_semaphore, #tpu.memory_space<semaphore_mem>>)
    %dma_start3A_204 = arith.constant 0 : i32
    %dma_start3A_205 = arith.constant 0 : i32
    %dma_start3A_206 = arith.constant 0 : i32
    %dma_start3A_207 = tpu.memref_slice %arg7[%dma_start3A_204, %dma_start3A_205, %dma_start3A_206] : memref<2x16x128xi32, #tpu.memory_space<vmem>> -> memref<1x16x128xi32, #tpu.memory_space<vmem>>
    %dma_start3A_208 = tpu.memref_squeeze %dma_start3A_207 : memref<1x16x128xi32, #tpu.memory_space<vmem>> -> memref<16x128xi32, #tpu.memory_space<vmem>>
    %dma_start3A_209 = arith.constant 0 : i32
    %dma_start3A_210 = tpu.memref_slice %arg4[%add3A_188, %dma_start3A_209] : memref<2560x128xi32, #tpu.memory_space<hbm>> -> memref<16x128xi32, #tpu.memory_space<hbm>>
    %dma_start3A_211 = arith.constant 0 : i32
    %dma_start3A_212 = arith.constant 0 : i32
    %dma_start3A_213 = tpu.memref_slice %arg7[%dma_start3A_204, %dma_start3A_211, %dma_start3A_212] : memref<2x16x128xi32, #tpu.memory_space<vmem>> -> memref<1x16x128xi32, #tpu.memory_space<vmem>>
    %dma_start3A_214 = tpu.memref_squeeze %dma_start3A_213 : memref<1x16x128xi32, #tpu.memory_space<vmem>> -> memref<16x128xi32, #tpu.memory_space<vmem>>
    %dma_start3A_215 = arith.constant 0 : i32
    %dma_start3A_216 = tpu.memref_slice %arg4[%add3A_188, %dma_start3A_215] : memref<2560x128xi32, #tpu.memory_space<hbm>> -> memref<16x128xi32, #tpu.memory_space<hbm>>
    tpu.enqueue_dma source(%dma_start3A_216 : memref<16x128xi32, #tpu.memory_space<hbm>>) target(%dma_start3A_214 : memref<16x128xi32, #tpu.memory_space<vmem>>) target_semaphore(%arg12 : memref<!tpu.dma_semaphore, #tpu.memory_space<semaphore_mem>>)
    %dma_start3A_217 = arith.constant 1 : i32
    %dma_start3A_218 = arith.constant 0 : i32
    %dma_start3A_219 = arith.constant 0 : i32
    %dma_start3A_220 = arith.constant 0 : i32
    %dma_start3A_221 = arith.constant 0 : i32
    %dma_start3A_222 = tpu.memref_slice %arg8[%dma_start3A_219, %dma_start3A_220, %dma_start3A_221] : memref<2x128x128xf32, #tpu.memory_space<vmem>> -> memref<1x128x128xf32, #tpu.memory_space<vmem>>
    %dma_start3A_223 = tpu.memref_squeeze %dma_start3A_222 : memref<1x128x128xf32, #tpu.memory_space<vmem>> -> memref<128x128xf32, #tpu.memory_space<vmem>>
    %dma_start3A_224 = arith.constant 0 : i32
    %dma_start3A_225 = tpu.memref_slice %arg6[%dma_start3A_217, %dma_start3A_218, %dma_start3A_224] : memref<2x16x128xi32, #tpu.memory_space<vmem>> -> memref<1x1x128xi32, #tpu.memory_space<vmem>>
    %dma_start3A_226 = tpu.memref_squeeze %dma_start3A_225 : memref<1x1x128xi32, #tpu.memory_space<vmem>> -> memref<128xi32, #tpu.memory_space<vmem>>
    %dma_start3A_227 = arith.constant 0 : i32
    %dma_start3A_228 = arith.constant 0 : i32
    %dma_start3A_229 = tpu.memref_slice %arg2[%dma_start3A_227, %dma_start3A_228] : memref<20480x128xf32, #tpu.memory_space<hbm>> -> memref<20480x128xf32, #tpu.memory_space<hbm>>
    tpu.enqueue_indirect_dma source(%dma_start3A_229 : memref<20480x128xf32, #tpu.memory_space<hbm>>) target(%dma_start3A_223 : memref<128x128xf32, #tpu.memory_space<vmem>>) offsets(%dma_start3A_226 : memref<128xi32, #tpu.memory_space<vmem>>) semaphore(%arg10 : memref<!tpu.dma_semaphore, #tpu.memory_space<semaphore_mem>>)
    %dma_start3A_230 = arith.constant 1 : i32
    %dma_start3A_231 = arith.constant 1 : i32
    %dma_start3A_232 = arith.constant 1 : i32
    %dma_start3A_233 = arith.constant 0 : i32
    %dma_start3A_234 = arith.constant 0 : i32
    %dma_start3A_235 = tpu.memref_slice %arg8[%dma_start3A_232, %dma_start3A_233, %dma_start3A_234] : memref<2x128x128xf32, #tpu.memory_space<vmem>> -> memref<1x128x128xf32, #tpu.memory_space<vmem>>
    %dma_start3A_236 = tpu.memref_squeeze %dma_start3A_235 : memref<1x128x128xf32, #tpu.memory_space<vmem>> -> memref<128x128xf32, #tpu.memory_space<vmem>>
    %dma_start3A_237 = arith.constant 0 : i32
    %dma_start3A_238 = tpu.memref_slice %arg6[%dma_start3A_230, %dma_start3A_231, %dma_start3A_237] : memref<2x16x128xi32, #tpu.memory_space<vmem>> -> memref<1x1x128xi32, #tpu.memory_space<vmem>>
    %dma_start3A_239 = tpu.memref_squeeze %dma_start3A_238 : memref<1x1x128xi32, #tpu.memory_space<vmem>> -> memref<128xi32, #tpu.memory_space<vmem>>
    %dma_start3A_240 = arith.constant 0 : i32
    %dma_start3A_241 = arith.constant 0 : i32
    %dma_start3A_242 = tpu.memref_slice %arg2[%dma_start3A_240, %dma_start3A_241] : memref<20480x128xf32, #tpu.memory_space<hbm>> -> memref<20480x128xf32, #tpu.memory_space<hbm>>
    tpu.enqueue_indirect_dma source(%dma_start3A_242 : memref<20480x128xf32, #tpu.memory_space<hbm>>) target(%dma_start3A_236 : memref<128x128xf32, #tpu.memory_space<vmem>>) offsets(%dma_start3A_239 : memref<128xi32, #tpu.memory_space<vmem>>) semaphore(%arg11 : memref<!tpu.dma_semaphore, #tpu.memory_space<semaphore_mem>>)
    %scan3A_243 = arith.constant 0 : i32
    %scan3A_244 = arith.constant 0 : i32
    %scan3A_245 = arith.constant 8 : i32
    %scan3A_246 = arith.addi %scan3A_244, %scan3A_245 : i32
    %scan3A_247 = arith.constant 1 : i32
    scf.for %scan3A_1016 = %scan3A_244 to %scan3A_246 step %scan3A_247  : i32 {
      %mul3A_1017 = arith.constant 2 : i32
      %mul3A_1018 = arith.muli %scan3A_1016, %mul3A_1017 : i32
      %add3A_1019 = arith.constant 0 : i32
      %add3A_1020 = arith.addi %mul3A_1018, %add3A_1019 : i32
      %dma_wait3A_1021 = arith.constant 1 : i32
      %dma_wait3A_1022 = arith.constant 0 : i32
      %dma_wait3A_1023 = arith.constant 0 : i32
      %dma_wait3A_1024 = arith.constant 0 : i32
      %dma_wait3A_1025 = tpu.memref_slice %arg8[%dma_wait3A_1022, %dma_wait3A_1023, %dma_wait3A_1024] : memref<2x128x128xf32, #tpu.memory_space<vmem>> -> memref<1x128x128xf32, #tpu.memory_space<vmem>>
      %dma_wait3A_1026 = tpu.memref_squeeze %dma_wait3A_1025 : memref<1x128x128xf32, #tpu.memory_space<vmem>> -> memref<128x128xf32, #tpu.memory_space<vmem>>
      %dma_wait3A_1027 = arith.constant 0 : i32
      %dma_wait3A_1028 = tpu.memref_slice %arg6[%dma_wait3A_1021, %add3A_1020, %dma_wait3A_1027] : memref<2x16x128xi32, #tpu.memory_space<vmem>> -> memref<1x1x128xi32, #tpu.memory_space<vmem>>
      %dma_wait3A_1029 = tpu.memref_squeeze %dma_wait3A_1028 : memref<1x1x128xi32, #tpu.memory_space<vmem>> -> memref<128xi32, #tpu.memory_space<vmem>>
      %dma_wait3A_1030 = arith.constant 0 : i32
      %dma_wait3A_1031 = arith.constant 0 : i32
      %dma_wait3A_1032 = tpu.memref_slice %arg2[%dma_wait3A_1030, %dma_wait3A_1031] : memref<20480x128xf32, #tpu.memory_space<hbm>> -> memref<20480x128xf32, #tpu.memory_space<hbm>>
      tpu.wait_indirect_dma semaphore(%arg10 : memref<!tpu.dma_semaphore, #tpu.memory_space<semaphore_mem>>) src(%dma_wait3A_1032 : memref<20480x128xf32, #tpu.memory_space<hbm>>) dst(%dma_wait3A_1026 : memref<128x128xf32, #tpu.memory_space<vmem>>)
      %run_scoped3A_1033 = arith.constant 0 : i32
      %run_scoped3A_1034 = arith.constant 1 : i32
      "tpu.region"() ({
        %run_scoped3A_1064 = tpu.sem_alloc : memref<!tpu.dma_semaphore, #tpu.memory_space<semaphore_mem>>
        %dma_start3A_1065 = arith.constant 0 : i32
        %dma_start3A_1066 = arith.constant 0 : i32
        %dma_start3A_1067 = tpu.memref_slice %arg8[%run_scoped3A_1033, %dma_start3A_1065, %dma_start3A_1066] : memref<2x128x128xf32, #tpu.memory_space<vmem>> -> memref<1x128x128xf32, #tpu.memory_space<vmem>>
        %dma_start3A_1068 = tpu.memref_squeeze %dma_start3A_1067 : memref<1x128x128xf32, #tpu.memory_space<vmem>> -> memref<128x128xf32, #tpu.memory_space<vmem>>
        %dma_start3A_1069 = arith.constant 0 : i32
        %dma_start3A_1070 = tpu.memref_slice %arg7[%run_scoped3A_1034, %add3A_1020, %dma_start3A_1069] : memref<2x16x128xi32, #tpu.memory_space<vmem>> -> memref<1x1x128xi32, #tpu.memory_space<vmem>>
        %dma_start3A_1071 = tpu.memref_squeeze %dma_start3A_1070 : memref<1x1x128xi32, #tpu.memory_space<vmem>> -> memref<128xi32, #tpu.memory_space<vmem>>
        %dma_start3A_1072 = arith.constant 0 : i32
        %dma_start3A_1073 = arith.constant 0 : i32
        %dma_start3A_1074 = tpu.memref_slice %arg9[%dma_start3A_1072, %dma_start3A_1073] : memref<10240x128xf32, #tpu.memory_space<vmem_shared>> -> memref<10240x128xf32, #tpu.memory_space<vmem_shared>>
        tpu.enqueue_indirect_dma source(%dma_start3A_1068 : memref<128x128xf32, #tpu.memory_space<vmem>>) target(%dma_start3A_1074 : memref<10240x128xf32, #tpu.memory_space<vmem_shared>>) offsets(%dma_start3A_1071 : memref<128xi32, #tpu.memory_space<vmem>>) semaphore(%run_scoped3A_1064 : memref<!tpu.dma_semaphore, #tpu.memory_space<semaphore_mem>>) {add = true}
        %dma_wait3A_1075 = arith.constant 0 : i32
        %dma_wait3A_1076 = arith.constant 0 : i32
        %dma_wait3A_1077 = tpu.memref_slice %arg8[%run_scoped3A_1033, %dma_wait3A_1075, %dma_wait3A_1076] : memref<2x128x128xf32, #tpu.memory_space<vmem>> -> memref<1x128x128xf32, #tpu.memory_space<vmem>>
        %dma_wait3A_1078 = tpu.memref_squeeze %dma_wait3A_1077 : memref<1x128x128xf32, #tpu.memory_space<vmem>> -> memref<128x128xf32, #tpu.memory_space<vmem>>
        %dma_wait3A_1079 = arith.constant 0 : i32
        %dma_wait3A_1080 = tpu.memref_slice %arg7[%run_scoped3A_1034, %add3A_1020, %dma_wait3A_1079] : memref<2x16x128xi32, #tpu.memory_space<vmem>> -> memref<1x1x128xi32, #tpu.memory_space<vmem>>
        %dma_wait3A_1081 = tpu.memref_squeeze %dma_wait3A_1080 : memref<1x1x128xi32, #tpu.memory_space<vmem>> -> memref<128xi32, #tpu.memory_space<vmem>>
        %dma_wait3A_1082 = arith.constant 0 : i32
        %dma_wait3A_1083 = arith.constant 0 : i32
        %dma_wait3A_1084 = tpu.memref_slice %arg9[%dma_wait3A_1082, %dma_wait3A_1083] : memref<10240x128xf32, #tpu.memory_space<vmem_shared>> -> memref<10240x128xf32, #tpu.memory_space<vmem_shared>>
        tpu.wait_indirect_dma semaphore(%run_scoped3A_1064 : memref<!tpu.dma_semaphore, #tpu.memory_space<semaphore_mem>>) src(%dma_wait3A_1078 : memref<128x128xf32, #tpu.memory_space<vmem>>) dst(%dma_wait3A_1084 : memref<10240x128xf32, #tpu.memory_space<vmem_shared>>)
        tpu.yield
      }) : () -> ()
      %add3A_1035 = arith.constant 2 : i32
      %add3A_1036 = arith.addi %add3A_1020, %add3A_1035 : i32
      %lt3A = arith.constant 16 : i32
      %lt3A_1037 = arith.cmpi slt, %add3A_1036, %lt3A : i32
      %convert_element_type3A = arith.extui %lt3A_1037 : i1 to i32
      %cond3A = arith.constant 0 : i32
      %cond3A_1038 = arith.cmpi ne, %convert_element_type3A, %cond3A : i32
      scf.if %cond3A_1038 {
        %add3A_1064 = arith.constant 2 : i32
        %add3A_1065 = arith.addi %add3A_1020, %add3A_1064 : i32
        %dma_start3A_1066 = arith.constant 1 : i32
        %dma_start3A_1067 = arith.constant 0 : i32
        %dma_start3A_1068 = arith.constant 0 : i32
        %dma_start3A_1069 = arith.constant 0 : i32
        %dma_start3A_1070 = tpu.memref_slice %arg8[%dma_start3A_1067, %dma_start3A_1068, %dma_start3A_1069] : memref<2x128x128xf32, #tpu.memory_space<vmem>> -> memref<1x128x128xf32, #tpu.memory_space<vmem>>
        %dma_start3A_1071 = tpu.memref_squeeze %dma_start3A_1070 : memref<1x128x128xf32, #tpu.memory_space<vmem>> -> memref<128x128xf32, #tpu.memory_space<vmem>>
        %dma_start3A_1072 = arith.constant 0 : i32
        %dma_start3A_1073 = tpu.memref_slice %arg6[%dma_start3A_1066, %add3A_1065, %dma_start3A_1072] : memref<2x16x128xi32, #tpu.memory_space<vmem>> -> memref<1x1x128xi32, #tpu.memory_space<vmem>>
        %dma_start3A_1074 = tpu.memref_squeeze %dma_start3A_1073 : memref<1x1x128xi32, #tpu.memory_space<vmem>> -> memref<128xi32, #tpu.memory_space<vmem>>
        %dma_start3A_1075 = arith.constant 0 : i32
        %dma_start3A_1076 = arith.constant 0 : i32
        %dma_start3A_1077 = tpu.memref_slice %arg2[%dma_start3A_1075, %dma_start3A_1076] : memref<20480x128xf32, #tpu.memory_space<hbm>> -> memref<20480x128xf32, #tpu.memory_space<hbm>>
        tpu.enqueue_indirect_dma source(%dma_start3A_1077 : memref<20480x128xf32, #tpu.memory_space<hbm>>) target(%dma_start3A_1071 : memref<128x128xf32, #tpu.memory_space<vmem>>) offsets(%dma_start3A_1074 : memref<128xi32, #tpu.memory_space<vmem>>) semaphore(%arg10 : memref<!tpu.dma_semaphore, #tpu.memory_space<semaphore_mem>>)
      } else {
      }
      %mul3A_1039 = arith.constant 2 : i32
      %mul3A_1040 = arith.muli %scan3A_1016, %mul3A_1039 : i32
      %add3A_1041 = arith.constant 1 : i32
      %add3A_1042 = arith.addi %mul3A_1040, %add3A_1041 : i32
      %dma_wait3A_1043 = arith.constant 1 : i32
      %dma_wait3A_1044 = arith.constant 1 : i32
      %dma_wait3A_1045 = arith.constant 0 : i32
      %dma_wait3A_1046 = arith.constant 0 : i32
      %dma_wait3A_1047 = tpu.memref_slice %arg8[%dma_wait3A_1044, %dma_wait3A_1045, %dma_wait3A_1046] : memref<2x128x128xf32, #tpu.memory_space<vmem>> -> memref<1x128x128xf32, #tpu.memory_space<vmem>>
      %dma_wait3A_1048 = tpu.memref_squeeze %dma_wait3A_1047 : memref<1x128x128xf32, #tpu.memory_space<vmem>> -> memref<128x128xf32, #tpu.memory_space<vmem>>
      %dma_wait3A_1049 = arith.constant 0 : i32
      %dma_wait3A_1050 = tpu.memref_slice %arg6[%dma_wait3A_1043, %add3A_1042, %dma_wait3A_1049] : memref<2x16x128xi32, #tpu.memory_space<vmem>> -> memref<1x1x128xi32, #tpu.memory_space<vmem>>
      %dma_wait3A_1051 = tpu.memref_squeeze %dma_wait3A_1050 : memref<1x1x128xi32, #tpu.memory_space<vmem>> -> memref<128xi32, #tpu.memory_space<vmem>>
      %dma_wait3A_1052 = arith.constant 0 : i32
      %dma_wait3A_1053 = arith.constant 0 : i32
      %dma_wait3A_1054 = tpu.memref_slice %arg2[%dma_wait3A_1052, %dma_wait3A_1053] : memref<20480x128xf32, #tpu.memory_space<hbm>> -> memref<20480x128xf32, #tpu.memory_space<hbm>>
      tpu.wait_indirect_dma semaphore(%arg11 : memref<!tpu.dma_semaphore, #tpu.memory_space<semaphore_mem>>) src(%dma_wait3A_1054 : memref<20480x128xf32, #tpu.memory_space<hbm>>) dst(%dma_wait3A_1048 : memref<128x128xf32, #tpu.memory_space<vmem>>)
      %run_scoped3A_1055 = arith.constant 1 : i32
      %run_scoped3A_1056 = arith.constant 1 : i32
      "tpu.region"() ({
        %run_scoped3A_1064 = tpu.sem_alloc : memref<!tpu.dma_semaphore, #tpu.memory_space<semaphore_mem>>
        %dma_start3A_1065 = arith.constant 0 : i32
        %dma_start3A_1066 = arith.constant 0 : i32
        %dma_start3A_1067 = tpu.memref_slice %arg8[%run_scoped3A_1055, %dma_start3A_1065, %dma_start3A_1066] : memref<2x128x128xf32, #tpu.memory_space<vmem>> -> memref<1x128x128xf32, #tpu.memory_space<vmem>>
        %dma_start3A_1068 = tpu.memref_squeeze %dma_start3A_1067 : memref<1x128x128xf32, #tpu.memory_space<vmem>> -> memref<128x128xf32, #tpu.memory_space<vmem>>
        %dma_start3A_1069 = arith.constant 0 : i32
        %dma_start3A_1070 = tpu.memref_slice %arg7[%run_scoped3A_1056, %add3A_1042, %dma_start3A_1069] : memref<2x16x128xi32, #tpu.memory_space<vmem>> -> memref<1x1x128xi32, #tpu.memory_space<vmem>>
        %dma_start3A_1071 = tpu.memref_squeeze %dma_start3A_1070 : memref<1x1x128xi32, #tpu.memory_space<vmem>> -> memref<128xi32, #tpu.memory_space<vmem>>
        %dma_start3A_1072 = arith.constant 0 : i32
        %dma_start3A_1073 = arith.constant 0 : i32
        %dma_start3A_1074 = tpu.memref_slice %arg9[%dma_start3A_1072, %dma_start3A_1073] : memref<10240x128xf32, #tpu.memory_space<vmem_shared>> -> memref<10240x128xf32, #tpu.memory_space<vmem_shared>>
        tpu.enqueue_indirect_dma source(%dma_start3A_1068 : memref<128x128xf32, #tpu.memory_space<vmem>>) target(%dma_start3A_1074 : memref<10240x128xf32, #tpu.memory_space<vmem_shared>>) offsets(%dma_start3A_1071 : memref<128xi32, #tpu.memory_space<vmem>>) semaphore(%run_scoped3A_1064 : memref<!tpu.dma_semaphore, #tpu.memory_space<semaphore_mem>>) {add = true}
        %dma_wait3A_1075 = arith.constant 0 : i32
        %dma_wait3A_1076 = arith.constant 0 : i32
        %dma_wait3A_1077 = tpu.memref_slice %arg8[%run_scoped3A_1055, %dma_wait3A_1075, %dma_wait3A_1076] : memref<2x128x128xf32, #tpu.memory_space<vmem>> -> memref<1x128x128xf32, #tpu.memory_space<vmem>>
        %dma_wait3A_1078 = tpu.memref_squeeze %dma_wait3A_1077 : memref<1x128x128xf32, #tpu.memory_space<vmem>> -> memref<128x128xf32, #tpu.memory_space<vmem>>
        %dma_wait3A_1079 = arith.constant 0 : i32
        %dma_wait3A_1080 = tpu.memref_slice %arg7[%run_scoped3A_1056, %add3A_1042, %dma_wait3A_1079] : memref<2x16x128xi32, #tpu.memory_space<vmem>> -> memref<1x1x128xi32, #tpu.memory_space<vmem>>
        %dma_wait3A_1081 = tpu.memref_squeeze %dma_wait3A_1080 : memref<1x1x128xi32, #tpu.memory_space<vmem>> -> memref<128xi32, #tpu.memory_space<vmem>>
        %dma_wait3A_1082 = arith.constant 0 : i32
        %dma_wait3A_1083 = arith.constant 0 : i32
        %dma_wait3A_1084 = tpu.memref_slice %arg9[%dma_wait3A_1082, %dma_wait3A_1083] : memref<10240x128xf32, #tpu.memory_space<vmem_shared>> -> memref<10240x128xf32, #tpu.memory_space<vmem_shared>>
        tpu.wait_indirect_dma semaphore(%run_scoped3A_1064 : memref<!tpu.dma_semaphore, #tpu.memory_space<semaphore_mem>>) src(%dma_wait3A_1078 : memref<128x128xf32, #tpu.memory_space<vmem>>) dst(%dma_wait3A_1084 : memref<10240x128xf32, #tpu.memory_space<vmem_shared>>)
        tpu.yield
      }) : () -> ()
      %add3A_1057 = arith.constant 2 : i32
      %add3A_1058 = arith.addi %add3A_1042, %add3A_1057 : i32
      %lt3A_1059 = arith.constant 16 : i32
      %lt3A_1060 = arith.cmpi slt, %add3A_1058, %lt3A_1059 : i32
      %convert_element_type3A_1061 = arith.extui %lt3A_1060 : i1 to i32
      %cond3A_1062 = arith.constant 0 : i32
      %cond3A_1063 = arith.cmpi ne, %convert_element_type3A_1061, %cond3A_1062 : i32
      scf.if %cond3A_1063 {
        %add3A_1064 = arith.constant 2 : i32
        %add3A_1065 = arith.addi %add3A_1042, %add3A_1064 : i32
        %dma_start3A_1066 = arith.constant 1 : i32
        %dma_start3A_1067 = arith.constant 1 : i32
        %dma_start3A_1068 = arith.constant 0 : i32
        %dma_start3A_1069 = arith.constant 0 : i32
        %dma_start3A_1070 = tpu.memref_slice %arg8[%dma_start3A_1067, %dma_start3A_1068, %dma_start3A_1069] : memref<2x128x128xf32, #tpu.memory_space<vmem>> -> memref<1x128x128xf32, #tpu.memory_space<vmem>>
        %dma_start3A_1071 = tpu.memref_squeeze %dma_start3A_1070 : memref<1x128x128xf32, #tpu.memory_space<vmem>> -> memref<128x128xf32, #tpu.memory_space<vmem>>
        %dma_start3A_1072 = arith.constant 0 : i32
        %dma_start3A_1073 = tpu.memref_slice %arg6[%dma_start3A_1066, %add3A_1065, %dma_start3A_1072] : memref<2x16x128xi32, #tpu.memory_space<vmem>> -> memref<1x1x128xi32, #tpu.memory_space<vmem>>
        %dma_start3A_1074 = tpu.memref_squeeze %dma_start3A_1073 : memref<1x1x128xi32, #tpu.memory_space<vmem>> -> memref<128xi32, #tpu.memory_space<vmem>>
        %dma_start3A_1075 = arith.constant 0 : i32
        %dma_start3A_1076 = arith.constant 0 : i32
        %dma_start3A_1077 = tpu.memref_slice %arg2[%dma_start3A_1075, %dma_start3A_1076] : memref<20480x128xf32, #tpu.memory_space<hbm>> -> memref<20480x128xf32, #tpu.memory_space<hbm>>
        tpu.enqueue_indirect_dma source(%dma_start3A_1077 : memref<20480x128xf32, #tpu.memory_space<hbm>>) target(%dma_start3A_1071 : memref<128x128xf32, #tpu.memory_space<vmem>>) offsets(%dma_start3A_1074 : memref<128xi32, #tpu.memory_space<vmem>>) semaphore(%arg11 : memref<!tpu.dma_semaphore, #tpu.memory_space<semaphore_mem>>)
      } else {
      }
    }
    %scan3A_248 = arith.constant 8 : i32
    %mul3A_249 = arith.constant 160 : i32
    %mul3A_250 = arith.muli %arg1, %mul3A_249 : i32
    %add3A_251 = arith.constant 32 : i32
    %add3A_252 = arith.addi %mul3A_250, %add3A_251 : i32
    %dma_wait3A_253 = arith.constant 0 : i32
    %dma_wait3A_254 = arith.constant 0 : i32
    %dma_wait3A_255 = arith.constant 0 : i32
    %dma_wait3A_256 = tpu.memref_slice %arg6[%dma_wait3A_253, %dma_wait3A_254, %dma_wait3A_255] : memref<2x16x128xi32, #tpu.memory_space<vmem>> -> memref<1x16x128xi32, #tpu.memory_space<vmem>>
    %dma_wait3A_257 = tpu.memref_squeeze %dma_wait3A_256 : memref<1x16x128xi32, #tpu.memory_space<vmem>> -> memref<16x128xi32, #tpu.memory_space<vmem>>
    %dma_wait3A_258 = arith.constant 0 : i32
    %dma_wait3A_259 = tpu.memref_slice %arg3[%arg0, %add3A_252, %dma_wait3A_258] : memref<2x2560x128xi32, #tpu.memory_space<hbm>> -> memref<1x16x128xi32, #tpu.memory_space<hbm>>
    %dma_wait3A_260 = tpu.memref_squeeze %dma_wait3A_259 : memref<1x16x128xi32, #tpu.memory_space<hbm>> -> memref<16x128xi32, #tpu.memory_space<hbm>>
    %dma_wait3A_261 = arith.constant 0 : i32
    %dma_wait3A_262 = arith.constant 0 : i32
    %dma_wait3A_263 = tpu.memref_slice %arg6[%dma_wait3A_253, %dma_wait3A_261, %dma_wait3A_262] : memref<2x16x128xi32, #tpu.memory_space<vmem>> -> memref<1x16x128xi32, #tpu.memory_space<vmem>>
    %dma_wait3A_264 = tpu.memref_squeeze %dma_wait3A_263 : memref<1x16x128xi32, #tpu.memory_space<vmem>> -> memref<16x128xi32, #tpu.memory_space<vmem>>
    %dma_wait3A_265 = arith.constant 0 : i32
    %dma_wait3A_266 = tpu.memref_slice %arg3[%arg0, %add3A_252, %dma_wait3A_265] : memref<2x2560x128xi32, #tpu.memory_space<hbm>> -> memref<1x16x128xi32, #tpu.memory_space<hbm>>
    %dma_wait3A_267 = tpu.memref_squeeze %dma_wait3A_266 : memref<1x16x128xi32, #tpu.memory_space<hbm>> -> memref<16x128xi32, #tpu.memory_space<hbm>>
    tpu.wait_dma2 semaphore(%arg12 : memref<!tpu.dma_semaphore, #tpu.memory_space<semaphore_mem>>) src(%dma_wait3A_267 : memref<16x128xi32, #tpu.memory_space<hbm>>) dst(%dma_wait3A_264 : memref<16x128xi32, #tpu.memory_space<vmem>>)
    %dma_wait3A_268 = arith.constant 0 : i32
    %dma_wait3A_269 = arith.constant 0 : i32
    %dma_wait3A_270 = arith.constant 0 : i32
    %dma_wait3A_271 = tpu.memref_slice %arg7[%dma_wait3A_268, %dma_wait3A_269, %dma_wait3A_270] : memref<2x16x128xi32, #tpu.memory_space<vmem>> -> memref<1x16x128xi32, #tpu.memory_space<vmem>>
    %dma_wait3A_272 = tpu.memref_squeeze %dma_wait3A_271 : memref<1x16x128xi32, #tpu.memory_space<vmem>> -> memref<16x128xi32, #tpu.memory_space<vmem>>
    %dma_wait3A_273 = arith.constant 0 : i32
    %dma_wait3A_274 = tpu.memref_slice %arg4[%add3A_252, %dma_wait3A_273] : memref<2560x128xi32, #tpu.memory_space<hbm>> -> memref<16x128xi32, #tpu.memory_space<hbm>>
    %dma_wait3A_275 = arith.constant 0 : i32
    %dma_wait3A_276 = arith.constant 0 : i32
    %dma_wait3A_277 = tpu.memref_slice %arg7[%dma_wait3A_268, %dma_wait3A_275, %dma_wait3A_276] : memref<2x16x128xi32, #tpu.memory_space<vmem>> -> memref<1x16x128xi32, #tpu.memory_space<vmem>>
    %dma_wait3A_278 = tpu.memref_squeeze %dma_wait3A_277 : memref<1x16x128xi32, #tpu.memory_space<vmem>> -> memref<16x128xi32, #tpu.memory_space<vmem>>
    %dma_wait3A_279 = arith.constant 0 : i32
    %dma_wait3A_280 = tpu.memref_slice %arg4[%add3A_252, %dma_wait3A_279] : memref<2560x128xi32, #tpu.memory_space<hbm>> -> memref<16x128xi32, #tpu.memory_space<hbm>>
    tpu.wait_dma2 semaphore(%arg12 : memref<!tpu.dma_semaphore, #tpu.memory_space<semaphore_mem>>) src(%dma_wait3A_280 : memref<16x128xi32, #tpu.memory_space<hbm>>) dst(%dma_wait3A_278 : memref<16x128xi32, #tpu.memory_space<vmem>>)
    %mul3A_281 = arith.constant 160 : i32
    %mul3A_282 = arith.muli %arg1, %mul3A_281 : i32
    %add3A_283 = arith.constant 48 : i32
    %add3A_284 = arith.addi %mul3A_282, %add3A_283 : i32
    %dma_start3A_285 = arith.constant 1 : i32
    %dma_start3A_286 = arith.constant 0 : i32
    %dma_start3A_287 = arith.constant 0 : i32
    %dma_start3A_288 = tpu.memref_slice %arg6[%dma_start3A_285, %dma_start3A_286, %dma_start3A_287] : memref<2x16x128xi32, #tpu.memory_space<vmem>> -> memref<1x16x128xi32, #tpu.memory_space<vmem>>
    %dma_start3A_289 = tpu.memref_squeeze %dma_start3A_288 : memref<1x16x128xi32, #tpu.memory_space<vmem>> -> memref<16x128xi32, #tpu.memory_space<vmem>>
    %dma_start3A_290 = arith.constant 0 : i32
    %dma_start3A_291 = tpu.memref_slice %arg3[%arg0, %add3A_284, %dma_start3A_290] : memref<2x2560x128xi32, #tpu.memory_space<hbm>> -> memref<1x16x128xi32, #tpu.memory_space<hbm>>
    %dma_start3A_292 = tpu.memref_squeeze %dma_start3A_291 : memref<1x16x128xi32, #tpu.memory_space<hbm>> -> memref<16x128xi32, #tpu.memory_space<hbm>>
    %dma_start3A_293 = arith.constant 0 : i32
    %dma_start3A_294 = arith.constant 0 : i32
    %dma_start3A_295 = tpu.memref_slice %arg6[%dma_start3A_285, %dma_start3A_293, %dma_start3A_294] : memref<2x16x128xi32, #tpu.memory_space<vmem>> -> memref<1x16x128xi32, #tpu.memory_space<vmem>>
    %dma_start3A_296 = tpu.memref_squeeze %dma_start3A_295 : memref<1x16x128xi32, #tpu.memory_space<vmem>> -> memref<16x128xi32, #tpu.memory_space<vmem>>
    %dma_start3A_297 = arith.constant 0 : i32
    %dma_start3A_298 = tpu.memref_slice %arg3[%arg0, %add3A_284, %dma_start3A_297] : memref<2x2560x128xi32, #tpu.memory_space<hbm>> -> memref<1x16x128xi32, #tpu.memory_space<hbm>>
    %dma_start3A_299 = tpu.memref_squeeze %dma_start3A_298 : memref<1x16x128xi32, #tpu.memory_space<hbm>> -> memref<16x128xi32, #tpu.memory_space<hbm>>
    tpu.enqueue_dma source(%dma_start3A_299 : memref<16x128xi32, #tpu.memory_space<hbm>>) target(%dma_start3A_296 : memref<16x128xi32, #tpu.memory_space<vmem>>) target_semaphore(%arg12 : memref<!tpu.dma_semaphore, #tpu.memory_space<semaphore_mem>>)
    %dma_start3A_300 = arith.constant 1 : i32
    %dma_start3A_301 = arith.constant 0 : i32
    %dma_start3A_302 = arith.constant 0 : i32
    %dma_start3A_303 = tpu.memref_slice %arg7[%dma_start3A_300, %dma_start3A_301, %dma_start3A_302] : memref<2x16x128xi32, #tpu.memory_space<vmem>> -> memref<1x16x128xi32, #tpu.memory_space<vmem>>
    %dma_start3A_304 = tpu.memref_squeeze %dma_start3A_303 : memref<1x16x128xi32, #tpu.memory_space<vmem>> -> memref<16x128xi32, #tpu.memory_space<vmem>>
    %dma_start3A_305 = arith.constant 0 : i32
    %dma_start3A_306 = tpu.memref_slice %arg4[%add3A_284, %dma_start3A_305] : memref<2560x128xi32, #tpu.memory_space<hbm>> -> memref<16x128xi32, #tpu.memory_space<hbm>>
    %dma_start3A_307 = arith.constant 0 : i32
    %dma_start3A_308 = arith.constant 0 : i32
    %dma_start3A_309 = tpu.memref_slice %arg7[%dma_start3A_300, %dma_start3A_307, %dma_start3A_308] : memref<2x16x128xi32, #tpu.memory_space<vmem>> -> memref<1x16x128xi32, #tpu.memory_space<vmem>>
    %dma_start3A_310 = tpu.memref_squeeze %dma_start3A_309 : memref<1x16x128xi32, #tpu.memory_space<vmem>> -> memref<16x128xi32, #tpu.memory_space<vmem>>
    %dma_start3A_311 = arith.constant 0 : i32
    %dma_start3A_312 = tpu.memref_slice %arg4[%add3A_284, %dma_start3A_311] : memref<2560x128xi32, #tpu.memory_space<hbm>> -> memref<16x128xi32, #tpu.memory_space<hbm>>
    tpu.enqueue_dma source(%dma_start3A_312 : memref<16x128xi32, #tpu.memory_space<hbm>>) target(%dma_start3A_310 : memref<16x128xi32, #tpu.memory_space<vmem>>) target_semaphore(%arg12 : memref<!tpu.dma_semaphore, #tpu.memory_space<semaphore_mem>>)
    %dma_start3A_313 = arith.constant 0 : i32
    %dma_start3A_314 = arith.constant 0 : i32
    %dma_start3A_315 = arith.constant 0 : i32
    %dma_start3A_316 = arith.constant 0 : i32
    %dma_start3A_317 = arith.constant 0 : i32
    %dma_start3A_318 = tpu.memref_slice %arg8[%dma_start3A_315, %dma_start3A_316, %dma_start3A_317] : memref<2x128x128xf32, #tpu.memory_space<vmem>> -> memref<1x128x128xf32, #tpu.memory_space<vmem>>
    %dma_start3A_319 = tpu.memref_squeeze %dma_start3A_318 : memref<1x128x128xf32, #tpu.memory_space<vmem>> -> memref<128x128xf32, #tpu.memory_space<vmem>>
    %dma_start3A_320 = arith.constant 0 : i32
    %dma_start3A_321 = tpu.memref_slice %arg6[%dma_start3A_313, %dma_start3A_314, %dma_start3A_320] : memref<2x16x128xi32, #tpu.memory_space<vmem>> -> memref<1x1x128xi32, #tpu.memory_space<vmem>>
    %dma_start3A_322 = tpu.memref_squeeze %dma_start3A_321 : memref<1x1x128xi32, #tpu.memory_space<vmem>> -> memref<128xi32, #tpu.memory_space<vmem>>
    %dma_start3A_323 = arith.constant 0 : i32
    %dma_start3A_324 = arith.constant 0 : i32
    %dma_start3A_325 = tpu.memref_slice %arg2[%dma_start3A_323, %dma_start3A_324] : memref<20480x128xf32, #tpu.memory_space<hbm>> -> memref<20480x128xf32, #tpu.memory_space<hbm>>
    tpu.enqueue_indirect_dma source(%dma_start3A_325 : memref<20480x128xf32, #tpu.memory_space<hbm>>) target(%dma_start3A_319 : memref<128x128xf32, #tpu.memory_space<vmem>>) offsets(%dma_start3A_322 : memref<128xi32, #tpu.memory_space<vmem>>) semaphore(%arg10 : memref<!tpu.dma_semaphore, #tpu.memory_space<semaphore_mem>>)
    %dma_start3A_326 = arith.constant 0 : i32
    %dma_start3A_327 = arith.constant 1 : i32
    %dma_start3A_328 = arith.constant 1 : i32
    %dma_start3A_329 = arith.constant 0 : i32
    %dma_start3A_330 = arith.constant 0 : i32
    %dma_start3A_331 = tpu.memref_slice %arg8[%dma_start3A_328, %dma_start3A_329, %dma_start3A_330] : memref<2x128x128xf32, #tpu.memory_space<vmem>> -> memref<1x128x128xf32, #tpu.memory_space<vmem>>
    %dma_start3A_332 = tpu.memref_squeeze %dma_start3A_331 : memref<1x128x128xf32, #tpu.memory_space<vmem>> -> memref<128x128xf32, #tpu.memory_space<vmem>>
    %dma_start3A_333 = arith.constant 0 : i32
    %dma_start3A_334 = tpu.memref_slice %arg6[%dma_start3A_326, %dma_start3A_327, %dma_start3A_333] : memref<2x16x128xi32, #tpu.memory_space<vmem>> -> memref<1x1x128xi32, #tpu.memory_space<vmem>>
    %dma_start3A_335 = tpu.memref_squeeze %dma_start3A_334 : memref<1x1x128xi32, #tpu.memory_space<vmem>> -> memref<128xi32, #tpu.memory_space<vmem>>
    %dma_start3A_336 = arith.constant 0 : i32
    %dma_start3A_337 = arith.constant 0 : i32
    %dma_start3A_338 = tpu.memref_slice %arg2[%dma_start3A_336, %dma_start3A_337] : memref<20480x128xf32, #tpu.memory_space<hbm>> -> memref<20480x128xf32, #tpu.memory_space<hbm>>
    tpu.enqueue_indirect_dma source(%dma_start3A_338 : memref<20480x128xf32, #tpu.memory_space<hbm>>) target(%dma_start3A_332 : memref<128x128xf32, #tpu.memory_space<vmem>>) offsets(%dma_start3A_335 : memref<128xi32, #tpu.memory_space<vmem>>) semaphore(%arg11 : memref<!tpu.dma_semaphore, #tpu.memory_space<semaphore_mem>>)
    %scan3A_339 = arith.constant 0 : i32
    %scan3A_340 = arith.constant 0 : i32
    %scan3A_341 = arith.constant 8 : i32
    %scan3A_342 = arith.addi %scan3A_340, %scan3A_341 : i32
    %scan3A_343 = arith.constant 1 : i32
    scf.for %scan3A_1016 = %scan3A_340 to %scan3A_342 step %scan3A_343  : i32 {
      %mul3A_1017 = arith.constant 2 : i32
      %mul3A_1018 = arith.muli %scan3A_1016, %mul3A_1017 : i32
      %add3A_1019 = arith.constant 0 : i32
      %add3A_1020 = arith.addi %mul3A_1018, %add3A_1019 : i32
      %dma_wait3A_1021 = arith.constant 0 : i32
      %dma_wait3A_1022 = arith.constant 0 : i32
      %dma_wait3A_1023 = arith.constant 0 : i32
      %dma_wait3A_1024 = arith.constant 0 : i32
      %dma_wait3A_1025 = tpu.memref_slice %arg8[%dma_wait3A_1022, %dma_wait3A_1023, %dma_wait3A_1024] : memref<2x128x128xf32, #tpu.memory_space<vmem>> -> memref<1x128x128xf32, #tpu.memory_space<vmem>>
      %dma_wait3A_1026 = tpu.memref_squeeze %dma_wait3A_1025 : memref<1x128x128xf32, #tpu.memory_space<vmem>> -> memref<128x128xf32, #tpu.memory_space<vmem>>
      %dma_wait3A_1027 = arith.constant 0 : i32
      %dma_wait3A_1028 = tpu.memref_slice %arg6[%dma_wait3A_1021, %add3A_1020, %dma_wait3A_1027] : memref<2x16x128xi32, #tpu.memory_space<vmem>> -> memref<1x1x128xi32, #tpu.memory_space<vmem>>
      %dma_wait3A_1029 = tpu.memref_squeeze %dma_wait3A_1028 : memref<1x1x128xi32, #tpu.memory_space<vmem>> -> memref<128xi32, #tpu.memory_space<vmem>>
      %dma_wait3A_1030 = arith.constant 0 : i32
      %dma_wait3A_1031 = arith.constant 0 : i32
      %dma_wait3A_1032 = tpu.memref_slice %arg2[%dma_wait3A_1030, %dma_wait3A_1031] : memref<20480x128xf32, #tpu.memory_space<hbm>> -> memref<20480x128xf32, #tpu.memory_space<hbm>>
      tpu.wait_indirect_dma semaphore(%arg10 : memref<!tpu.dma_semaphore, #tpu.memory_space<semaphore_mem>>) src(%dma_wait3A_1032 : memref<20480x128xf32, #tpu.memory_space<hbm>>) dst(%dma_wait3A_1026 : memref<128x128xf32, #tpu.memory_space<vmem>>)
      %run_scoped3A_1033 = arith.constant 0 : i32
      %run_scoped3A_1034 = arith.constant 0 : i32
      "tpu.region"() ({
        %run_scoped3A_1064 = tpu.sem_alloc : memref<!tpu.dma_semaphore, #tpu.memory_space<semaphore_mem>>
        %dma_start3A_1065 = arith.constant 0 : i32
        %dma_start3A_1066 = arith.constant 0 : i32
        %dma_start3A_1067 = tpu.memref_slice %arg8[%run_scoped3A_1033, %dma_start3A_1065, %dma_start3A_1066] : memref<2x128x128xf32, #tpu.memory_space<vmem>> -> memref<1x128x128xf32, #tpu.memory_space<vmem>>
        %dma_start3A_1068 = tpu.memref_squeeze %dma_start3A_1067 : memref<1x128x128xf32, #tpu.memory_space<vmem>> -> memref<128x128xf32, #tpu.memory_space<vmem>>
        %dma_start3A_1069 = arith.constant 0 : i32
        %dma_start3A_1070 = tpu.memref_slice %arg7[%run_scoped3A_1034, %add3A_1020, %dma_start3A_1069] : memref<2x16x128xi32, #tpu.memory_space<vmem>> -> memref<1x1x128xi32, #tpu.memory_space<vmem>>
        %dma_start3A_1071 = tpu.memref_squeeze %dma_start3A_1070 : memref<1x1x128xi32, #tpu.memory_space<vmem>> -> memref<128xi32, #tpu.memory_space<vmem>>
        %dma_start3A_1072 = arith.constant 0 : i32
        %dma_start3A_1073 = arith.constant 0 : i32
        %dma_start3A_1074 = tpu.memref_slice %arg9[%dma_start3A_1072, %dma_start3A_1073] : memref<10240x128xf32, #tpu.memory_space<vmem_shared>> -> memref<10240x128xf32, #tpu.memory_space<vmem_shared>>
        tpu.enqueue_indirect_dma source(%dma_start3A_1068 : memref<128x128xf32, #tpu.memory_space<vmem>>) target(%dma_start3A_1074 : memref<10240x128xf32, #tpu.memory_space<vmem_shared>>) offsets(%dma_start3A_1071 : memref<128xi32, #tpu.memory_space<vmem>>) semaphore(%run_scoped3A_1064 : memref<!tpu.dma_semaphore, #tpu.memory_space<semaphore_mem>>) {add = true}
        %dma_wait3A_1075 = arith.constant 0 : i32
        %dma_wait3A_1076 = arith.constant 0 : i32
        %dma_wait3A_1077 = tpu.memref_slice %arg8[%run_scoped3A_1033, %dma_wait3A_1075, %dma_wait3A_1076] : memref<2x128x128xf32, #tpu.memory_space<vmem>> -> memref<1x128x128xf32, #tpu.memory_space<vmem>>
        %dma_wait3A_1078 = tpu.memref_squeeze %dma_wait3A_1077 : memref<1x128x128xf32, #tpu.memory_space<vmem>> -> memref<128x128xf32, #tpu.memory_space<vmem>>
        %dma_wait3A_1079 = arith.constant 0 : i32
        %dma_wait3A_1080 = tpu.memref_slice %arg7[%run_scoped3A_1034, %add3A_1020, %dma_wait3A_1079] : memref<2x16x128xi32, #tpu.memory_space<vmem>> -> memref<1x1x128xi32, #tpu.memory_space<vmem>>
        %dma_wait3A_1081 = tpu.memref_squeeze %dma_wait3A_1080 : memref<1x1x128xi32, #tpu.memory_space<vmem>> -> memref<128xi32, #tpu.memory_space<vmem>>
        %dma_wait3A_1082 = arith.constant 0 : i32
        %dma_wait3A_1083 = arith.constant 0 : i32
        %dma_wait3A_1084 = tpu.memref_slice %arg9[%dma_wait3A_1082, %dma_wait3A_1083] : memref<10240x128xf32, #tpu.memory_space<vmem_shared>> -> memref<10240x128xf32, #tpu.memory_space<vmem_shared>>
        tpu.wait_indirect_dma semaphore(%run_scoped3A_1064 : memref<!tpu.dma_semaphore, #tpu.memory_space<semaphore_mem>>) src(%dma_wait3A_1078 : memref<128x128xf32, #tpu.memory_space<vmem>>) dst(%dma_wait3A_1084 : memref<10240x128xf32, #tpu.memory_space<vmem_shared>>)
        tpu.yield
      }) : () -> ()
      %add3A_1035 = arith.constant 2 : i32
      %add3A_1036 = arith.addi %add3A_1020, %add3A_1035 : i32
      %lt3A = arith.constant 16 : i32
      %lt3A_1037 = arith.cmpi slt, %add3A_1036, %lt3A : i32
      %convert_element_type3A = arith.extui %lt3A_1037 : i1 to i32
      %cond3A = arith.constant 0 : i32
      %cond3A_1038 = arith.cmpi ne, %convert_element_type3A, %cond3A : i32
      scf.if %cond3A_1038 {
        %add3A_1064 = arith.constant 2 : i32
        %add3A_1065 = arith.addi %add3A_1020, %add3A_1064 : i32
        %dma_start3A_1066 = arith.constant 0 : i32
        %dma_start3A_1067 = arith.constant 0 : i32
        %dma_start3A_1068 = arith.constant 0 : i32
        %dma_start3A_1069 = arith.constant 0 : i32
        %dma_start3A_1070 = tpu.memref_slice %arg8[%dma_start3A_1067, %dma_start3A_1068, %dma_start3A_1069] : memref<2x128x128xf32, #tpu.memory_space<vmem>> -> memref<1x128x128xf32, #tpu.memory_space<vmem>>
        %dma_start3A_1071 = tpu.memref_squeeze %dma_start3A_1070 : memref<1x128x128xf32, #tpu.memory_space<vmem>> -> memref<128x128xf32, #tpu.memory_space<vmem>>
        %dma_start3A_1072 = arith.constant 0 : i32
        %dma_start3A_1073 = tpu.memref_slice %arg6[%dma_start3A_1066, %add3A_1065, %dma_start3A_1072] : memref<2x16x128xi32, #tpu.memory_space<vmem>> -> memref<1x1x128xi32, #tpu.memory_space<vmem>>
        %dma_start3A_1074 = tpu.memref_squeeze %dma_start3A_1073 : memref<1x1x128xi32, #tpu.memory_space<vmem>> -> memref<128xi32, #tpu.memory_space<vmem>>
        %dma_start3A_1075 = arith.constant 0 : i32
        %dma_start3A_1076 = arith.constant 0 : i32
        %dma_start3A_1077 = tpu.memref_slice %arg2[%dma_start3A_1075, %dma_start3A_1076] : memref<20480x128xf32, #tpu.memory_space<hbm>> -> memref<20480x128xf32, #tpu.memory_space<hbm>>
        tpu.enqueue_indirect_dma source(%dma_start3A_1077 : memref<20480x128xf32, #tpu.memory_space<hbm>>) target(%dma_start3A_1071 : memref<128x128xf32, #tpu.memory_space<vmem>>) offsets(%dma_start3A_1074 : memref<128xi32, #tpu.memory_space<vmem>>) semaphore(%arg10 : memref<!tpu.dma_semaphore, #tpu.memory_space<semaphore_mem>>)
      } else {
      }
      %mul3A_1039 = arith.constant 2 : i32
      %mul3A_1040 = arith.muli %scan3A_1016, %mul3A_1039 : i32
      %add3A_1041 = arith.constant 1 : i32
      %add3A_1042 = arith.addi %mul3A_1040, %add3A_1041 : i32
      %dma_wait3A_1043 = arith.constant 0 : i32
      %dma_wait3A_1044 = arith.constant 1 : i32
      %dma_wait3A_1045 = arith.constant 0 : i32
      %dma_wait3A_1046 = arith.constant 0 : i32
      %dma_wait3A_1047 = tpu.memref_slice %arg8[%dma_wait3A_1044, %dma_wait3A_1045, %dma_wait3A_1046] : memref<2x128x128xf32, #tpu.memory_space<vmem>> -> memref<1x128x128xf32, #tpu.memory_space<vmem>>
      %dma_wait3A_1048 = tpu.memref_squeeze %dma_wait3A_1047 : memref<1x128x128xf32, #tpu.memory_space<vmem>> -> memref<128x128xf32, #tpu.memory_space<vmem>>
      %dma_wait3A_1049 = arith.constant 0 : i32
      %dma_wait3A_1050 = tpu.memref_slice %arg6[%dma_wait3A_1043, %add3A_1042, %dma_wait3A_1049] : memref<2x16x128xi32, #tpu.memory_space<vmem>> -> memref<1x1x128xi32, #tpu.memory_space<vmem>>
      %dma_wait3A_1051 = tpu.memref_squeeze %dma_wait3A_1050 : memref<1x1x128xi32, #tpu.memory_space<vmem>> -> memref<128xi32, #tpu.memory_space<vmem>>
      %dma_wait3A_1052 = arith.constant 0 : i32
      %dma_wait3A_1053 = arith.constant 0 : i32
      %dma_wait3A_1054 = tpu.memref_slice %arg2[%dma_wait3A_1052, %dma_wait3A_1053] : memref<20480x128xf32, #tpu.memory_space<hbm>> -> memref<20480x128xf32, #tpu.memory_space<hbm>>
      tpu.wait_indirect_dma semaphore(%arg11 : memref<!tpu.dma_semaphore, #tpu.memory_space<semaphore_mem>>) src(%dma_wait3A_1054 : memref<20480x128xf32, #tpu.memory_space<hbm>>) dst(%dma_wait3A_1048 : memref<128x128xf32, #tpu.memory_space<vmem>>)
      %run_scoped3A_1055 = arith.constant 1 : i32
      %run_scoped3A_1056 = arith.constant 0 : i32
      "tpu.region"() ({
        %run_scoped3A_1064 = tpu.sem_alloc : memref<!tpu.dma_semaphore, #tpu.memory_space<semaphore_mem>>
        %dma_start3A_1065 = arith.constant 0 : i32
        %dma_start3A_1066 = arith.constant 0 : i32
        %dma_start3A_1067 = tpu.memref_slice %arg8[%run_scoped3A_1055, %dma_start3A_1065, %dma_start3A_1066] : memref<2x128x128xf32, #tpu.memory_space<vmem>> -> memref<1x128x128xf32, #tpu.memory_space<vmem>>
        %dma_start3A_1068 = tpu.memref_squeeze %dma_start3A_1067 : memref<1x128x128xf32, #tpu.memory_space<vmem>> -> memref<128x128xf32, #tpu.memory_space<vmem>>
        %dma_start3A_1069 = arith.constant 0 : i32
        %dma_start3A_1070 = tpu.memref_slice %arg7[%run_scoped3A_1056, %add3A_1042, %dma_start3A_1069] : memref<2x16x128xi32, #tpu.memory_space<vmem>> -> memref<1x1x128xi32, #tpu.memory_space<vmem>>
        %dma_start3A_1071 = tpu.memref_squeeze %dma_start3A_1070 : memref<1x1x128xi32, #tpu.memory_space<vmem>> -> memref<128xi32, #tpu.memory_space<vmem>>
        %dma_start3A_1072 = arith.constant 0 : i32
        %dma_start3A_1073 = arith.constant 0 : i32
        %dma_start3A_1074 = tpu.memref_slice %arg9[%dma_start3A_1072, %dma_start3A_1073] : memref<10240x128xf32, #tpu.memory_space<vmem_shared>> -> memref<10240x128xf32, #tpu.memory_space<vmem_shared>>
        tpu.enqueue_indirect_dma source(%dma_start3A_1068 : memref<128x128xf32, #tpu.memory_space<vmem>>) target(%dma_start3A_1074 : memref<10240x128xf32, #tpu.memory_space<vmem_shared>>) offsets(%dma_start3A_1071 : memref<128xi32, #tpu.memory_space<vmem>>) semaphore(%run_scoped3A_1064 : memref<!tpu.dma_semaphore, #tpu.memory_space<semaphore_mem>>) {add = true}
        %dma_wait3A_1075 = arith.constant 0 : i32
        %dma_wait3A_1076 = arith.constant 0 : i32
        %dma_wait3A_1077 = tpu.memref_slice %arg8[%run_scoped3A_1055, %dma_wait3A_1075, %dma_wait3A_1076] : memref<2x128x128xf32, #tpu.memory_space<vmem>> -> memref<1x128x128xf32, #tpu.memory_space<vmem>>
        %dma_wait3A_1078 = tpu.memref_squeeze %dma_wait3A_1077 : memref<1x128x128xf32, #tpu.memory_space<vmem>> -> memref<128x128xf32, #tpu.memory_space<vmem>>
        %dma_wait3A_1079 = arith.constant 0 : i32
        %dma_wait3A_1080 = tpu.memref_slice %arg7[%run_scoped3A_1056, %add3A_1042, %dma_wait3A_1079] : memref<2x16x128xi32, #tpu.memory_space<vmem>> -> memref<1x1x128xi32, #tpu.memory_space<vmem>>
        %dma_wait3A_1081 = tpu.memref_squeeze %dma_wait3A_1080 : memref<1x1x128xi32, #tpu.memory_space<vmem>> -> memref<128xi32, #tpu.memory_space<vmem>>
        %dma_wait3A_1082 = arith.constant 0 : i32
        %dma_wait3A_1083 = arith.constant 0 : i32
        %dma_wait3A_1084 = tpu.memref_slice %arg9[%dma_wait3A_1082, %dma_wait3A_1083] : memref<10240x128xf32, #tpu.memory_space<vmem_shared>> -> memref<10240x128xf32, #tpu.memory_space<vmem_shared>>
        tpu.wait_indirect_dma semaphore(%run_scoped3A_1064 : memref<!tpu.dma_semaphore, #tpu.memory_space<semaphore_mem>>) src(%dma_wait3A_1078 : memref<128x128xf32, #tpu.memory_space<vmem>>) dst(%dma_wait3A_1084 : memref<10240x128xf32, #tpu.memory_space<vmem_shared>>)
        tpu.yield
      }) : () -> ()
      %add3A_1057 = arith.constant 2 : i32
      %add3A_1058 = arith.addi %add3A_1042, %add3A_1057 : i32
      %lt3A_1059 = arith.constant 16 : i32
      %lt3A_1060 = arith.cmpi slt, %add3A_1058, %lt3A_1059 : i32
      %convert_element_type3A_1061 = arith.extui %lt3A_1060 : i1 to i32
      %cond3A_1062 = arith.constant 0 : i32
      %cond3A_1063 = arith.cmpi ne, %convert_element_type3A_1061, %cond3A_1062 : i32
      scf.if %cond3A_1063 {
        %add3A_1064 = arith.constant 2 : i32
        %add3A_1065 = arith.addi %add3A_1042, %add3A_1064 : i32
        %dma_start3A_1066 = arith.constant 0 : i32
        %dma_start3A_1067 = arith.constant 1 : i32
        %dma_start3A_1068 = arith.constant 0 : i32
        %dma_start3A_1069 = arith.constant 0 : i32
        %dma_start3A_1070 = tpu.memref_slice %arg8[%dma_start3A_1067, %dma_start3A_1068, %dma_start3A_1069] : memref<2x128x128xf32, #tpu.memory_space<vmem>> -> memref<1x128x128xf32, #tpu.memory_space<vmem>>
        %dma_start3A_1071 = tpu.memref_squeeze %dma_start3A_1070 : memref<1x128x128xf32, #tpu.memory_space<vmem>> -> memref<128x128xf32, #tpu.memory_space<vmem>>
        %dma_start3A_1072 = arith.constant 0 : i32
        %dma_start3A_1073 = tpu.memref_slice %arg6[%dma_start3A_1066, %add3A_1065, %dma_start3A_1072] : memref<2x16x128xi32, #tpu.memory_space<vmem>> -> memref<1x1x128xi32, #tpu.memory_space<vmem>>
        %dma_start3A_1074 = tpu.memref_squeeze %dma_start3A_1073 : memref<1x1x128xi32, #tpu.memory_space<vmem>> -> memref<128xi32, #tpu.memory_space<vmem>>
        %dma_start3A_1075 = arith.constant 0 : i32
        %dma_start3A_1076 = arith.constant 0 : i32
        %dma_start3A_1077 = tpu.memref_slice %arg2[%dma_start3A_1075, %dma_start3A_1076] : memref<20480x128xf32, #tpu.memory_space<hbm>> -> memref<20480x128xf32, #tpu.memory_space<hbm>>
        tpu.enqueue_indirect_dma source(%dma_start3A_1077 : memref<20480x128xf32, #tpu.memory_space<hbm>>) target(%dma_start3A_1071 : memref<128x128xf32, #tpu.memory_space<vmem>>) offsets(%dma_start3A_1074 : memref<128xi32, #tpu.memory_space<vmem>>) semaphore(%arg11 : memref<!tpu.dma_semaphore, #tpu.memory_space<semaphore_mem>>)
      } else {
      }
    }
    %scan3A_344 = arith.constant 8 : i32
    %mul3A_345 = arith.constant 160 : i32
    %mul3A_346 = arith.muli %arg1, %mul3A_345 : i32
    %add3A_347 = arith.constant 48 : i32
    %add3A_348 = arith.addi %mul3A_346, %add3A_347 : i32
    %dma_wait3A_349 = arith.constant 1 : i32
    %dma_wait3A_350 = arith.constant 0 : i32
    %dma_wait3A_351 = arith.constant 0 : i32
    %dma_wait3A_352 = tpu.memref_slice %arg6[%dma_wait3A_349, %dma_wait3A_350, %dma_wait3A_351] : memref<2x16x128xi32, #tpu.memory_space<vmem>> -> memref<1x16x128xi32, #tpu.memory_space<vmem>>
    %dma_wait3A_353 = tpu.memref_squeeze %dma_wait3A_352 : memref<1x16x128xi32, #tpu.memory_space<vmem>> -> memref<16x128xi32, #tpu.memory_space<vmem>>
    %dma_wait3A_354 = arith.constant 0 : i32
    %dma_wait3A_355 = tpu.memref_slice %arg3[%arg0, %add3A_348, %dma_wait3A_354] : memref<2x2560x128xi32, #tpu.memory_space<hbm>> -> memref<1x16x128xi32, #tpu.memory_space<hbm>>
    %dma_wait3A_356 = tpu.memref_squeeze %dma_wait3A_355 : memref<1x16x128xi32, #tpu.memory_space<hbm>> -> memref<16x128xi32, #tpu.memory_space<hbm>>
    %dma_wait3A_357 = arith.constant 0 : i32
    %dma_wait3A_358 = arith.constant 0 : i32
    %dma_wait3A_359 = tpu.memref_slice %arg6[%dma_wait3A_349, %dma_wait3A_357, %dma_wait3A_358] : memref<2x16x128xi32, #tpu.memory_space<vmem>> -> memref<1x16x128xi32, #tpu.memory_space<vmem>>
    %dma_wait3A_360 = tpu.memref_squeeze %dma_wait3A_359 : memref<1x16x128xi32, #tpu.memory_space<vmem>> -> memref<16x128xi32, #tpu.memory_space<vmem>>
    %dma_wait3A_361 = arith.constant 0 : i32
    %dma_wait3A_362 = tpu.memref_slice %arg3[%arg0, %add3A_348, %dma_wait3A_361] : memref<2x2560x128xi32, #tpu.memory_space<hbm>> -> memref<1x16x128xi32, #tpu.memory_space<hbm>>
    %dma_wait3A_363 = tpu.memref_squeeze %dma_wait3A_362 : memref<1x16x128xi32, #tpu.memory_space<hbm>> -> memref<16x128xi32, #tpu.memory_space<hbm>>
    tpu.wait_dma2 semaphore(%arg12 : memref<!tpu.dma_semaphore, #tpu.memory_space<semaphore_mem>>) src(%dma_wait3A_363 : memref<16x128xi32, #tpu.memory_space<hbm>>) dst(%dma_wait3A_360 : memref<16x128xi32, #tpu.memory_space<vmem>>)
    %dma_wait3A_364 = arith.constant 1 : i32
    %dma_wait3A_365 = arith.constant 0 : i32
    %dma_wait3A_366 = arith.constant 0 : i32
    %dma_wait3A_367 = tpu.memref_slice %arg7[%dma_wait3A_364, %dma_wait3A_365, %dma_wait3A_366] : memref<2x16x128xi32, #tpu.memory_space<vmem>> -> memref<1x16x128xi32, #tpu.memory_space<vmem>>
    %dma_wait3A_368 = tpu.memref_squeeze %dma_wait3A_367 : memref<1x16x128xi32, #tpu.memory_space<vmem>> -> memref<16x128xi32, #tpu.memory_space<vmem>>
    %dma_wait3A_369 = arith.constant 0 : i32
    %dma_wait3A_370 = tpu.memref_slice %arg4[%add3A_348, %dma_wait3A_369] : memref<2560x128xi32, #tpu.memory_space<hbm>> -> memref<16x128xi32, #tpu.memory_space<hbm>>
    %dma_wait3A_371 = arith.constant 0 : i32
    %dma_wait3A_372 = arith.constant 0 : i32
    %dma_wait3A_373 = tpu.memref_slice %arg7[%dma_wait3A_364, %dma_wait3A_371, %dma_wait3A_372] : memref<2x16x128xi32, #tpu.memory_space<vmem>> -> memref<1x16x128xi32, #tpu.memory_space<vmem>>
    %dma_wait3A_374 = tpu.memref_squeeze %dma_wait3A_373 : memref<1x16x128xi32, #tpu.memory_space<vmem>> -> memref<16x128xi32, #tpu.memory_space<vmem>>
    %dma_wait3A_375 = arith.constant 0 : i32
    %dma_wait3A_376 = tpu.memref_slice %arg4[%add3A_348, %dma_wait3A_375] : memref<2560x128xi32, #tpu.memory_space<hbm>> -> memref<16x128xi32, #tpu.memory_space<hbm>>
    tpu.wait_dma2 semaphore(%arg12 : memref<!tpu.dma_semaphore, #tpu.memory_space<semaphore_mem>>) src(%dma_wait3A_376 : memref<16x128xi32, #tpu.memory_space<hbm>>) dst(%dma_wait3A_374 : memref<16x128xi32, #tpu.memory_space<vmem>>)
    %mul3A_377 = arith.constant 160 : i32
    %mul3A_378 = arith.muli %arg1, %mul3A_377 : i32
    %add3A_379 = arith.constant 64 : i32
    %add3A_380 = arith.addi %mul3A_378, %add3A_379 : i32
    %dma_start3A_381 = arith.constant 0 : i32
    %dma_start3A_382 = arith.constant 0 : i32
    %dma_start3A_383 = arith.constant 0 : i32
    %dma_start3A_384 = tpu.memref_slice %arg6[%dma_start3A_381, %dma_start3A_382, %dma_start3A_383] : memref<2x16x128xi32, #tpu.memory_space<vmem>> -> memref<1x16x128xi32, #tpu.memory_space<vmem>>
    %dma_start3A_385 = tpu.memref_squeeze %dma_start3A_384 : memref<1x16x128xi32, #tpu.memory_space<vmem>> -> memref<16x128xi32, #tpu.memory_space<vmem>>
    %dma_start3A_386 = arith.constant 0 : i32
    %dma_start3A_387 = tpu.memref_slice %arg3[%arg0, %add3A_380, %dma_start3A_386] : memref<2x2560x128xi32, #tpu.memory_space<hbm>> -> memref<1x16x128xi32, #tpu.memory_space<hbm>>
    %dma_start3A_388 = tpu.memref_squeeze %dma_start3A_387 : memref<1x16x128xi32, #tpu.memory_space<hbm>> -> memref<16x128xi32, #tpu.memory_space<hbm>>
    %dma_start3A_389 = arith.constant 0 : i32
    %dma_start3A_390 = arith.constant 0 : i32
    %dma_start3A_391 = tpu.memref_slice %arg6[%dma_start3A_381, %dma_start3A_389, %dma_start3A_390] : memref<2x16x128xi32, #tpu.memory_space<vmem>> -> memref<1x16x128xi32, #tpu.memory_space<vmem>>
    %dma_start3A_392 = tpu.memref_squeeze %dma_start3A_391 : memref<1x16x128xi32, #tpu.memory_space<vmem>> -> memref<16x128xi32, #tpu.memory_space<vmem>>
    %dma_start3A_393 = arith.constant 0 : i32
    %dma_start3A_394 = tpu.memref_slice %arg3[%arg0, %add3A_380, %dma_start3A_393] : memref<2x2560x128xi32, #tpu.memory_space<hbm>> -> memref<1x16x128xi32, #tpu.memory_space<hbm>>
    %dma_start3A_395 = tpu.memref_squeeze %dma_start3A_394 : memref<1x16x128xi32, #tpu.memory_space<hbm>> -> memref<16x128xi32, #tpu.memory_space<hbm>>
    tpu.enqueue_dma source(%dma_start3A_395 : memref<16x128xi32, #tpu.memory_space<hbm>>) target(%dma_start3A_392 : memref<16x128xi32, #tpu.memory_space<vmem>>) target_semaphore(%arg12 : memref<!tpu.dma_semaphore, #tpu.memory_space<semaphore_mem>>)
    %dma_start3A_396 = arith.constant 0 : i32
    %dma_start3A_397 = arith.constant 0 : i32
    %dma_start3A_398 = arith.constant 0 : i32
    %dma_start3A_399 = tpu.memref_slice %arg7[%dma_start3A_396, %dma_start3A_397, %dma_start3A_398] : memref<2x16x128xi32, #tpu.memory_space<vmem>> -> memref<1x16x128xi32, #tpu.memory_space<vmem>>
    %dma_start3A_400 = tpu.memref_squeeze %dma_start3A_399 : memref<1x16x128xi32, #tpu.memory_space<vmem>> -> memref<16x128xi32, #tpu.memory_space<vmem>>
    %dma_start3A_401 = arith.constant 0 : i32
    %dma_start3A_402 = tpu.memref_slice %arg4[%add3A_380, %dma_start3A_401] : memref<2560x128xi32, #tpu.memory_space<hbm>> -> memref<16x128xi32, #tpu.memory_space<hbm>>
    %dma_start3A_403 = arith.constant 0 : i32
    %dma_start3A_404 = arith.constant 0 : i32
    %dma_start3A_405 = tpu.memref_slice %arg7[%dma_start3A_396, %dma_start3A_403, %dma_start3A_404] : memref<2x16x128xi32, #tpu.memory_space<vmem>> -> memref<1x16x128xi32, #tpu.memory_space<vmem>>
    %dma_start3A_406 = tpu.memref_squeeze %dma_start3A_405 : memref<1x16x128xi32, #tpu.memory_space<vmem>> -> memref<16x128xi32, #tpu.memory_space<vmem>>
    %dma_start3A_407 = arith.constant 0 : i32
    %dma_start3A_408 = tpu.memref_slice %arg4[%add3A_380, %dma_start3A_407] : memref<2560x128xi32, #tpu.memory_space<hbm>> -> memref<16x128xi32, #tpu.memory_space<hbm>>
    tpu.enqueue_dma source(%dma_start3A_408 : memref<16x128xi32, #tpu.memory_space<hbm>>) target(%dma_start3A_406 : memref<16x128xi32, #tpu.memory_space<vmem>>) target_semaphore(%arg12 : memref<!tpu.dma_semaphore, #tpu.memory_space<semaphore_mem>>)
    %dma_start3A_409 = arith.constant 1 : i32
    %dma_start3A_410 = arith.constant 0 : i32
    %dma_start3A_411 = arith.constant 0 : i32
    %dma_start3A_412 = arith.constant 0 : i32
    %dma_start3A_413 = arith.constant 0 : i32
    %dma_start3A_414 = tpu.memref_slice %arg8[%dma_start3A_411, %dma_start3A_412, %dma_start3A_413] : memref<2x128x128xf32, #tpu.memory_space<vmem>> -> memref<1x128x128xf32, #tpu.memory_space<vmem>>
    %dma_start3A_415 = tpu.memref_squeeze %dma_start3A_414 : memref<1x128x128xf32, #tpu.memory_space<vmem>> -> memref<128x128xf32, #tpu.memory_space<vmem>>
    %dma_start3A_416 = arith.constant 0 : i32
    %dma_start3A_417 = tpu.memref_slice %arg6[%dma_start3A_409, %dma_start3A_410, %dma_start3A_416] : memref<2x16x128xi32, #tpu.memory_space<vmem>> -> memref<1x1x128xi32, #tpu.memory_space<vmem>>
    %dma_start3A_418 = tpu.memref_squeeze %dma_start3A_417 : memref<1x1x128xi32, #tpu.memory_space<vmem>> -> memref<128xi32, #tpu.memory_space<vmem>>
    %dma_start3A_419 = arith.constant 0 : i32
    %dma_start3A_420 = arith.constant 0 : i32
    %dma_start3A_421 = tpu.memref_slice %arg2[%dma_start3A_419, %dma_start3A_420] : memref<20480x128xf32, #tpu.memory_space<hbm>> -> memref<20480x128xf32, #tpu.memory_space<hbm>>
    tpu.enqueue_indirect_dma source(%dma_start3A_421 : memref<20480x128xf32, #tpu.memory_space<hbm>>) target(%dma_start3A_415 : memref<128x128xf32, #tpu.memory_space<vmem>>) offsets(%dma_start3A_418 : memref<128xi32, #tpu.memory_space<vmem>>) semaphore(%arg10 : memref<!tpu.dma_semaphore, #tpu.memory_space<semaphore_mem>>)
    %dma_start3A_422 = arith.constant 1 : i32
    %dma_start3A_423 = arith.constant 1 : i32
    %dma_start3A_424 = arith.constant 1 : i32
    %dma_start3A_425 = arith.constant 0 : i32
    %dma_start3A_426 = arith.constant 0 : i32
    %dma_start3A_427 = tpu.memref_slice %arg8[%dma_start3A_424, %dma_start3A_425, %dma_start3A_426] : memref<2x128x128xf32, #tpu.memory_space<vmem>> -> memref<1x128x128xf32, #tpu.memory_space<vmem>>
    %dma_start3A_428 = tpu.memref_squeeze %dma_start3A_427 : memref<1x128x128xf32, #tpu.memory_space<vmem>> -> memref<128x128xf32, #tpu.memory_space<vmem>>
    %dma_start3A_429 = arith.constant 0 : i32
    %dma_start3A_430 = tpu.memref_slice %arg6[%dma_start3A_422, %dma_start3A_423, %dma_start3A_429] : memref<2x16x128xi32, #tpu.memory_space<vmem>> -> memref<1x1x128xi32, #tpu.memory_space<vmem>>
    %dma_start3A_431 = tpu.memref_squeeze %dma_start3A_430 : memref<1x1x128xi32, #tpu.memory_space<vmem>> -> memref<128xi32, #tpu.memory_space<vmem>>
    %dma_start3A_432 = arith.constant 0 : i32
    %dma_start3A_433 = arith.constant 0 : i32
    %dma_start3A_434 = tpu.memref_slice %arg2[%dma_start3A_432, %dma_start3A_433] : memref<20480x128xf32, #tpu.memory_space<hbm>> -> memref<20480x128xf32, #tpu.memory_space<hbm>>
    tpu.enqueue_indirect_dma source(%dma_start3A_434 : memref<20480x128xf32, #tpu.memory_space<hbm>>) target(%dma_start3A_428 : memref<128x128xf32, #tpu.memory_space<vmem>>) offsets(%dma_start3A_431 : memref<128xi32, #tpu.memory_space<vmem>>) semaphore(%arg11 : memref<!tpu.dma_semaphore, #tpu.memory_space<semaphore_mem>>)
    %scan3A_435 = arith.constant 0 : i32
    %scan3A_436 = arith.constant 0 : i32
    %scan3A_437 = arith.constant 8 : i32
    %scan3A_438 = arith.addi %scan3A_436, %scan3A_437 : i32
    %scan3A_439 = arith.constant 1 : i32
    scf.for %scan3A_1016 = %scan3A_436 to %scan3A_438 step %scan3A_439  : i32 {
      %mul3A_1017 = arith.constant 2 : i32
      %mul3A_1018 = arith.muli %scan3A_1016, %mul3A_1017 : i32
      %add3A_1019 = arith.constant 0 : i32
      %add3A_1020 = arith.addi %mul3A_1018, %add3A_1019 : i32
      %dma_wait3A_1021 = arith.constant 1 : i32
      %dma_wait3A_1022 = arith.constant 0 : i32
      %dma_wait3A_1023 = arith.constant 0 : i32
      %dma_wait3A_1024 = arith.constant 0 : i32
      %dma_wait3A_1025 = tpu.memref_slice %arg8[%dma_wait3A_1022, %dma_wait3A_1023, %dma_wait3A_1024] : memref<2x128x128xf32, #tpu.memory_space<vmem>> -> memref<1x128x128xf32, #tpu.memory_space<vmem>>
      %dma_wait3A_1026 = tpu.memref_squeeze %dma_wait3A_1025 : memref<1x128x128xf32, #tpu.memory_space<vmem>> -> memref<128x128xf32, #tpu.memory_space<vmem>>
      %dma_wait3A_1027 = arith.constant 0 : i32
      %dma_wait3A_1028 = tpu.memref_slice %arg6[%dma_wait3A_1021, %add3A_1020, %dma_wait3A_1027] : memref<2x16x128xi32, #tpu.memory_space<vmem>> -> memref<1x1x128xi32, #tpu.memory_space<vmem>>
      %dma_wait3A_1029 = tpu.memref_squeeze %dma_wait3A_1028 : memref<1x1x128xi32, #tpu.memory_space<vmem>> -> memref<128xi32, #tpu.memory_space<vmem>>
      %dma_wait3A_1030 = arith.constant 0 : i32
      %dma_wait3A_1031 = arith.constant 0 : i32
      %dma_wait3A_1032 = tpu.memref_slice %arg2[%dma_wait3A_1030, %dma_wait3A_1031] : memref<20480x128xf32, #tpu.memory_space<hbm>> -> memref<20480x128xf32, #tpu.memory_space<hbm>>
      tpu.wait_indirect_dma semaphore(%arg10 : memref<!tpu.dma_semaphore, #tpu.memory_space<semaphore_mem>>) src(%dma_wait3A_1032 : memref<20480x128xf32, #tpu.memory_space<hbm>>) dst(%dma_wait3A_1026 : memref<128x128xf32, #tpu.memory_space<vmem>>)
      %run_scoped3A_1033 = arith.constant 0 : i32
      %run_scoped3A_1034 = arith.constant 1 : i32
      "tpu.region"() ({
        %run_scoped3A_1064 = tpu.sem_alloc : memref<!tpu.dma_semaphore, #tpu.memory_space<semaphore_mem>>
        %dma_start3A_1065 = arith.constant 0 : i32
        %dma_start3A_1066 = arith.constant 0 : i32
        %dma_start3A_1067 = tpu.memref_slice %arg8[%run_scoped3A_1033, %dma_start3A_1065, %dma_start3A_1066] : memref<2x128x128xf32, #tpu.memory_space<vmem>> -> memref<1x128x128xf32, #tpu.memory_space<vmem>>
        %dma_start3A_1068 = tpu.memref_squeeze %dma_start3A_1067 : memref<1x128x128xf32, #tpu.memory_space<vmem>> -> memref<128x128xf32, #tpu.memory_space<vmem>>
        %dma_start3A_1069 = arith.constant 0 : i32
        %dma_start3A_1070 = tpu.memref_slice %arg7[%run_scoped3A_1034, %add3A_1020, %dma_start3A_1069] : memref<2x16x128xi32, #tpu.memory_space<vmem>> -> memref<1x1x128xi32, #tpu.memory_space<vmem>>
        %dma_start3A_1071 = tpu.memref_squeeze %dma_start3A_1070 : memref<1x1x128xi32, #tpu.memory_space<vmem>> -> memref<128xi32, #tpu.memory_space<vmem>>
        %dma_start3A_1072 = arith.constant 0 : i32
        %dma_start3A_1073 = arith.constant 0 : i32
        %dma_start3A_1074 = tpu.memref_slice %arg9[%dma_start3A_1072, %dma_start3A_1073] : memref<10240x128xf32, #tpu.memory_space<vmem_shared>> -> memref<10240x128xf32, #tpu.memory_space<vmem_shared>>
        tpu.enqueue_indirect_dma source(%dma_start3A_1068 : memref<128x128xf32, #tpu.memory_space<vmem>>) target(%dma_start3A_1074 : memref<10240x128xf32, #tpu.memory_space<vmem_shared>>) offsets(%dma_start3A_1071 : memref<128xi32, #tpu.memory_space<vmem>>) semaphore(%run_scoped3A_1064 : memref<!tpu.dma_semaphore, #tpu.memory_space<semaphore_mem>>) {add = true}
        %dma_wait3A_1075 = arith.constant 0 : i32
        %dma_wait3A_1076 = arith.constant 0 : i32
        %dma_wait3A_1077 = tpu.memref_slice %arg8[%run_scoped3A_1033, %dma_wait3A_1075, %dma_wait3A_1076] : memref<2x128x128xf32, #tpu.memory_space<vmem>> -> memref<1x128x128xf32, #tpu.memory_space<vmem>>
        %dma_wait3A_1078 = tpu.memref_squeeze %dma_wait3A_1077 : memref<1x128x128xf32, #tpu.memory_space<vmem>> -> memref<128x128xf32, #tpu.memory_space<vmem>>
        %dma_wait3A_1079 = arith.constant 0 : i32
        %dma_wait3A_1080 = tpu.memref_slice %arg7[%run_scoped3A_1034, %add3A_1020, %dma_wait3A_1079] : memref<2x16x128xi32, #tpu.memory_space<vmem>> -> memref<1x1x128xi32, #tpu.memory_space<vmem>>
        %dma_wait3A_1081 = tpu.memref_squeeze %dma_wait3A_1080 : memref<1x1x128xi32, #tpu.memory_space<vmem>> -> memref<128xi32, #tpu.memory_space<vmem>>
        %dma_wait3A_1082 = arith.constant 0 : i32
        %dma_wait3A_1083 = arith.constant 0 : i32
        %dma_wait3A_1084 = tpu.memref_slice %arg9[%dma_wait3A_1082, %dma_wait3A_1083] : memref<10240x128xf32, #tpu.memory_space<vmem_shared>> -> memref<10240x128xf32, #tpu.memory_space<vmem_shared>>
        tpu.wait_indirect_dma semaphore(%run_scoped3A_1064 : memref<!tpu.dma_semaphore, #tpu.memory_space<semaphore_mem>>) src(%dma_wait3A_1078 : memref<128x128xf32, #tpu.memory_space<vmem>>) dst(%dma_wait3A_1084 : memref<10240x128xf32, #tpu.memory_space<vmem_shared>>)
        tpu.yield
      }) : () -> ()
      %add3A_1035 = arith.constant 2 : i32
      %add3A_1036 = arith.addi %add3A_1020, %add3A_1035 : i32
      %lt3A = arith.constant 16 : i32
      %lt3A_1037 = arith.cmpi slt, %add3A_1036, %lt3A : i32
      %convert_element_type3A = arith.extui %lt3A_1037 : i1 to i32
      %cond3A = arith.constant 0 : i32
      %cond3A_1038 = arith.cmpi ne, %convert_element_type3A, %cond3A : i32
      scf.if %cond3A_1038 {
        %add3A_1064 = arith.constant 2 : i32
        %add3A_1065 = arith.addi %add3A_1020, %add3A_1064 : i32
        %dma_start3A_1066 = arith.constant 1 : i32
        %dma_start3A_1067 = arith.constant 0 : i32
        %dma_start3A_1068 = arith.constant 0 : i32
        %dma_start3A_1069 = arith.constant 0 : i32
        %dma_start3A_1070 = tpu.memref_slice %arg8[%dma_start3A_1067, %dma_start3A_1068, %dma_start3A_1069] : memref<2x128x128xf32, #tpu.memory_space<vmem>> -> memref<1x128x128xf32, #tpu.memory_space<vmem>>
        %dma_start3A_1071 = tpu.memref_squeeze %dma_start3A_1070 : memref<1x128x128xf32, #tpu.memory_space<vmem>> -> memref<128x128xf32, #tpu.memory_space<vmem>>
        %dma_start3A_1072 = arith.constant 0 : i32
        %dma_start3A_1073 = tpu.memref_slice %arg6[%dma_start3A_1066, %add3A_1065, %dma_start3A_1072] : memref<2x16x128xi32, #tpu.memory_space<vmem>> -> memref<1x1x128xi32, #tpu.memory_space<vmem>>
        %dma_start3A_1074 = tpu.memref_squeeze %dma_start3A_1073 : memref<1x1x128xi32, #tpu.memory_space<vmem>> -> memref<128xi32, #tpu.memory_space<vmem>>
        %dma_start3A_1075 = arith.constant 0 : i32
        %dma_start3A_1076 = arith.constant 0 : i32
        %dma_start3A_1077 = tpu.memref_slice %arg2[%dma_start3A_1075, %dma_start3A_1076] : memref<20480x128xf32, #tpu.memory_space<hbm>> -> memref<20480x128xf32, #tpu.memory_space<hbm>>
        tpu.enqueue_indirect_dma source(%dma_start3A_1077 : memref<20480x128xf32, #tpu.memory_space<hbm>>) target(%dma_start3A_1071 : memref<128x128xf32, #tpu.memory_space<vmem>>) offsets(%dma_start3A_1074 : memref<128xi32, #tpu.memory_space<vmem>>) semaphore(%arg10 : memref<!tpu.dma_semaphore, #tpu.memory_space<semaphore_mem>>)
      } else {
      }
      %mul3A_1039 = arith.constant 2 : i32
      %mul3A_1040 = arith.muli %scan3A_1016, %mul3A_1039 : i32
      %add3A_1041 = arith.constant 1 : i32
      %add3A_1042 = arith.addi %mul3A_1040, %add3A_1041 : i32
      %dma_wait3A_1043 = arith.constant 1 : i32
      %dma_wait3A_1044 = arith.constant 1 : i32
      %dma_wait3A_1045 = arith.constant 0 : i32
      %dma_wait3A_1046 = arith.constant 0 : i32
      %dma_wait3A_1047 = tpu.memref_slice %arg8[%dma_wait3A_1044, %dma_wait3A_1045, %dma_wait3A_1046] : memref<2x128x128xf32, #tpu.memory_space<vmem>> -> memref<1x128x128xf32, #tpu.memory_space<vmem>>
      %dma_wait3A_1048 = tpu.memref_squeeze %dma_wait3A_1047 : memref<1x128x128xf32, #tpu.memory_space<vmem>> -> memref<128x128xf32, #tpu.memory_space<vmem>>
      %dma_wait3A_1049 = arith.constant 0 : i32
      %dma_wait3A_1050 = tpu.memref_slice %arg6[%dma_wait3A_1043, %add3A_1042, %dma_wait3A_1049] : memref<2x16x128xi32, #tpu.memory_space<vmem>> -> memref<1x1x128xi32, #tpu.memory_space<vmem>>
      %dma_wait3A_1051 = tpu.memref_squeeze %dma_wait3A_1050 : memref<1x1x128xi32, #tpu.memory_space<vmem>> -> memref<128xi32, #tpu.memory_space<vmem>>
      %dma_wait3A_1052 = arith.constant 0 : i32
      %dma_wait3A_1053 = arith.constant 0 : i32
      %dma_wait3A_1054 = tpu.memref_slice %arg2[%dma_wait3A_1052, %dma_wait3A_1053] : memref<20480x128xf32, #tpu.memory_space<hbm>> -> memref<20480x128xf32, #tpu.memory_space<hbm>>
      tpu.wait_indirect_dma semaphore(%arg11 : memref<!tpu.dma_semaphore, #tpu.memory_space<semaphore_mem>>) src(%dma_wait3A_1054 : memref<20480x128xf32, #tpu.memory_space<hbm>>) dst(%dma_wait3A_1048 : memref<128x128xf32, #tpu.memory_space<vmem>>)
      %run_scoped3A_1055 = arith.constant 1 : i32
      %run_scoped3A_1056 = arith.constant 1 : i32
      "tpu.region"() ({
        %run_scoped3A_1064 = tpu.sem_alloc : memref<!tpu.dma_semaphore, #tpu.memory_space<semaphore_mem>>
        %dma_start3A_1065 = arith.constant 0 : i32
        %dma_start3A_1066 = arith.constant 0 : i32
        %dma_start3A_1067 = tpu.memref_slice %arg8[%run_scoped3A_1055, %dma_start3A_1065, %dma_start3A_1066] : memref<2x128x128xf32, #tpu.memory_space<vmem>> -> memref<1x128x128xf32, #tpu.memory_space<vmem>>
        %dma_start3A_1068 = tpu.memref_squeeze %dma_start3A_1067 : memref<1x128x128xf32, #tpu.memory_space<vmem>> -> memref<128x128xf32, #tpu.memory_space<vmem>>
        %dma_start3A_1069 = arith.constant 0 : i32
        %dma_start3A_1070 = tpu.memref_slice %arg7[%run_scoped3A_1056, %add3A_1042, %dma_start3A_1069] : memref<2x16x128xi32, #tpu.memory_space<vmem>> -> memref<1x1x128xi32, #tpu.memory_space<vmem>>
        %dma_start3A_1071 = tpu.memref_squeeze %dma_start3A_1070 : memref<1x1x128xi32, #tpu.memory_space<vmem>> -> memref<128xi32, #tpu.memory_space<vmem>>
        %dma_start3A_1072 = arith.constant 0 : i32
        %dma_start3A_1073 = arith.constant 0 : i32
        %dma_start3A_1074 = tpu.memref_slice %arg9[%dma_start3A_1072, %dma_start3A_1073] : memref<10240x128xf32, #tpu.memory_space<vmem_shared>> -> memref<10240x128xf32, #tpu.memory_space<vmem_shared>>
        tpu.enqueue_indirect_dma source(%dma_start3A_1068 : memref<128x128xf32, #tpu.memory_space<vmem>>) target(%dma_start3A_1074 : memref<10240x128xf32, #tpu.memory_space<vmem_shared>>) offsets(%dma_start3A_1071 : memref<128xi32, #tpu.memory_space<vmem>>) semaphore(%run_scoped3A_1064 : memref<!tpu.dma_semaphore, #tpu.memory_space<semaphore_mem>>) {add = true}
        %dma_wait3A_1075 = arith.constant 0 : i32
        %dma_wait3A_1076 = arith.constant 0 : i32
        %dma_wait3A_1077 = tpu.memref_slice %arg8[%run_scoped3A_1055, %dma_wait3A_1075, %dma_wait3A_1076] : memref<2x128x128xf32, #tpu.memory_space<vmem>> -> memref<1x128x128xf32, #tpu.memory_space<vmem>>
        %dma_wait3A_1078 = tpu.memref_squeeze %dma_wait3A_1077 : memref<1x128x128xf32, #tpu.memory_space<vmem>> -> memref<128x128xf32, #tpu.memory_space<vmem>>
        %dma_wait3A_1079 = arith.constant 0 : i32
        %dma_wait3A_1080 = tpu.memref_slice %arg7[%run_scoped3A_1056, %add3A_1042, %dma_wait3A_1079] : memref<2x16x128xi32, #tpu.memory_space<vmem>> -> memref<1x1x128xi32, #tpu.memory_space<vmem>>
        %dma_wait3A_1081 = tpu.memref_squeeze %dma_wait3A_1080 : memref<1x1x128xi32, #tpu.memory_space<vmem>> -> memref<128xi32, #tpu.memory_space<vmem>>
        %dma_wait3A_1082 = arith.constant 0 : i32
        %dma_wait3A_1083 = arith.constant 0 : i32
        %dma_wait3A_1084 = tpu.memref_slice %arg9[%dma_wait3A_1082, %dma_wait3A_1083] : memref<10240x128xf32, #tpu.memory_space<vmem_shared>> -> memref<10240x128xf32, #tpu.memory_space<vmem_shared>>
        tpu.wait_indirect_dma semaphore(%run_scoped3A_1064 : memref<!tpu.dma_semaphore, #tpu.memory_space<semaphore_mem>>) src(%dma_wait3A_1078 : memref<128x128xf32, #tpu.memory_space<vmem>>) dst(%dma_wait3A_1084 : memref<10240x128xf32, #tpu.memory_space<vmem_shared>>)
        tpu.yield
      }) : () -> ()
      %add3A_1057 = arith.constant 2 : i32
      %add3A_1058 = arith.addi %add3A_1042, %add3A_1057 : i32
      %lt3A_1059 = arith.constant 16 : i32
      %lt3A_1060 = arith.cmpi slt, %add3A_1058, %lt3A_1059 : i32
      %convert_element_type3A_1061 = arith.extui %lt3A_1060 : i1 to i32
      %cond3A_1062 = arith.constant 0 : i32
      %cond3A_1063 = arith.cmpi ne, %convert_element_type3A_1061, %cond3A_1062 : i32
      scf.if %cond3A_1063 {
        %add3A_1064 = arith.constant 2 : i32
        %add3A_1065 = arith.addi %add3A_1042, %add3A_1064 : i32
        %dma_start3A_1066 = arith.constant 1 : i32
        %dma_start3A_1067 = arith.constant 1 : i32
        %dma_start3A_1068 = arith.constant 0 : i32
        %dma_start3A_1069 = arith.constant 0 : i32
        %dma_start3A_1070 = tpu.memref_slice %arg8[%dma_start3A_1067, %dma_start3A_1068, %dma_start3A_1069] : memref<2x128x128xf32, #tpu.memory_space<vmem>> -> memref<1x128x128xf32, #tpu.memory_space<vmem>>
        %dma_start3A_1071 = tpu.memref_squeeze %dma_start3A_1070 : memref<1x128x128xf32, #tpu.memory_space<vmem>> -> memref<128x128xf32, #tpu.memory_space<vmem>>
        %dma_start3A_1072 = arith.constant 0 : i32
        %dma_start3A_1073 = tpu.memref_slice %arg6[%dma_start3A_1066, %add3A_1065, %dma_start3A_1072] : memref<2x16x128xi32, #tpu.memory_space<vmem>> -> memref<1x1x128xi32, #tpu.memory_space<vmem>>
        %dma_start3A_1074 = tpu.memref_squeeze %dma_start3A_1073 : memref<1x1x128xi32, #tpu.memory_space<vmem>> -> memref<128xi32, #tpu.memory_space<vmem>>
        %dma_start3A_1075 = arith.constant 0 : i32
        %dma_start3A_1076 = arith.constant 0 : i32
        %dma_start3A_1077 = tpu.memref_slice %arg2[%dma_start3A_1075, %dma_start3A_1076] : memref<20480x128xf32, #tpu.memory_space<hbm>> -> memref<20480x128xf32, #tpu.memory_space<hbm>>
        tpu.enqueue_indirect_dma source(%dma_start3A_1077 : memref<20480x128xf32, #tpu.memory_space<hbm>>) target(%dma_start3A_1071 : memref<128x128xf32, #tpu.memory_space<vmem>>) offsets(%dma_start3A_1074 : memref<128xi32, #tpu.memory_space<vmem>>) semaphore(%arg11 : memref<!tpu.dma_semaphore, #tpu.memory_space<semaphore_mem>>)
      } else {
      }
    }
    %scan3A_440 = arith.constant 8 : i32
    %mul3A_441 = arith.constant 160 : i32
    %mul3A_442 = arith.muli %arg1, %mul3A_441 : i32
    %add3A_443 = arith.constant 64 : i32
    %add3A_444 = arith.addi %mul3A_442, %add3A_443 : i32
    %dma_wait3A_445 = arith.constant 0 : i32
    %dma_wait3A_446 = arith.constant 0 : i32
    %dma_wait3A_447 = arith.constant 0 : i32
    %dma_wait3A_448 = tpu.memref_slice %arg6[%dma_wait3A_445, %dma_wait3A_446, %dma_wait3A_447] : memref<2x16x128xi32, #tpu.memory_space<vmem>> -> memref<1x16x128xi32, #tpu.memory_space<vmem>>
    %dma_wait3A_449 = tpu.memref_squeeze %dma_wait3A_448 : memref<1x16x128xi32, #tpu.memory_space<vmem>> -> memref<16x128xi32, #tpu.memory_space<vmem>>
    %dma_wait3A_450 = arith.constant 0 : i32
    %dma_wait3A_451 = tpu.memref_slice %arg3[%arg0, %add3A_444, %dma_wait3A_450] : memref<2x2560x128xi32, #tpu.memory_space<hbm>> -> memref<1x16x128xi32, #tpu.memory_space<hbm>>
    %dma_wait3A_452 = tpu.memref_squeeze %dma_wait3A_451 : memref<1x16x128xi32, #tpu.memory_space<hbm>> -> memref<16x128xi32, #tpu.memory_space<hbm>>
    %dma_wait3A_453 = arith.constant 0 : i32
    %dma_wait3A_454 = arith.constant 0 : i32
    %dma_wait3A_455 = tpu.memref_slice %arg6[%dma_wait3A_445, %dma_wait3A_453, %dma_wait3A_454] : memref<2x16x128xi32, #tpu.memory_space<vmem>> -> memref<1x16x128xi32, #tpu.memory_space<vmem>>
    %dma_wait3A_456 = tpu.memref_squeeze %dma_wait3A_455 : memref<1x16x128xi32, #tpu.memory_space<vmem>> -> memref<16x128xi32, #tpu.memory_space<vmem>>
    %dma_wait3A_457 = arith.constant 0 : i32
    %dma_wait3A_458 = tpu.memref_slice %arg3[%arg0, %add3A_444, %dma_wait3A_457] : memref<2x2560x128xi32, #tpu.memory_space<hbm>> -> memref<1x16x128xi32, #tpu.memory_space<hbm>>
    %dma_wait3A_459 = tpu.memref_squeeze %dma_wait3A_458 : memref<1x16x128xi32, #tpu.memory_space<hbm>> -> memref<16x128xi32, #tpu.memory_space<hbm>>
    tpu.wait_dma2 semaphore(%arg12 : memref<!tpu.dma_semaphore, #tpu.memory_space<semaphore_mem>>) src(%dma_wait3A_459 : memref<16x128xi32, #tpu.memory_space<hbm>>) dst(%dma_wait3A_456 : memref<16x128xi32, #tpu.memory_space<vmem>>)
    %dma_wait3A_460 = arith.constant 0 : i32
    %dma_wait3A_461 = arith.constant 0 : i32
    %dma_wait3A_462 = arith.constant 0 : i32
    %dma_wait3A_463 = tpu.memref_slice %arg7[%dma_wait3A_460, %dma_wait3A_461, %dma_wait3A_462] : memref<2x16x128xi32, #tpu.memory_space<vmem>> -> memref<1x16x128xi32, #tpu.memory_space<vmem>>
    %dma_wait3A_464 = tpu.memref_squeeze %dma_wait3A_463 : memref<1x16x128xi32, #tpu.memory_space<vmem>> -> memref<16x128xi32, #tpu.memory_space<vmem>>
    %dma_wait3A_465 = arith.constant 0 : i32
    %dma_wait3A_466 = tpu.memref_slice %arg4[%add3A_444, %dma_wait3A_465] : memref<2560x128xi32, #tpu.memory_space<hbm>> -> memref<16x128xi32, #tpu.memory_space<hbm>>
    %dma_wait3A_467 = arith.constant 0 : i32
    %dma_wait3A_468 = arith.constant 0 : i32
    %dma_wait3A_469 = tpu.memref_slice %arg7[%dma_wait3A_460, %dma_wait3A_467, %dma_wait3A_468] : memref<2x16x128xi32, #tpu.memory_space<vmem>> -> memref<1x16x128xi32, #tpu.memory_space<vmem>>
    %dma_wait3A_470 = tpu.memref_squeeze %dma_wait3A_469 : memref<1x16x128xi32, #tpu.memory_space<vmem>> -> memref<16x128xi32, #tpu.memory_space<vmem>>
    %dma_wait3A_471 = arith.constant 0 : i32
    %dma_wait3A_472 = tpu.memref_slice %arg4[%add3A_444, %dma_wait3A_471] : memref<2560x128xi32, #tpu.memory_space<hbm>> -> memref<16x128xi32, #tpu.memory_space<hbm>>
    tpu.wait_dma2 semaphore(%arg12 : memref<!tpu.dma_semaphore, #tpu.memory_space<semaphore_mem>>) src(%dma_wait3A_472 : memref<16x128xi32, #tpu.memory_space<hbm>>) dst(%dma_wait3A_470 : memref<16x128xi32, #tpu.memory_space<vmem>>)
    %mul3A_473 = arith.constant 160 : i32
    %mul3A_474 = arith.muli %arg1, %mul3A_473 : i32
    %add3A_475 = arith.constant 80 : i32
    %add3A_476 = arith.addi %mul3A_474, %add3A_475 : i32
    %dma_start3A_477 = arith.constant 1 : i32
    %dma_start3A_478 = arith.constant 0 : i32
    %dma_start3A_479 = arith.constant 0 : i32
    %dma_start3A_480 = tpu.memref_slice %arg6[%dma_start3A_477, %dma_start3A_478, %dma_start3A_479] : memref<2x16x128xi32, #tpu.memory_space<vmem>> -> memref<1x16x128xi32, #tpu.memory_space<vmem>>
    %dma_start3A_481 = tpu.memref_squeeze %dma_start3A_480 : memref<1x16x128xi32, #tpu.memory_space<vmem>> -> memref<16x128xi32, #tpu.memory_space<vmem>>
    %dma_start3A_482 = arith.constant 0 : i32
    %dma_start3A_483 = tpu.memref_slice %arg3[%arg0, %add3A_476, %dma_start3A_482] : memref<2x2560x128xi32, #tpu.memory_space<hbm>> -> memref<1x16x128xi32, #tpu.memory_space<hbm>>
    %dma_start3A_484 = tpu.memref_squeeze %dma_start3A_483 : memref<1x16x128xi32, #tpu.memory_space<hbm>> -> memref<16x128xi32, #tpu.memory_space<hbm>>
    %dma_start3A_485 = arith.constant 0 : i32
    %dma_start3A_486 = arith.constant 0 : i32
    %dma_start3A_487 = tpu.memref_slice %arg6[%dma_start3A_477, %dma_start3A_485, %dma_start3A_486] : memref<2x16x128xi32, #tpu.memory_space<vmem>> -> memref<1x16x128xi32, #tpu.memory_space<vmem>>
    %dma_start3A_488 = tpu.memref_squeeze %dma_start3A_487 : memref<1x16x128xi32, #tpu.memory_space<vmem>> -> memref<16x128xi32, #tpu.memory_space<vmem>>
    %dma_start3A_489 = arith.constant 0 : i32
    %dma_start3A_490 = tpu.memref_slice %arg3[%arg0, %add3A_476, %dma_start3A_489] : memref<2x2560x128xi32, #tpu.memory_space<hbm>> -> memref<1x16x128xi32, #tpu.memory_space<hbm>>
    %dma_start3A_491 = tpu.memref_squeeze %dma_start3A_490 : memref<1x16x128xi32, #tpu.memory_space<hbm>> -> memref<16x128xi32, #tpu.memory_space<hbm>>
    tpu.enqueue_dma source(%dma_start3A_491 : memref<16x128xi32, #tpu.memory_space<hbm>>) target(%dma_start3A_488 : memref<16x128xi32, #tpu.memory_space<vmem>>) target_semaphore(%arg12 : memref<!tpu.dma_semaphore, #tpu.memory_space<semaphore_mem>>)
    %dma_start3A_492 = arith.constant 1 : i32
    %dma_start3A_493 = arith.constant 0 : i32
    %dma_start3A_494 = arith.constant 0 : i32
    %dma_start3A_495 = tpu.memref_slice %arg7[%dma_start3A_492, %dma_start3A_493, %dma_start3A_494] : memref<2x16x128xi32, #tpu.memory_space<vmem>> -> memref<1x16x128xi32, #tpu.memory_space<vmem>>
    %dma_start3A_496 = tpu.memref_squeeze %dma_start3A_495 : memref<1x16x128xi32, #tpu.memory_space<vmem>> -> memref<16x128xi32, #tpu.memory_space<vmem>>
    %dma_start3A_497 = arith.constant 0 : i32
    %dma_start3A_498 = tpu.memref_slice %arg4[%add3A_476, %dma_start3A_497] : memref<2560x128xi32, #tpu.memory_space<hbm>> -> memref<16x128xi32, #tpu.memory_space<hbm>>
    %dma_start3A_499 = arith.constant 0 : i32
    %dma_start3A_500 = arith.constant 0 : i32
    %dma_start3A_501 = tpu.memref_slice %arg7[%dma_start3A_492, %dma_start3A_499, %dma_start3A_500] : memref<2x16x128xi32, #tpu.memory_space<vmem>> -> memref<1x16x128xi32, #tpu.memory_space<vmem>>
    %dma_start3A_502 = tpu.memref_squeeze %dma_start3A_501 : memref<1x16x128xi32, #tpu.memory_space<vmem>> -> memref<16x128xi32, #tpu.memory_space<vmem>>
    %dma_start3A_503 = arith.constant 0 : i32
    %dma_start3A_504 = tpu.memref_slice %arg4[%add3A_476, %dma_start3A_503] : memref<2560x128xi32, #tpu.memory_space<hbm>> -> memref<16x128xi32, #tpu.memory_space<hbm>>
    tpu.enqueue_dma source(%dma_start3A_504 : memref<16x128xi32, #tpu.memory_space<hbm>>) target(%dma_start3A_502 : memref<16x128xi32, #tpu.memory_space<vmem>>) target_semaphore(%arg12 : memref<!tpu.dma_semaphore, #tpu.memory_space<semaphore_mem>>)
    %dma_start3A_505 = arith.constant 0 : i32
    %dma_start3A_506 = arith.constant 0 : i32
    %dma_start3A_507 = arith.constant 0 : i32
    %dma_start3A_508 = arith.constant 0 : i32
    %dma_start3A_509 = arith.constant 0 : i32
    %dma_start3A_510 = tpu.memref_slice %arg8[%dma_start3A_507, %dma_start3A_508, %dma_start3A_509] : memref<2x128x128xf32, #tpu.memory_space<vmem>> -> memref<1x128x128xf32, #tpu.memory_space<vmem>>
    %dma_start3A_511 = tpu.memref_squeeze %dma_start3A_510 : memref<1x128x128xf32, #tpu.memory_space<vmem>> -> memref<128x128xf32, #tpu.memory_space<vmem>>
    %dma_start3A_512 = arith.constant 0 : i32
    %dma_start3A_513 = tpu.memref_slice %arg6[%dma_start3A_505, %dma_start3A_506, %dma_start3A_512] : memref<2x16x128xi32, #tpu.memory_space<vmem>> -> memref<1x1x128xi32, #tpu.memory_space<vmem>>
    %dma_start3A_514 = tpu.memref_squeeze %dma_start3A_513 : memref<1x1x128xi32, #tpu.memory_space<vmem>> -> memref<128xi32, #tpu.memory_space<vmem>>
    %dma_start3A_515 = arith.constant 0 : i32
    %dma_start3A_516 = arith.constant 0 : i32
    %dma_start3A_517 = tpu.memref_slice %arg2[%dma_start3A_515, %dma_start3A_516] : memref<20480x128xf32, #tpu.memory_space<hbm>> -> memref<20480x128xf32, #tpu.memory_space<hbm>>
    tpu.enqueue_indirect_dma source(%dma_start3A_517 : memref<20480x128xf32, #tpu.memory_space<hbm>>) target(%dma_start3A_511 : memref<128x128xf32, #tpu.memory_space<vmem>>) offsets(%dma_start3A_514 : memref<128xi32, #tpu.memory_space<vmem>>) semaphore(%arg10 : memref<!tpu.dma_semaphore, #tpu.memory_space<semaphore_mem>>)
    %dma_start3A_518 = arith.constant 0 : i32
    %dma_start3A_519 = arith.constant 1 : i32
    %dma_start3A_520 = arith.constant 1 : i32
    %dma_start3A_521 = arith.constant 0 : i32
    %dma_start3A_522 = arith.constant 0 : i32
    %dma_start3A_523 = tpu.memref_slice %arg8[%dma_start3A_520, %dma_start3A_521, %dma_start3A_522] : memref<2x128x128xf32, #tpu.memory_space<vmem>> -> memref<1x128x128xf32, #tpu.memory_space<vmem>>
    %dma_start3A_524 = tpu.memref_squeeze %dma_start3A_523 : memref<1x128x128xf32, #tpu.memory_space<vmem>> -> memref<128x128xf32, #tpu.memory_space<vmem>>
    %dma_start3A_525 = arith.constant 0 : i32
    %dma_start3A_526 = tpu.memref_slice %arg6[%dma_start3A_518, %dma_start3A_519, %dma_start3A_525] : memref<2x16x128xi32, #tpu.memory_space<vmem>> -> memref<1x1x128xi32, #tpu.memory_space<vmem>>
    %dma_start3A_527 = tpu.memref_squeeze %dma_start3A_526 : memref<1x1x128xi32, #tpu.memory_space<vmem>> -> memref<128xi32, #tpu.memory_space<vmem>>
    %dma_start3A_528 = arith.constant 0 : i32
    %dma_start3A_529 = arith.constant 0 : i32
    %dma_start3A_530 = tpu.memref_slice %arg2[%dma_start3A_528, %dma_start3A_529] : memref<20480x128xf32, #tpu.memory_space<hbm>> -> memref<20480x128xf32, #tpu.memory_space<hbm>>
    tpu.enqueue_indirect_dma source(%dma_start3A_530 : memref<20480x128xf32, #tpu.memory_space<hbm>>) target(%dma_start3A_524 : memref<128x128xf32, #tpu.memory_space<vmem>>) offsets(%dma_start3A_527 : memref<128xi32, #tpu.memory_space<vmem>>) semaphore(%arg11 : memref<!tpu.dma_semaphore, #tpu.memory_space<semaphore_mem>>)
    %scan3A_531 = arith.constant 0 : i32
    %scan3A_532 = arith.constant 0 : i32
    %scan3A_533 = arith.constant 8 : i32
    %scan3A_534 = arith.addi %scan3A_532, %scan3A_533 : i32
    %scan3A_535 = arith.constant 1 : i32
    scf.for %scan3A_1016 = %scan3A_532 to %scan3A_534 step %scan3A_535  : i32 {
      %mul3A_1017 = arith.constant 2 : i32
      %mul3A_1018 = arith.muli %scan3A_1016, %mul3A_1017 : i32
      %add3A_1019 = arith.constant 0 : i32
      %add3A_1020 = arith.addi %mul3A_1018, %add3A_1019 : i32
      %dma_wait3A_1021 = arith.constant 0 : i32
      %dma_wait3A_1022 = arith.constant 0 : i32
      %dma_wait3A_1023 = arith.constant 0 : i32
      %dma_wait3A_1024 = arith.constant 0 : i32
      %dma_wait3A_1025 = tpu.memref_slice %arg8[%dma_wait3A_1022, %dma_wait3A_1023, %dma_wait3A_1024] : memref<2x128x128xf32, #tpu.memory_space<vmem>> -> memref<1x128x128xf32, #tpu.memory_space<vmem>>
      %dma_wait3A_1026 = tpu.memref_squeeze %dma_wait3A_1025 : memref<1x128x128xf32, #tpu.memory_space<vmem>> -> memref<128x128xf32, #tpu.memory_space<vmem>>
      %dma_wait3A_1027 = arith.constant 0 : i32
      %dma_wait3A_1028 = tpu.memref_slice %arg6[%dma_wait3A_1021, %add3A_1020, %dma_wait3A_1027] : memref<2x16x128xi32, #tpu.memory_space<vmem>> -> memref<1x1x128xi32, #tpu.memory_space<vmem>>
      %dma_wait3A_1029 = tpu.memref_squeeze %dma_wait3A_1028 : memref<1x1x128xi32, #tpu.memory_space<vmem>> -> memref<128xi32, #tpu.memory_space<vmem>>
      %dma_wait3A_1030 = arith.constant 0 : i32
      %dma_wait3A_1031 = arith.constant 0 : i32
      %dma_wait3A_1032 = tpu.memref_slice %arg2[%dma_wait3A_1030, %dma_wait3A_1031] : memref<20480x128xf32, #tpu.memory_space<hbm>> -> memref<20480x128xf32, #tpu.memory_space<hbm>>
      tpu.wait_indirect_dma semaphore(%arg10 : memref<!tpu.dma_semaphore, #tpu.memory_space<semaphore_mem>>) src(%dma_wait3A_1032 : memref<20480x128xf32, #tpu.memory_space<hbm>>) dst(%dma_wait3A_1026 : memref<128x128xf32, #tpu.memory_space<vmem>>)
      %run_scoped3A_1033 = arith.constant 0 : i32
      %run_scoped3A_1034 = arith.constant 0 : i32
      "tpu.region"() ({
        %run_scoped3A_1064 = tpu.sem_alloc : memref<!tpu.dma_semaphore, #tpu.memory_space<semaphore_mem>>
        %dma_start3A_1065 = arith.constant 0 : i32
        %dma_start3A_1066 = arith.constant 0 : i32
        %dma_start3A_1067 = tpu.memref_slice %arg8[%run_scoped3A_1033, %dma_start3A_1065, %dma_start3A_1066] : memref<2x128x128xf32, #tpu.memory_space<vmem>> -> memref<1x128x128xf32, #tpu.memory_space<vmem>>
        %dma_start3A_1068 = tpu.memref_squeeze %dma_start3A_1067 : memref<1x128x128xf32, #tpu.memory_space<vmem>> -> memref<128x128xf32, #tpu.memory_space<vmem>>
        %dma_start3A_1069 = arith.constant 0 : i32
        %dma_start3A_1070 = tpu.memref_slice %arg7[%run_scoped3A_1034, %add3A_1020, %dma_start3A_1069] : memref<2x16x128xi32, #tpu.memory_space<vmem>> -> memref<1x1x128xi32, #tpu.memory_space<vmem>>
        %dma_start3A_1071 = tpu.memref_squeeze %dma_start3A_1070 : memref<1x1x128xi32, #tpu.memory_space<vmem>> -> memref<128xi32, #tpu.memory_space<vmem>>
        %dma_start3A_1072 = arith.constant 0 : i32
        %dma_start3A_1073 = arith.constant 0 : i32
        %dma_start3A_1074 = tpu.memref_slice %arg9[%dma_start3A_1072, %dma_start3A_1073] : memref<10240x128xf32, #tpu.memory_space<vmem_shared>> -> memref<10240x128xf32, #tpu.memory_space<vmem_shared>>
        tpu.enqueue_indirect_dma source(%dma_start3A_1068 : memref<128x128xf32, #tpu.memory_space<vmem>>) target(%dma_start3A_1074 : memref<10240x128xf32, #tpu.memory_space<vmem_shared>>) offsets(%dma_start3A_1071 : memref<128xi32, #tpu.memory_space<vmem>>) semaphore(%run_scoped3A_1064 : memref<!tpu.dma_semaphore, #tpu.memory_space<semaphore_mem>>) {add = true}
        %dma_wait3A_1075 = arith.constant 0 : i32
        %dma_wait3A_1076 = arith.constant 0 : i32
        %dma_wait3A_1077 = tpu.memref_slice %arg8[%run_scoped3A_1033, %dma_wait3A_1075, %dma_wait3A_1076] : memref<2x128x128xf32, #tpu.memory_space<vmem>> -> memref<1x128x128xf32, #tpu.memory_space<vmem>>
        %dma_wait3A_1078 = tpu.memref_squeeze %dma_wait3A_1077 : memref<1x128x128xf32, #tpu.memory_space<vmem>> -> memref<128x128xf32, #tpu.memory_space<vmem>>
        %dma_wait3A_1079 = arith.constant 0 : i32
        %dma_wait3A_1080 = tpu.memref_slice %arg7[%run_scoped3A_1034, %add3A_1020, %dma_wait3A_1079] : memref<2x16x128xi32, #tpu.memory_space<vmem>> -> memref<1x1x128xi32, #tpu.memory_space<vmem>>
        %dma_wait3A_1081 = tpu.memref_squeeze %dma_wait3A_1080 : memref<1x1x128xi32, #tpu.memory_space<vmem>> -> memref<128xi32, #tpu.memory_space<vmem>>
        %dma_wait3A_1082 = arith.constant 0 : i32
        %dma_wait3A_1083 = arith.constant 0 : i32
        %dma_wait3A_1084 = tpu.memref_slice %arg9[%dma_wait3A_1082, %dma_wait3A_1083] : memref<10240x128xf32, #tpu.memory_space<vmem_shared>> -> memref<10240x128xf32, #tpu.memory_space<vmem_shared>>
        tpu.wait_indirect_dma semaphore(%run_scoped3A_1064 : memref<!tpu.dma_semaphore, #tpu.memory_space<semaphore_mem>>) src(%dma_wait3A_1078 : memref<128x128xf32, #tpu.memory_space<vmem>>) dst(%dma_wait3A_1084 : memref<10240x128xf32, #tpu.memory_space<vmem_shared>>)
        tpu.yield
      }) : () -> ()
      %add3A_1035 = arith.constant 2 : i32
      %add3A_1036 = arith.addi %add3A_1020, %add3A_1035 : i32
      %lt3A = arith.constant 16 : i32
      %lt3A_1037 = arith.cmpi slt, %add3A_1036, %lt3A : i32
      %convert_element_type3A = arith.extui %lt3A_1037 : i1 to i32
      %cond3A = arith.constant 0 : i32
      %cond3A_1038 = arith.cmpi ne, %convert_element_type3A, %cond3A : i32
      scf.if %cond3A_1038 {
        %add3A_1064 = arith.constant 2 : i32
        %add3A_1065 = arith.addi %add3A_1020, %add3A_1064 : i32
        %dma_start3A_1066 = arith.constant 0 : i32
        %dma_start3A_1067 = arith.constant 0 : i32
        %dma_start3A_1068 = arith.constant 0 : i32
        %dma_start3A_1069 = arith.constant 0 : i32
        %dma_start3A_1070 = tpu.memref_slice %arg8[%dma_start3A_1067, %dma_start3A_1068, %dma_start3A_1069] : memref<2x128x128xf32, #tpu.memory_space<vmem>> -> memref<1x128x128xf32, #tpu.memory_space<vmem>>
        %dma_start3A_1071 = tpu.memref_squeeze %dma_start3A_1070 : memref<1x128x128xf32, #tpu.memory_space<vmem>> -> memref<128x128xf32, #tpu.memory_space<vmem>>
        %dma_start3A_1072 = arith.constant 0 : i32
        %dma_start3A_1073 = tpu.memref_slice %arg6[%dma_start3A_1066, %add3A_1065, %dma_start3A_1072] : memref<2x16x128xi32, #tpu.memory_space<vmem>> -> memref<1x1x128xi32, #tpu.memory_space<vmem>>
        %dma_start3A_1074 = tpu.memref_squeeze %dma_start3A_1073 : memref<1x1x128xi32, #tpu.memory_space<vmem>> -> memref<128xi32, #tpu.memory_space<vmem>>
        %dma_start3A_1075 = arith.constant 0 : i32
        %dma_start3A_1076 = arith.constant 0 : i32
        %dma_start3A_1077 = tpu.memref_slice %arg2[%dma_start3A_1075, %dma_start3A_1076] : memref<20480x128xf32, #tpu.memory_space<hbm>> -> memref<20480x128xf32, #tpu.memory_space<hbm>>
        tpu.enqueue_indirect_dma source(%dma_start3A_1077 : memref<20480x128xf32, #tpu.memory_space<hbm>>) target(%dma_start3A_1071 : memref<128x128xf32, #tpu.memory_space<vmem>>) offsets(%dma_start3A_1074 : memref<128xi32, #tpu.memory_space<vmem>>) semaphore(%arg10 : memref<!tpu.dma_semaphore, #tpu.memory_space<semaphore_mem>>)
      } else {
      }
      %mul3A_1039 = arith.constant 2 : i32
      %mul3A_1040 = arith.muli %scan3A_1016, %mul3A_1039 : i32
      %add3A_1041 = arith.constant 1 : i32
      %add3A_1042 = arith.addi %mul3A_1040, %add3A_1041 : i32
      %dma_wait3A_1043 = arith.constant 0 : i32
      %dma_wait3A_1044 = arith.constant 1 : i32
      %dma_wait3A_1045 = arith.constant 0 : i32
      %dma_wait3A_1046 = arith.constant 0 : i32
      %dma_wait3A_1047 = tpu.memref_slice %arg8[%dma_wait3A_1044, %dma_wait3A_1045, %dma_wait3A_1046] : memref<2x128x128xf32, #tpu.memory_space<vmem>> -> memref<1x128x128xf32, #tpu.memory_space<vmem>>
      %dma_wait3A_1048 = tpu.memref_squeeze %dma_wait3A_1047 : memref<1x128x128xf32, #tpu.memory_space<vmem>> -> memref<128x128xf32, #tpu.memory_space<vmem>>
      %dma_wait3A_1049 = arith.constant 0 : i32
      %dma_wait3A_1050 = tpu.memref_slice %arg6[%dma_wait3A_1043, %add3A_1042, %dma_wait3A_1049] : memref<2x16x128xi32, #tpu.memory_space<vmem>> -> memref<1x1x128xi32, #tpu.memory_space<vmem>>
      %dma_wait3A_1051 = tpu.memref_squeeze %dma_wait3A_1050 : memref<1x1x128xi32, #tpu.memory_space<vmem>> -> memref<128xi32, #tpu.memory_space<vmem>>
      %dma_wait3A_1052 = arith.constant 0 : i32
      %dma_wait3A_1053 = arith.constant 0 : i32
      %dma_wait3A_1054 = tpu.memref_slice %arg2[%dma_wait3A_1052, %dma_wait3A_1053] : memref<20480x128xf32, #tpu.memory_space<hbm>> -> memref<20480x128xf32, #tpu.memory_space<hbm>>
      tpu.wait_indirect_dma semaphore(%arg11 : memref<!tpu.dma_semaphore, #tpu.memory_space<semaphore_mem>>) src(%dma_wait3A_1054 : memref<20480x128xf32, #tpu.memory_space<hbm>>) dst(%dma_wait3A_1048 : memref<128x128xf32, #tpu.memory_space<vmem>>)
      %run_scoped3A_1055 = arith.constant 1 : i32
      %run_scoped3A_1056 = arith.constant 0 : i32
      "tpu.region"() ({
        %run_scoped3A_1064 = tpu.sem_alloc : memref<!tpu.dma_semaphore, #tpu.memory_space<semaphore_mem>>
        %dma_start3A_1065 = arith.constant 0 : i32
        %dma_start3A_1066 = arith.constant 0 : i32
        %dma_start3A_1067 = tpu.memref_slice %arg8[%run_scoped3A_1055, %dma_start3A_1065, %dma_start3A_1066] : memref<2x128x128xf32, #tpu.memory_space<vmem>> -> memref<1x128x128xf32, #tpu.memory_space<vmem>>
        %dma_start3A_1068 = tpu.memref_squeeze %dma_start3A_1067 : memref<1x128x128xf32, #tpu.memory_space<vmem>> -> memref<128x128xf32, #tpu.memory_space<vmem>>
        %dma_start3A_1069 = arith.constant 0 : i32
        %dma_start3A_1070 = tpu.memref_slice %arg7[%run_scoped3A_1056, %add3A_1042, %dma_start3A_1069] : memref<2x16x128xi32, #tpu.memory_space<vmem>> -> memref<1x1x128xi32, #tpu.memory_space<vmem>>
        %dma_start3A_1071 = tpu.memref_squeeze %dma_start3A_1070 : memref<1x1x128xi32, #tpu.memory_space<vmem>> -> memref<128xi32, #tpu.memory_space<vmem>>
        %dma_start3A_1072 = arith.constant 0 : i32
        %dma_start3A_1073 = arith.constant 0 : i32
        %dma_start3A_1074 = tpu.memref_slice %arg9[%dma_start3A_1072, %dma_start3A_1073] : memref<10240x128xf32, #tpu.memory_space<vmem_shared>> -> memref<10240x128xf32, #tpu.memory_space<vmem_shared>>
        tpu.enqueue_indirect_dma source(%dma_start3A_1068 : memref<128x128xf32, #tpu.memory_space<vmem>>) target(%dma_start3A_1074 : memref<10240x128xf32, #tpu.memory_space<vmem_shared>>) offsets(%dma_start3A_1071 : memref<128xi32, #tpu.memory_space<vmem>>) semaphore(%run_scoped3A_1064 : memref<!tpu.dma_semaphore, #tpu.memory_space<semaphore_mem>>) {add = true}
        %dma_wait3A_1075 = arith.constant 0 : i32
        %dma_wait3A_1076 = arith.constant 0 : i32
        %dma_wait3A_1077 = tpu.memref_slice %arg8[%run_scoped3A_1055, %dma_wait3A_1075, %dma_wait3A_1076] : memref<2x128x128xf32, #tpu.memory_space<vmem>> -> memref<1x128x128xf32, #tpu.memory_space<vmem>>
        %dma_wait3A_1078 = tpu.memref_squeeze %dma_wait3A_1077 : memref<1x128x128xf32, #tpu.memory_space<vmem>> -> memref<128x128xf32, #tpu.memory_space<vmem>>
        %dma_wait3A_1079 = arith.constant 0 : i32
        %dma_wait3A_1080 = tpu.memref_slice %arg7[%run_scoped3A_1056, %add3A_1042, %dma_wait3A_1079] : memref<2x16x128xi32, #tpu.memory_space<vmem>> -> memref<1x1x128xi32, #tpu.memory_space<vmem>>
        %dma_wait3A_1081 = tpu.memref_squeeze %dma_wait3A_1080 : memref<1x1x128xi32, #tpu.memory_space<vmem>> -> memref<128xi32, #tpu.memory_space<vmem>>
        %dma_wait3A_1082 = arith.constant 0 : i32
        %dma_wait3A_1083 = arith.constant 0 : i32
        %dma_wait3A_1084 = tpu.memref_slice %arg9[%dma_wait3A_1082, %dma_wait3A_1083] : memref<10240x128xf32, #tpu.memory_space<vmem_shared>> -> memref<10240x128xf32, #tpu.memory_space<vmem_shared>>
        tpu.wait_indirect_dma semaphore(%run_scoped3A_1064 : memref<!tpu.dma_semaphore, #tpu.memory_space<semaphore_mem>>) src(%dma_wait3A_1078 : memref<128x128xf32, #tpu.memory_space<vmem>>) dst(%dma_wait3A_1084 : memref<10240x128xf32, #tpu.memory_space<vmem_shared>>)
        tpu.yield
      }) : () -> ()
      %add3A_1057 = arith.constant 2 : i32
      %add3A_1058 = arith.addi %add3A_1042, %add3A_1057 : i32
      %lt3A_1059 = arith.constant 16 : i32
      %lt3A_1060 = arith.cmpi slt, %add3A_1058, %lt3A_1059 : i32
      %convert_element_type3A_1061 = arith.extui %lt3A_1060 : i1 to i32
      %cond3A_1062 = arith.constant 0 : i32
      %cond3A_1063 = arith.cmpi ne, %convert_element_type3A_1061, %cond3A_1062 : i32
      scf.if %cond3A_1063 {
        %add3A_1064 = arith.constant 2 : i32
        %add3A_1065 = arith.addi %add3A_1042, %add3A_1064 : i32
        %dma_start3A_1066 = arith.constant 0 : i32
        %dma_start3A_1067 = arith.constant 1 : i32
        %dma_start3A_1068 = arith.constant 0 : i32
        %dma_start3A_1069 = arith.constant 0 : i32
        %dma_start3A_1070 = tpu.memref_slice %arg8[%dma_start3A_1067, %dma_start3A_1068, %dma_start3A_1069] : memref<2x128x128xf32, #tpu.memory_space<vmem>> -> memref<1x128x128xf32, #tpu.memory_space<vmem>>
        %dma_start3A_1071 = tpu.memref_squeeze %dma_start3A_1070 : memref<1x128x128xf32, #tpu.memory_space<vmem>> -> memref<128x128xf32, #tpu.memory_space<vmem>>
        %dma_start3A_1072 = arith.constant 0 : i32
        %dma_start3A_1073 = tpu.memref_slice %arg6[%dma_start3A_1066, %add3A_1065, %dma_start3A_1072] : memref<2x16x128xi32, #tpu.memory_space<vmem>> -> memref<1x1x128xi32, #tpu.memory_space<vmem>>
        %dma_start3A_1074 = tpu.memref_squeeze %dma_start3A_1073 : memref<1x1x128xi32, #tpu.memory_space<vmem>> -> memref<128xi32, #tpu.memory_space<vmem>>
        %dma_start3A_1075 = arith.constant 0 : i32
        %dma_start3A_1076 = arith.constant 0 : i32
        %dma_start3A_1077 = tpu.memref_slice %arg2[%dma_start3A_1075, %dma_start3A_1076] : memref<20480x128xf32, #tpu.memory_space<hbm>> -> memref<20480x128xf32, #tpu.memory_space<hbm>>
        tpu.enqueue_indirect_dma source(%dma_start3A_1077 : memref<20480x128xf32, #tpu.memory_space<hbm>>) target(%dma_start3A_1071 : memref<128x128xf32, #tpu.memory_space<vmem>>) offsets(%dma_start3A_1074 : memref<128xi32, #tpu.memory_space<vmem>>) semaphore(%arg11 : memref<!tpu.dma_semaphore, #tpu.memory_space<semaphore_mem>>)
      } else {
      }
    }
    %scan3A_536 = arith.constant 8 : i32
    %mul3A_537 = arith.constant 160 : i32
    %mul3A_538 = arith.muli %arg1, %mul3A_537 : i32
    %add3A_539 = arith.constant 80 : i32
    %add3A_540 = arith.addi %mul3A_538, %add3A_539 : i32
    %dma_wait3A_541 = arith.constant 1 : i32
    %dma_wait3A_542 = arith.constant 0 : i32
    %dma_wait3A_543 = arith.constant 0 : i32
    %dma_wait3A_544 = tpu.memref_slice %arg6[%dma_wait3A_541, %dma_wait3A_542, %dma_wait3A_543] : memref<2x16x128xi32, #tpu.memory_space<vmem>> -> memref<1x16x128xi32, #tpu.memory_space<vmem>>
    %dma_wait3A_545 = tpu.memref_squeeze %dma_wait3A_544 : memref<1x16x128xi32, #tpu.memory_space<vmem>> -> memref<16x128xi32, #tpu.memory_space<vmem>>
    %dma_wait3A_546 = arith.constant 0 : i32
    %dma_wait3A_547 = tpu.memref_slice %arg3[%arg0, %add3A_540, %dma_wait3A_546] : memref<2x2560x128xi32, #tpu.memory_space<hbm>> -> memref<1x16x128xi32, #tpu.memory_space<hbm>>
    %dma_wait3A_548 = tpu.memref_squeeze %dma_wait3A_547 : memref<1x16x128xi32, #tpu.memory_space<hbm>> -> memref<16x128xi32, #tpu.memory_space<hbm>>
    %dma_wait3A_549 = arith.constant 0 : i32
    %dma_wait3A_550 = arith.constant 0 : i32
    %dma_wait3A_551 = tpu.memref_slice %arg6[%dma_wait3A_541, %dma_wait3A_549, %dma_wait3A_550] : memref<2x16x128xi32, #tpu.memory_space<vmem>> -> memref<1x16x128xi32, #tpu.memory_space<vmem>>
    %dma_wait3A_552 = tpu.memref_squeeze %dma_wait3A_551 : memref<1x16x128xi32, #tpu.memory_space<vmem>> -> memref<16x128xi32, #tpu.memory_space<vmem>>
    %dma_wait3A_553 = arith.constant 0 : i32
    %dma_wait3A_554 = tpu.memref_slice %arg3[%arg0, %add3A_540, %dma_wait3A_553] : memref<2x2560x128xi32, #tpu.memory_space<hbm>> -> memref<1x16x128xi32, #tpu.memory_space<hbm>>
    %dma_wait3A_555 = tpu.memref_squeeze %dma_wait3A_554 : memref<1x16x128xi32, #tpu.memory_space<hbm>> -> memref<16x128xi32, #tpu.memory_space<hbm>>
    tpu.wait_dma2 semaphore(%arg12 : memref<!tpu.dma_semaphore, #tpu.memory_space<semaphore_mem>>) src(%dma_wait3A_555 : memref<16x128xi32, #tpu.memory_space<hbm>>) dst(%dma_wait3A_552 : memref<16x128xi32, #tpu.memory_space<vmem>>)
    %dma_wait3A_556 = arith.constant 1 : i32
    %dma_wait3A_557 = arith.constant 0 : i32
    %dma_wait3A_558 = arith.constant 0 : i32
    %dma_wait3A_559 = tpu.memref_slice %arg7[%dma_wait3A_556, %dma_wait3A_557, %dma_wait3A_558] : memref<2x16x128xi32, #tpu.memory_space<vmem>> -> memref<1x16x128xi32, #tpu.memory_space<vmem>>
    %dma_wait3A_560 = tpu.memref_squeeze %dma_wait3A_559 : memref<1x16x128xi32, #tpu.memory_space<vmem>> -> memref<16x128xi32, #tpu.memory_space<vmem>>
    %dma_wait3A_561 = arith.constant 0 : i32
    %dma_wait3A_562 = tpu.memref_slice %arg4[%add3A_540, %dma_wait3A_561] : memref<2560x128xi32, #tpu.memory_space<hbm>> -> memref<16x128xi32, #tpu.memory_space<hbm>>
    %dma_wait3A_563 = arith.constant 0 : i32
    %dma_wait3A_564 = arith.constant 0 : i32
    %dma_wait3A_565 = tpu.memref_slice %arg7[%dma_wait3A_556, %dma_wait3A_563, %dma_wait3A_564] : memref<2x16x128xi32, #tpu.memory_space<vmem>> -> memref<1x16x128xi32, #tpu.memory_space<vmem>>
    %dma_wait3A_566 = tpu.memref_squeeze %dma_wait3A_565 : memref<1x16x128xi32, #tpu.memory_space<vmem>> -> memref<16x128xi32, #tpu.memory_space<vmem>>
    %dma_wait3A_567 = arith.constant 0 : i32
    %dma_wait3A_568 = tpu.memref_slice %arg4[%add3A_540, %dma_wait3A_567] : memref<2560x128xi32, #tpu.memory_space<hbm>> -> memref<16x128xi32, #tpu.memory_space<hbm>>
    tpu.wait_dma2 semaphore(%arg12 : memref<!tpu.dma_semaphore, #tpu.memory_space<semaphore_mem>>) src(%dma_wait3A_568 : memref<16x128xi32, #tpu.memory_space<hbm>>) dst(%dma_wait3A_566 : memref<16x128xi32, #tpu.memory_space<vmem>>)
    %mul3A_569 = arith.constant 160 : i32
    %mul3A_570 = arith.muli %arg1, %mul3A_569 : i32
    %add3A_571 = arith.constant 96 : i32
    %add3A_572 = arith.addi %mul3A_570, %add3A_571 : i32
    %dma_start3A_573 = arith.constant 0 : i32
    %dma_start3A_574 = arith.constant 0 : i32
    %dma_start3A_575 = arith.constant 0 : i32
    %dma_start3A_576 = tpu.memref_slice %arg6[%dma_start3A_573, %dma_start3A_574, %dma_start3A_575] : memref<2x16x128xi32, #tpu.memory_space<vmem>> -> memref<1x16x128xi32, #tpu.memory_space<vmem>>
    %dma_start3A_577 = tpu.memref_squeeze %dma_start3A_576 : memref<1x16x128xi32, #tpu.memory_space<vmem>> -> memref<16x128xi32, #tpu.memory_space<vmem>>
    %dma_start3A_578 = arith.constant 0 : i32
    %dma_start3A_579 = tpu.memref_slice %arg3[%arg0, %add3A_572, %dma_start3A_578] : memref<2x2560x128xi32, #tpu.memory_space<hbm>> -> memref<1x16x128xi32, #tpu.memory_space<hbm>>
    %dma_start3A_580 = tpu.memref_squeeze %dma_start3A_579 : memref<1x16x128xi32, #tpu.memory_space<hbm>> -> memref<16x128xi32, #tpu.memory_space<hbm>>
    %dma_start3A_581 = arith.constant 0 : i32
    %dma_start3A_582 = arith.constant 0 : i32
    %dma_start3A_583 = tpu.memref_slice %arg6[%dma_start3A_573, %dma_start3A_581, %dma_start3A_582] : memref<2x16x128xi32, #tpu.memory_space<vmem>> -> memref<1x16x128xi32, #tpu.memory_space<vmem>>
    %dma_start3A_584 = tpu.memref_squeeze %dma_start3A_583 : memref<1x16x128xi32, #tpu.memory_space<vmem>> -> memref<16x128xi32, #tpu.memory_space<vmem>>
    %dma_start3A_585 = arith.constant 0 : i32
    %dma_start3A_586 = tpu.memref_slice %arg3[%arg0, %add3A_572, %dma_start3A_585] : memref<2x2560x128xi32, #tpu.memory_space<hbm>> -> memref<1x16x128xi32, #tpu.memory_space<hbm>>
    %dma_start3A_587 = tpu.memref_squeeze %dma_start3A_586 : memref<1x16x128xi32, #tpu.memory_space<hbm>> -> memref<16x128xi32, #tpu.memory_space<hbm>>
    tpu.enqueue_dma source(%dma_start3A_587 : memref<16x128xi32, #tpu.memory_space<hbm>>) target(%dma_start3A_584 : memref<16x128xi32, #tpu.memory_space<vmem>>) target_semaphore(%arg12 : memref<!tpu.dma_semaphore, #tpu.memory_space<semaphore_mem>>)
    %dma_start3A_588 = arith.constant 0 : i32
    %dma_start3A_589 = arith.constant 0 : i32
    %dma_start3A_590 = arith.constant 0 : i32
    %dma_start3A_591 = tpu.memref_slice %arg7[%dma_start3A_588, %dma_start3A_589, %dma_start3A_590] : memref<2x16x128xi32, #tpu.memory_space<vmem>> -> memref<1x16x128xi32, #tpu.memory_space<vmem>>
    %dma_start3A_592 = tpu.memref_squeeze %dma_start3A_591 : memref<1x16x128xi32, #tpu.memory_space<vmem>> -> memref<16x128xi32, #tpu.memory_space<vmem>>
    %dma_start3A_593 = arith.constant 0 : i32
    %dma_start3A_594 = tpu.memref_slice %arg4[%add3A_572, %dma_start3A_593] : memref<2560x128xi32, #tpu.memory_space<hbm>> -> memref<16x128xi32, #tpu.memory_space<hbm>>
    %dma_start3A_595 = arith.constant 0 : i32
    %dma_start3A_596 = arith.constant 0 : i32
    %dma_start3A_597 = tpu.memref_slice %arg7[%dma_start3A_588, %dma_start3A_595, %dma_start3A_596] : memref<2x16x128xi32, #tpu.memory_space<vmem>> -> memref<1x16x128xi32, #tpu.memory_space<vmem>>
    %dma_start3A_598 = tpu.memref_squeeze %dma_start3A_597 : memref<1x16x128xi32, #tpu.memory_space<vmem>> -> memref<16x128xi32, #tpu.memory_space<vmem>>
    %dma_start3A_599 = arith.constant 0 : i32
    %dma_start3A_600 = tpu.memref_slice %arg4[%add3A_572, %dma_start3A_599] : memref<2560x128xi32, #tpu.memory_space<hbm>> -> memref<16x128xi32, #tpu.memory_space<hbm>>
    tpu.enqueue_dma source(%dma_start3A_600 : memref<16x128xi32, #tpu.memory_space<hbm>>) target(%dma_start3A_598 : memref<16x128xi32, #tpu.memory_space<vmem>>) target_semaphore(%arg12 : memref<!tpu.dma_semaphore, #tpu.memory_space<semaphore_mem>>)
    %dma_start3A_601 = arith.constant 1 : i32
    %dma_start3A_602 = arith.constant 0 : i32
    %dma_start3A_603 = arith.constant 0 : i32
    %dma_start3A_604 = arith.constant 0 : i32
    %dma_start3A_605 = arith.constant 0 : i32
    %dma_start3A_606 = tpu.memref_slice %arg8[%dma_start3A_603, %dma_start3A_604, %dma_start3A_605] : memref<2x128x128xf32, #tpu.memory_space<vmem>> -> memref<1x128x128xf32, #tpu.memory_space<vmem>>
    %dma_start3A_607 = tpu.memref_squeeze %dma_start3A_606 : memref<1x128x128xf32, #tpu.memory_space<vmem>> -> memref<128x128xf32, #tpu.memory_space<vmem>>
    %dma_start3A_608 = arith.constant 0 : i32
    %dma_start3A_609 = tpu.memref_slice %arg6[%dma_start3A_601, %dma_start3A_602, %dma_start3A_608] : memref<2x16x128xi32, #tpu.memory_space<vmem>> -> memref<1x1x128xi32, #tpu.memory_space<vmem>>
    %dma_start3A_610 = tpu.memref_squeeze %dma_start3A_609 : memref<1x1x128xi32, #tpu.memory_space<vmem>> -> memref<128xi32, #tpu.memory_space<vmem>>
    %dma_start3A_611 = arith.constant 0 : i32
    %dma_start3A_612 = arith.constant 0 : i32
    %dma_start3A_613 = tpu.memref_slice %arg2[%dma_start3A_611, %dma_start3A_612] : memref<20480x128xf32, #tpu.memory_space<hbm>> -> memref<20480x128xf32, #tpu.memory_space<hbm>>
    tpu.enqueue_indirect_dma source(%dma_start3A_613 : memref<20480x128xf32, #tpu.memory_space<hbm>>) target(%dma_start3A_607 : memref<128x128xf32, #tpu.memory_space<vmem>>) offsets(%dma_start3A_610 : memref<128xi32, #tpu.memory_space<vmem>>) semaphore(%arg10 : memref<!tpu.dma_semaphore, #tpu.memory_space<semaphore_mem>>)
    %dma_start3A_614 = arith.constant 1 : i32
    %dma_start3A_615 = arith.constant 1 : i32
    %dma_start3A_616 = arith.constant 1 : i32
    %dma_start3A_617 = arith.constant 0 : i32
    %dma_start3A_618 = arith.constant 0 : i32
    %dma_start3A_619 = tpu.memref_slice %arg8[%dma_start3A_616, %dma_start3A_617, %dma_start3A_618] : memref<2x128x128xf32, #tpu.memory_space<vmem>> -> memref<1x128x128xf32, #tpu.memory_space<vmem>>
    %dma_start3A_620 = tpu.memref_squeeze %dma_start3A_619 : memref<1x128x128xf32, #tpu.memory_space<vmem>> -> memref<128x128xf32, #tpu.memory_space<vmem>>
    %dma_start3A_621 = arith.constant 0 : i32
    %dma_start3A_622 = tpu.memref_slice %arg6[%dma_start3A_614, %dma_start3A_615, %dma_start3A_621] : memref<2x16x128xi32, #tpu.memory_space<vmem>> -> memref<1x1x128xi32, #tpu.memory_space<vmem>>
    %dma_start3A_623 = tpu.memref_squeeze %dma_start3A_622 : memref<1x1x128xi32, #tpu.memory_space<vmem>> -> memref<128xi32, #tpu.memory_space<vmem>>
    %dma_start3A_624 = arith.constant 0 : i32
    %dma_start3A_625 = arith.constant 0 : i32
    %dma_start3A_626 = tpu.memref_slice %arg2[%dma_start3A_624, %dma_start3A_625] : memref<20480x128xf32, #tpu.memory_space<hbm>> -> memref<20480x128xf32, #tpu.memory_space<hbm>>
    tpu.enqueue_indirect_dma source(%dma_start3A_626 : memref<20480x128xf32, #tpu.memory_space<hbm>>) target(%dma_start3A_620 : memref<128x128xf32, #tpu.memory_space<vmem>>) offsets(%dma_start3A_623 : memref<128xi32, #tpu.memory_space<vmem>>) semaphore(%arg11 : memref<!tpu.dma_semaphore, #tpu.memory_space<semaphore_mem>>)
    %scan3A_627 = arith.constant 0 : i32
    %scan3A_628 = arith.constant 0 : i32
    %scan3A_629 = arith.constant 8 : i32
    %scan3A_630 = arith.addi %scan3A_628, %scan3A_629 : i32
    %scan3A_631 = arith.constant 1 : i32
    scf.for %scan3A_1016 = %scan3A_628 to %scan3A_630 step %scan3A_631  : i32 {
      %mul3A_1017 = arith.constant 2 : i32
      %mul3A_1018 = arith.muli %scan3A_1016, %mul3A_1017 : i32
      %add3A_1019 = arith.constant 0 : i32
      %add3A_1020 = arith.addi %mul3A_1018, %add3A_1019 : i32
      %dma_wait3A_1021 = arith.constant 1 : i32
      %dma_wait3A_1022 = arith.constant 0 : i32
      %dma_wait3A_1023 = arith.constant 0 : i32
      %dma_wait3A_1024 = arith.constant 0 : i32
      %dma_wait3A_1025 = tpu.memref_slice %arg8[%dma_wait3A_1022, %dma_wait3A_1023, %dma_wait3A_1024] : memref<2x128x128xf32, #tpu.memory_space<vmem>> -> memref<1x128x128xf32, #tpu.memory_space<vmem>>
      %dma_wait3A_1026 = tpu.memref_squeeze %dma_wait3A_1025 : memref<1x128x128xf32, #tpu.memory_space<vmem>> -> memref<128x128xf32, #tpu.memory_space<vmem>>
      %dma_wait3A_1027 = arith.constant 0 : i32
      %dma_wait3A_1028 = tpu.memref_slice %arg6[%dma_wait3A_1021, %add3A_1020, %dma_wait3A_1027] : memref<2x16x128xi32, #tpu.memory_space<vmem>> -> memref<1x1x128xi32, #tpu.memory_space<vmem>>
      %dma_wait3A_1029 = tpu.memref_squeeze %dma_wait3A_1028 : memref<1x1x128xi32, #tpu.memory_space<vmem>> -> memref<128xi32, #tpu.memory_space<vmem>>
      %dma_wait3A_1030 = arith.constant 0 : i32
      %dma_wait3A_1031 = arith.constant 0 : i32
      %dma_wait3A_1032 = tpu.memref_slice %arg2[%dma_wait3A_1030, %dma_wait3A_1031] : memref<20480x128xf32, #tpu.memory_space<hbm>> -> memref<20480x128xf32, #tpu.memory_space<hbm>>
      tpu.wait_indirect_dma semaphore(%arg10 : memref<!tpu.dma_semaphore, #tpu.memory_space<semaphore_mem>>) src(%dma_wait3A_1032 : memref<20480x128xf32, #tpu.memory_space<hbm>>) dst(%dma_wait3A_1026 : memref<128x128xf32, #tpu.memory_space<vmem>>)
      %run_scoped3A_1033 = arith.constant 0 : i32
      %run_scoped3A_1034 = arith.constant 1 : i32
      "tpu.region"() ({
        %run_scoped3A_1064 = tpu.sem_alloc : memref<!tpu.dma_semaphore, #tpu.memory_space<semaphore_mem>>
        %dma_start3A_1065 = arith.constant 0 : i32
        %dma_start3A_1066 = arith.constant 0 : i32
        %dma_start3A_1067 = tpu.memref_slice %arg8[%run_scoped3A_1033, %dma_start3A_1065, %dma_start3A_1066] : memref<2x128x128xf32, #tpu.memory_space<vmem>> -> memref<1x128x128xf32, #tpu.memory_space<vmem>>
        %dma_start3A_1068 = tpu.memref_squeeze %dma_start3A_1067 : memref<1x128x128xf32, #tpu.memory_space<vmem>> -> memref<128x128xf32, #tpu.memory_space<vmem>>
        %dma_start3A_1069 = arith.constant 0 : i32
        %dma_start3A_1070 = tpu.memref_slice %arg7[%run_scoped3A_1034, %add3A_1020, %dma_start3A_1069] : memref<2x16x128xi32, #tpu.memory_space<vmem>> -> memref<1x1x128xi32, #tpu.memory_space<vmem>>
        %dma_start3A_1071 = tpu.memref_squeeze %dma_start3A_1070 : memref<1x1x128xi32, #tpu.memory_space<vmem>> -> memref<128xi32, #tpu.memory_space<vmem>>
        %dma_start3A_1072 = arith.constant 0 : i32
        %dma_start3A_1073 = arith.constant 0 : i32
        %dma_start3A_1074 = tpu.memref_slice %arg9[%dma_start3A_1072, %dma_start3A_1073] : memref<10240x128xf32, #tpu.memory_space<vmem_shared>> -> memref<10240x128xf32, #tpu.memory_space<vmem_shared>>
        tpu.enqueue_indirect_dma source(%dma_start3A_1068 : memref<128x128xf32, #tpu.memory_space<vmem>>) target(%dma_start3A_1074 : memref<10240x128xf32, #tpu.memory_space<vmem_shared>>) offsets(%dma_start3A_1071 : memref<128xi32, #tpu.memory_space<vmem>>) semaphore(%run_scoped3A_1064 : memref<!tpu.dma_semaphore, #tpu.memory_space<semaphore_mem>>) {add = true}
        %dma_wait3A_1075 = arith.constant 0 : i32
        %dma_wait3A_1076 = arith.constant 0 : i32
        %dma_wait3A_1077 = tpu.memref_slice %arg8[%run_scoped3A_1033, %dma_wait3A_1075, %dma_wait3A_1076] : memref<2x128x128xf32, #tpu.memory_space<vmem>> -> memref<1x128x128xf32, #tpu.memory_space<vmem>>
        %dma_wait3A_1078 = tpu.memref_squeeze %dma_wait3A_1077 : memref<1x128x128xf32, #tpu.memory_space<vmem>> -> memref<128x128xf32, #tpu.memory_space<vmem>>
        %dma_wait3A_1079 = arith.constant 0 : i32
        %dma_wait3A_1080 = tpu.memref_slice %arg7[%run_scoped3A_1034, %add3A_1020, %dma_wait3A_1079] : memref<2x16x128xi32, #tpu.memory_space<vmem>> -> memref<1x1x128xi32, #tpu.memory_space<vmem>>
        %dma_wait3A_1081 = tpu.memref_squeeze %dma_wait3A_1080 : memref<1x1x128xi32, #tpu.memory_space<vmem>> -> memref<128xi32, #tpu.memory_space<vmem>>
        %dma_wait3A_1082 = arith.constant 0 : i32
        %dma_wait3A_1083 = arith.constant 0 : i32
        %dma_wait3A_1084 = tpu.memref_slice %arg9[%dma_wait3A_1082, %dma_wait3A_1083] : memref<10240x128xf32, #tpu.memory_space<vmem_shared>> -> memref<10240x128xf32, #tpu.memory_space<vmem_shared>>
        tpu.wait_indirect_dma semaphore(%run_scoped3A_1064 : memref<!tpu.dma_semaphore, #tpu.memory_space<semaphore_mem>>) src(%dma_wait3A_1078 : memref<128x128xf32, #tpu.memory_space<vmem>>) dst(%dma_wait3A_1084 : memref<10240x128xf32, #tpu.memory_space<vmem_shared>>)
        tpu.yield
      }) : () -> ()
      %add3A_1035 = arith.constant 2 : i32
      %add3A_1036 = arith.addi %add3A_1020, %add3A_1035 : i32
      %lt3A = arith.constant 16 : i32
      %lt3A_1037 = arith.cmpi slt, %add3A_1036, %lt3A : i32
      %convert_element_type3A = arith.extui %lt3A_1037 : i1 to i32
      %cond3A = arith.constant 0 : i32
      %cond3A_1038 = arith.cmpi ne, %convert_element_type3A, %cond3A : i32
      scf.if %cond3A_1038 {
        %add3A_1064 = arith.constant 2 : i32
        %add3A_1065 = arith.addi %add3A_1020, %add3A_1064 : i32
        %dma_start3A_1066 = arith.constant 1 : i32
        %dma_start3A_1067 = arith.constant 0 : i32
        %dma_start3A_1068 = arith.constant 0 : i32
        %dma_start3A_1069 = arith.constant 0 : i32
        %dma_start3A_1070 = tpu.memref_slice %arg8[%dma_start3A_1067, %dma_start3A_1068, %dma_start3A_1069] : memref<2x128x128xf32, #tpu.memory_space<vmem>> -> memref<1x128x128xf32, #tpu.memory_space<vmem>>
        %dma_start3A_1071 = tpu.memref_squeeze %dma_start3A_1070 : memref<1x128x128xf32, #tpu.memory_space<vmem>> -> memref<128x128xf32, #tpu.memory_space<vmem>>
        %dma_start3A_1072 = arith.constant 0 : i32
        %dma_start3A_1073 = tpu.memref_slice %arg6[%dma_start3A_1066, %add3A_1065, %dma_start3A_1072] : memref<2x16x128xi32, #tpu.memory_space<vmem>> -> memref<1x1x128xi32, #tpu.memory_space<vmem>>
        %dma_start3A_1074 = tpu.memref_squeeze %dma_start3A_1073 : memref<1x1x128xi32, #tpu.memory_space<vmem>> -> memref<128xi32, #tpu.memory_space<vmem>>
        %dma_start3A_1075 = arith.constant 0 : i32
        %dma_start3A_1076 = arith.constant 0 : i32
        %dma_start3A_1077 = tpu.memref_slice %arg2[%dma_start3A_1075, %dma_start3A_1076] : memref<20480x128xf32, #tpu.memory_space<hbm>> -> memref<20480x128xf32, #tpu.memory_space<hbm>>
        tpu.enqueue_indirect_dma source(%dma_start3A_1077 : memref<20480x128xf32, #tpu.memory_space<hbm>>) target(%dma_start3A_1071 : memref<128x128xf32, #tpu.memory_space<vmem>>) offsets(%dma_start3A_1074 : memref<128xi32, #tpu.memory_space<vmem>>) semaphore(%arg10 : memref<!tpu.dma_semaphore, #tpu.memory_space<semaphore_mem>>)
      } else {
      }
      %mul3A_1039 = arith.constant 2 : i32
      %mul3A_1040 = arith.muli %scan3A_1016, %mul3A_1039 : i32
      %add3A_1041 = arith.constant 1 : i32
      %add3A_1042 = arith.addi %mul3A_1040, %add3A_1041 : i32
      %dma_wait3A_1043 = arith.constant 1 : i32
      %dma_wait3A_1044 = arith.constant 1 : i32
      %dma_wait3A_1045 = arith.constant 0 : i32
      %dma_wait3A_1046 = arith.constant 0 : i32
      %dma_wait3A_1047 = tpu.memref_slice %arg8[%dma_wait3A_1044, %dma_wait3A_1045, %dma_wait3A_1046] : memref<2x128x128xf32, #tpu.memory_space<vmem>> -> memref<1x128x128xf32, #tpu.memory_space<vmem>>
      %dma_wait3A_1048 = tpu.memref_squeeze %dma_wait3A_1047 : memref<1x128x128xf32, #tpu.memory_space<vmem>> -> memref<128x128xf32, #tpu.memory_space<vmem>>
      %dma_wait3A_1049 = arith.constant 0 : i32
      %dma_wait3A_1050 = tpu.memref_slice %arg6[%dma_wait3A_1043, %add3A_1042, %dma_wait3A_1049] : memref<2x16x128xi32, #tpu.memory_space<vmem>> -> memref<1x1x128xi32, #tpu.memory_space<vmem>>
      %dma_wait3A_1051 = tpu.memref_squeeze %dma_wait3A_1050 : memref<1x1x128xi32, #tpu.memory_space<vmem>> -> memref<128xi32, #tpu.memory_space<vmem>>
      %dma_wait3A_1052 = arith.constant 0 : i32
      %dma_wait3A_1053 = arith.constant 0 : i32
      %dma_wait3A_1054 = tpu.memref_slice %arg2[%dma_wait3A_1052, %dma_wait3A_1053] : memref<20480x128xf32, #tpu.memory_space<hbm>> -> memref<20480x128xf32, #tpu.memory_space<hbm>>
      tpu.wait_indirect_dma semaphore(%arg11 : memref<!tpu.dma_semaphore, #tpu.memory_space<semaphore_mem>>) src(%dma_wait3A_1054 : memref<20480x128xf32, #tpu.memory_space<hbm>>) dst(%dma_wait3A_1048 : memref<128x128xf32, #tpu.memory_space<vmem>>)
      %run_scoped3A_1055 = arith.constant 1 : i32
      %run_scoped3A_1056 = arith.constant 1 : i32
      "tpu.region"() ({
        %run_scoped3A_1064 = tpu.sem_alloc : memref<!tpu.dma_semaphore, #tpu.memory_space<semaphore_mem>>
        %dma_start3A_1065 = arith.constant 0 : i32
        %dma_start3A_1066 = arith.constant 0 : i32
        %dma_start3A_1067 = tpu.memref_slice %arg8[%run_scoped3A_1055, %dma_start3A_1065, %dma_start3A_1066] : memref<2x128x128xf32, #tpu.memory_space<vmem>> -> memref<1x128x128xf32, #tpu.memory_space<vmem>>
        %dma_start3A_1068 = tpu.memref_squeeze %dma_start3A_1067 : memref<1x128x128xf32, #tpu.memory_space<vmem>> -> memref<128x128xf32, #tpu.memory_space<vmem>>
        %dma_start3A_1069 = arith.constant 0 : i32
        %dma_start3A_1070 = tpu.memref_slice %arg7[%run_scoped3A_1056, %add3A_1042, %dma_start3A_1069] : memref<2x16x128xi32, #tpu.memory_space<vmem>> -> memref<1x1x128xi32, #tpu.memory_space<vmem>>
        %dma_start3A_1071 = tpu.memref_squeeze %dma_start3A_1070 : memref<1x1x128xi32, #tpu.memory_space<vmem>> -> memref<128xi32, #tpu.memory_space<vmem>>
        %dma_start3A_1072 = arith.constant 0 : i32
        %dma_start3A_1073 = arith.constant 0 : i32
        %dma_start3A_1074 = tpu.memref_slice %arg9[%dma_start3A_1072, %dma_start3A_1073] : memref<10240x128xf32, #tpu.memory_space<vmem_shared>> -> memref<10240x128xf32, #tpu.memory_space<vmem_shared>>
        tpu.enqueue_indirect_dma source(%dma_start3A_1068 : memref<128x128xf32, #tpu.memory_space<vmem>>) target(%dma_start3A_1074 : memref<10240x128xf32, #tpu.memory_space<vmem_shared>>) offsets(%dma_start3A_1071 : memref<128xi32, #tpu.memory_space<vmem>>) semaphore(%run_scoped3A_1064 : memref<!tpu.dma_semaphore, #tpu.memory_space<semaphore_mem>>) {add = true}
        %dma_wait3A_1075 = arith.constant 0 : i32
        %dma_wait3A_1076 = arith.constant 0 : i32
        %dma_wait3A_1077 = tpu.memref_slice %arg8[%run_scoped3A_1055, %dma_wait3A_1075, %dma_wait3A_1076] : memref<2x128x128xf32, #tpu.memory_space<vmem>> -> memref<1x128x128xf32, #tpu.memory_space<vmem>>
        %dma_wait3A_1078 = tpu.memref_squeeze %dma_wait3A_1077 : memref<1x128x128xf32, #tpu.memory_space<vmem>> -> memref<128x128xf32, #tpu.memory_space<vmem>>
        %dma_wait3A_1079 = arith.constant 0 : i32
        %dma_wait3A_1080 = tpu.memref_slice %arg7[%run_scoped3A_1056, %add3A_1042, %dma_wait3A_1079] : memref<2x16x128xi32, #tpu.memory_space<vmem>> -> memref<1x1x128xi32, #tpu.memory_space<vmem>>
        %dma_wait3A_1081 = tpu.memref_squeeze %dma_wait3A_1080 : memref<1x1x128xi32, #tpu.memory_space<vmem>> -> memref<128xi32, #tpu.memory_space<vmem>>
        %dma_wait3A_1082 = arith.constant 0 : i32
        %dma_wait3A_1083 = arith.constant 0 : i32
        %dma_wait3A_1084 = tpu.memref_slice %arg9[%dma_wait3A_1082, %dma_wait3A_1083] : memref<10240x128xf32, #tpu.memory_space<vmem_shared>> -> memref<10240x128xf32, #tpu.memory_space<vmem_shared>>
        tpu.wait_indirect_dma semaphore(%run_scoped3A_1064 : memref<!tpu.dma_semaphore, #tpu.memory_space<semaphore_mem>>) src(%dma_wait3A_1078 : memref<128x128xf32, #tpu.memory_space<vmem>>) dst(%dma_wait3A_1084 : memref<10240x128xf32, #tpu.memory_space<vmem_shared>>)
        tpu.yield
      }) : () -> ()
      %add3A_1057 = arith.constant 2 : i32
      %add3A_1058 = arith.addi %add3A_1042, %add3A_1057 : i32
      %lt3A_1059 = arith.constant 16 : i32
      %lt3A_1060 = arith.cmpi slt, %add3A_1058, %lt3A_1059 : i32
      %convert_element_type3A_1061 = arith.extui %lt3A_1060 : i1 to i32
      %cond3A_1062 = arith.constant 0 : i32
      %cond3A_1063 = arith.cmpi ne, %convert_element_type3A_1061, %cond3A_1062 : i32
      scf.if %cond3A_1063 {
        %add3A_1064 = arith.constant 2 : i32
        %add3A_1065 = arith.addi %add3A_1042, %add3A_1064 : i32
        %dma_start3A_1066 = arith.constant 1 : i32
        %dma_start3A_1067 = arith.constant 1 : i32
        %dma_start3A_1068 = arith.constant 0 : i32
        %dma_start3A_1069 = arith.constant 0 : i32
        %dma_start3A_1070 = tpu.memref_slice %arg8[%dma_start3A_1067, %dma_start3A_1068, %dma_start3A_1069] : memref<2x128x128xf32, #tpu.memory_space<vmem>> -> memref<1x128x128xf32, #tpu.memory_space<vmem>>
        %dma_start3A_1071 = tpu.memref_squeeze %dma_start3A_1070 : memref<1x128x128xf32, #tpu.memory_space<vmem>> -> memref<128x128xf32, #tpu.memory_space<vmem>>
        %dma_start3A_1072 = arith.constant 0 : i32
        %dma_start3A_1073 = tpu.memref_slice %arg6[%dma_start3A_1066, %add3A_1065, %dma_start3A_1072] : memref<2x16x128xi32, #tpu.memory_space<vmem>> -> memref<1x1x128xi32, #tpu.memory_space<vmem>>
        %dma_start3A_1074 = tpu.memref_squeeze %dma_start3A_1073 : memref<1x1x128xi32, #tpu.memory_space<vmem>> -> memref<128xi32, #tpu.memory_space<vmem>>
        %dma_start3A_1075 = arith.constant 0 : i32
        %dma_start3A_1076 = arith.constant 0 : i32
        %dma_start3A_1077 = tpu.memref_slice %arg2[%dma_start3A_1075, %dma_start3A_1076] : memref<20480x128xf32, #tpu.memory_space<hbm>> -> memref<20480x128xf32, #tpu.memory_space<hbm>>
        tpu.enqueue_indirect_dma source(%dma_start3A_1077 : memref<20480x128xf32, #tpu.memory_space<hbm>>) target(%dma_start3A_1071 : memref<128x128xf32, #tpu.memory_space<vmem>>) offsets(%dma_start3A_1074 : memref<128xi32, #tpu.memory_space<vmem>>) semaphore(%arg11 : memref<!tpu.dma_semaphore, #tpu.memory_space<semaphore_mem>>)
      } else {
      }
    }
    %scan3A_632 = arith.constant 8 : i32
    %mul3A_633 = arith.constant 160 : i32
    %mul3A_634 = arith.muli %arg1, %mul3A_633 : i32
    %add3A_635 = arith.constant 96 : i32
    %add3A_636 = arith.addi %mul3A_634, %add3A_635 : i32
    %dma_wait3A_637 = arith.constant 0 : i32
    %dma_wait3A_638 = arith.constant 0 : i32
    %dma_wait3A_639 = arith.constant 0 : i32
    %dma_wait3A_640 = tpu.memref_slice %arg6[%dma_wait3A_637, %dma_wait3A_638, %dma_wait3A_639] : memref<2x16x128xi32, #tpu.memory_space<vmem>> -> memref<1x16x128xi32, #tpu.memory_space<vmem>>
    %dma_wait3A_641 = tpu.memref_squeeze %dma_wait3A_640 : memref<1x16x128xi32, #tpu.memory_space<vmem>> -> memref<16x128xi32, #tpu.memory_space<vmem>>
    %dma_wait3A_642 = arith.constant 0 : i32
    %dma_wait3A_643 = tpu.memref_slice %arg3[%arg0, %add3A_636, %dma_wait3A_642] : memref<2x2560x128xi32, #tpu.memory_space<hbm>> -> memref<1x16x128xi32, #tpu.memory_space<hbm>>
    %dma_wait3A_644 = tpu.memref_squeeze %dma_wait3A_643 : memref<1x16x128xi32, #tpu.memory_space<hbm>> -> memref<16x128xi32, #tpu.memory_space<hbm>>
    %dma_wait3A_645 = arith.constant 0 : i32
    %dma_wait3A_646 = arith.constant 0 : i32
    %dma_wait3A_647 = tpu.memref_slice %arg6[%dma_wait3A_637, %dma_wait3A_645, %dma_wait3A_646] : memref<2x16x128xi32, #tpu.memory_space<vmem>> -> memref<1x16x128xi32, #tpu.memory_space<vmem>>
    %dma_wait3A_648 = tpu.memref_squeeze %dma_wait3A_647 : memref<1x16x128xi32, #tpu.memory_space<vmem>> -> memref<16x128xi32, #tpu.memory_space<vmem>>
    %dma_wait3A_649 = arith.constant 0 : i32
    %dma_wait3A_650 = tpu.memref_slice %arg3[%arg0, %add3A_636, %dma_wait3A_649] : memref<2x2560x128xi32, #tpu.memory_space<hbm>> -> memref<1x16x128xi32, #tpu.memory_space<hbm>>
    %dma_wait3A_651 = tpu.memref_squeeze %dma_wait3A_650 : memref<1x16x128xi32, #tpu.memory_space<hbm>> -> memref<16x128xi32, #tpu.memory_space<hbm>>
    tpu.wait_dma2 semaphore(%arg12 : memref<!tpu.dma_semaphore, #tpu.memory_space<semaphore_mem>>) src(%dma_wait3A_651 : memref<16x128xi32, #tpu.memory_space<hbm>>) dst(%dma_wait3A_648 : memref<16x128xi32, #tpu.memory_space<vmem>>)
    %dma_wait3A_652 = arith.constant 0 : i32
    %dma_wait3A_653 = arith.constant 0 : i32
    %dma_wait3A_654 = arith.constant 0 : i32
    %dma_wait3A_655 = tpu.memref_slice %arg7[%dma_wait3A_652, %dma_wait3A_653, %dma_wait3A_654] : memref<2x16x128xi32, #tpu.memory_space<vmem>> -> memref<1x16x128xi32, #tpu.memory_space<vmem>>
    %dma_wait3A_656 = tpu.memref_squeeze %dma_wait3A_655 : memref<1x16x128xi32, #tpu.memory_space<vmem>> -> memref<16x128xi32, #tpu.memory_space<vmem>>
    %dma_wait3A_657 = arith.constant 0 : i32
    %dma_wait3A_658 = tpu.memref_slice %arg4[%add3A_636, %dma_wait3A_657] : memref<2560x128xi32, #tpu.memory_space<hbm>> -> memref<16x128xi32, #tpu.memory_space<hbm>>
    %dma_wait3A_659 = arith.constant 0 : i32
    %dma_wait3A_660 = arith.constant 0 : i32
    %dma_wait3A_661 = tpu.memref_slice %arg7[%dma_wait3A_652, %dma_wait3A_659, %dma_wait3A_660] : memref<2x16x128xi32, #tpu.memory_space<vmem>> -> memref<1x16x128xi32, #tpu.memory_space<vmem>>
    %dma_wait3A_662 = tpu.memref_squeeze %dma_wait3A_661 : memref<1x16x128xi32, #tpu.memory_space<vmem>> -> memref<16x128xi32, #tpu.memory_space<vmem>>
    %dma_wait3A_663 = arith.constant 0 : i32
    %dma_wait3A_664 = tpu.memref_slice %arg4[%add3A_636, %dma_wait3A_663] : memref<2560x128xi32, #tpu.memory_space<hbm>> -> memref<16x128xi32, #tpu.memory_space<hbm>>
    tpu.wait_dma2 semaphore(%arg12 : memref<!tpu.dma_semaphore, #tpu.memory_space<semaphore_mem>>) src(%dma_wait3A_664 : memref<16x128xi32, #tpu.memory_space<hbm>>) dst(%dma_wait3A_662 : memref<16x128xi32, #tpu.memory_space<vmem>>)
    %mul3A_665 = arith.constant 160 : i32
    %mul3A_666 = arith.muli %arg1, %mul3A_665 : i32
    %add3A_667 = arith.constant 112 : i32
    %add3A_668 = arith.addi %mul3A_666, %add3A_667 : i32
    %dma_start3A_669 = arith.constant 1 : i32
    %dma_start3A_670 = arith.constant 0 : i32
    %dma_start3A_671 = arith.constant 0 : i32
    %dma_start3A_672 = tpu.memref_slice %arg6[%dma_start3A_669, %dma_start3A_670, %dma_start3A_671] : memref<2x16x128xi32, #tpu.memory_space<vmem>> -> memref<1x16x128xi32, #tpu.memory_space<vmem>>
    %dma_start3A_673 = tpu.memref_squeeze %dma_start3A_672 : memref<1x16x128xi32, #tpu.memory_space<vmem>> -> memref<16x128xi32, #tpu.memory_space<vmem>>
    %dma_start3A_674 = arith.constant 0 : i32
    %dma_start3A_675 = tpu.memref_slice %arg3[%arg0, %add3A_668, %dma_start3A_674] : memref<2x2560x128xi32, #tpu.memory_space<hbm>> -> memref<1x16x128xi32, #tpu.memory_space<hbm>>
    %dma_start3A_676 = tpu.memref_squeeze %dma_start3A_675 : memref<1x16x128xi32, #tpu.memory_space<hbm>> -> memref<16x128xi32, #tpu.memory_space<hbm>>
    %dma_start3A_677 = arith.constant 0 : i32
    %dma_start3A_678 = arith.constant 0 : i32
    %dma_start3A_679 = tpu.memref_slice %arg6[%dma_start3A_669, %dma_start3A_677, %dma_start3A_678] : memref<2x16x128xi32, #tpu.memory_space<vmem>> -> memref<1x16x128xi32, #tpu.memory_space<vmem>>
    %dma_start3A_680 = tpu.memref_squeeze %dma_start3A_679 : memref<1x16x128xi32, #tpu.memory_space<vmem>> -> memref<16x128xi32, #tpu.memory_space<vmem>>
    %dma_start3A_681 = arith.constant 0 : i32
    %dma_start3A_682 = tpu.memref_slice %arg3[%arg0, %add3A_668, %dma_start3A_681] : memref<2x2560x128xi32, #tpu.memory_space<hbm>> -> memref<1x16x128xi32, #tpu.memory_space<hbm>>
    %dma_start3A_683 = tpu.memref_squeeze %dma_start3A_682 : memref<1x16x128xi32, #tpu.memory_space<hbm>> -> memref<16x128xi32, #tpu.memory_space<hbm>>
    tpu.enqueue_dma source(%dma_start3A_683 : memref<16x128xi32, #tpu.memory_space<hbm>>) target(%dma_start3A_680 : memref<16x128xi32, #tpu.memory_space<vmem>>) target_semaphore(%arg12 : memref<!tpu.dma_semaphore, #tpu.memory_space<semaphore_mem>>)
    %dma_start3A_684 = arith.constant 1 : i32
    %dma_start3A_685 = arith.constant 0 : i32
    %dma_start3A_686 = arith.constant 0 : i32
    %dma_start3A_687 = tpu.memref_slice %arg7[%dma_start3A_684, %dma_start3A_685, %dma_start3A_686] : memref<2x16x128xi32, #tpu.memory_space<vmem>> -> memref<1x16x128xi32, #tpu.memory_space<vmem>>
    %dma_start3A_688 = tpu.memref_squeeze %dma_start3A_687 : memref<1x16x128xi32, #tpu.memory_space<vmem>> -> memref<16x128xi32, #tpu.memory_space<vmem>>
    %dma_start3A_689 = arith.constant 0 : i32
    %dma_start3A_690 = tpu.memref_slice %arg4[%add3A_668, %dma_start3A_689] : memref<2560x128xi32, #tpu.memory_space<hbm>> -> memref<16x128xi32, #tpu.memory_space<hbm>>
    %dma_start3A_691 = arith.constant 0 : i32
    %dma_start3A_692 = arith.constant 0 : i32
    %dma_start3A_693 = tpu.memref_slice %arg7[%dma_start3A_684, %dma_start3A_691, %dma_start3A_692] : memref<2x16x128xi32, #tpu.memory_space<vmem>> -> memref<1x16x128xi32, #tpu.memory_space<vmem>>
    %dma_start3A_694 = tpu.memref_squeeze %dma_start3A_693 : memref<1x16x128xi32, #tpu.memory_space<vmem>> -> memref<16x128xi32, #tpu.memory_space<vmem>>
    %dma_start3A_695 = arith.constant 0 : i32
    %dma_start3A_696 = tpu.memref_slice %arg4[%add3A_668, %dma_start3A_695] : memref<2560x128xi32, #tpu.memory_space<hbm>> -> memref<16x128xi32, #tpu.memory_space<hbm>>
    tpu.enqueue_dma source(%dma_start3A_696 : memref<16x128xi32, #tpu.memory_space<hbm>>) target(%dma_start3A_694 : memref<16x128xi32, #tpu.memory_space<vmem>>) target_semaphore(%arg12 : memref<!tpu.dma_semaphore, #tpu.memory_space<semaphore_mem>>)
    %dma_start3A_697 = arith.constant 0 : i32
    %dma_start3A_698 = arith.constant 0 : i32
    %dma_start3A_699 = arith.constant 0 : i32
    %dma_start3A_700 = arith.constant 0 : i32
    %dma_start3A_701 = arith.constant 0 : i32
    %dma_start3A_702 = tpu.memref_slice %arg8[%dma_start3A_699, %dma_start3A_700, %dma_start3A_701] : memref<2x128x128xf32, #tpu.memory_space<vmem>> -> memref<1x128x128xf32, #tpu.memory_space<vmem>>
    %dma_start3A_703 = tpu.memref_squeeze %dma_start3A_702 : memref<1x128x128xf32, #tpu.memory_space<vmem>> -> memref<128x128xf32, #tpu.memory_space<vmem>>
    %dma_start3A_704 = arith.constant 0 : i32
    %dma_start3A_705 = tpu.memref_slice %arg6[%dma_start3A_697, %dma_start3A_698, %dma_start3A_704] : memref<2x16x128xi32, #tpu.memory_space<vmem>> -> memref<1x1x128xi32, #tpu.memory_space<vmem>>
    %dma_start3A_706 = tpu.memref_squeeze %dma_start3A_705 : memref<1x1x128xi32, #tpu.memory_space<vmem>> -> memref<128xi32, #tpu.memory_space<vmem>>
    %dma_start3A_707 = arith.constant 0 : i32
    %dma_start3A_708 = arith.constant 0 : i32
    %dma_start3A_709 = tpu.memref_slice %arg2[%dma_start3A_707, %dma_start3A_708] : memref<20480x128xf32, #tpu.memory_space<hbm>> -> memref<20480x128xf32, #tpu.memory_space<hbm>>
    tpu.enqueue_indirect_dma source(%dma_start3A_709 : memref<20480x128xf32, #tpu.memory_space<hbm>>) target(%dma_start3A_703 : memref<128x128xf32, #tpu.memory_space<vmem>>) offsets(%dma_start3A_706 : memref<128xi32, #tpu.memory_space<vmem>>) semaphore(%arg10 : memref<!tpu.dma_semaphore, #tpu.memory_space<semaphore_mem>>)
    %dma_start3A_710 = arith.constant 0 : i32
    %dma_start3A_711 = arith.constant 1 : i32
    %dma_start3A_712 = arith.constant 1 : i32
    %dma_start3A_713 = arith.constant 0 : i32
    %dma_start3A_714 = arith.constant 0 : i32
    %dma_start3A_715 = tpu.memref_slice %arg8[%dma_start3A_712, %dma_start3A_713, %dma_start3A_714] : memref<2x128x128xf32, #tpu.memory_space<vmem>> -> memref<1x128x128xf32, #tpu.memory_space<vmem>>
    %dma_start3A_716 = tpu.memref_squeeze %dma_start3A_715 : memref<1x128x128xf32, #tpu.memory_space<vmem>> -> memref<128x128xf32, #tpu.memory_space<vmem>>
    %dma_start3A_717 = arith.constant 0 : i32
    %dma_start3A_718 = tpu.memref_slice %arg6[%dma_start3A_710, %dma_start3A_711, %dma_start3A_717] : memref<2x16x128xi32, #tpu.memory_space<vmem>> -> memref<1x1x128xi32, #tpu.memory_space<vmem>>
    %dma_start3A_719 = tpu.memref_squeeze %dma_start3A_718 : memref<1x1x128xi32, #tpu.memory_space<vmem>> -> memref<128xi32, #tpu.memory_space<vmem>>
    %dma_start3A_720 = arith.constant 0 : i32
    %dma_start3A_721 = arith.constant 0 : i32
    %dma_start3A_722 = tpu.memref_slice %arg2[%dma_start3A_720, %dma_start3A_721] : memref<20480x128xf32, #tpu.memory_space<hbm>> -> memref<20480x128xf32, #tpu.memory_space<hbm>>
    tpu.enqueue_indirect_dma source(%dma_start3A_722 : memref<20480x128xf32, #tpu.memory_space<hbm>>) target(%dma_start3A_716 : memref<128x128xf32, #tpu.memory_space<vmem>>) offsets(%dma_start3A_719 : memref<128xi32, #tpu.memory_space<vmem>>) semaphore(%arg11 : memref<!tpu.dma_semaphore, #tpu.memory_space<semaphore_mem>>)
    %scan3A_723 = arith.constant 0 : i32
    %scan3A_724 = arith.constant 0 : i32
    %scan3A_725 = arith.constant 8 : i32
    %scan3A_726 = arith.addi %scan3A_724, %scan3A_725 : i32
    %scan3A_727 = arith.constant 1 : i32
    scf.for %scan3A_1016 = %scan3A_724 to %scan3A_726 step %scan3A_727  : i32 {
      %mul3A_1017 = arith.constant 2 : i32
      %mul3A_1018 = arith.muli %scan3A_1016, %mul3A_1017 : i32
      %add3A_1019 = arith.constant 0 : i32
      %add3A_1020 = arith.addi %mul3A_1018, %add3A_1019 : i32
      %dma_wait3A_1021 = arith.constant 0 : i32
      %dma_wait3A_1022 = arith.constant 0 : i32
      %dma_wait3A_1023 = arith.constant 0 : i32
      %dma_wait3A_1024 = arith.constant 0 : i32
      %dma_wait3A_1025 = tpu.memref_slice %arg8[%dma_wait3A_1022, %dma_wait3A_1023, %dma_wait3A_1024] : memref<2x128x128xf32, #tpu.memory_space<vmem>> -> memref<1x128x128xf32, #tpu.memory_space<vmem>>
      %dma_wait3A_1026 = tpu.memref_squeeze %dma_wait3A_1025 : memref<1x128x128xf32, #tpu.memory_space<vmem>> -> memref<128x128xf32, #tpu.memory_space<vmem>>
      %dma_wait3A_1027 = arith.constant 0 : i32
      %dma_wait3A_1028 = tpu.memref_slice %arg6[%dma_wait3A_1021, %add3A_1020, %dma_wait3A_1027] : memref<2x16x128xi32, #tpu.memory_space<vmem>> -> memref<1x1x128xi32, #tpu.memory_space<vmem>>
      %dma_wait3A_1029 = tpu.memref_squeeze %dma_wait3A_1028 : memref<1x1x128xi32, #tpu.memory_space<vmem>> -> memref<128xi32, #tpu.memory_space<vmem>>
      %dma_wait3A_1030 = arith.constant 0 : i32
      %dma_wait3A_1031 = arith.constant 0 : i32
      %dma_wait3A_1032 = tpu.memref_slice %arg2[%dma_wait3A_1030, %dma_wait3A_1031] : memref<20480x128xf32, #tpu.memory_space<hbm>> -> memref<20480x128xf32, #tpu.memory_space<hbm>>
      tpu.wait_indirect_dma semaphore(%arg10 : memref<!tpu.dma_semaphore, #tpu.memory_space<semaphore_mem>>) src(%dma_wait3A_1032 : memref<20480x128xf32, #tpu.memory_space<hbm>>) dst(%dma_wait3A_1026 : memref<128x128xf32, #tpu.memory_space<vmem>>)
      %run_scoped3A_1033 = arith.constant 0 : i32
      %run_scoped3A_1034 = arith.constant 0 : i32
      "tpu.region"() ({
        %run_scoped3A_1064 = tpu.sem_alloc : memref<!tpu.dma_semaphore, #tpu.memory_space<semaphore_mem>>
        %dma_start3A_1065 = arith.constant 0 : i32
        %dma_start3A_1066 = arith.constant 0 : i32
        %dma_start3A_1067 = tpu.memref_slice %arg8[%run_scoped3A_1033, %dma_start3A_1065, %dma_start3A_1066] : memref<2x128x128xf32, #tpu.memory_space<vmem>> -> memref<1x128x128xf32, #tpu.memory_space<vmem>>
        %dma_start3A_1068 = tpu.memref_squeeze %dma_start3A_1067 : memref<1x128x128xf32, #tpu.memory_space<vmem>> -> memref<128x128xf32, #tpu.memory_space<vmem>>
        %dma_start3A_1069 = arith.constant 0 : i32
        %dma_start3A_1070 = tpu.memref_slice %arg7[%run_scoped3A_1034, %add3A_1020, %dma_start3A_1069] : memref<2x16x128xi32, #tpu.memory_space<vmem>> -> memref<1x1x128xi32, #tpu.memory_space<vmem>>
        %dma_start3A_1071 = tpu.memref_squeeze %dma_start3A_1070 : memref<1x1x128xi32, #tpu.memory_space<vmem>> -> memref<128xi32, #tpu.memory_space<vmem>>
        %dma_start3A_1072 = arith.constant 0 : i32
        %dma_start3A_1073 = arith.constant 0 : i32
        %dma_start3A_1074 = tpu.memref_slice %arg9[%dma_start3A_1072, %dma_start3A_1073] : memref<10240x128xf32, #tpu.memory_space<vmem_shared>> -> memref<10240x128xf32, #tpu.memory_space<vmem_shared>>
        tpu.enqueue_indirect_dma source(%dma_start3A_1068 : memref<128x128xf32, #tpu.memory_space<vmem>>) target(%dma_start3A_1074 : memref<10240x128xf32, #tpu.memory_space<vmem_shared>>) offsets(%dma_start3A_1071 : memref<128xi32, #tpu.memory_space<vmem>>) semaphore(%run_scoped3A_1064 : memref<!tpu.dma_semaphore, #tpu.memory_space<semaphore_mem>>) {add = true}
        %dma_wait3A_1075 = arith.constant 0 : i32
        %dma_wait3A_1076 = arith.constant 0 : i32
        %dma_wait3A_1077 = tpu.memref_slice %arg8[%run_scoped3A_1033, %dma_wait3A_1075, %dma_wait3A_1076] : memref<2x128x128xf32, #tpu.memory_space<vmem>> -> memref<1x128x128xf32, #tpu.memory_space<vmem>>
        %dma_wait3A_1078 = tpu.memref_squeeze %dma_wait3A_1077 : memref<1x128x128xf32, #tpu.memory_space<vmem>> -> memref<128x128xf32, #tpu.memory_space<vmem>>
        %dma_wait3A_1079 = arith.constant 0 : i32
        %dma_wait3A_1080 = tpu.memref_slice %arg7[%run_scoped3A_1034, %add3A_1020, %dma_wait3A_1079] : memref<2x16x128xi32, #tpu.memory_space<vmem>> -> memref<1x1x128xi32, #tpu.memory_space<vmem>>
        %dma_wait3A_1081 = tpu.memref_squeeze %dma_wait3A_1080 : memref<1x1x128xi32, #tpu.memory_space<vmem>> -> memref<128xi32, #tpu.memory_space<vmem>>
        %dma_wait3A_1082 = arith.constant 0 : i32
        %dma_wait3A_1083 = arith.constant 0 : i32
        %dma_wait3A_1084 = tpu.memref_slice %arg9[%dma_wait3A_1082, %dma_wait3A_1083] : memref<10240x128xf32, #tpu.memory_space<vmem_shared>> -> memref<10240x128xf32, #tpu.memory_space<vmem_shared>>
        tpu.wait_indirect_dma semaphore(%run_scoped3A_1064 : memref<!tpu.dma_semaphore, #tpu.memory_space<semaphore_mem>>) src(%dma_wait3A_1078 : memref<128x128xf32, #tpu.memory_space<vmem>>) dst(%dma_wait3A_1084 : memref<10240x128xf32, #tpu.memory_space<vmem_shared>>)
        tpu.yield
      }) : () -> ()
      %add3A_1035 = arith.constant 2 : i32
      %add3A_1036 = arith.addi %add3A_1020, %add3A_1035 : i32
      %lt3A = arith.constant 16 : i32
      %lt3A_1037 = arith.cmpi slt, %add3A_1036, %lt3A : i32
      %convert_element_type3A = arith.extui %lt3A_1037 : i1 to i32
      %cond3A = arith.constant 0 : i32
      %cond3A_1038 = arith.cmpi ne, %convert_element_type3A, %cond3A : i32
      scf.if %cond3A_1038 {
        %add3A_1064 = arith.constant 2 : i32
        %add3A_1065 = arith.addi %add3A_1020, %add3A_1064 : i32
        %dma_start3A_1066 = arith.constant 0 : i32
        %dma_start3A_1067 = arith.constant 0 : i32
        %dma_start3A_1068 = arith.constant 0 : i32
        %dma_start3A_1069 = arith.constant 0 : i32
        %dma_start3A_1070 = tpu.memref_slice %arg8[%dma_start3A_1067, %dma_start3A_1068, %dma_start3A_1069] : memref<2x128x128xf32, #tpu.memory_space<vmem>> -> memref<1x128x128xf32, #tpu.memory_space<vmem>>
        %dma_start3A_1071 = tpu.memref_squeeze %dma_start3A_1070 : memref<1x128x128xf32, #tpu.memory_space<vmem>> -> memref<128x128xf32, #tpu.memory_space<vmem>>
        %dma_start3A_1072 = arith.constant 0 : i32
        %dma_start3A_1073 = tpu.memref_slice %arg6[%dma_start3A_1066, %add3A_1065, %dma_start3A_1072] : memref<2x16x128xi32, #tpu.memory_space<vmem>> -> memref<1x1x128xi32, #tpu.memory_space<vmem>>
        %dma_start3A_1074 = tpu.memref_squeeze %dma_start3A_1073 : memref<1x1x128xi32, #tpu.memory_space<vmem>> -> memref<128xi32, #tpu.memory_space<vmem>>
        %dma_start3A_1075 = arith.constant 0 : i32
        %dma_start3A_1076 = arith.constant 0 : i32
        %dma_start3A_1077 = tpu.memref_slice %arg2[%dma_start3A_1075, %dma_start3A_1076] : memref<20480x128xf32, #tpu.memory_space<hbm>> -> memref<20480x128xf32, #tpu.memory_space<hbm>>
        tpu.enqueue_indirect_dma source(%dma_start3A_1077 : memref<20480x128xf32, #tpu.memory_space<hbm>>) target(%dma_start3A_1071 : memref<128x128xf32, #tpu.memory_space<vmem>>) offsets(%dma_start3A_1074 : memref<128xi32, #tpu.memory_space<vmem>>) semaphore(%arg10 : memref<!tpu.dma_semaphore, #tpu.memory_space<semaphore_mem>>)
      } else {
      }
      %mul3A_1039 = arith.constant 2 : i32
      %mul3A_1040 = arith.muli %scan3A_1016, %mul3A_1039 : i32
      %add3A_1041 = arith.constant 1 : i32
      %add3A_1042 = arith.addi %mul3A_1040, %add3A_1041 : i32
      %dma_wait3A_1043 = arith.constant 0 : i32
      %dma_wait3A_1044 = arith.constant 1 : i32
      %dma_wait3A_1045 = arith.constant 0 : i32
      %dma_wait3A_1046 = arith.constant 0 : i32
      %dma_wait3A_1047 = tpu.memref_slice %arg8[%dma_wait3A_1044, %dma_wait3A_1045, %dma_wait3A_1046] : memref<2x128x128xf32, #tpu.memory_space<vmem>> -> memref<1x128x128xf32, #tpu.memory_space<vmem>>
      %dma_wait3A_1048 = tpu.memref_squeeze %dma_wait3A_1047 : memref<1x128x128xf32, #tpu.memory_space<vmem>> -> memref<128x128xf32, #tpu.memory_space<vmem>>
      %dma_wait3A_1049 = arith.constant 0 : i32
      %dma_wait3A_1050 = tpu.memref_slice %arg6[%dma_wait3A_1043, %add3A_1042, %dma_wait3A_1049] : memref<2x16x128xi32, #tpu.memory_space<vmem>> -> memref<1x1x128xi32, #tpu.memory_space<vmem>>
      %dma_wait3A_1051 = tpu.memref_squeeze %dma_wait3A_1050 : memref<1x1x128xi32, #tpu.memory_space<vmem>> -> memref<128xi32, #tpu.memory_space<vmem>>
      %dma_wait3A_1052 = arith.constant 0 : i32
      %dma_wait3A_1053 = arith.constant 0 : i32
      %dma_wait3A_1054 = tpu.memref_slice %arg2[%dma_wait3A_1052, %dma_wait3A_1053] : memref<20480x128xf32, #tpu.memory_space<hbm>> -> memref<20480x128xf32, #tpu.memory_space<hbm>>
      tpu.wait_indirect_dma semaphore(%arg11 : memref<!tpu.dma_semaphore, #tpu.memory_space<semaphore_mem>>) src(%dma_wait3A_1054 : memref<20480x128xf32, #tpu.memory_space<hbm>>) dst(%dma_wait3A_1048 : memref<128x128xf32, #tpu.memory_space<vmem>>)
      %run_scoped3A_1055 = arith.constant 1 : i32
      %run_scoped3A_1056 = arith.constant 0 : i32
      "tpu.region"() ({
        %run_scoped3A_1064 = tpu.sem_alloc : memref<!tpu.dma_semaphore, #tpu.memory_space<semaphore_mem>>
        %dma_start3A_1065 = arith.constant 0 : i32
        %dma_start3A_1066 = arith.constant 0 : i32
        %dma_start3A_1067 = tpu.memref_slice %arg8[%run_scoped3A_1055, %dma_start3A_1065, %dma_start3A_1066] : memref<2x128x128xf32, #tpu.memory_space<vmem>> -> memref<1x128x128xf32, #tpu.memory_space<vmem>>
        %dma_start3A_1068 = tpu.memref_squeeze %dma_start3A_1067 : memref<1x128x128xf32, #tpu.memory_space<vmem>> -> memref<128x128xf32, #tpu.memory_space<vmem>>
        %dma_start3A_1069 = arith.constant 0 : i32
        %dma_start3A_1070 = tpu.memref_slice %arg7[%run_scoped3A_1056, %add3A_1042, %dma_start3A_1069] : memref<2x16x128xi32, #tpu.memory_space<vmem>> -> memref<1x1x128xi32, #tpu.memory_space<vmem>>
        %dma_start3A_1071 = tpu.memref_squeeze %dma_start3A_1070 : memref<1x1x128xi32, #tpu.memory_space<vmem>> -> memref<128xi32, #tpu.memory_space<vmem>>
        %dma_start3A_1072 = arith.constant 0 : i32
        %dma_start3A_1073 = arith.constant 0 : i32
        %dma_start3A_1074 = tpu.memref_slice %arg9[%dma_start3A_1072, %dma_start3A_1073] : memref<10240x128xf32, #tpu.memory_space<vmem_shared>> -> memref<10240x128xf32, #tpu.memory_space<vmem_shared>>
        tpu.enqueue_indirect_dma source(%dma_start3A_1068 : memref<128x128xf32, #tpu.memory_space<vmem>>) target(%dma_start3A_1074 : memref<10240x128xf32, #tpu.memory_space<vmem_shared>>) offsets(%dma_start3A_1071 : memref<128xi32, #tpu.memory_space<vmem>>) semaphore(%run_scoped3A_1064 : memref<!tpu.dma_semaphore, #tpu.memory_space<semaphore_mem>>) {add = true}
        %dma_wait3A_1075 = arith.constant 0 : i32
        %dma_wait3A_1076 = arith.constant 0 : i32
        %dma_wait3A_1077 = tpu.memref_slice %arg8[%run_scoped3A_1055, %dma_wait3A_1075, %dma_wait3A_1076] : memref<2x128x128xf32, #tpu.memory_space<vmem>> -> memref<1x128x128xf32, #tpu.memory_space<vmem>>
        %dma_wait3A_1078 = tpu.memref_squeeze %dma_wait3A_1077 : memref<1x128x128xf32, #tpu.memory_space<vmem>> -> memref<128x128xf32, #tpu.memory_space<vmem>>
        %dma_wait3A_1079 = arith.constant 0 : i32
        %dma_wait3A_1080 = tpu.memref_slice %arg7[%run_scoped3A_1056, %add3A_1042, %dma_wait3A_1079] : memref<2x16x128xi32, #tpu.memory_space<vmem>> -> memref<1x1x128xi32, #tpu.memory_space<vmem>>
        %dma_wait3A_1081 = tpu.memref_squeeze %dma_wait3A_1080 : memref<1x1x128xi32, #tpu.memory_space<vmem>> -> memref<128xi32, #tpu.memory_space<vmem>>
        %dma_wait3A_1082 = arith.constant 0 : i32
        %dma_wait3A_1083 = arith.constant 0 : i32
        %dma_wait3A_1084 = tpu.memref_slice %arg9[%dma_wait3A_1082, %dma_wait3A_1083] : memref<10240x128xf32, #tpu.memory_space<vmem_shared>> -> memref<10240x128xf32, #tpu.memory_space<vmem_shared>>
        tpu.wait_indirect_dma semaphore(%run_scoped3A_1064 : memref<!tpu.dma_semaphore, #tpu.memory_space<semaphore_mem>>) src(%dma_wait3A_1078 : memref<128x128xf32, #tpu.memory_space<vmem>>) dst(%dma_wait3A_1084 : memref<10240x128xf32, #tpu.memory_space<vmem_shared>>)
        tpu.yield
      }) : () -> ()
      %add3A_1057 = arith.constant 2 : i32
      %add3A_1058 = arith.addi %add3A_1042, %add3A_1057 : i32
      %lt3A_1059 = arith.constant 16 : i32
      %lt3A_1060 = arith.cmpi slt, %add3A_1058, %lt3A_1059 : i32
      %convert_element_type3A_1061 = arith.extui %lt3A_1060 : i1 to i32
      %cond3A_1062 = arith.constant 0 : i32
      %cond3A_1063 = arith.cmpi ne, %convert_element_type3A_1061, %cond3A_1062 : i32
      scf.if %cond3A_1063 {
        %add3A_1064 = arith.constant 2 : i32
        %add3A_1065 = arith.addi %add3A_1042, %add3A_1064 : i32
        %dma_start3A_1066 = arith.constant 0 : i32
        %dma_start3A_1067 = arith.constant 1 : i32
        %dma_start3A_1068 = arith.constant 0 : i32
        %dma_start3A_1069 = arith.constant 0 : i32
        %dma_start3A_1070 = tpu.memref_slice %arg8[%dma_start3A_1067, %dma_start3A_1068, %dma_start3A_1069] : memref<2x128x128xf32, #tpu.memory_space<vmem>> -> memref<1x128x128xf32, #tpu.memory_space<vmem>>
        %dma_start3A_1071 = tpu.memref_squeeze %dma_start3A_1070 : memref<1x128x128xf32, #tpu.memory_space<vmem>> -> memref<128x128xf32, #tpu.memory_space<vmem>>
        %dma_start3A_1072 = arith.constant 0 : i32
        %dma_start3A_1073 = tpu.memref_slice %arg6[%dma_start3A_1066, %add3A_1065, %dma_start3A_1072] : memref<2x16x128xi32, #tpu.memory_space<vmem>> -> memref<1x1x128xi32, #tpu.memory_space<vmem>>
        %dma_start3A_1074 = tpu.memref_squeeze %dma_start3A_1073 : memref<1x1x128xi32, #tpu.memory_space<vmem>> -> memref<128xi32, #tpu.memory_space<vmem>>
        %dma_start3A_1075 = arith.constant 0 : i32
        %dma_start3A_1076 = arith.constant 0 : i32
        %dma_start3A_1077 = tpu.memref_slice %arg2[%dma_start3A_1075, %dma_start3A_1076] : memref<20480x128xf32, #tpu.memory_space<hbm>> -> memref<20480x128xf32, #tpu.memory_space<hbm>>
        tpu.enqueue_indirect_dma source(%dma_start3A_1077 : memref<20480x128xf32, #tpu.memory_space<hbm>>) target(%dma_start3A_1071 : memref<128x128xf32, #tpu.memory_space<vmem>>) offsets(%dma_start3A_1074 : memref<128xi32, #tpu.memory_space<vmem>>) semaphore(%arg11 : memref<!tpu.dma_semaphore, #tpu.memory_space<semaphore_mem>>)
      } else {
      }
    }
    %scan3A_728 = arith.constant 8 : i32
    %mul3A_729 = arith.constant 160 : i32
    %mul3A_730 = arith.muli %arg1, %mul3A_729 : i32
    %add3A_731 = arith.constant 112 : i32
    %add3A_732 = arith.addi %mul3A_730, %add3A_731 : i32
    %dma_wait3A_733 = arith.constant 1 : i32
    %dma_wait3A_734 = arith.constant 0 : i32
    %dma_wait3A_735 = arith.constant 0 : i32
    %dma_wait3A_736 = tpu.memref_slice %arg6[%dma_wait3A_733, %dma_wait3A_734, %dma_wait3A_735] : memref<2x16x128xi32, #tpu.memory_space<vmem>> -> memref<1x16x128xi32, #tpu.memory_space<vmem>>
    %dma_wait3A_737 = tpu.memref_squeeze %dma_wait3A_736 : memref<1x16x128xi32, #tpu.memory_space<vmem>> -> memref<16x128xi32, #tpu.memory_space<vmem>>
    %dma_wait3A_738 = arith.constant 0 : i32
    %dma_wait3A_739 = tpu.memref_slice %arg3[%arg0, %add3A_732, %dma_wait3A_738] : memref<2x2560x128xi32, #tpu.memory_space<hbm>> -> memref<1x16x128xi32, #tpu.memory_space<hbm>>
    %dma_wait3A_740 = tpu.memref_squeeze %dma_wait3A_739 : memref<1x16x128xi32, #tpu.memory_space<hbm>> -> memref<16x128xi32, #tpu.memory_space<hbm>>
    %dma_wait3A_741 = arith.constant 0 : i32
    %dma_wait3A_742 = arith.constant 0 : i32
    %dma_wait3A_743 = tpu.memref_slice %arg6[%dma_wait3A_733, %dma_wait3A_741, %dma_wait3A_742] : memref<2x16x128xi32, #tpu.memory_space<vmem>> -> memref<1x16x128xi32, #tpu.memory_space<vmem>>
    %dma_wait3A_744 = tpu.memref_squeeze %dma_wait3A_743 : memref<1x16x128xi32, #tpu.memory_space<vmem>> -> memref<16x128xi32, #tpu.memory_space<vmem>>
    %dma_wait3A_745 = arith.constant 0 : i32
    %dma_wait3A_746 = tpu.memref_slice %arg3[%arg0, %add3A_732, %dma_wait3A_745] : memref<2x2560x128xi32, #tpu.memory_space<hbm>> -> memref<1x16x128xi32, #tpu.memory_space<hbm>>
    %dma_wait3A_747 = tpu.memref_squeeze %dma_wait3A_746 : memref<1x16x128xi32, #tpu.memory_space<hbm>> -> memref<16x128xi32, #tpu.memory_space<hbm>>
    tpu.wait_dma2 semaphore(%arg12 : memref<!tpu.dma_semaphore, #tpu.memory_space<semaphore_mem>>) src(%dma_wait3A_747 : memref<16x128xi32, #tpu.memory_space<hbm>>) dst(%dma_wait3A_744 : memref<16x128xi32, #tpu.memory_space<vmem>>)
    %dma_wait3A_748 = arith.constant 1 : i32
    %dma_wait3A_749 = arith.constant 0 : i32
    %dma_wait3A_750 = arith.constant 0 : i32
    %dma_wait3A_751 = tpu.memref_slice %arg7[%dma_wait3A_748, %dma_wait3A_749, %dma_wait3A_750] : memref<2x16x128xi32, #tpu.memory_space<vmem>> -> memref<1x16x128xi32, #tpu.memory_space<vmem>>
    %dma_wait3A_752 = tpu.memref_squeeze %dma_wait3A_751 : memref<1x16x128xi32, #tpu.memory_space<vmem>> -> memref<16x128xi32, #tpu.memory_space<vmem>>
    %dma_wait3A_753 = arith.constant 0 : i32
    %dma_wait3A_754 = tpu.memref_slice %arg4[%add3A_732, %dma_wait3A_753] : memref<2560x128xi32, #tpu.memory_space<hbm>> -> memref<16x128xi32, #tpu.memory_space<hbm>>
    %dma_wait3A_755 = arith.constant 0 : i32
    %dma_wait3A_756 = arith.constant 0 : i32
    %dma_wait3A_757 = tpu.memref_slice %arg7[%dma_wait3A_748, %dma_wait3A_755, %dma_wait3A_756] : memref<2x16x128xi32, #tpu.memory_space<vmem>> -> memref<1x16x128xi32, #tpu.memory_space<vmem>>
    %dma_wait3A_758 = tpu.memref_squeeze %dma_wait3A_757 : memref<1x16x128xi32, #tpu.memory_space<vmem>> -> memref<16x128xi32, #tpu.memory_space<vmem>>
    %dma_wait3A_759 = arith.constant 0 : i32
    %dma_wait3A_760 = tpu.memref_slice %arg4[%add3A_732, %dma_wait3A_759] : memref<2560x128xi32, #tpu.memory_space<hbm>> -> memref<16x128xi32, #tpu.memory_space<hbm>>
    tpu.wait_dma2 semaphore(%arg12 : memref<!tpu.dma_semaphore, #tpu.memory_space<semaphore_mem>>) src(%dma_wait3A_760 : memref<16x128xi32, #tpu.memory_space<hbm>>) dst(%dma_wait3A_758 : memref<16x128xi32, #tpu.memory_space<vmem>>)
    %mul3A_761 = arith.constant 160 : i32
    %mul3A_762 = arith.muli %arg1, %mul3A_761 : i32
    %add3A_763 = arith.constant 128 : i32
    %add3A_764 = arith.addi %mul3A_762, %add3A_763 : i32
    %dma_start3A_765 = arith.constant 0 : i32
    %dma_start3A_766 = arith.constant 0 : i32
    %dma_start3A_767 = arith.constant 0 : i32
    %dma_start3A_768 = tpu.memref_slice %arg6[%dma_start3A_765, %dma_start3A_766, %dma_start3A_767] : memref<2x16x128xi32, #tpu.memory_space<vmem>> -> memref<1x16x128xi32, #tpu.memory_space<vmem>>
    %dma_start3A_769 = tpu.memref_squeeze %dma_start3A_768 : memref<1x16x128xi32, #tpu.memory_space<vmem>> -> memref<16x128xi32, #tpu.memory_space<vmem>>
    %dma_start3A_770 = arith.constant 0 : i32
    %dma_start3A_771 = tpu.memref_slice %arg3[%arg0, %add3A_764, %dma_start3A_770] : memref<2x2560x128xi32, #tpu.memory_space<hbm>> -> memref<1x16x128xi32, #tpu.memory_space<hbm>>
    %dma_start3A_772 = tpu.memref_squeeze %dma_start3A_771 : memref<1x16x128xi32, #tpu.memory_space<hbm>> -> memref<16x128xi32, #tpu.memory_space<hbm>>
    %dma_start3A_773 = arith.constant 0 : i32
    %dma_start3A_774 = arith.constant 0 : i32
    %dma_start3A_775 = tpu.memref_slice %arg6[%dma_start3A_765, %dma_start3A_773, %dma_start3A_774] : memref<2x16x128xi32, #tpu.memory_space<vmem>> -> memref<1x16x128xi32, #tpu.memory_space<vmem>>
    %dma_start3A_776 = tpu.memref_squeeze %dma_start3A_775 : memref<1x16x128xi32, #tpu.memory_space<vmem>> -> memref<16x128xi32, #tpu.memory_space<vmem>>
    %dma_start3A_777 = arith.constant 0 : i32
    %dma_start3A_778 = tpu.memref_slice %arg3[%arg0, %add3A_764, %dma_start3A_777] : memref<2x2560x128xi32, #tpu.memory_space<hbm>> -> memref<1x16x128xi32, #tpu.memory_space<hbm>>
    %dma_start3A_779 = tpu.memref_squeeze %dma_start3A_778 : memref<1x16x128xi32, #tpu.memory_space<hbm>> -> memref<16x128xi32, #tpu.memory_space<hbm>>
    tpu.enqueue_dma source(%dma_start3A_779 : memref<16x128xi32, #tpu.memory_space<hbm>>) target(%dma_start3A_776 : memref<16x128xi32, #tpu.memory_space<vmem>>) target_semaphore(%arg12 : memref<!tpu.dma_semaphore, #tpu.memory_space<semaphore_mem>>)
    %dma_start3A_780 = arith.constant 0 : i32
    %dma_start3A_781 = arith.constant 0 : i32
    %dma_start3A_782 = arith.constant 0 : i32
    %dma_start3A_783 = tpu.memref_slice %arg7[%dma_start3A_780, %dma_start3A_781, %dma_start3A_782] : memref<2x16x128xi32, #tpu.memory_space<vmem>> -> memref<1x16x128xi32, #tpu.memory_space<vmem>>
    %dma_start3A_784 = tpu.memref_squeeze %dma_start3A_783 : memref<1x16x128xi32, #tpu.memory_space<vmem>> -> memref<16x128xi32, #tpu.memory_space<vmem>>
    %dma_start3A_785 = arith.constant 0 : i32
    %dma_start3A_786 = tpu.memref_slice %arg4[%add3A_764, %dma_start3A_785] : memref<2560x128xi32, #tpu.memory_space<hbm>> -> memref<16x128xi32, #tpu.memory_space<hbm>>
    %dma_start3A_787 = arith.constant 0 : i32
    %dma_start3A_788 = arith.constant 0 : i32
    %dma_start3A_789 = tpu.memref_slice %arg7[%dma_start3A_780, %dma_start3A_787, %dma_start3A_788] : memref<2x16x128xi32, #tpu.memory_space<vmem>> -> memref<1x16x128xi32, #tpu.memory_space<vmem>>
    %dma_start3A_790 = tpu.memref_squeeze %dma_start3A_789 : memref<1x16x128xi32, #tpu.memory_space<vmem>> -> memref<16x128xi32, #tpu.memory_space<vmem>>
    %dma_start3A_791 = arith.constant 0 : i32
    %dma_start3A_792 = tpu.memref_slice %arg4[%add3A_764, %dma_start3A_791] : memref<2560x128xi32, #tpu.memory_space<hbm>> -> memref<16x128xi32, #tpu.memory_space<hbm>>
    tpu.enqueue_dma source(%dma_start3A_792 : memref<16x128xi32, #tpu.memory_space<hbm>>) target(%dma_start3A_790 : memref<16x128xi32, #tpu.memory_space<vmem>>) target_semaphore(%arg12 : memref<!tpu.dma_semaphore, #tpu.memory_space<semaphore_mem>>)
    %dma_start3A_793 = arith.constant 1 : i32
    %dma_start3A_794 = arith.constant 0 : i32
    %dma_start3A_795 = arith.constant 0 : i32
    %dma_start3A_796 = arith.constant 0 : i32
    %dma_start3A_797 = arith.constant 0 : i32
    %dma_start3A_798 = tpu.memref_slice %arg8[%dma_start3A_795, %dma_start3A_796, %dma_start3A_797] : memref<2x128x128xf32, #tpu.memory_space<vmem>> -> memref<1x128x128xf32, #tpu.memory_space<vmem>>
    %dma_start3A_799 = tpu.memref_squeeze %dma_start3A_798 : memref<1x128x128xf32, #tpu.memory_space<vmem>> -> memref<128x128xf32, #tpu.memory_space<vmem>>
    %dma_start3A_800 = arith.constant 0 : i32
    %dma_start3A_801 = tpu.memref_slice %arg6[%dma_start3A_793, %dma_start3A_794, %dma_start3A_800] : memref<2x16x128xi32, #tpu.memory_space<vmem>> -> memref<1x1x128xi32, #tpu.memory_space<vmem>>
    %dma_start3A_802 = tpu.memref_squeeze %dma_start3A_801 : memref<1x1x128xi32, #tpu.memory_space<vmem>> -> memref<128xi32, #tpu.memory_space<vmem>>
    %dma_start3A_803 = arith.constant 0 : i32
    %dma_start3A_804 = arith.constant 0 : i32
    %dma_start3A_805 = tpu.memref_slice %arg2[%dma_start3A_803, %dma_start3A_804] : memref<20480x128xf32, #tpu.memory_space<hbm>> -> memref<20480x128xf32, #tpu.memory_space<hbm>>
    tpu.enqueue_indirect_dma source(%dma_start3A_805 : memref<20480x128xf32, #tpu.memory_space<hbm>>) target(%dma_start3A_799 : memref<128x128xf32, #tpu.memory_space<vmem>>) offsets(%dma_start3A_802 : memref<128xi32, #tpu.memory_space<vmem>>) semaphore(%arg10 : memref<!tpu.dma_semaphore, #tpu.memory_space<semaphore_mem>>)
    %dma_start3A_806 = arith.constant 1 : i32
    %dma_start3A_807 = arith.constant 1 : i32
    %dma_start3A_808 = arith.constant 1 : i32
    %dma_start3A_809 = arith.constant 0 : i32
    %dma_start3A_810 = arith.constant 0 : i32
    %dma_start3A_811 = tpu.memref_slice %arg8[%dma_start3A_808, %dma_start3A_809, %dma_start3A_810] : memref<2x128x128xf32, #tpu.memory_space<vmem>> -> memref<1x128x128xf32, #tpu.memory_space<vmem>>
    %dma_start3A_812 = tpu.memref_squeeze %dma_start3A_811 : memref<1x128x128xf32, #tpu.memory_space<vmem>> -> memref<128x128xf32, #tpu.memory_space<vmem>>
    %dma_start3A_813 = arith.constant 0 : i32
    %dma_start3A_814 = tpu.memref_slice %arg6[%dma_start3A_806, %dma_start3A_807, %dma_start3A_813] : memref<2x16x128xi32, #tpu.memory_space<vmem>> -> memref<1x1x128xi32, #tpu.memory_space<vmem>>
    %dma_start3A_815 = tpu.memref_squeeze %dma_start3A_814 : memref<1x1x128xi32, #tpu.memory_space<vmem>> -> memref<128xi32, #tpu.memory_space<vmem>>
    %dma_start3A_816 = arith.constant 0 : i32
    %dma_start3A_817 = arith.constant 0 : i32
    %dma_start3A_818 = tpu.memref_slice %arg2[%dma_start3A_816, %dma_start3A_817] : memref<20480x128xf32, #tpu.memory_space<hbm>> -> memref<20480x128xf32, #tpu.memory_space<hbm>>
    tpu.enqueue_indirect_dma source(%dma_start3A_818 : memref<20480x128xf32, #tpu.memory_space<hbm>>) target(%dma_start3A_812 : memref<128x128xf32, #tpu.memory_space<vmem>>) offsets(%dma_start3A_815 : memref<128xi32, #tpu.memory_space<vmem>>) semaphore(%arg11 : memref<!tpu.dma_semaphore, #tpu.memory_space<semaphore_mem>>)
    %scan3A_819 = arith.constant 0 : i32
    %scan3A_820 = arith.constant 0 : i32
    %scan3A_821 = arith.constant 8 : i32
    %scan3A_822 = arith.addi %scan3A_820, %scan3A_821 : i32
    %scan3A_823 = arith.constant 1 : i32
    scf.for %scan3A_1016 = %scan3A_820 to %scan3A_822 step %scan3A_823  : i32 {
      %mul3A_1017 = arith.constant 2 : i32
      %mul3A_1018 = arith.muli %scan3A_1016, %mul3A_1017 : i32
      %add3A_1019 = arith.constant 0 : i32
      %add3A_1020 = arith.addi %mul3A_1018, %add3A_1019 : i32
      %dma_wait3A_1021 = arith.constant 1 : i32
      %dma_wait3A_1022 = arith.constant 0 : i32
      %dma_wait3A_1023 = arith.constant 0 : i32
      %dma_wait3A_1024 = arith.constant 0 : i32
      %dma_wait3A_1025 = tpu.memref_slice %arg8[%dma_wait3A_1022, %dma_wait3A_1023, %dma_wait3A_1024] : memref<2x128x128xf32, #tpu.memory_space<vmem>> -> memref<1x128x128xf32, #tpu.memory_space<vmem>>
      %dma_wait3A_1026 = tpu.memref_squeeze %dma_wait3A_1025 : memref<1x128x128xf32, #tpu.memory_space<vmem>> -> memref<128x128xf32, #tpu.memory_space<vmem>>
      %dma_wait3A_1027 = arith.constant 0 : i32
      %dma_wait3A_1028 = tpu.memref_slice %arg6[%dma_wait3A_1021, %add3A_1020, %dma_wait3A_1027] : memref<2x16x128xi32, #tpu.memory_space<vmem>> -> memref<1x1x128xi32, #tpu.memory_space<vmem>>
      %dma_wait3A_1029 = tpu.memref_squeeze %dma_wait3A_1028 : memref<1x1x128xi32, #tpu.memory_space<vmem>> -> memref<128xi32, #tpu.memory_space<vmem>>
      %dma_wait3A_1030 = arith.constant 0 : i32
      %dma_wait3A_1031 = arith.constant 0 : i32
      %dma_wait3A_1032 = tpu.memref_slice %arg2[%dma_wait3A_1030, %dma_wait3A_1031] : memref<20480x128xf32, #tpu.memory_space<hbm>> -> memref<20480x128xf32, #tpu.memory_space<hbm>>
      tpu.wait_indirect_dma semaphore(%arg10 : memref<!tpu.dma_semaphore, #tpu.memory_space<semaphore_mem>>) src(%dma_wait3A_1032 : memref<20480x128xf32, #tpu.memory_space<hbm>>) dst(%dma_wait3A_1026 : memref<128x128xf32, #tpu.memory_space<vmem>>)
      %run_scoped3A_1033 = arith.constant 0 : i32
      %run_scoped3A_1034 = arith.constant 1 : i32
      "tpu.region"() ({
        %run_scoped3A_1064 = tpu.sem_alloc : memref<!tpu.dma_semaphore, #tpu.memory_space<semaphore_mem>>
        %dma_start3A_1065 = arith.constant 0 : i32
        %dma_start3A_1066 = arith.constant 0 : i32
        %dma_start3A_1067 = tpu.memref_slice %arg8[%run_scoped3A_1033, %dma_start3A_1065, %dma_start3A_1066] : memref<2x128x128xf32, #tpu.memory_space<vmem>> -> memref<1x128x128xf32, #tpu.memory_space<vmem>>
        %dma_start3A_1068 = tpu.memref_squeeze %dma_start3A_1067 : memref<1x128x128xf32, #tpu.memory_space<vmem>> -> memref<128x128xf32, #tpu.memory_space<vmem>>
        %dma_start3A_1069 = arith.constant 0 : i32
        %dma_start3A_1070 = tpu.memref_slice %arg7[%run_scoped3A_1034, %add3A_1020, %dma_start3A_1069] : memref<2x16x128xi32, #tpu.memory_space<vmem>> -> memref<1x1x128xi32, #tpu.memory_space<vmem>>
        %dma_start3A_1071 = tpu.memref_squeeze %dma_start3A_1070 : memref<1x1x128xi32, #tpu.memory_space<vmem>> -> memref<128xi32, #tpu.memory_space<vmem>>
        %dma_start3A_1072 = arith.constant 0 : i32
        %dma_start3A_1073 = arith.constant 0 : i32
        %dma_start3A_1074 = tpu.memref_slice %arg9[%dma_start3A_1072, %dma_start3A_1073] : memref<10240x128xf32, #tpu.memory_space<vmem_shared>> -> memref<10240x128xf32, #tpu.memory_space<vmem_shared>>
        tpu.enqueue_indirect_dma source(%dma_start3A_1068 : memref<128x128xf32, #tpu.memory_space<vmem>>) target(%dma_start3A_1074 : memref<10240x128xf32, #tpu.memory_space<vmem_shared>>) offsets(%dma_start3A_1071 : memref<128xi32, #tpu.memory_space<vmem>>) semaphore(%run_scoped3A_1064 : memref<!tpu.dma_semaphore, #tpu.memory_space<semaphore_mem>>) {add = true}
        %dma_wait3A_1075 = arith.constant 0 : i32
        %dma_wait3A_1076 = arith.constant 0 : i32
        %dma_wait3A_1077 = tpu.memref_slice %arg8[%run_scoped3A_1033, %dma_wait3A_1075, %dma_wait3A_1076] : memref<2x128x128xf32, #tpu.memory_space<vmem>> -> memref<1x128x128xf32, #tpu.memory_space<vmem>>
        %dma_wait3A_1078 = tpu.memref_squeeze %dma_wait3A_1077 : memref<1x128x128xf32, #tpu.memory_space<vmem>> -> memref<128x128xf32, #tpu.memory_space<vmem>>
        %dma_wait3A_1079 = arith.constant 0 : i32
        %dma_wait3A_1080 = tpu.memref_slice %arg7[%run_scoped3A_1034, %add3A_1020, %dma_wait3A_1079] : memref<2x16x128xi32, #tpu.memory_space<vmem>> -> memref<1x1x128xi32, #tpu.memory_space<vmem>>
        %dma_wait3A_1081 = tpu.memref_squeeze %dma_wait3A_1080 : memref<1x1x128xi32, #tpu.memory_space<vmem>> -> memref<128xi32, #tpu.memory_space<vmem>>
        %dma_wait3A_1082 = arith.constant 0 : i32
        %dma_wait3A_1083 = arith.constant 0 : i32
        %dma_wait3A_1084 = tpu.memref_slice %arg9[%dma_wait3A_1082, %dma_wait3A_1083] : memref<10240x128xf32, #tpu.memory_space<vmem_shared>> -> memref<10240x128xf32, #tpu.memory_space<vmem_shared>>
        tpu.wait_indirect_dma semaphore(%run_scoped3A_1064 : memref<!tpu.dma_semaphore, #tpu.memory_space<semaphore_mem>>) src(%dma_wait3A_1078 : memref<128x128xf32, #tpu.memory_space<vmem>>) dst(%dma_wait3A_1084 : memref<10240x128xf32, #tpu.memory_space<vmem_shared>>)
        tpu.yield
      }) : () -> ()
      %add3A_1035 = arith.constant 2 : i32
      %add3A_1036 = arith.addi %add3A_1020, %add3A_1035 : i32
      %lt3A = arith.constant 16 : i32
      %lt3A_1037 = arith.cmpi slt, %add3A_1036, %lt3A : i32
      %convert_element_type3A = arith.extui %lt3A_1037 : i1 to i32
      %cond3A = arith.constant 0 : i32
      %cond3A_1038 = arith.cmpi ne, %convert_element_type3A, %cond3A : i32
      scf.if %cond3A_1038 {
        %add3A_1064 = arith.constant 2 : i32
        %add3A_1065 = arith.addi %add3A_1020, %add3A_1064 : i32
        %dma_start3A_1066 = arith.constant 1 : i32
        %dma_start3A_1067 = arith.constant 0 : i32
        %dma_start3A_1068 = arith.constant 0 : i32
        %dma_start3A_1069 = arith.constant 0 : i32
        %dma_start3A_1070 = tpu.memref_slice %arg8[%dma_start3A_1067, %dma_start3A_1068, %dma_start3A_1069] : memref<2x128x128xf32, #tpu.memory_space<vmem>> -> memref<1x128x128xf32, #tpu.memory_space<vmem>>
        %dma_start3A_1071 = tpu.memref_squeeze %dma_start3A_1070 : memref<1x128x128xf32, #tpu.memory_space<vmem>> -> memref<128x128xf32, #tpu.memory_space<vmem>>
        %dma_start3A_1072 = arith.constant 0 : i32
        %dma_start3A_1073 = tpu.memref_slice %arg6[%dma_start3A_1066, %add3A_1065, %dma_start3A_1072] : memref<2x16x128xi32, #tpu.memory_space<vmem>> -> memref<1x1x128xi32, #tpu.memory_space<vmem>>
        %dma_start3A_1074 = tpu.memref_squeeze %dma_start3A_1073 : memref<1x1x128xi32, #tpu.memory_space<vmem>> -> memref<128xi32, #tpu.memory_space<vmem>>
        %dma_start3A_1075 = arith.constant 0 : i32
        %dma_start3A_1076 = arith.constant 0 : i32
        %dma_start3A_1077 = tpu.memref_slice %arg2[%dma_start3A_1075, %dma_start3A_1076] : memref<20480x128xf32, #tpu.memory_space<hbm>> -> memref<20480x128xf32, #tpu.memory_space<hbm>>
        tpu.enqueue_indirect_dma source(%dma_start3A_1077 : memref<20480x128xf32, #tpu.memory_space<hbm>>) target(%dma_start3A_1071 : memref<128x128xf32, #tpu.memory_space<vmem>>) offsets(%dma_start3A_1074 : memref<128xi32, #tpu.memory_space<vmem>>) semaphore(%arg10 : memref<!tpu.dma_semaphore, #tpu.memory_space<semaphore_mem>>)
      } else {
      }
      %mul3A_1039 = arith.constant 2 : i32
      %mul3A_1040 = arith.muli %scan3A_1016, %mul3A_1039 : i32
      %add3A_1041 = arith.constant 1 : i32
      %add3A_1042 = arith.addi %mul3A_1040, %add3A_1041 : i32
      %dma_wait3A_1043 = arith.constant 1 : i32
      %dma_wait3A_1044 = arith.constant 1 : i32
      %dma_wait3A_1045 = arith.constant 0 : i32
      %dma_wait3A_1046 = arith.constant 0 : i32
      %dma_wait3A_1047 = tpu.memref_slice %arg8[%dma_wait3A_1044, %dma_wait3A_1045, %dma_wait3A_1046] : memref<2x128x128xf32, #tpu.memory_space<vmem>> -> memref<1x128x128xf32, #tpu.memory_space<vmem>>
      %dma_wait3A_1048 = tpu.memref_squeeze %dma_wait3A_1047 : memref<1x128x128xf32, #tpu.memory_space<vmem>> -> memref<128x128xf32, #tpu.memory_space<vmem>>
      %dma_wait3A_1049 = arith.constant 0 : i32
      %dma_wait3A_1050 = tpu.memref_slice %arg6[%dma_wait3A_1043, %add3A_1042, %dma_wait3A_1049] : memref<2x16x128xi32, #tpu.memory_space<vmem>> -> memref<1x1x128xi32, #tpu.memory_space<vmem>>
      %dma_wait3A_1051 = tpu.memref_squeeze %dma_wait3A_1050 : memref<1x1x128xi32, #tpu.memory_space<vmem>> -> memref<128xi32, #tpu.memory_space<vmem>>
      %dma_wait3A_1052 = arith.constant 0 : i32
      %dma_wait3A_1053 = arith.constant 0 : i32
      %dma_wait3A_1054 = tpu.memref_slice %arg2[%dma_wait3A_1052, %dma_wait3A_1053] : memref<20480x128xf32, #tpu.memory_space<hbm>> -> memref<20480x128xf32, #tpu.memory_space<hbm>>
      tpu.wait_indirect_dma semaphore(%arg11 : memref<!tpu.dma_semaphore, #tpu.memory_space<semaphore_mem>>) src(%dma_wait3A_1054 : memref<20480x128xf32, #tpu.memory_space<hbm>>) dst(%dma_wait3A_1048 : memref<128x128xf32, #tpu.memory_space<vmem>>)
      %run_scoped3A_1055 = arith.constant 1 : i32
      %run_scoped3A_1056 = arith.constant 1 : i32
      "tpu.region"() ({
        %run_scoped3A_1064 = tpu.sem_alloc : memref<!tpu.dma_semaphore, #tpu.memory_space<semaphore_mem>>
        %dma_start3A_1065 = arith.constant 0 : i32
        %dma_start3A_1066 = arith.constant 0 : i32
        %dma_start3A_1067 = tpu.memref_slice %arg8[%run_scoped3A_1055, %dma_start3A_1065, %dma_start3A_1066] : memref<2x128x128xf32, #tpu.memory_space<vmem>> -> memref<1x128x128xf32, #tpu.memory_space<vmem>>
        %dma_start3A_1068 = tpu.memref_squeeze %dma_start3A_1067 : memref<1x128x128xf32, #tpu.memory_space<vmem>> -> memref<128x128xf32, #tpu.memory_space<vmem>>
        %dma_start3A_1069 = arith.constant 0 : i32
        %dma_start3A_1070 = tpu.memref_slice %arg7[%run_scoped3A_1056, %add3A_1042, %dma_start3A_1069] : memref<2x16x128xi32, #tpu.memory_space<vmem>> -> memref<1x1x128xi32, #tpu.memory_space<vmem>>
        %dma_start3A_1071 = tpu.memref_squeeze %dma_start3A_1070 : memref<1x1x128xi32, #tpu.memory_space<vmem>> -> memref<128xi32, #tpu.memory_space<vmem>>
        %dma_start3A_1072 = arith.constant 0 : i32
        %dma_start3A_1073 = arith.constant 0 : i32
        %dma_start3A_1074 = tpu.memref_slice %arg9[%dma_start3A_1072, %dma_start3A_1073] : memref<10240x128xf32, #tpu.memory_space<vmem_shared>> -> memref<10240x128xf32, #tpu.memory_space<vmem_shared>>
        tpu.enqueue_indirect_dma source(%dma_start3A_1068 : memref<128x128xf32, #tpu.memory_space<vmem>>) target(%dma_start3A_1074 : memref<10240x128xf32, #tpu.memory_space<vmem_shared>>) offsets(%dma_start3A_1071 : memref<128xi32, #tpu.memory_space<vmem>>) semaphore(%run_scoped3A_1064 : memref<!tpu.dma_semaphore, #tpu.memory_space<semaphore_mem>>) {add = true}
        %dma_wait3A_1075 = arith.constant 0 : i32
        %dma_wait3A_1076 = arith.constant 0 : i32
        %dma_wait3A_1077 = tpu.memref_slice %arg8[%run_scoped3A_1055, %dma_wait3A_1075, %dma_wait3A_1076] : memref<2x128x128xf32, #tpu.memory_space<vmem>> -> memref<1x128x128xf32, #tpu.memory_space<vmem>>
        %dma_wait3A_1078 = tpu.memref_squeeze %dma_wait3A_1077 : memref<1x128x128xf32, #tpu.memory_space<vmem>> -> memref<128x128xf32, #tpu.memory_space<vmem>>
        %dma_wait3A_1079 = arith.constant 0 : i32
        %dma_wait3A_1080 = tpu.memref_slice %arg7[%run_scoped3A_1056, %add3A_1042, %dma_wait3A_1079] : memref<2x16x128xi32, #tpu.memory_space<vmem>> -> memref<1x1x128xi32, #tpu.memory_space<vmem>>
        %dma_wait3A_1081 = tpu.memref_squeeze %dma_wait3A_1080 : memref<1x1x128xi32, #tpu.memory_space<vmem>> -> memref<128xi32, #tpu.memory_space<vmem>>
        %dma_wait3A_1082 = arith.constant 0 : i32
        %dma_wait3A_1083 = arith.constant 0 : i32
        %dma_wait3A_1084 = tpu.memref_slice %arg9[%dma_wait3A_1082, %dma_wait3A_1083] : memref<10240x128xf32, #tpu.memory_space<vmem_shared>> -> memref<10240x128xf32, #tpu.memory_space<vmem_shared>>
        tpu.wait_indirect_dma semaphore(%run_scoped3A_1064 : memref<!tpu.dma_semaphore, #tpu.memory_space<semaphore_mem>>) src(%dma_wait3A_1078 : memref<128x128xf32, #tpu.memory_space<vmem>>) dst(%dma_wait3A_1084 : memref<10240x128xf32, #tpu.memory_space<vmem_shared>>)
        tpu.yield
      }) : () -> ()
      %add3A_1057 = arith.constant 2 : i32
      %add3A_1058 = arith.addi %add3A_1042, %add3A_1057 : i32
      %lt3A_1059 = arith.constant 16 : i32
      %lt3A_1060 = arith.cmpi slt, %add3A_1058, %lt3A_1059 : i32
      %convert_element_type3A_1061 = arith.extui %lt3A_1060 : i1 to i32
      %cond3A_1062 = arith.constant 0 : i32
      %cond3A_1063 = arith.cmpi ne, %convert_element_type3A_1061, %cond3A_1062 : i32
      scf.if %cond3A_1063 {
        %add3A_1064 = arith.constant 2 : i32
        %add3A_1065 = arith.addi %add3A_1042, %add3A_1064 : i32
        %dma_start3A_1066 = arith.constant 1 : i32
        %dma_start3A_1067 = arith.constant 1 : i32
        %dma_start3A_1068 = arith.constant 0 : i32
        %dma_start3A_1069 = arith.constant 0 : i32
        %dma_start3A_1070 = tpu.memref_slice %arg8[%dma_start3A_1067, %dma_start3A_1068, %dma_start3A_1069] : memref<2x128x128xf32, #tpu.memory_space<vmem>> -> memref<1x128x128xf32, #tpu.memory_space<vmem>>
        %dma_start3A_1071 = tpu.memref_squeeze %dma_start3A_1070 : memref<1x128x128xf32, #tpu.memory_space<vmem>> -> memref<128x128xf32, #tpu.memory_space<vmem>>
        %dma_start3A_1072 = arith.constant 0 : i32
        %dma_start3A_1073 = tpu.memref_slice %arg6[%dma_start3A_1066, %add3A_1065, %dma_start3A_1072] : memref<2x16x128xi32, #tpu.memory_space<vmem>> -> memref<1x1x128xi32, #tpu.memory_space<vmem>>
        %dma_start3A_1074 = tpu.memref_squeeze %dma_start3A_1073 : memref<1x1x128xi32, #tpu.memory_space<vmem>> -> memref<128xi32, #tpu.memory_space<vmem>>
        %dma_start3A_1075 = arith.constant 0 : i32
        %dma_start3A_1076 = arith.constant 0 : i32
        %dma_start3A_1077 = tpu.memref_slice %arg2[%dma_start3A_1075, %dma_start3A_1076] : memref<20480x128xf32, #tpu.memory_space<hbm>> -> memref<20480x128xf32, #tpu.memory_space<hbm>>
        tpu.enqueue_indirect_dma source(%dma_start3A_1077 : memref<20480x128xf32, #tpu.memory_space<hbm>>) target(%dma_start3A_1071 : memref<128x128xf32, #tpu.memory_space<vmem>>) offsets(%dma_start3A_1074 : memref<128xi32, #tpu.memory_space<vmem>>) semaphore(%arg11 : memref<!tpu.dma_semaphore, #tpu.memory_space<semaphore_mem>>)
      } else {
      }
    }
    %scan3A_824 = arith.constant 8 : i32
    %mul3A_825 = arith.constant 160 : i32
    %mul3A_826 = arith.muli %arg1, %mul3A_825 : i32
    %add3A_827 = arith.constant 128 : i32
    %add3A_828 = arith.addi %mul3A_826, %add3A_827 : i32
    %dma_wait3A_829 = arith.constant 0 : i32
    %dma_wait3A_830 = arith.constant 0 : i32
    %dma_wait3A_831 = arith.constant 0 : i32
    %dma_wait3A_832 = tpu.memref_slice %arg6[%dma_wait3A_829, %dma_wait3A_830, %dma_wait3A_831] : memref<2x16x128xi32, #tpu.memory_space<vmem>> -> memref<1x16x128xi32, #tpu.memory_space<vmem>>
    %dma_wait3A_833 = tpu.memref_squeeze %dma_wait3A_832 : memref<1x16x128xi32, #tpu.memory_space<vmem>> -> memref<16x128xi32, #tpu.memory_space<vmem>>
    %dma_wait3A_834 = arith.constant 0 : i32
    %dma_wait3A_835 = tpu.memref_slice %arg3[%arg0, %add3A_828, %dma_wait3A_834] : memref<2x2560x128xi32, #tpu.memory_space<hbm>> -> memref<1x16x128xi32, #tpu.memory_space<hbm>>
    %dma_wait3A_836 = tpu.memref_squeeze %dma_wait3A_835 : memref<1x16x128xi32, #tpu.memory_space<hbm>> -> memref<16x128xi32, #tpu.memory_space<hbm>>
    %dma_wait3A_837 = arith.constant 0 : i32
    %dma_wait3A_838 = arith.constant 0 : i32
    %dma_wait3A_839 = tpu.memref_slice %arg6[%dma_wait3A_829, %dma_wait3A_837, %dma_wait3A_838] : memref<2x16x128xi32, #tpu.memory_space<vmem>> -> memref<1x16x128xi32, #tpu.memory_space<vmem>>
    %dma_wait3A_840 = tpu.memref_squeeze %dma_wait3A_839 : memref<1x16x128xi32, #tpu.memory_space<vmem>> -> memref<16x128xi32, #tpu.memory_space<vmem>>
    %dma_wait3A_841 = arith.constant 0 : i32
    %dma_wait3A_842 = tpu.memref_slice %arg3[%arg0, %add3A_828, %dma_wait3A_841] : memref<2x2560x128xi32, #tpu.memory_space<hbm>> -> memref<1x16x128xi32, #tpu.memory_space<hbm>>
    %dma_wait3A_843 = tpu.memref_squeeze %dma_wait3A_842 : memref<1x16x128xi32, #tpu.memory_space<hbm>> -> memref<16x128xi32, #tpu.memory_space<hbm>>
    tpu.wait_dma2 semaphore(%arg12 : memref<!tpu.dma_semaphore, #tpu.memory_space<semaphore_mem>>) src(%dma_wait3A_843 : memref<16x128xi32, #tpu.memory_space<hbm>>) dst(%dma_wait3A_840 : memref<16x128xi32, #tpu.memory_space<vmem>>)
    %dma_wait3A_844 = arith.constant 0 : i32
    %dma_wait3A_845 = arith.constant 0 : i32
    %dma_wait3A_846 = arith.constant 0 : i32
    %dma_wait3A_847 = tpu.memref_slice %arg7[%dma_wait3A_844, %dma_wait3A_845, %dma_wait3A_846] : memref<2x16x128xi32, #tpu.memory_space<vmem>> -> memref<1x16x128xi32, #tpu.memory_space<vmem>>
    %dma_wait3A_848 = tpu.memref_squeeze %dma_wait3A_847 : memref<1x16x128xi32, #tpu.memory_space<vmem>> -> memref<16x128xi32, #tpu.memory_space<vmem>>
    %dma_wait3A_849 = arith.constant 0 : i32
    %dma_wait3A_850 = tpu.memref_slice %arg4[%add3A_828, %dma_wait3A_849] : memref<2560x128xi32, #tpu.memory_space<hbm>> -> memref<16x128xi32, #tpu.memory_space<hbm>>
    %dma_wait3A_851 = arith.constant 0 : i32
    %dma_wait3A_852 = arith.constant 0 : i32
    %dma_wait3A_853 = tpu.memref_slice %arg7[%dma_wait3A_844, %dma_wait3A_851, %dma_wait3A_852] : memref<2x16x128xi32, #tpu.memory_space<vmem>> -> memref<1x16x128xi32, #tpu.memory_space<vmem>>
    %dma_wait3A_854 = tpu.memref_squeeze %dma_wait3A_853 : memref<1x16x128xi32, #tpu.memory_space<vmem>> -> memref<16x128xi32, #tpu.memory_space<vmem>>
    %dma_wait3A_855 = arith.constant 0 : i32
    %dma_wait3A_856 = tpu.memref_slice %arg4[%add3A_828, %dma_wait3A_855] : memref<2560x128xi32, #tpu.memory_space<hbm>> -> memref<16x128xi32, #tpu.memory_space<hbm>>
    tpu.wait_dma2 semaphore(%arg12 : memref<!tpu.dma_semaphore, #tpu.memory_space<semaphore_mem>>) src(%dma_wait3A_856 : memref<16x128xi32, #tpu.memory_space<hbm>>) dst(%dma_wait3A_854 : memref<16x128xi32, #tpu.memory_space<vmem>>)
    %mul3A_857 = arith.constant 160 : i32
    %mul3A_858 = arith.muli %arg1, %mul3A_857 : i32
    %add3A_859 = arith.constant 144 : i32
    %add3A_860 = arith.addi %mul3A_858, %add3A_859 : i32
    %dma_start3A_861 = arith.constant 1 : i32
    %dma_start3A_862 = arith.constant 0 : i32
    %dma_start3A_863 = arith.constant 0 : i32
    %dma_start3A_864 = tpu.memref_slice %arg6[%dma_start3A_861, %dma_start3A_862, %dma_start3A_863] : memref<2x16x128xi32, #tpu.memory_space<vmem>> -> memref<1x16x128xi32, #tpu.memory_space<vmem>>
    %dma_start3A_865 = tpu.memref_squeeze %dma_start3A_864 : memref<1x16x128xi32, #tpu.memory_space<vmem>> -> memref<16x128xi32, #tpu.memory_space<vmem>>
    %dma_start3A_866 = arith.constant 0 : i32
    %dma_start3A_867 = tpu.memref_slice %arg3[%arg0, %add3A_860, %dma_start3A_866] : memref<2x2560x128xi32, #tpu.memory_space<hbm>> -> memref<1x16x128xi32, #tpu.memory_space<hbm>>
    %dma_start3A_868 = tpu.memref_squeeze %dma_start3A_867 : memref<1x16x128xi32, #tpu.memory_space<hbm>> -> memref<16x128xi32, #tpu.memory_space<hbm>>
    %dma_start3A_869 = arith.constant 0 : i32
    %dma_start3A_870 = arith.constant 0 : i32
    %dma_start3A_871 = tpu.memref_slice %arg6[%dma_start3A_861, %dma_start3A_869, %dma_start3A_870] : memref<2x16x128xi32, #tpu.memory_space<vmem>> -> memref<1x16x128xi32, #tpu.memory_space<vmem>>
    %dma_start3A_872 = tpu.memref_squeeze %dma_start3A_871 : memref<1x16x128xi32, #tpu.memory_space<vmem>> -> memref<16x128xi32, #tpu.memory_space<vmem>>
    %dma_start3A_873 = arith.constant 0 : i32
    %dma_start3A_874 = tpu.memref_slice %arg3[%arg0, %add3A_860, %dma_start3A_873] : memref<2x2560x128xi32, #tpu.memory_space<hbm>> -> memref<1x16x128xi32, #tpu.memory_space<hbm>>
    %dma_start3A_875 = tpu.memref_squeeze %dma_start3A_874 : memref<1x16x128xi32, #tpu.memory_space<hbm>> -> memref<16x128xi32, #tpu.memory_space<hbm>>
    tpu.enqueue_dma source(%dma_start3A_875 : memref<16x128xi32, #tpu.memory_space<hbm>>) target(%dma_start3A_872 : memref<16x128xi32, #tpu.memory_space<vmem>>) target_semaphore(%arg12 : memref<!tpu.dma_semaphore, #tpu.memory_space<semaphore_mem>>)
    %dma_start3A_876 = arith.constant 1 : i32
    %dma_start3A_877 = arith.constant 0 : i32
    %dma_start3A_878 = arith.constant 0 : i32
    %dma_start3A_879 = tpu.memref_slice %arg7[%dma_start3A_876, %dma_start3A_877, %dma_start3A_878] : memref<2x16x128xi32, #tpu.memory_space<vmem>> -> memref<1x16x128xi32, #tpu.memory_space<vmem>>
    %dma_start3A_880 = tpu.memref_squeeze %dma_start3A_879 : memref<1x16x128xi32, #tpu.memory_space<vmem>> -> memref<16x128xi32, #tpu.memory_space<vmem>>
    %dma_start3A_881 = arith.constant 0 : i32
    %dma_start3A_882 = tpu.memref_slice %arg4[%add3A_860, %dma_start3A_881] : memref<2560x128xi32, #tpu.memory_space<hbm>> -> memref<16x128xi32, #tpu.memory_space<hbm>>
    %dma_start3A_883 = arith.constant 0 : i32
    %dma_start3A_884 = arith.constant 0 : i32
    %dma_start3A_885 = tpu.memref_slice %arg7[%dma_start3A_876, %dma_start3A_883, %dma_start3A_884] : memref<2x16x128xi32, #tpu.memory_space<vmem>> -> memref<1x16x128xi32, #tpu.memory_space<vmem>>
    %dma_start3A_886 = tpu.memref_squeeze %dma_start3A_885 : memref<1x16x128xi32, #tpu.memory_space<vmem>> -> memref<16x128xi32, #tpu.memory_space<vmem>>
    %dma_start3A_887 = arith.constant 0 : i32
    %dma_start3A_888 = tpu.memref_slice %arg4[%add3A_860, %dma_start3A_887] : memref<2560x128xi32, #tpu.memory_space<hbm>> -> memref<16x128xi32, #tpu.memory_space<hbm>>
    tpu.enqueue_dma source(%dma_start3A_888 : memref<16x128xi32, #tpu.memory_space<hbm>>) target(%dma_start3A_886 : memref<16x128xi32, #tpu.memory_space<vmem>>) target_semaphore(%arg12 : memref<!tpu.dma_semaphore, #tpu.memory_space<semaphore_mem>>)
    %dma_start3A_889 = arith.constant 0 : i32
    %dma_start3A_890 = arith.constant 0 : i32
    %dma_start3A_891 = arith.constant 0 : i32
    %dma_start3A_892 = arith.constant 0 : i32
    %dma_start3A_893 = arith.constant 0 : i32
    %dma_start3A_894 = tpu.memref_slice %arg8[%dma_start3A_891, %dma_start3A_892, %dma_start3A_893] : memref<2x128x128xf32, #tpu.memory_space<vmem>> -> memref<1x128x128xf32, #tpu.memory_space<vmem>>
    %dma_start3A_895 = tpu.memref_squeeze %dma_start3A_894 : memref<1x128x128xf32, #tpu.memory_space<vmem>> -> memref<128x128xf32, #tpu.memory_space<vmem>>
    %dma_start3A_896 = arith.constant 0 : i32
    %dma_start3A_897 = tpu.memref_slice %arg6[%dma_start3A_889, %dma_start3A_890, %dma_start3A_896] : memref<2x16x128xi32, #tpu.memory_space<vmem>> -> memref<1x1x128xi32, #tpu.memory_space<vmem>>
    %dma_start3A_898 = tpu.memref_squeeze %dma_start3A_897 : memref<1x1x128xi32, #tpu.memory_space<vmem>> -> memref<128xi32, #tpu.memory_space<vmem>>
    %dma_start3A_899 = arith.constant 0 : i32
    %dma_start3A_900 = arith.constant 0 : i32
    %dma_start3A_901 = tpu.memref_slice %arg2[%dma_start3A_899, %dma_start3A_900] : memref<20480x128xf32, #tpu.memory_space<hbm>> -> memref<20480x128xf32, #tpu.memory_space<hbm>>
    tpu.enqueue_indirect_dma source(%dma_start3A_901 : memref<20480x128xf32, #tpu.memory_space<hbm>>) target(%dma_start3A_895 : memref<128x128xf32, #tpu.memory_space<vmem>>) offsets(%dma_start3A_898 : memref<128xi32, #tpu.memory_space<vmem>>) semaphore(%arg10 : memref<!tpu.dma_semaphore, #tpu.memory_space<semaphore_mem>>)
    %dma_start3A_902 = arith.constant 0 : i32
    %dma_start3A_903 = arith.constant 1 : i32
    %dma_start3A_904 = arith.constant 1 : i32
    %dma_start3A_905 = arith.constant 0 : i32
    %dma_start3A_906 = arith.constant 0 : i32
    %dma_start3A_907 = tpu.memref_slice %arg8[%dma_start3A_904, %dma_start3A_905, %dma_start3A_906] : memref<2x128x128xf32, #tpu.memory_space<vmem>> -> memref<1x128x128xf32, #tpu.memory_space<vmem>>
    %dma_start3A_908 = tpu.memref_squeeze %dma_start3A_907 : memref<1x128x128xf32, #tpu.memory_space<vmem>> -> memref<128x128xf32, #tpu.memory_space<vmem>>
    %dma_start3A_909 = arith.constant 0 : i32
    %dma_start3A_910 = tpu.memref_slice %arg6[%dma_start3A_902, %dma_start3A_903, %dma_start3A_909] : memref<2x16x128xi32, #tpu.memory_space<vmem>> -> memref<1x1x128xi32, #tpu.memory_space<vmem>>
    %dma_start3A_911 = tpu.memref_squeeze %dma_start3A_910 : memref<1x1x128xi32, #tpu.memory_space<vmem>> -> memref<128xi32, #tpu.memory_space<vmem>>
    %dma_start3A_912 = arith.constant 0 : i32
    %dma_start3A_913 = arith.constant 0 : i32
    %dma_start3A_914 = tpu.memref_slice %arg2[%dma_start3A_912, %dma_start3A_913] : memref<20480x128xf32, #tpu.memory_space<hbm>> -> memref<20480x128xf32, #tpu.memory_space<hbm>>
    tpu.enqueue_indirect_dma source(%dma_start3A_914 : memref<20480x128xf32, #tpu.memory_space<hbm>>) target(%dma_start3A_908 : memref<128x128xf32, #tpu.memory_space<vmem>>) offsets(%dma_start3A_911 : memref<128xi32, #tpu.memory_space<vmem>>) semaphore(%arg11 : memref<!tpu.dma_semaphore, #tpu.memory_space<semaphore_mem>>)
    %scan3A_915 = arith.constant 0 : i32
    %scan3A_916 = arith.constant 0 : i32
    %scan3A_917 = arith.constant 8 : i32
    %scan3A_918 = arith.addi %scan3A_916, %scan3A_917 : i32
    %scan3A_919 = arith.constant 1 : i32
    scf.for %scan3A_1016 = %scan3A_916 to %scan3A_918 step %scan3A_919  : i32 {
      %mul3A_1017 = arith.constant 2 : i32
      %mul3A_1018 = arith.muli %scan3A_1016, %mul3A_1017 : i32
      %add3A_1019 = arith.constant 0 : i32
      %add3A_1020 = arith.addi %mul3A_1018, %add3A_1019 : i32
      %dma_wait3A_1021 = arith.constant 0 : i32
      %dma_wait3A_1022 = arith.constant 0 : i32
      %dma_wait3A_1023 = arith.constant 0 : i32
      %dma_wait3A_1024 = arith.constant 0 : i32
      %dma_wait3A_1025 = tpu.memref_slice %arg8[%dma_wait3A_1022, %dma_wait3A_1023, %dma_wait3A_1024] : memref<2x128x128xf32, #tpu.memory_space<vmem>> -> memref<1x128x128xf32, #tpu.memory_space<vmem>>
      %dma_wait3A_1026 = tpu.memref_squeeze %dma_wait3A_1025 : memref<1x128x128xf32, #tpu.memory_space<vmem>> -> memref<128x128xf32, #tpu.memory_space<vmem>>
      %dma_wait3A_1027 = arith.constant 0 : i32
      %dma_wait3A_1028 = tpu.memref_slice %arg6[%dma_wait3A_1021, %add3A_1020, %dma_wait3A_1027] : memref<2x16x128xi32, #tpu.memory_space<vmem>> -> memref<1x1x128xi32, #tpu.memory_space<vmem>>
      %dma_wait3A_1029 = tpu.memref_squeeze %dma_wait3A_1028 : memref<1x1x128xi32, #tpu.memory_space<vmem>> -> memref<128xi32, #tpu.memory_space<vmem>>
      %dma_wait3A_1030 = arith.constant 0 : i32
      %dma_wait3A_1031 = arith.constant 0 : i32
      %dma_wait3A_1032 = tpu.memref_slice %arg2[%dma_wait3A_1030, %dma_wait3A_1031] : memref<20480x128xf32, #tpu.memory_space<hbm>> -> memref<20480x128xf32, #tpu.memory_space<hbm>>
      tpu.wait_indirect_dma semaphore(%arg10 : memref<!tpu.dma_semaphore, #tpu.memory_space<semaphore_mem>>) src(%dma_wait3A_1032 : memref<20480x128xf32, #tpu.memory_space<hbm>>) dst(%dma_wait3A_1026 : memref<128x128xf32, #tpu.memory_space<vmem>>)
      %run_scoped3A_1033 = arith.constant 0 : i32
      %run_scoped3A_1034 = arith.constant 0 : i32
      "tpu.region"() ({
        %run_scoped3A_1064 = tpu.sem_alloc : memref<!tpu.dma_semaphore, #tpu.memory_space<semaphore_mem>>
        %dma_start3A_1065 = arith.constant 0 : i32
        %dma_start3A_1066 = arith.constant 0 : i32
        %dma_start3A_1067 = tpu.memref_slice %arg8[%run_scoped3A_1033, %dma_start3A_1065, %dma_start3A_1066] : memref<2x128x128xf32, #tpu.memory_space<vmem>> -> memref<1x128x128xf32, #tpu.memory_space<vmem>>
        %dma_start3A_1068 = tpu.memref_squeeze %dma_start3A_1067 : memref<1x128x128xf32, #tpu.memory_space<vmem>> -> memref<128x128xf32, #tpu.memory_space<vmem>>
        %dma_start3A_1069 = arith.constant 0 : i32
        %dma_start3A_1070 = tpu.memref_slice %arg7[%run_scoped3A_1034, %add3A_1020, %dma_start3A_1069] : memref<2x16x128xi32, #tpu.memory_space<vmem>> -> memref<1x1x128xi32, #tpu.memory_space<vmem>>
        %dma_start3A_1071 = tpu.memref_squeeze %dma_start3A_1070 : memref<1x1x128xi32, #tpu.memory_space<vmem>> -> memref<128xi32, #tpu.memory_space<vmem>>
        %dma_start3A_1072 = arith.constant 0 : i32
        %dma_start3A_1073 = arith.constant 0 : i32
        %dma_start3A_1074 = tpu.memref_slice %arg9[%dma_start3A_1072, %dma_start3A_1073] : memref<10240x128xf32, #tpu.memory_space<vmem_shared>> -> memref<10240x128xf32, #tpu.memory_space<vmem_shared>>
        tpu.enqueue_indirect_dma source(%dma_start3A_1068 : memref<128x128xf32, #tpu.memory_space<vmem>>) target(%dma_start3A_1074 : memref<10240x128xf32, #tpu.memory_space<vmem_shared>>) offsets(%dma_start3A_1071 : memref<128xi32, #tpu.memory_space<vmem>>) semaphore(%run_scoped3A_1064 : memref<!tpu.dma_semaphore, #tpu.memory_space<semaphore_mem>>) {add = true}
        %dma_wait3A_1075 = arith.constant 0 : i32
        %dma_wait3A_1076 = arith.constant 0 : i32
        %dma_wait3A_1077 = tpu.memref_slice %arg8[%run_scoped3A_1033, %dma_wait3A_1075, %dma_wait3A_1076] : memref<2x128x128xf32, #tpu.memory_space<vmem>> -> memref<1x128x128xf32, #tpu.memory_space<vmem>>
        %dma_wait3A_1078 = tpu.memref_squeeze %dma_wait3A_1077 : memref<1x128x128xf32, #tpu.memory_space<vmem>> -> memref<128x128xf32, #tpu.memory_space<vmem>>
        %dma_wait3A_1079 = arith.constant 0 : i32
        %dma_wait3A_1080 = tpu.memref_slice %arg7[%run_scoped3A_1034, %add3A_1020, %dma_wait3A_1079] : memref<2x16x128xi32, #tpu.memory_space<vmem>> -> memref<1x1x128xi32, #tpu.memory_space<vmem>>
        %dma_wait3A_1081 = tpu.memref_squeeze %dma_wait3A_1080 : memref<1x1x128xi32, #tpu.memory_space<vmem>> -> memref<128xi32, #tpu.memory_space<vmem>>
        %dma_wait3A_1082 = arith.constant 0 : i32
        %dma_wait3A_1083 = arith.constant 0 : i32
        %dma_wait3A_1084 = tpu.memref_slice %arg9[%dma_wait3A_1082, %dma_wait3A_1083] : memref<10240x128xf32, #tpu.memory_space<vmem_shared>> -> memref<10240x128xf32, #tpu.memory_space<vmem_shared>>
        tpu.wait_indirect_dma semaphore(%run_scoped3A_1064 : memref<!tpu.dma_semaphore, #tpu.memory_space<semaphore_mem>>) src(%dma_wait3A_1078 : memref<128x128xf32, #tpu.memory_space<vmem>>) dst(%dma_wait3A_1084 : memref<10240x128xf32, #tpu.memory_space<vmem_shared>>)
        tpu.yield
      }) : () -> ()
      %add3A_1035 = arith.constant 2 : i32
      %add3A_1036 = arith.addi %add3A_1020, %add3A_1035 : i32
      %lt3A = arith.constant 16 : i32
      %lt3A_1037 = arith.cmpi slt, %add3A_1036, %lt3A : i32
      %convert_element_type3A = arith.extui %lt3A_1037 : i1 to i32
      %cond3A = arith.constant 0 : i32
      %cond3A_1038 = arith.cmpi ne, %convert_element_type3A, %cond3A : i32
      scf.if %cond3A_1038 {
        %add3A_1064 = arith.constant 2 : i32
        %add3A_1065 = arith.addi %add3A_1020, %add3A_1064 : i32
        %dma_start3A_1066 = arith.constant 0 : i32
        %dma_start3A_1067 = arith.constant 0 : i32
        %dma_start3A_1068 = arith.constant 0 : i32
        %dma_start3A_1069 = arith.constant 0 : i32
        %dma_start3A_1070 = tpu.memref_slice %arg8[%dma_start3A_1067, %dma_start3A_1068, %dma_start3A_1069] : memref<2x128x128xf32, #tpu.memory_space<vmem>> -> memref<1x128x128xf32, #tpu.memory_space<vmem>>
        %dma_start3A_1071 = tpu.memref_squeeze %dma_start3A_1070 : memref<1x128x128xf32, #tpu.memory_space<vmem>> -> memref<128x128xf32, #tpu.memory_space<vmem>>
        %dma_start3A_1072 = arith.constant 0 : i32
        %dma_start3A_1073 = tpu.memref_slice %arg6[%dma_start3A_1066, %add3A_1065, %dma_start3A_1072] : memref<2x16x128xi32, #tpu.memory_space<vmem>> -> memref<1x1x128xi32, #tpu.memory_space<vmem>>
        %dma_start3A_1074 = tpu.memref_squeeze %dma_start3A_1073 : memref<1x1x128xi32, #tpu.memory_space<vmem>> -> memref<128xi32, #tpu.memory_space<vmem>>
        %dma_start3A_1075 = arith.constant 0 : i32
        %dma_start3A_1076 = arith.constant 0 : i32
        %dma_start3A_1077 = tpu.memref_slice %arg2[%dma_start3A_1075, %dma_start3A_1076] : memref<20480x128xf32, #tpu.memory_space<hbm>> -> memref<20480x128xf32, #tpu.memory_space<hbm>>
        tpu.enqueue_indirect_dma source(%dma_start3A_1077 : memref<20480x128xf32, #tpu.memory_space<hbm>>) target(%dma_start3A_1071 : memref<128x128xf32, #tpu.memory_space<vmem>>) offsets(%dma_start3A_1074 : memref<128xi32, #tpu.memory_space<vmem>>) semaphore(%arg10 : memref<!tpu.dma_semaphore, #tpu.memory_space<semaphore_mem>>)
      } else {
      }
      %mul3A_1039 = arith.constant 2 : i32
      %mul3A_1040 = arith.muli %scan3A_1016, %mul3A_1039 : i32
      %add3A_1041 = arith.constant 1 : i32
      %add3A_1042 = arith.addi %mul3A_1040, %add3A_1041 : i32
      %dma_wait3A_1043 = arith.constant 0 : i32
      %dma_wait3A_1044 = arith.constant 1 : i32
      %dma_wait3A_1045 = arith.constant 0 : i32
      %dma_wait3A_1046 = arith.constant 0 : i32
      %dma_wait3A_1047 = tpu.memref_slice %arg8[%dma_wait3A_1044, %dma_wait3A_1045, %dma_wait3A_1046] : memref<2x128x128xf32, #tpu.memory_space<vmem>> -> memref<1x128x128xf32, #tpu.memory_space<vmem>>
      %dma_wait3A_1048 = tpu.memref_squeeze %dma_wait3A_1047 : memref<1x128x128xf32, #tpu.memory_space<vmem>> -> memref<128x128xf32, #tpu.memory_space<vmem>>
      %dma_wait3A_1049 = arith.constant 0 : i32
      %dma_wait3A_1050 = tpu.memref_slice %arg6[%dma_wait3A_1043, %add3A_1042, %dma_wait3A_1049] : memref<2x16x128xi32, #tpu.memory_space<vmem>> -> memref<1x1x128xi32, #tpu.memory_space<vmem>>
      %dma_wait3A_1051 = tpu.memref_squeeze %dma_wait3A_1050 : memref<1x1x128xi32, #tpu.memory_space<vmem>> -> memref<128xi32, #tpu.memory_space<vmem>>
      %dma_wait3A_1052 = arith.constant 0 : i32
      %dma_wait3A_1053 = arith.constant 0 : i32
      %dma_wait3A_1054 = tpu.memref_slice %arg2[%dma_wait3A_1052, %dma_wait3A_1053] : memref<20480x128xf32, #tpu.memory_space<hbm>> -> memref<20480x128xf32, #tpu.memory_space<hbm>>
      tpu.wait_indirect_dma semaphore(%arg11 : memref<!tpu.dma_semaphore, #tpu.memory_space<semaphore_mem>>) src(%dma_wait3A_1054 : memref<20480x128xf32, #tpu.memory_space<hbm>>) dst(%dma_wait3A_1048 : memref<128x128xf32, #tpu.memory_space<vmem>>)
      %run_scoped3A_1055 = arith.constant 1 : i32
      %run_scoped3A_1056 = arith.constant 0 : i32
      "tpu.region"() ({
        %run_scoped3A_1064 = tpu.sem_alloc : memref<!tpu.dma_semaphore, #tpu.memory_space<semaphore_mem>>
        %dma_start3A_1065 = arith.constant 0 : i32
        %dma_start3A_1066 = arith.constant 0 : i32
        %dma_start3A_1067 = tpu.memref_slice %arg8[%run_scoped3A_1055, %dma_start3A_1065, %dma_start3A_1066] : memref<2x128x128xf32, #tpu.memory_space<vmem>> -> memref<1x128x128xf32, #tpu.memory_space<vmem>>
        %dma_start3A_1068 = tpu.memref_squeeze %dma_start3A_1067 : memref<1x128x128xf32, #tpu.memory_space<vmem>> -> memref<128x128xf32, #tpu.memory_space<vmem>>
        %dma_start3A_1069 = arith.constant 0 : i32
        %dma_start3A_1070 = tpu.memref_slice %arg7[%run_scoped3A_1056, %add3A_1042, %dma_start3A_1069] : memref<2x16x128xi32, #tpu.memory_space<vmem>> -> memref<1x1x128xi32, #tpu.memory_space<vmem>>
        %dma_start3A_1071 = tpu.memref_squeeze %dma_start3A_1070 : memref<1x1x128xi32, #tpu.memory_space<vmem>> -> memref<128xi32, #tpu.memory_space<vmem>>
        %dma_start3A_1072 = arith.constant 0 : i32
        %dma_start3A_1073 = arith.constant 0 : i32
        %dma_start3A_1074 = tpu.memref_slice %arg9[%dma_start3A_1072, %dma_start3A_1073] : memref<10240x128xf32, #tpu.memory_space<vmem_shared>> -> memref<10240x128xf32, #tpu.memory_space<vmem_shared>>
        tpu.enqueue_indirect_dma source(%dma_start3A_1068 : memref<128x128xf32, #tpu.memory_space<vmem>>) target(%dma_start3A_1074 : memref<10240x128xf32, #tpu.memory_space<vmem_shared>>) offsets(%dma_start3A_1071 : memref<128xi32, #tpu.memory_space<vmem>>) semaphore(%run_scoped3A_1064 : memref<!tpu.dma_semaphore, #tpu.memory_space<semaphore_mem>>) {add = true}
        %dma_wait3A_1075 = arith.constant 0 : i32
        %dma_wait3A_1076 = arith.constant 0 : i32
        %dma_wait3A_1077 = tpu.memref_slice %arg8[%run_scoped3A_1055, %dma_wait3A_1075, %dma_wait3A_1076] : memref<2x128x128xf32, #tpu.memory_space<vmem>> -> memref<1x128x128xf32, #tpu.memory_space<vmem>>
        %dma_wait3A_1078 = tpu.memref_squeeze %dma_wait3A_1077 : memref<1x128x128xf32, #tpu.memory_space<vmem>> -> memref<128x128xf32, #tpu.memory_space<vmem>>
        %dma_wait3A_1079 = arith.constant 0 : i32
        %dma_wait3A_1080 = tpu.memref_slice %arg7[%run_scoped3A_1056, %add3A_1042, %dma_wait3A_1079] : memref<2x16x128xi32, #tpu.memory_space<vmem>> -> memref<1x1x128xi32, #tpu.memory_space<vmem>>
        %dma_wait3A_1081 = tpu.memref_squeeze %dma_wait3A_1080 : memref<1x1x128xi32, #tpu.memory_space<vmem>> -> memref<128xi32, #tpu.memory_space<vmem>>
        %dma_wait3A_1082 = arith.constant 0 : i32
        %dma_wait3A_1083 = arith.constant 0 : i32
        %dma_wait3A_1084 = tpu.memref_slice %arg9[%dma_wait3A_1082, %dma_wait3A_1083] : memref<10240x128xf32, #tpu.memory_space<vmem_shared>> -> memref<10240x128xf32, #tpu.memory_space<vmem_shared>>
        tpu.wait_indirect_dma semaphore(%run_scoped3A_1064 : memref<!tpu.dma_semaphore, #tpu.memory_space<semaphore_mem>>) src(%dma_wait3A_1078 : memref<128x128xf32, #tpu.memory_space<vmem>>) dst(%dma_wait3A_1084 : memref<10240x128xf32, #tpu.memory_space<vmem_shared>>)
        tpu.yield
      }) : () -> ()
      %add3A_1057 = arith.constant 2 : i32
      %add3A_1058 = arith.addi %add3A_1042, %add3A_1057 : i32
      %lt3A_1059 = arith.constant 16 : i32
      %lt3A_1060 = arith.cmpi slt, %add3A_1058, %lt3A_1059 : i32
      %convert_element_type3A_1061 = arith.extui %lt3A_1060 : i1 to i32
      %cond3A_1062 = arith.constant 0 : i32
      %cond3A_1063 = arith.cmpi ne, %convert_element_type3A_1061, %cond3A_1062 : i32
      scf.if %cond3A_1063 {
        %add3A_1064 = arith.constant 2 : i32
        %add3A_1065 = arith.addi %add3A_1042, %add3A_1064 : i32
        %dma_start3A_1066 = arith.constant 0 : i32
        %dma_start3A_1067 = arith.constant 1 : i32
        %dma_start3A_1068 = arith.constant 0 : i32
        %dma_start3A_1069 = arith.constant 0 : i32
        %dma_start3A_1070 = tpu.memref_slice %arg8[%dma_start3A_1067, %dma_start3A_1068, %dma_start3A_1069] : memref<2x128x128xf32, #tpu.memory_space<vmem>> -> memref<1x128x128xf32, #tpu.memory_space<vmem>>
        %dma_start3A_1071 = tpu.memref_squeeze %dma_start3A_1070 : memref<1x128x128xf32, #tpu.memory_space<vmem>> -> memref<128x128xf32, #tpu.memory_space<vmem>>
        %dma_start3A_1072 = arith.constant 0 : i32
        %dma_start3A_1073 = tpu.memref_slice %arg6[%dma_start3A_1066, %add3A_1065, %dma_start3A_1072] : memref<2x16x128xi32, #tpu.memory_space<vmem>> -> memref<1x1x128xi32, #tpu.memory_space<vmem>>
        %dma_start3A_1074 = tpu.memref_squeeze %dma_start3A_1073 : memref<1x1x128xi32, #tpu.memory_space<vmem>> -> memref<128xi32, #tpu.memory_space<vmem>>
        %dma_start3A_1075 = arith.constant 0 : i32
        %dma_start3A_1076 = arith.constant 0 : i32
        %dma_start3A_1077 = tpu.memref_slice %arg2[%dma_start3A_1075, %dma_start3A_1076] : memref<20480x128xf32, #tpu.memory_space<hbm>> -> memref<20480x128xf32, #tpu.memory_space<hbm>>
        tpu.enqueue_indirect_dma source(%dma_start3A_1077 : memref<20480x128xf32, #tpu.memory_space<hbm>>) target(%dma_start3A_1071 : memref<128x128xf32, #tpu.memory_space<vmem>>) offsets(%dma_start3A_1074 : memref<128xi32, #tpu.memory_space<vmem>>) semaphore(%arg11 : memref<!tpu.dma_semaphore, #tpu.memory_space<semaphore_mem>>)
      } else {
      }
    }
    %scan3A_920 = arith.constant 8 : i32
    %mul3A_921 = arith.constant 160 : i32
    %mul3A_922 = arith.muli %arg1, %mul3A_921 : i32
    %add3A_923 = arith.constant 144 : i32
    %add3A_924 = arith.addi %mul3A_922, %add3A_923 : i32
    %dma_wait3A_925 = arith.constant 1 : i32
    %dma_wait3A_926 = arith.constant 0 : i32
    %dma_wait3A_927 = arith.constant 0 : i32
    %dma_wait3A_928 = tpu.memref_slice %arg6[%dma_wait3A_925, %dma_wait3A_926, %dma_wait3A_927] : memref<2x16x128xi32, #tpu.memory_space<vmem>> -> memref<1x16x128xi32, #tpu.memory_space<vmem>>
    %dma_wait3A_929 = tpu.memref_squeeze %dma_wait3A_928 : memref<1x16x128xi32, #tpu.memory_space<vmem>> -> memref<16x128xi32, #tpu.memory_space<vmem>>
    %dma_wait3A_930 = arith.constant 0 : i32
    %dma_wait3A_931 = tpu.memref_slice %arg3[%arg0, %add3A_924, %dma_wait3A_930] : memref<2x2560x128xi32, #tpu.memory_space<hbm>> -> memref<1x16x128xi32, #tpu.memory_space<hbm>>
    %dma_wait3A_932 = tpu.memref_squeeze %dma_wait3A_931 : memref<1x16x128xi32, #tpu.memory_space<hbm>> -> memref<16x128xi32, #tpu.memory_space<hbm>>
    %dma_wait3A_933 = arith.constant 0 : i32
    %dma_wait3A_934 = arith.constant 0 : i32
    %dma_wait3A_935 = tpu.memref_slice %arg6[%dma_wait3A_925, %dma_wait3A_933, %dma_wait3A_934] : memref<2x16x128xi32, #tpu.memory_space<vmem>> -> memref<1x16x128xi32, #tpu.memory_space<vmem>>
    %dma_wait3A_936 = tpu.memref_squeeze %dma_wait3A_935 : memref<1x16x128xi32, #tpu.memory_space<vmem>> -> memref<16x128xi32, #tpu.memory_space<vmem>>
    %dma_wait3A_937 = arith.constant 0 : i32
    %dma_wait3A_938 = tpu.memref_slice %arg3[%arg0, %add3A_924, %dma_wait3A_937] : memref<2x2560x128xi32, #tpu.memory_space<hbm>> -> memref<1x16x128xi32, #tpu.memory_space<hbm>>
    %dma_wait3A_939 = tpu.memref_squeeze %dma_wait3A_938 : memref<1x16x128xi32, #tpu.memory_space<hbm>> -> memref<16x128xi32, #tpu.memory_space<hbm>>
    tpu.wait_dma2 semaphore(%arg12 : memref<!tpu.dma_semaphore, #tpu.memory_space<semaphore_mem>>) src(%dma_wait3A_939 : memref<16x128xi32, #tpu.memory_space<hbm>>) dst(%dma_wait3A_936 : memref<16x128xi32, #tpu.memory_space<vmem>>)
    %dma_wait3A_940 = arith.constant 1 : i32
    %dma_wait3A_941 = arith.constant 0 : i32
    %dma_wait3A_942 = arith.constant 0 : i32
    %dma_wait3A_943 = tpu.memref_slice %arg7[%dma_wait3A_940, %dma_wait3A_941, %dma_wait3A_942] : memref<2x16x128xi32, #tpu.memory_space<vmem>> -> memref<1x16x128xi32, #tpu.memory_space<vmem>>
    %dma_wait3A_944 = tpu.memref_squeeze %dma_wait3A_943 : memref<1x16x128xi32, #tpu.memory_space<vmem>> -> memref<16x128xi32, #tpu.memory_space<vmem>>
    %dma_wait3A_945 = arith.constant 0 : i32
    %dma_wait3A_946 = tpu.memref_slice %arg4[%add3A_924, %dma_wait3A_945] : memref<2560x128xi32, #tpu.memory_space<hbm>> -> memref<16x128xi32, #tpu.memory_space<hbm>>
    %dma_wait3A_947 = arith.constant 0 : i32
    %dma_wait3A_948 = arith.constant 0 : i32
    %dma_wait3A_949 = tpu.memref_slice %arg7[%dma_wait3A_940, %dma_wait3A_947, %dma_wait3A_948] : memref<2x16x128xi32, #tpu.memory_space<vmem>> -> memref<1x16x128xi32, #tpu.memory_space<vmem>>
    %dma_wait3A_950 = tpu.memref_squeeze %dma_wait3A_949 : memref<1x16x128xi32, #tpu.memory_space<vmem>> -> memref<16x128xi32, #tpu.memory_space<vmem>>
    %dma_wait3A_951 = arith.constant 0 : i32
    %dma_wait3A_952 = tpu.memref_slice %arg4[%add3A_924, %dma_wait3A_951] : memref<2560x128xi32, #tpu.memory_space<hbm>> -> memref<16x128xi32, #tpu.memory_space<hbm>>
    tpu.wait_dma2 semaphore(%arg12 : memref<!tpu.dma_semaphore, #tpu.memory_space<semaphore_mem>>) src(%dma_wait3A_952 : memref<16x128xi32, #tpu.memory_space<hbm>>) dst(%dma_wait3A_950 : memref<16x128xi32, #tpu.memory_space<vmem>>)
    %dma_start3A_953 = arith.constant 1 : i32
    %dma_start3A_954 = arith.constant 0 : i32
    %dma_start3A_955 = arith.constant 0 : i32
    %dma_start3A_956 = arith.constant 0 : i32
    %dma_start3A_957 = arith.constant 0 : i32
    %dma_start3A_958 = tpu.memref_slice %arg8[%dma_start3A_955, %dma_start3A_956, %dma_start3A_957] : memref<2x128x128xf32, #tpu.memory_space<vmem>> -> memref<1x128x128xf32, #tpu.memory_space<vmem>>
    %dma_start3A_959 = tpu.memref_squeeze %dma_start3A_958 : memref<1x128x128xf32, #tpu.memory_space<vmem>> -> memref<128x128xf32, #tpu.memory_space<vmem>>
    %dma_start3A_960 = arith.constant 0 : i32
    %dma_start3A_961 = tpu.memref_slice %arg6[%dma_start3A_953, %dma_start3A_954, %dma_start3A_960] : memref<2x16x128xi32, #tpu.memory_space<vmem>> -> memref<1x1x128xi32, #tpu.memory_space<vmem>>
    %dma_start3A_962 = tpu.memref_squeeze %dma_start3A_961 : memref<1x1x128xi32, #tpu.memory_space<vmem>> -> memref<128xi32, #tpu.memory_space<vmem>>
    %dma_start3A_963 = arith.constant 0 : i32
    %dma_start3A_964 = arith.constant 0 : i32
    %dma_start3A_965 = tpu.memref_slice %arg2[%dma_start3A_963, %dma_start3A_964] : memref<20480x128xf32, #tpu.memory_space<hbm>> -> memref<20480x128xf32, #tpu.memory_space<hbm>>
    tpu.enqueue_indirect_dma source(%dma_start3A_965 : memref<20480x128xf32, #tpu.memory_space<hbm>>) target(%dma_start3A_959 : memref<128x128xf32, #tpu.memory_space<vmem>>) offsets(%dma_start3A_962 : memref<128xi32, #tpu.memory_space<vmem>>) semaphore(%arg10 : memref<!tpu.dma_semaphore, #tpu.memory_space<semaphore_mem>>)
    %dma_start3A_966 = arith.constant 1 : i32
    %dma_start3A_967 = arith.constant 1 : i32
    %dma_start3A_968 = arith.constant 1 : i32
    %dma_start3A_969 = arith.constant 0 : i32
    %dma_start3A_970 = arith.constant 0 : i32
    %dma_start3A_971 = tpu.memref_slice %arg8[%dma_start3A_968, %dma_start3A_969, %dma_start3A_970] : memref<2x128x128xf32, #tpu.memory_space<vmem>> -> memref<1x128x128xf32, #tpu.memory_space<vmem>>
    %dma_start3A_972 = tpu.memref_squeeze %dma_start3A_971 : memref<1x128x128xf32, #tpu.memory_space<vmem>> -> memref<128x128xf32, #tpu.memory_space<vmem>>
    %dma_start3A_973 = arith.constant 0 : i32
    %dma_start3A_974 = tpu.memref_slice %arg6[%dma_start3A_966, %dma_start3A_967, %dma_start3A_973] : memref<2x16x128xi32, #tpu.memory_space<vmem>> -> memref<1x1x128xi32, #tpu.memory_space<vmem>>
    %dma_start3A_975 = tpu.memref_squeeze %dma_start3A_974 : memref<1x1x128xi32, #tpu.memory_space<vmem>> -> memref<128xi32, #tpu.memory_space<vmem>>
    %dma_start3A_976 = arith.constant 0 : i32
    %dma_start3A_977 = arith.constant 0 : i32
    %dma_start3A_978 = tpu.memref_slice %arg2[%dma_start3A_976, %dma_start3A_977] : memref<20480x128xf32, #tpu.memory_space<hbm>> -> memref<20480x128xf32, #tpu.memory_space<hbm>>
    tpu.enqueue_indirect_dma source(%dma_start3A_978 : memref<20480x128xf32, #tpu.memory_space<hbm>>) target(%dma_start3A_972 : memref<128x128xf32, #tpu.memory_space<vmem>>) offsets(%dma_start3A_975 : memref<128xi32, #tpu.memory_space<vmem>>) semaphore(%arg11 : memref<!tpu.dma_semaphore, #tpu.memory_space<semaphore_mem>>)
    %scan3A_979 = arith.constant 0 : i32
    %scan3A_980 = arith.constant 0 : i32
    %scan3A_981 = arith.constant 8 : i32
    %scan3A_982 = arith.addi %scan3A_980, %scan3A_981 : i32
    %scan3A_983 = arith.constant 1 : i32
    scf.for %scan3A_1016 = %scan3A_980 to %scan3A_982 step %scan3A_983  : i32 {
      %mul3A_1017 = arith.constant 2 : i32
      %mul3A_1018 = arith.muli %scan3A_1016, %mul3A_1017 : i32
      %add3A_1019 = arith.constant 0 : i32
      %add3A_1020 = arith.addi %mul3A_1018, %add3A_1019 : i32
      %dma_wait3A_1021 = arith.constant 1 : i32
      %dma_wait3A_1022 = arith.constant 0 : i32
      %dma_wait3A_1023 = arith.constant 0 : i32
      %dma_wait3A_1024 = arith.constant 0 : i32
      %dma_wait3A_1025 = tpu.memref_slice %arg8[%dma_wait3A_1022, %dma_wait3A_1023, %dma_wait3A_1024] : memref<2x128x128xf32, #tpu.memory_space<vmem>> -> memref<1x128x128xf32, #tpu.memory_space<vmem>>
      %dma_wait3A_1026 = tpu.memref_squeeze %dma_wait3A_1025 : memref<1x128x128xf32, #tpu.memory_space<vmem>> -> memref<128x128xf32, #tpu.memory_space<vmem>>
      %dma_wait3A_1027 = arith.constant 0 : i32
      %dma_wait3A_1028 = tpu.memref_slice %arg6[%dma_wait3A_1021, %add3A_1020, %dma_wait3A_1027] : memref<2x16x128xi32, #tpu.memory_space<vmem>> -> memref<1x1x128xi32, #tpu.memory_space<vmem>>
      %dma_wait3A_1029 = tpu.memref_squeeze %dma_wait3A_1028 : memref<1x1x128xi32, #tpu.memory_space<vmem>> -> memref<128xi32, #tpu.memory_space<vmem>>
      %dma_wait3A_1030 = arith.constant 0 : i32
      %dma_wait3A_1031 = arith.constant 0 : i32
      %dma_wait3A_1032 = tpu.memref_slice %arg2[%dma_wait3A_1030, %dma_wait3A_1031] : memref<20480x128xf32, #tpu.memory_space<hbm>> -> memref<20480x128xf32, #tpu.memory_space<hbm>>
      tpu.wait_indirect_dma semaphore(%arg10 : memref<!tpu.dma_semaphore, #tpu.memory_space<semaphore_mem>>) src(%dma_wait3A_1032 : memref<20480x128xf32, #tpu.memory_space<hbm>>) dst(%dma_wait3A_1026 : memref<128x128xf32, #tpu.memory_space<vmem>>)
      %run_scoped3A_1033 = arith.constant 0 : i32
      %run_scoped3A_1034 = arith.constant 1 : i32
      "tpu.region"() ({
        %run_scoped3A_1064 = tpu.sem_alloc : memref<!tpu.dma_semaphore, #tpu.memory_space<semaphore_mem>>
        %dma_start3A_1065 = arith.constant 0 : i32
        %dma_start3A_1066 = arith.constant 0 : i32
        %dma_start3A_1067 = tpu.memref_slice %arg8[%run_scoped3A_1033, %dma_start3A_1065, %dma_start3A_1066] : memref<2x128x128xf32, #tpu.memory_space<vmem>> -> memref<1x128x128xf32, #tpu.memory_space<vmem>>
        %dma_start3A_1068 = tpu.memref_squeeze %dma_start3A_1067 : memref<1x128x128xf32, #tpu.memory_space<vmem>> -> memref<128x128xf32, #tpu.memory_space<vmem>>
        %dma_start3A_1069 = arith.constant 0 : i32
        %dma_start3A_1070 = tpu.memref_slice %arg7[%run_scoped3A_1034, %add3A_1020, %dma_start3A_1069] : memref<2x16x128xi32, #tpu.memory_space<vmem>> -> memref<1x1x128xi32, #tpu.memory_space<vmem>>
        %dma_start3A_1071 = tpu.memref_squeeze %dma_start3A_1070 : memref<1x1x128xi32, #tpu.memory_space<vmem>> -> memref<128xi32, #tpu.memory_space<vmem>>
        %dma_start3A_1072 = arith.constant 0 : i32
        %dma_start3A_1073 = arith.constant 0 : i32
        %dma_start3A_1074 = tpu.memref_slice %arg9[%dma_start3A_1072, %dma_start3A_1073] : memref<10240x128xf32, #tpu.memory_space<vmem_shared>> -> memref<10240x128xf32, #tpu.memory_space<vmem_shared>>
        tpu.enqueue_indirect_dma source(%dma_start3A_1068 : memref<128x128xf32, #tpu.memory_space<vmem>>) target(%dma_start3A_1074 : memref<10240x128xf32, #tpu.memory_space<vmem_shared>>) offsets(%dma_start3A_1071 : memref<128xi32, #tpu.memory_space<vmem>>) semaphore(%run_scoped3A_1064 : memref<!tpu.dma_semaphore, #tpu.memory_space<semaphore_mem>>) {add = true}
        %dma_wait3A_1075 = arith.constant 0 : i32
        %dma_wait3A_1076 = arith.constant 0 : i32
        %dma_wait3A_1077 = tpu.memref_slice %arg8[%run_scoped3A_1033, %dma_wait3A_1075, %dma_wait3A_1076] : memref<2x128x128xf32, #tpu.memory_space<vmem>> -> memref<1x128x128xf32, #tpu.memory_space<vmem>>
        %dma_wait3A_1078 = tpu.memref_squeeze %dma_wait3A_1077 : memref<1x128x128xf32, #tpu.memory_space<vmem>> -> memref<128x128xf32, #tpu.memory_space<vmem>>
        %dma_wait3A_1079 = arith.constant 0 : i32
        %dma_wait3A_1080 = tpu.memref_slice %arg7[%run_scoped3A_1034, %add3A_1020, %dma_wait3A_1079] : memref<2x16x128xi32, #tpu.memory_space<vmem>> -> memref<1x1x128xi32, #tpu.memory_space<vmem>>
        %dma_wait3A_1081 = tpu.memref_squeeze %dma_wait3A_1080 : memref<1x1x128xi32, #tpu.memory_space<vmem>> -> memref<128xi32, #tpu.memory_space<vmem>>
        %dma_wait3A_1082 = arith.constant 0 : i32
        %dma_wait3A_1083 = arith.constant 0 : i32
        %dma_wait3A_1084 = tpu.memref_slice %arg9[%dma_wait3A_1082, %dma_wait3A_1083] : memref<10240x128xf32, #tpu.memory_space<vmem_shared>> -> memref<10240x128xf32, #tpu.memory_space<vmem_shared>>
        tpu.wait_indirect_dma semaphore(%run_scoped3A_1064 : memref<!tpu.dma_semaphore, #tpu.memory_space<semaphore_mem>>) src(%dma_wait3A_1078 : memref<128x128xf32, #tpu.memory_space<vmem>>) dst(%dma_wait3A_1084 : memref<10240x128xf32, #tpu.memory_space<vmem_shared>>)
        tpu.yield
      }) : () -> ()
      %add3A_1035 = arith.constant 2 : i32
      %add3A_1036 = arith.addi %add3A_1020, %add3A_1035 : i32
      %lt3A = arith.constant 16 : i32
      %lt3A_1037 = arith.cmpi slt, %add3A_1036, %lt3A : i32
      %convert_element_type3A = arith.extui %lt3A_1037 : i1 to i32
      %cond3A = arith.constant 0 : i32
      %cond3A_1038 = arith.cmpi ne, %convert_element_type3A, %cond3A : i32
      scf.if %cond3A_1038 {
        %add3A_1064 = arith.constant 2 : i32
        %add3A_1065 = arith.addi %add3A_1020, %add3A_1064 : i32
        %dma_start3A_1066 = arith.constant 1 : i32
        %dma_start3A_1067 = arith.constant 0 : i32
        %dma_start3A_1068 = arith.constant 0 : i32
        %dma_start3A_1069 = arith.constant 0 : i32
        %dma_start3A_1070 = tpu.memref_slice %arg8[%dma_start3A_1067, %dma_start3A_1068, %dma_start3A_1069] : memref<2x128x128xf32, #tpu.memory_space<vmem>> -> memref<1x128x128xf32, #tpu.memory_space<vmem>>
        %dma_start3A_1071 = tpu.memref_squeeze %dma_start3A_1070 : memref<1x128x128xf32, #tpu.memory_space<vmem>> -> memref<128x128xf32, #tpu.memory_space<vmem>>
        %dma_start3A_1072 = arith.constant 0 : i32
        %dma_start3A_1073 = tpu.memref_slice %arg6[%dma_start3A_1066, %add3A_1065, %dma_start3A_1072] : memref<2x16x128xi32, #tpu.memory_space<vmem>> -> memref<1x1x128xi32, #tpu.memory_space<vmem>>
        %dma_start3A_1074 = tpu.memref_squeeze %dma_start3A_1073 : memref<1x1x128xi32, #tpu.memory_space<vmem>> -> memref<128xi32, #tpu.memory_space<vmem>>
        %dma_start3A_1075 = arith.constant 0 : i32
        %dma_start3A_1076 = arith.constant 0 : i32
        %dma_start3A_1077 = tpu.memref_slice %arg2[%dma_start3A_1075, %dma_start3A_1076] : memref<20480x128xf32, #tpu.memory_space<hbm>> -> memref<20480x128xf32, #tpu.memory_space<hbm>>
        tpu.enqueue_indirect_dma source(%dma_start3A_1077 : memref<20480x128xf32, #tpu.memory_space<hbm>>) target(%dma_start3A_1071 : memref<128x128xf32, #tpu.memory_space<vmem>>) offsets(%dma_start3A_1074 : memref<128xi32, #tpu.memory_space<vmem>>) semaphore(%arg10 : memref<!tpu.dma_semaphore, #tpu.memory_space<semaphore_mem>>)
      } else {
      }
      %mul3A_1039 = arith.constant 2 : i32
      %mul3A_1040 = arith.muli %scan3A_1016, %mul3A_1039 : i32
      %add3A_1041 = arith.constant 1 : i32
      %add3A_1042 = arith.addi %mul3A_1040, %add3A_1041 : i32
      %dma_wait3A_1043 = arith.constant 1 : i32
      %dma_wait3A_1044 = arith.constant 1 : i32
      %dma_wait3A_1045 = arith.constant 0 : i32
      %dma_wait3A_1046 = arith.constant 0 : i32
      %dma_wait3A_1047 = tpu.memref_slice %arg8[%dma_wait3A_1044, %dma_wait3A_1045, %dma_wait3A_1046] : memref<2x128x128xf32, #tpu.memory_space<vmem>> -> memref<1x128x128xf32, #tpu.memory_space<vmem>>
      %dma_wait3A_1048 = tpu.memref_squeeze %dma_wait3A_1047 : memref<1x128x128xf32, #tpu.memory_space<vmem>> -> memref<128x128xf32, #tpu.memory_space<vmem>>
      %dma_wait3A_1049 = arith.constant 0 : i32
      %dma_wait3A_1050 = tpu.memref_slice %arg6[%dma_wait3A_1043, %add3A_1042, %dma_wait3A_1049] : memref<2x16x128xi32, #tpu.memory_space<vmem>> -> memref<1x1x128xi32, #tpu.memory_space<vmem>>
      %dma_wait3A_1051 = tpu.memref_squeeze %dma_wait3A_1050 : memref<1x1x128xi32, #tpu.memory_space<vmem>> -> memref<128xi32, #tpu.memory_space<vmem>>
      %dma_wait3A_1052 = arith.constant 0 : i32
      %dma_wait3A_1053 = arith.constant 0 : i32
      %dma_wait3A_1054 = tpu.memref_slice %arg2[%dma_wait3A_1052, %dma_wait3A_1053] : memref<20480x128xf32, #tpu.memory_space<hbm>> -> memref<20480x128xf32, #tpu.memory_space<hbm>>
      tpu.wait_indirect_dma semaphore(%arg11 : memref<!tpu.dma_semaphore, #tpu.memory_space<semaphore_mem>>) src(%dma_wait3A_1054 : memref<20480x128xf32, #tpu.memory_space<hbm>>) dst(%dma_wait3A_1048 : memref<128x128xf32, #tpu.memory_space<vmem>>)
      %run_scoped3A_1055 = arith.constant 1 : i32
      %run_scoped3A_1056 = arith.constant 1 : i32
      "tpu.region"() ({
        %run_scoped3A_1064 = tpu.sem_alloc : memref<!tpu.dma_semaphore, #tpu.memory_space<semaphore_mem>>
        %dma_start3A_1065 = arith.constant 0 : i32
        %dma_start3A_1066 = arith.constant 0 : i32
        %dma_start3A_1067 = tpu.memref_slice %arg8[%run_scoped3A_1055, %dma_start3A_1065, %dma_start3A_1066] : memref<2x128x128xf32, #tpu.memory_space<vmem>> -> memref<1x128x128xf32, #tpu.memory_space<vmem>>
        %dma_start3A_1068 = tpu.memref_squeeze %dma_start3A_1067 : memref<1x128x128xf32, #tpu.memory_space<vmem>> -> memref<128x128xf32, #tpu.memory_space<vmem>>
        %dma_start3A_1069 = arith.constant 0 : i32
        %dma_start3A_1070 = tpu.memref_slice %arg7[%run_scoped3A_1056, %add3A_1042, %dma_start3A_1069] : memref<2x16x128xi32, #tpu.memory_space<vmem>> -> memref<1x1x128xi32, #tpu.memory_space<vmem>>
        %dma_start3A_1071 = tpu.memref_squeeze %dma_start3A_1070 : memref<1x1x128xi32, #tpu.memory_space<vmem>> -> memref<128xi32, #tpu.memory_space<vmem>>
        %dma_start3A_1072 = arith.constant 0 : i32
        %dma_start3A_1073 = arith.constant 0 : i32
        %dma_start3A_1074 = tpu.memref_slice %arg9[%dma_start3A_1072, %dma_start3A_1073] : memref<10240x128xf32, #tpu.memory_space<vmem_shared>> -> memref<10240x128xf32, #tpu.memory_space<vmem_shared>>
        tpu.enqueue_indirect_dma source(%dma_start3A_1068 : memref<128x128xf32, #tpu.memory_space<vmem>>) target(%dma_start3A_1074 : memref<10240x128xf32, #tpu.memory_space<vmem_shared>>) offsets(%dma_start3A_1071 : memref<128xi32, #tpu.memory_space<vmem>>) semaphore(%run_scoped3A_1064 : memref<!tpu.dma_semaphore, #tpu.memory_space<semaphore_mem>>) {add = true}
        %dma_wait3A_1075 = arith.constant 0 : i32
        %dma_wait3A_1076 = arith.constant 0 : i32
        %dma_wait3A_1077 = tpu.memref_slice %arg8[%run_scoped3A_1055, %dma_wait3A_1075, %dma_wait3A_1076] : memref<2x128x128xf32, #tpu.memory_space<vmem>> -> memref<1x128x128xf32, #tpu.memory_space<vmem>>
        %dma_wait3A_1078 = tpu.memref_squeeze %dma_wait3A_1077 : memref<1x128x128xf32, #tpu.memory_space<vmem>> -> memref<128x128xf32, #tpu.memory_space<vmem>>
        %dma_wait3A_1079 = arith.constant 0 : i32
        %dma_wait3A_1080 = tpu.memref_slice %arg7[%run_scoped3A_1056, %add3A_1042, %dma_wait3A_1079] : memref<2x16x128xi32, #tpu.memory_space<vmem>> -> memref<1x1x128xi32, #tpu.memory_space<vmem>>
        %dma_wait3A_1081 = tpu.memref_squeeze %dma_wait3A_1080 : memref<1x1x128xi32, #tpu.memory_space<vmem>> -> memref<128xi32, #tpu.memory_space<vmem>>
        %dma_wait3A_1082 = arith.constant 0 : i32
        %dma_wait3A_1083 = arith.constant 0 : i32
        %dma_wait3A_1084 = tpu.memref_slice %arg9[%dma_wait3A_1082, %dma_wait3A_1083] : memref<10240x128xf32, #tpu.memory_space<vmem_shared>> -> memref<10240x128xf32, #tpu.memory_space<vmem_shared>>
        tpu.wait_indirect_dma semaphore(%run_scoped3A_1064 : memref<!tpu.dma_semaphore, #tpu.memory_space<semaphore_mem>>) src(%dma_wait3A_1078 : memref<128x128xf32, #tpu.memory_space<vmem>>) dst(%dma_wait3A_1084 : memref<10240x128xf32, #tpu.memory_space<vmem_shared>>)
        tpu.yield
      }) : () -> ()
      %add3A_1057 = arith.constant 2 : i32
      %add3A_1058 = arith.addi %add3A_1042, %add3A_1057 : i32
      %lt3A_1059 = arith.constant 16 : i32
      %lt3A_1060 = arith.cmpi slt, %add3A_1058, %lt3A_1059 : i32
      %convert_element_type3A_1061 = arith.extui %lt3A_1060 : i1 to i32
      %cond3A_1062 = arith.constant 0 : i32
      %cond3A_1063 = arith.cmpi ne, %convert_element_type3A_1061, %cond3A_1062 : i32
      scf.if %cond3A_1063 {
        %add3A_1064 = arith.constant 2 : i32
        %add3A_1065 = arith.addi %add3A_1042, %add3A_1064 : i32
        %dma_start3A_1066 = arith.constant 1 : i32
        %dma_start3A_1067 = arith.constant 1 : i32
        %dma_start3A_1068 = arith.constant 0 : i32
        %dma_start3A_1069 = arith.constant 0 : i32
        %dma_start3A_1070 = tpu.memref_slice %arg8[%dma_start3A_1067, %dma_start3A_1068, %dma_start3A_1069] : memref<2x128x128xf32, #tpu.memory_space<vmem>> -> memref<1x128x128xf32, #tpu.memory_space<vmem>>
        %dma_start3A_1071 = tpu.memref_squeeze %dma_start3A_1070 : memref<1x128x128xf32, #tpu.memory_space<vmem>> -> memref<128x128xf32, #tpu.memory_space<vmem>>
        %dma_start3A_1072 = arith.constant 0 : i32
        %dma_start3A_1073 = tpu.memref_slice %arg6[%dma_start3A_1066, %add3A_1065, %dma_start3A_1072] : memref<2x16x128xi32, #tpu.memory_space<vmem>> -> memref<1x1x128xi32, #tpu.memory_space<vmem>>
        %dma_start3A_1074 = tpu.memref_squeeze %dma_start3A_1073 : memref<1x1x128xi32, #tpu.memory_space<vmem>> -> memref<128xi32, #tpu.memory_space<vmem>>
        %dma_start3A_1075 = arith.constant 0 : i32
        %dma_start3A_1076 = arith.constant 0 : i32
        %dma_start3A_1077 = tpu.memref_slice %arg2[%dma_start3A_1075, %dma_start3A_1076] : memref<20480x128xf32, #tpu.memory_space<hbm>> -> memref<20480x128xf32, #tpu.memory_space<hbm>>
        tpu.enqueue_indirect_dma source(%dma_start3A_1077 : memref<20480x128xf32, #tpu.memory_space<hbm>>) target(%dma_start3A_1071 : memref<128x128xf32, #tpu.memory_space<vmem>>) offsets(%dma_start3A_1074 : memref<128xi32, #tpu.memory_space<vmem>>) semaphore(%arg11 : memref<!tpu.dma_semaphore, #tpu.memory_space<semaphore_mem>>)
      } else {
      }
    }
    %scan3A_984 = arith.constant 8 : i32
    %barrier3A_985 = arith.constant 0 : index
    tpu.barrier barrier_id(%barrier3A_985)
    %mul3A_986 = arith.constant 640 : i32
    %mul3A_987 = arith.muli %arg1, %mul3A_986 : i32
    %add3A_988 = arith.constant 0 : i32
    %add3A_989 = arith.addi %mul3A_987, %add3A_988 : i32
    %run_scoped3A_990 = arith.constant 0 : i32
    "tpu.region"() ({
      %run_scoped3A_1016 = tpu.sem_alloc : memref<!tpu.dma_semaphore, #tpu.memory_space<semaphore_mem>>
      %dma_start3A_1017 = arith.constant 0 : i32
      %dma_start3A_1018 = arith.constant 0 : i32
      %dma_start3A_1019 = tpu.memref_slice %arg8[%run_scoped3A_990, %dma_start3A_1017, %dma_start3A_1018] : memref<2x128x128xf32, #tpu.memory_space<vmem>> -> memref<1x128x128xf32, #tpu.memory_space<vmem>>
      %dma_start3A_1020 = tpu.memref_squeeze %dma_start3A_1019 : memref<1x128x128xf32, #tpu.memory_space<vmem>> -> memref<128x128xf32, #tpu.memory_space<vmem>>
      %dma_start3A_1021 = arith.constant 0 : i32
      %dma_start3A_1022 = tpu.memref_slice %arg9[%add3A_989, %dma_start3A_1021] : memref<10240x128xf32, #tpu.memory_space<vmem_shared>> -> memref<128x128xf32, #tpu.memory_space<vmem_shared>>
      %dma_start3A_1023 = arith.constant 0 : i32
      %dma_start3A_1024 = arith.constant 0 : i32
      %dma_start3A_1025 = tpu.memref_slice %arg8[%run_scoped3A_990, %dma_start3A_1023, %dma_start3A_1024] : memref<2x128x128xf32, #tpu.memory_space<vmem>> -> memref<1x128x128xf32, #tpu.memory_space<vmem>>
      %dma_start3A_1026 = tpu.memref_squeeze %dma_start3A_1025 : memref<1x128x128xf32, #tpu.memory_space<vmem>> -> memref<128x128xf32, #tpu.memory_space<vmem>>
      %dma_start3A_1027 = arith.constant 0 : i32
      %dma_start3A_1028 = tpu.memref_slice %arg9[%add3A_989, %dma_start3A_1027] : memref<10240x128xf32, #tpu.memory_space<vmem_shared>> -> memref<128x128xf32, #tpu.memory_space<vmem_shared>>
      tpu.enqueue_dma source(%dma_start3A_1028 : memref<128x128xf32, #tpu.memory_space<vmem_shared>>) target(%dma_start3A_1026 : memref<128x128xf32, #tpu.memory_space<vmem>>) target_semaphore(%run_scoped3A_1016 : memref<!tpu.dma_semaphore, #tpu.memory_space<semaphore_mem>>)
      %dma_wait3A_1029 = arith.constant 0 : i32
      %dma_wait3A_1030 = arith.constant 0 : i32
      %dma_wait3A_1031 = tpu.memref_slice %arg8[%run_scoped3A_990, %dma_wait3A_1029, %dma_wait3A_1030] : memref<2x128x128xf32, #tpu.memory_space<vmem>> -> memref<1x128x128xf32, #tpu.memory_space<vmem>>
      %dma_wait3A_1032 = tpu.memref_squeeze %dma_wait3A_1031 : memref<1x128x128xf32, #tpu.memory_space<vmem>> -> memref<128x128xf32, #tpu.memory_space<vmem>>
      %dma_wait3A_1033 = arith.constant 0 : i32
      %dma_wait3A_1034 = tpu.memref_slice %arg9[%add3A_989, %dma_wait3A_1033] : memref<10240x128xf32, #tpu.memory_space<vmem_shared>> -> memref<128x128xf32, #tpu.memory_space<vmem_shared>>
      %dma_wait3A_1035 = arith.constant 0 : i32
      %dma_wait3A_1036 = arith.constant 0 : i32
      %dma_wait3A_1037 = tpu.memref_slice %arg8[%run_scoped3A_990, %dma_wait3A_1035, %dma_wait3A_1036] : memref<2x128x128xf32, #tpu.memory_space<vmem>> -> memref<1x128x128xf32, #tpu.memory_space<vmem>>
      %dma_wait3A_1038 = tpu.memref_squeeze %dma_wait3A_1037 : memref<1x128x128xf32, #tpu.memory_space<vmem>> -> memref<128x128xf32, #tpu.memory_space<vmem>>
      %dma_wait3A_1039 = arith.constant 0 : i32
      %dma_wait3A_1040 = tpu.memref_slice %arg9[%add3A_989, %dma_wait3A_1039] : memref<10240x128xf32, #tpu.memory_space<vmem_shared>> -> memref<128x128xf32, #tpu.memory_space<vmem_shared>>
      tpu.wait_dma2 semaphore(%run_scoped3A_1016 : memref<!tpu.dma_semaphore, #tpu.memory_space<semaphore_mem>>) src(%dma_wait3A_1040 : memref<128x128xf32, #tpu.memory_space<vmem_shared>>) dst(%dma_wait3A_1038 : memref<128x128xf32, #tpu.memory_space<vmem>>)
      tpu.yield
    }) : () -> ()
    %run_scoped3A_991 = arith.constant 0 : i32
    "tpu.region"() ({
      %run_scoped3A_1016 = tpu.sem_alloc : memref<!tpu.dma_semaphore, #tpu.memory_space<semaphore_mem>>
      %dma_start3A_1017 = arith.constant 0 : i32
      %dma_start3A_1018 = arith.constant 0 : i32
      %dma_start3A_1019 = tpu.memref_slice %arg8[%run_scoped3A_991, %dma_start3A_1017, %dma_start3A_1018] : memref<2x128x128xf32, #tpu.memory_space<vmem>> -> memref<1x128x128xf32, #tpu.memory_space<vmem>>
      %dma_start3A_1020 = tpu.memref_squeeze %dma_start3A_1019 : memref<1x128x128xf32, #tpu.memory_space<vmem>> -> memref<128x128xf32, #tpu.memory_space<vmem>>
      %dma_start3A_1021 = arith.constant 0 : i32
      %dma_start3A_1022 = tpu.memref_slice %arg5[%arg0, %add3A_989, %dma_start3A_1021] : memref<2x10240x128xf32, #tpu.memory_space<hbm>> -> memref<1x128x128xf32, #tpu.memory_space<hbm>>
      %dma_start3A_1023 = tpu.memref_squeeze %dma_start3A_1022 : memref<1x128x128xf32, #tpu.memory_space<hbm>> -> memref<128x128xf32, #tpu.memory_space<hbm>>
      %dma_start3A_1024 = arith.constant 0 : i32
      %dma_start3A_1025 = tpu.memref_slice %arg5[%arg0, %add3A_989, %dma_start3A_1024] : memref<2x10240x128xf32, #tpu.memory_space<hbm>> -> memref<1x128x128xf32, #tpu.memory_space<hbm>>
      %dma_start3A_1026 = tpu.memref_squeeze %dma_start3A_1025 : memref<1x128x128xf32, #tpu.memory_space<hbm>> -> memref<128x128xf32, #tpu.memory_space<hbm>>
      %dma_start3A_1027 = arith.constant 0 : i32
      %dma_start3A_1028 = arith.constant 0 : i32
      %dma_start3A_1029 = tpu.memref_slice %arg8[%run_scoped3A_991, %dma_start3A_1027, %dma_start3A_1028] : memref<2x128x128xf32, #tpu.memory_space<vmem>> -> memref<1x128x128xf32, #tpu.memory_space<vmem>>
      %dma_start3A_1030 = tpu.memref_squeeze %dma_start3A_1029 : memref<1x128x128xf32, #tpu.memory_space<vmem>> -> memref<128x128xf32, #tpu.memory_space<vmem>>
      tpu.enqueue_dma source(%dma_start3A_1030 : memref<128x128xf32, #tpu.memory_space<vmem>>) target(%dma_start3A_1026 : memref<128x128xf32, #tpu.memory_space<hbm>>) target_semaphore(%run_scoped3A_1016 : memref<!tpu.dma_semaphore, #tpu.memory_space<semaphore_mem>>)
      %dma_wait3A_1031 = arith.constant 0 : i32
      %dma_wait3A_1032 = arith.constant 0 : i32
      %dma_wait3A_1033 = tpu.memref_slice %arg8[%run_scoped3A_991, %dma_wait3A_1031, %dma_wait3A_1032] : memref<2x128x128xf32, #tpu.memory_space<vmem>> -> memref<1x128x128xf32, #tpu.memory_space<vmem>>
      %dma_wait3A_1034 = tpu.memref_squeeze %dma_wait3A_1033 : memref<1x128x128xf32, #tpu.memory_space<vmem>> -> memref<128x128xf32, #tpu.memory_space<vmem>>
      %dma_wait3A_1035 = arith.constant 0 : i32
      %dma_wait3A_1036 = tpu.memref_slice %arg5[%arg0, %add3A_989, %dma_wait3A_1035] : memref<2x10240x128xf32, #tpu.memory_space<hbm>> -> memref<1x128x128xf32, #tpu.memory_space<hbm>>
      %dma_wait3A_1037 = tpu.memref_squeeze %dma_wait3A_1036 : memref<1x128x128xf32, #tpu.memory_space<hbm>> -> memref<128x128xf32, #tpu.memory_space<hbm>>
      %dma_wait3A_1038 = arith.constant 0 : i32
      %dma_wait3A_1039 = tpu.memref_slice %arg5[%arg0, %add3A_989, %dma_wait3A_1038] : memref<2x10240x128xf32, #tpu.memory_space<hbm>> -> memref<1x128x128xf32, #tpu.memory_space<hbm>>
      %dma_wait3A_1040 = tpu.memref_squeeze %dma_wait3A_1039 : memref<1x128x128xf32, #tpu.memory_space<hbm>> -> memref<128x128xf32, #tpu.memory_space<hbm>>
      %dma_wait3A_1041 = arith.constant 0 : i32
      %dma_wait3A_1042 = arith.constant 0 : i32
      %dma_wait3A_1043 = tpu.memref_slice %arg8[%run_scoped3A_991, %dma_wait3A_1041, %dma_wait3A_1042] : memref<2x128x128xf32, #tpu.memory_space<vmem>> -> memref<1x128x128xf32, #tpu.memory_space<vmem>>
      %dma_wait3A_1044 = tpu.memref_squeeze %dma_wait3A_1043 : memref<1x128x128xf32, #tpu.memory_space<vmem>> -> memref<128x128xf32, #tpu.memory_space<vmem>>
      tpu.wait_dma2 semaphore(%run_scoped3A_1016 : memref<!tpu.dma_semaphore, #tpu.memory_space<semaphore_mem>>) src(%dma_wait3A_1044 : memref<128x128xf32, #tpu.memory_space<vmem>>) dst(%dma_wait3A_1040 : memref<128x128xf32, #tpu.memory_space<hbm>>)
      tpu.yield
    }) : () -> ()
    %mul3A_992 = arith.constant 640 : i32
    %mul3A_993 = arith.muli %arg1, %mul3A_992 : i32
    %add3A_994 = arith.constant 128 : i32
    %add3A_995 = arith.addi %mul3A_993, %add3A_994 : i32
    %run_scoped3A_996 = arith.constant 0 : i32
    "tpu.region"() ({
      %run_scoped3A_1016 = tpu.sem_alloc : memref<!tpu.dma_semaphore, #tpu.memory_space<semaphore_mem>>
      %dma_start3A_1017 = arith.constant 0 : i32
      %dma_start3A_1018 = arith.constant 0 : i32
      %dma_start3A_1019 = tpu.memref_slice %arg8[%run_scoped3A_996, %dma_start3A_1017, %dma_start3A_1018] : memref<2x128x128xf32, #tpu.memory_space<vmem>> -> memref<1x128x128xf32, #tpu.memory_space<vmem>>
      %dma_start3A_1020 = tpu.memref_squeeze %dma_start3A_1019 : memref<1x128x128xf32, #tpu.memory_space<vmem>> -> memref<128x128xf32, #tpu.memory_space<vmem>>
      %dma_start3A_1021 = arith.constant 0 : i32
      %dma_start3A_1022 = tpu.memref_slice %arg9[%add3A_995, %dma_start3A_1021] : memref<10240x128xf32, #tpu.memory_space<vmem_shared>> -> memref<128x128xf32, #tpu.memory_space<vmem_shared>>
      %dma_start3A_1023 = arith.constant 0 : i32
      %dma_start3A_1024 = arith.constant 0 : i32
      %dma_start3A_1025 = tpu.memref_slice %arg8[%run_scoped3A_996, %dma_start3A_1023, %dma_start3A_1024] : memref<2x128x128xf32, #tpu.memory_space<vmem>> -> memref<1x128x128xf32, #tpu.memory_space<vmem>>
      %dma_start3A_1026 = tpu.memref_squeeze %dma_start3A_1025 : memref<1x128x128xf32, #tpu.memory_space<vmem>> -> memref<128x128xf32, #tpu.memory_space<vmem>>
      %dma_start3A_1027 = arith.constant 0 : i32
      %dma_start3A_1028 = tpu.memref_slice %arg9[%add3A_995, %dma_start3A_1027] : memref<10240x128xf32, #tpu.memory_space<vmem_shared>> -> memref<128x128xf32, #tpu.memory_space<vmem_shared>>
      tpu.enqueue_dma source(%dma_start3A_1028 : memref<128x128xf32, #tpu.memory_space<vmem_shared>>) target(%dma_start3A_1026 : memref<128x128xf32, #tpu.memory_space<vmem>>) target_semaphore(%run_scoped3A_1016 : memref<!tpu.dma_semaphore, #tpu.memory_space<semaphore_mem>>)
      %dma_wait3A_1029 = arith.constant 0 : i32
      %dma_wait3A_1030 = arith.constant 0 : i32
      %dma_wait3A_1031 = tpu.memref_slice %arg8[%run_scoped3A_996, %dma_wait3A_1029, %dma_wait3A_1030] : memref<2x128x128xf32, #tpu.memory_space<vmem>> -> memref<1x128x128xf32, #tpu.memory_space<vmem>>
      %dma_wait3A_1032 = tpu.memref_squeeze %dma_wait3A_1031 : memref<1x128x128xf32, #tpu.memory_space<vmem>> -> memref<128x128xf32, #tpu.memory_space<vmem>>
      %dma_wait3A_1033 = arith.constant 0 : i32
      %dma_wait3A_1034 = tpu.memref_slice %arg9[%add3A_995, %dma_wait3A_1033] : memref<10240x128xf32, #tpu.memory_space<vmem_shared>> -> memref<128x128xf32, #tpu.memory_space<vmem_shared>>
      %dma_wait3A_1035 = arith.constant 0 : i32
      %dma_wait3A_1036 = arith.constant 0 : i32
      %dma_wait3A_1037 = tpu.memref_slice %arg8[%run_scoped3A_996, %dma_wait3A_1035, %dma_wait3A_1036] : memref<2x128x128xf32, #tpu.memory_space<vmem>> -> memref<1x128x128xf32, #tpu.memory_space<vmem>>
      %dma_wait3A_1038 = tpu.memref_squeeze %dma_wait3A_1037 : memref<1x128x128xf32, #tpu.memory_space<vmem>> -> memref<128x128xf32, #tpu.memory_space<vmem>>
      %dma_wait3A_1039 = arith.constant 0 : i32
      %dma_wait3A_1040 = tpu.memref_slice %arg9[%add3A_995, %dma_wait3A_1039] : memref<10240x128xf32, #tpu.memory_space<vmem_shared>> -> memref<128x128xf32, #tpu.memory_space<vmem_shared>>
      tpu.wait_dma2 semaphore(%run_scoped3A_1016 : memref<!tpu.dma_semaphore, #tpu.memory_space<semaphore_mem>>) src(%dma_wait3A_1040 : memref<128x128xf32, #tpu.memory_space<vmem_shared>>) dst(%dma_wait3A_1038 : memref<128x128xf32, #tpu.memory_space<vmem>>)
      tpu.yield
    }) : () -> ()
    %run_scoped3A_997 = arith.constant 0 : i32
    "tpu.region"() ({
      %run_scoped3A_1016 = tpu.sem_alloc : memref<!tpu.dma_semaphore, #tpu.memory_space<semaphore_mem>>
      %dma_start3A_1017 = arith.constant 0 : i32
      %dma_start3A_1018 = arith.constant 0 : i32
      %dma_start3A_1019 = tpu.memref_slice %arg8[%run_scoped3A_997, %dma_start3A_1017, %dma_start3A_1018] : memref<2x128x128xf32, #tpu.memory_space<vmem>> -> memref<1x128x128xf32, #tpu.memory_space<vmem>>
      %dma_start3A_1020 = tpu.memref_squeeze %dma_start3A_1019 : memref<1x128x128xf32, #tpu.memory_space<vmem>> -> memref<128x128xf32, #tpu.memory_space<vmem>>
      %dma_start3A_1021 = arith.constant 0 : i32
      %dma_start3A_1022 = tpu.memref_slice %arg5[%arg0, %add3A_995, %dma_start3A_1021] : memref<2x10240x128xf32, #tpu.memory_space<hbm>> -> memref<1x128x128xf32, #tpu.memory_space<hbm>>
      %dma_start3A_1023 = tpu.memref_squeeze %dma_start3A_1022 : memref<1x128x128xf32, #tpu.memory_space<hbm>> -> memref<128x128xf32, #tpu.memory_space<hbm>>
      %dma_start3A_1024 = arith.constant 0 : i32
      %dma_start3A_1025 = tpu.memref_slice %arg5[%arg0, %add3A_995, %dma_start3A_1024] : memref<2x10240x128xf32, #tpu.memory_space<hbm>> -> memref<1x128x128xf32, #tpu.memory_space<hbm>>
      %dma_start3A_1026 = tpu.memref_squeeze %dma_start3A_1025 : memref<1x128x128xf32, #tpu.memory_space<hbm>> -> memref<128x128xf32, #tpu.memory_space<hbm>>
      %dma_start3A_1027 = arith.constant 0 : i32
      %dma_start3A_1028 = arith.constant 0 : i32
      %dma_start3A_1029 = tpu.memref_slice %arg8[%run_scoped3A_997, %dma_start3A_1027, %dma_start3A_1028] : memref<2x128x128xf32, #tpu.memory_space<vmem>> -> memref<1x128x128xf32, #tpu.memory_space<vmem>>
      %dma_start3A_1030 = tpu.memref_squeeze %dma_start3A_1029 : memref<1x128x128xf32, #tpu.memory_space<vmem>> -> memref<128x128xf32, #tpu.memory_space<vmem>>
      tpu.enqueue_dma source(%dma_start3A_1030 : memref<128x128xf32, #tpu.memory_space<vmem>>) target(%dma_start3A_1026 : memref<128x128xf32, #tpu.memory_space<hbm>>) target_semaphore(%run_scoped3A_1016 : memref<!tpu.dma_semaphore, #tpu.memory_space<semaphore_mem>>)
      %dma_wait3A_1031 = arith.constant 0 : i32
      %dma_wait3A_1032 = arith.constant 0 : i32
      %dma_wait3A_1033 = tpu.memref_slice %arg8[%run_scoped3A_997, %dma_wait3A_1031, %dma_wait3A_1032] : memref<2x128x128xf32, #tpu.memory_space<vmem>> -> memref<1x128x128xf32, #tpu.memory_space<vmem>>
      %dma_wait3A_1034 = tpu.memref_squeeze %dma_wait3A_1033 : memref<1x128x128xf32, #tpu.memory_space<vmem>> -> memref<128x128xf32, #tpu.memory_space<vmem>>
      %dma_wait3A_1035 = arith.constant 0 : i32
      %dma_wait3A_1036 = tpu.memref_slice %arg5[%arg0, %add3A_995, %dma_wait3A_1035] : memref<2x10240x128xf32, #tpu.memory_space<hbm>> -> memref<1x128x128xf32, #tpu.memory_space<hbm>>
      %dma_wait3A_1037 = tpu.memref_squeeze %dma_wait3A_1036 : memref<1x128x128xf32, #tpu.memory_space<hbm>> -> memref<128x128xf32, #tpu.memory_space<hbm>>
      %dma_wait3A_1038 = arith.constant 0 : i32
      %dma_wait3A_1039 = tpu.memref_slice %arg5[%arg0, %add3A_995, %dma_wait3A_1038] : memref<2x10240x128xf32, #tpu.memory_space<hbm>> -> memref<1x128x128xf32, #tpu.memory_space<hbm>>
      %dma_wait3A_1040 = tpu.memref_squeeze %dma_wait3A_1039 : memref<1x128x128xf32, #tpu.memory_space<hbm>> -> memref<128x128xf32, #tpu.memory_space<hbm>>
      %dma_wait3A_1041 = arith.constant 0 : i32
      %dma_wait3A_1042 = arith.constant 0 : i32
      %dma_wait3A_1043 = tpu.memref_slice %arg8[%run_scoped3A_997, %dma_wait3A_1041, %dma_wait3A_1042] : memref<2x128x128xf32, #tpu.memory_space<vmem>> -> memref<1x128x128xf32, #tpu.memory_space<vmem>>
      %dma_wait3A_1044 = tpu.memref_squeeze %dma_wait3A_1043 : memref<1x128x128xf32, #tpu.memory_space<vmem>> -> memref<128x128xf32, #tpu.memory_space<vmem>>
      tpu.wait_dma2 semaphore(%run_scoped3A_1016 : memref<!tpu.dma_semaphore, #tpu.memory_space<semaphore_mem>>) src(%dma_wait3A_1044 : memref<128x128xf32, #tpu.memory_space<vmem>>) dst(%dma_wait3A_1040 : memref<128x128xf32, #tpu.memory_space<hbm>>)
      tpu.yield
    }) : () -> ()
    %mul3A_998 = arith.constant 640 : i32
    %mul3A_999 = arith.muli %arg1, %mul3A_998 : i32
    %add3A_1000 = arith.constant 256 : i32
    %add3A_1001 = arith.addi %mul3A_999, %add3A_1000 : i32
    %run_scoped3A_1002 = arith.constant 0 : i32
    "tpu.region"() ({
      %run_scoped3A_1016 = tpu.sem_alloc : memref<!tpu.dma_semaphore, #tpu.memory_space<semaphore_mem>>
      %dma_start3A_1017 = arith.constant 0 : i32
      %dma_start3A_1018 = arith.constant 0 : i32
      %dma_start3A_1019 = tpu.memref_slice %arg8[%run_scoped3A_1002, %dma_start3A_1017, %dma_start3A_1018] : memref<2x128x128xf32, #tpu.memory_space<vmem>> -> memref<1x128x128xf32, #tpu.memory_space<vmem>>
      %dma_start3A_1020 = tpu.memref_squeeze %dma_start3A_1019 : memref<1x128x128xf32, #tpu.memory_space<vmem>> -> memref<128x128xf32, #tpu.memory_space<vmem>>
      %dma_start3A_1021 = arith.constant 0 : i32
      %dma_start3A_1022 = tpu.memref_slice %arg9[%add3A_1001, %dma_start3A_1021] : memref<10240x128xf32, #tpu.memory_space<vmem_shared>> -> memref<128x128xf32, #tpu.memory_space<vmem_shared>>
      %dma_start3A_1023 = arith.constant 0 : i32
      %dma_start3A_1024 = arith.constant 0 : i32
      %dma_start3A_1025 = tpu.memref_slice %arg8[%run_scoped3A_1002, %dma_start3A_1023, %dma_start3A_1024] : memref<2x128x128xf32, #tpu.memory_space<vmem>> -> memref<1x128x128xf32, #tpu.memory_space<vmem>>
      %dma_start3A_1026 = tpu.memref_squeeze %dma_start3A_1025 : memref<1x128x128xf32, #tpu.memory_space<vmem>> -> memref<128x128xf32, #tpu.memory_space<vmem>>
      %dma_start3A_1027 = arith.constant 0 : i32
      %dma_start3A_1028 = tpu.memref_slice %arg9[%add3A_1001, %dma_start3A_1027] : memref<10240x128xf32, #tpu.memory_space<vmem_shared>> -> memref<128x128xf32, #tpu.memory_space<vmem_shared>>
      tpu.enqueue_dma source(%dma_start3A_1028 : memref<128x128xf32, #tpu.memory_space<vmem_shared>>) target(%dma_start3A_1026 : memref<128x128xf32, #tpu.memory_space<vmem>>) target_semaphore(%run_scoped3A_1016 : memref<!tpu.dma_semaphore, #tpu.memory_space<semaphore_mem>>)
      %dma_wait3A_1029 = arith.constant 0 : i32
      %dma_wait3A_1030 = arith.constant 0 : i32
      %dma_wait3A_1031 = tpu.memref_slice %arg8[%run_scoped3A_1002, %dma_wait3A_1029, %dma_wait3A_1030] : memref<2x128x128xf32, #tpu.memory_space<vmem>> -> memref<1x128x128xf32, #tpu.memory_space<vmem>>
      %dma_wait3A_1032 = tpu.memref_squeeze %dma_wait3A_1031 : memref<1x128x128xf32, #tpu.memory_space<vmem>> -> memref<128x128xf32, #tpu.memory_space<vmem>>
      %dma_wait3A_1033 = arith.constant 0 : i32
      %dma_wait3A_1034 = tpu.memref_slice %arg9[%add3A_1001, %dma_wait3A_1033] : memref<10240x128xf32, #tpu.memory_space<vmem_shared>> -> memref<128x128xf32, #tpu.memory_space<vmem_shared>>
      %dma_wait3A_1035 = arith.constant 0 : i32
      %dma_wait3A_1036 = arith.constant 0 : i32
      %dma_wait3A_1037 = tpu.memref_slice %arg8[%run_scoped3A_1002, %dma_wait3A_1035, %dma_wait3A_1036] : memref<2x128x128xf32, #tpu.memory_space<vmem>> -> memref<1x128x128xf32, #tpu.memory_space<vmem>>
      %dma_wait3A_1038 = tpu.memref_squeeze %dma_wait3A_1037 : memref<1x128x128xf32, #tpu.memory_space<vmem>> -> memref<128x128xf32, #tpu.memory_space<vmem>>
      %dma_wait3A_1039 = arith.constant 0 : i32
      %dma_wait3A_1040 = tpu.memref_slice %arg9[%add3A_1001, %dma_wait3A_1039] : memref<10240x128xf32, #tpu.memory_space<vmem_shared>> -> memref<128x128xf32, #tpu.memory_space<vmem_shared>>
      tpu.wait_dma2 semaphore(%run_scoped3A_1016 : memref<!tpu.dma_semaphore, #tpu.memory_space<semaphore_mem>>) src(%dma_wait3A_1040 : memref<128x128xf32, #tpu.memory_space<vmem_shared>>) dst(%dma_wait3A_1038 : memref<128x128xf32, #tpu.memory_space<vmem>>)
      tpu.yield
    }) : () -> ()
    %run_scoped3A_1003 = arith.constant 0 : i32
    "tpu.region"() ({
      %run_scoped3A_1016 = tpu.sem_alloc : memref<!tpu.dma_semaphore, #tpu.memory_space<semaphore_mem>>
      %dma_start3A_1017 = arith.constant 0 : i32
      %dma_start3A_1018 = arith.constant 0 : i32
      %dma_start3A_1019 = tpu.memref_slice %arg8[%run_scoped3A_1003, %dma_start3A_1017, %dma_start3A_1018] : memref<2x128x128xf32, #tpu.memory_space<vmem>> -> memref<1x128x128xf32, #tpu.memory_space<vmem>>
      %dma_start3A_1020 = tpu.memref_squeeze %dma_start3A_1019 : memref<1x128x128xf32, #tpu.memory_space<vmem>> -> memref<128x128xf32, #tpu.memory_space<vmem>>
      %dma_start3A_1021 = arith.constant 0 : i32
      %dma_start3A_1022 = tpu.memref_slice %arg5[%arg0, %add3A_1001, %dma_start3A_1021] : memref<2x10240x128xf32, #tpu.memory_space<hbm>> -> memref<1x128x128xf32, #tpu.memory_space<hbm>>
      %dma_start3A_1023 = tpu.memref_squeeze %dma_start3A_1022 : memref<1x128x128xf32, #tpu.memory_space<hbm>> -> memref<128x128xf32, #tpu.memory_space<hbm>>
      %dma_start3A_1024 = arith.constant 0 : i32
      %dma_start3A_1025 = tpu.memref_slice %arg5[%arg0, %add3A_1001, %dma_start3A_1024] : memref<2x10240x128xf32, #tpu.memory_space<hbm>> -> memref<1x128x128xf32, #tpu.memory_space<hbm>>
      %dma_start3A_1026 = tpu.memref_squeeze %dma_start3A_1025 : memref<1x128x128xf32, #tpu.memory_space<hbm>> -> memref<128x128xf32, #tpu.memory_space<hbm>>
      %dma_start3A_1027 = arith.constant 0 : i32
      %dma_start3A_1028 = arith.constant 0 : i32
      %dma_start3A_1029 = tpu.memref_slice %arg8[%run_scoped3A_1003, %dma_start3A_1027, %dma_start3A_1028] : memref<2x128x128xf32, #tpu.memory_space<vmem>> -> memref<1x128x128xf32, #tpu.memory_space<vmem>>
      %dma_start3A_1030 = tpu.memref_squeeze %dma_start3A_1029 : memref<1x128x128xf32, #tpu.memory_space<vmem>> -> memref<128x128xf32, #tpu.memory_space<vmem>>
      tpu.enqueue_dma source(%dma_start3A_1030 : memref<128x128xf32, #tpu.memory_space<vmem>>) target(%dma_start3A_1026 : memref<128x128xf32, #tpu.memory_space<hbm>>) target_semaphore(%run_scoped3A_1016 : memref<!tpu.dma_semaphore, #tpu.memory_space<semaphore_mem>>)
      %dma_wait3A_1031 = arith.constant 0 : i32
      %dma_wait3A_1032 = arith.constant 0 : i32
      %dma_wait3A_1033 = tpu.memref_slice %arg8[%run_scoped3A_1003, %dma_wait3A_1031, %dma_wait3A_1032] : memref<2x128x128xf32, #tpu.memory_space<vmem>> -> memref<1x128x128xf32, #tpu.memory_space<vmem>>
      %dma_wait3A_1034 = tpu.memref_squeeze %dma_wait3A_1033 : memref<1x128x128xf32, #tpu.memory_space<vmem>> -> memref<128x128xf32, #tpu.memory_space<vmem>>
      %dma_wait3A_1035 = arith.constant 0 : i32
      %dma_wait3A_1036 = tpu.memref_slice %arg5[%arg0, %add3A_1001, %dma_wait3A_1035] : memref<2x10240x128xf32, #tpu.memory_space<hbm>> -> memref<1x128x128xf32, #tpu.memory_space<hbm>>
      %dma_wait3A_1037 = tpu.memref_squeeze %dma_wait3A_1036 : memref<1x128x128xf32, #tpu.memory_space<hbm>> -> memref<128x128xf32, #tpu.memory_space<hbm>>
      %dma_wait3A_1038 = arith.constant 0 : i32
      %dma_wait3A_1039 = tpu.memref_slice %arg5[%arg0, %add3A_1001, %dma_wait3A_1038] : memref<2x10240x128xf32, #tpu.memory_space<hbm>> -> memref<1x128x128xf32, #tpu.memory_space<hbm>>
      %dma_wait3A_1040 = tpu.memref_squeeze %dma_wait3A_1039 : memref<1x128x128xf32, #tpu.memory_space<hbm>> -> memref<128x128xf32, #tpu.memory_space<hbm>>
      %dma_wait3A_1041 = arith.constant 0 : i32
      %dma_wait3A_1042 = arith.constant 0 : i32
      %dma_wait3A_1043 = tpu.memref_slice %arg8[%run_scoped3A_1003, %dma_wait3A_1041, %dma_wait3A_1042] : memref<2x128x128xf32, #tpu.memory_space<vmem>> -> memref<1x128x128xf32, #tpu.memory_space<vmem>>
      %dma_wait3A_1044 = tpu.memref_squeeze %dma_wait3A_1043 : memref<1x128x128xf32, #tpu.memory_space<vmem>> -> memref<128x128xf32, #tpu.memory_space<vmem>>
      tpu.wait_dma2 semaphore(%run_scoped3A_1016 : memref<!tpu.dma_semaphore, #tpu.memory_space<semaphore_mem>>) src(%dma_wait3A_1044 : memref<128x128xf32, #tpu.memory_space<vmem>>) dst(%dma_wait3A_1040 : memref<128x128xf32, #tpu.memory_space<hbm>>)
      tpu.yield
    }) : () -> ()
    %mul3A_1004 = arith.constant 640 : i32
    %mul3A_1005 = arith.muli %arg1, %mul3A_1004 : i32
    %add3A_1006 = arith.constant 384 : i32
    %add3A_1007 = arith.addi %mul3A_1005, %add3A_1006 : i32
    %run_scoped3A_1008 = arith.constant 0 : i32
    "tpu.region"() ({
      %run_scoped3A_1016 = tpu.sem_alloc : memref<!tpu.dma_semaphore, #tpu.memory_space<semaphore_mem>>
      %dma_start3A_1017 = arith.constant 0 : i32
      %dma_start3A_1018 = arith.constant 0 : i32
      %dma_start3A_1019 = tpu.memref_slice %arg8[%run_scoped3A_1008, %dma_start3A_1017, %dma_start3A_1018] : memref<2x128x128xf32, #tpu.memory_space<vmem>> -> memref<1x128x128xf32, #tpu.memory_space<vmem>>
      %dma_start3A_1020 = tpu.memref_squeeze %dma_start3A_1019 : memref<1x128x128xf32, #tpu.memory_space<vmem>> -> memref<128x128xf32, #tpu.memory_space<vmem>>
      %dma_start3A_1021 = arith.constant 0 : i32
      %dma_start3A_1022 = tpu.memref_slice %arg9[%add3A_1007, %dma_start3A_1021] : memref<10240x128xf32, #tpu.memory_space<vmem_shared>> -> memref<128x128xf32, #tpu.memory_space<vmem_shared>>
      %dma_start3A_1023 = arith.constant 0 : i32
      %dma_start3A_1024 = arith.constant 0 : i32
      %dma_start3A_1025 = tpu.memref_slice %arg8[%run_scoped3A_1008, %dma_start3A_1023, %dma_start3A_1024] : memref<2x128x128xf32, #tpu.memory_space<vmem>> -> memref<1x128x128xf32, #tpu.memory_space<vmem>>
      %dma_start3A_1026 = tpu.memref_squeeze %dma_start3A_1025 : memref<1x128x128xf32, #tpu.memory_space<vmem>> -> memref<128x128xf32, #tpu.memory_space<vmem>>
      %dma_start3A_1027 = arith.constant 0 : i32
      %dma_start3A_1028 = tpu.memref_slice %arg9[%add3A_1007, %dma_start3A_1027] : memref<10240x128xf32, #tpu.memory_space<vmem_shared>> -> memref<128x128xf32, #tpu.memory_space<vmem_shared>>
      tpu.enqueue_dma source(%dma_start3A_1028 : memref<128x128xf32, #tpu.memory_space<vmem_shared>>) target(%dma_start3A_1026 : memref<128x128xf32, #tpu.memory_space<vmem>>) target_semaphore(%run_scoped3A_1016 : memref<!tpu.dma_semaphore, #tpu.memory_space<semaphore_mem>>)
      %dma_wait3A_1029 = arith.constant 0 : i32
      %dma_wait3A_1030 = arith.constant 0 : i32
      %dma_wait3A_1031 = tpu.memref_slice %arg8[%run_scoped3A_1008, %dma_wait3A_1029, %dma_wait3A_1030] : memref<2x128x128xf32, #tpu.memory_space<vmem>> -> memref<1x128x128xf32, #tpu.memory_space<vmem>>
      %dma_wait3A_1032 = tpu.memref_squeeze %dma_wait3A_1031 : memref<1x128x128xf32, #tpu.memory_space<vmem>> -> memref<128x128xf32, #tpu.memory_space<vmem>>
      %dma_wait3A_1033 = arith.constant 0 : i32
      %dma_wait3A_1034 = tpu.memref_slice %arg9[%add3A_1007, %dma_wait3A_1033] : memref<10240x128xf32, #tpu.memory_space<vmem_shared>> -> memref<128x128xf32, #tpu.memory_space<vmem_shared>>
      %dma_wait3A_1035 = arith.constant 0 : i32
      %dma_wait3A_1036 = arith.constant 0 : i32
      %dma_wait3A_1037 = tpu.memref_slice %arg8[%run_scoped3A_1008, %dma_wait3A_1035, %dma_wait3A_1036] : memref<2x128x128xf32, #tpu.memory_space<vmem>> -> memref<1x128x128xf32, #tpu.memory_space<vmem>>
      %dma_wait3A_1038 = tpu.memref_squeeze %dma_wait3A_1037 : memref<1x128x128xf32, #tpu.memory_space<vmem>> -> memref<128x128xf32, #tpu.memory_space<vmem>>
      %dma_wait3A_1039 = arith.constant 0 : i32
      %dma_wait3A_1040 = tpu.memref_slice %arg9[%add3A_1007, %dma_wait3A_1039] : memref<10240x128xf32, #tpu.memory_space<vmem_shared>> -> memref<128x128xf32, #tpu.memory_space<vmem_shared>>
      tpu.wait_dma2 semaphore(%run_scoped3A_1016 : memref<!tpu.dma_semaphore, #tpu.memory_space<semaphore_mem>>) src(%dma_wait3A_1040 : memref<128x128xf32, #tpu.memory_space<vmem_shared>>) dst(%dma_wait3A_1038 : memref<128x128xf32, #tpu.memory_space<vmem>>)
      tpu.yield
    }) : () -> ()
    %run_scoped3A_1009 = arith.constant 0 : i32
    "tpu.region"() ({
      %run_scoped3A_1016 = tpu.sem_alloc : memref<!tpu.dma_semaphore, #tpu.memory_space<semaphore_mem>>
      %dma_start3A_1017 = arith.constant 0 : i32
      %dma_start3A_1018 = arith.constant 0 : i32
      %dma_start3A_1019 = tpu.memref_slice %arg8[%run_scoped3A_1009, %dma_start3A_1017, %dma_start3A_1018] : memref<2x128x128xf32, #tpu.memory_space<vmem>> -> memref<1x128x128xf32, #tpu.memory_space<vmem>>
      %dma_start3A_1020 = tpu.memref_squeeze %dma_start3A_1019 : memref<1x128x128xf32, #tpu.memory_space<vmem>> -> memref<128x128xf32, #tpu.memory_space<vmem>>
      %dma_start3A_1021 = arith.constant 0 : i32
      %dma_start3A_1022 = tpu.memref_slice %arg5[%arg0, %add3A_1007, %dma_start3A_1021] : memref<2x10240x128xf32, #tpu.memory_space<hbm>> -> memref<1x128x128xf32, #tpu.memory_space<hbm>>
      %dma_start3A_1023 = tpu.memref_squeeze %dma_start3A_1022 : memref<1x128x128xf32, #tpu.memory_space<hbm>> -> memref<128x128xf32, #tpu.memory_space<hbm>>
      %dma_start3A_1024 = arith.constant 0 : i32
      %dma_start3A_1025 = tpu.memref_slice %arg5[%arg0, %add3A_1007, %dma_start3A_1024] : memref<2x10240x128xf32, #tpu.memory_space<hbm>> -> memref<1x128x128xf32, #tpu.memory_space<hbm>>
      %dma_start3A_1026 = tpu.memref_squeeze %dma_start3A_1025 : memref<1x128x128xf32, #tpu.memory_space<hbm>> -> memref<128x128xf32, #tpu.memory_space<hbm>>
      %dma_start3A_1027 = arith.constant 0 : i32
      %dma_start3A_1028 = arith.constant 0 : i32
      %dma_start3A_1029 = tpu.memref_slice %arg8[%run_scoped3A_1009, %dma_start3A_1027, %dma_start3A_1028] : memref<2x128x128xf32, #tpu.memory_space<vmem>> -> memref<1x128x128xf32, #tpu.memory_space<vmem>>
      %dma_start3A_1030 = tpu.memref_squeeze %dma_start3A_1029 : memref<1x128x128xf32, #tpu.memory_space<vmem>> -> memref<128x128xf32, #tpu.memory_space<vmem>>
      tpu.enqueue_dma source(%dma_start3A_1030 : memref<128x128xf32, #tpu.memory_space<vmem>>) target(%dma_start3A_1026 : memref<128x128xf32, #tpu.memory_space<hbm>>) target_semaphore(%run_scoped3A_1016 : memref<!tpu.dma_semaphore, #tpu.memory_space<semaphore_mem>>)
      %dma_wait3A_1031 = arith.constant 0 : i32
      %dma_wait3A_1032 = arith.constant 0 : i32
      %dma_wait3A_1033 = tpu.memref_slice %arg8[%run_scoped3A_1009, %dma_wait3A_1031, %dma_wait3A_1032] : memref<2x128x128xf32, #tpu.memory_space<vmem>> -> memref<1x128x128xf32, #tpu.memory_space<vmem>>
      %dma_wait3A_1034 = tpu.memref_squeeze %dma_wait3A_1033 : memref<1x128x128xf32, #tpu.memory_space<vmem>> -> memref<128x128xf32, #tpu.memory_space<vmem>>
      %dma_wait3A_1035 = arith.constant 0 : i32
      %dma_wait3A_1036 = tpu.memref_slice %arg5[%arg0, %add3A_1007, %dma_wait3A_1035] : memref<2x10240x128xf32, #tpu.memory_space<hbm>> -> memref<1x128x128xf32, #tpu.memory_space<hbm>>
      %dma_wait3A_1037 = tpu.memref_squeeze %dma_wait3A_1036 : memref<1x128x128xf32, #tpu.memory_space<hbm>> -> memref<128x128xf32, #tpu.memory_space<hbm>>
      %dma_wait3A_1038 = arith.constant 0 : i32
      %dma_wait3A_1039 = tpu.memref_slice %arg5[%arg0, %add3A_1007, %dma_wait3A_1038] : memref<2x10240x128xf32, #tpu.memory_space<hbm>> -> memref<1x128x128xf32, #tpu.memory_space<hbm>>
      %dma_wait3A_1040 = tpu.memref_squeeze %dma_wait3A_1039 : memref<1x128x128xf32, #tpu.memory_space<hbm>> -> memref<128x128xf32, #tpu.memory_space<hbm>>
      %dma_wait3A_1041 = arith.constant 0 : i32
      %dma_wait3A_1042 = arith.constant 0 : i32
      %dma_wait3A_1043 = tpu.memref_slice %arg8[%run_scoped3A_1009, %dma_wait3A_1041, %dma_wait3A_1042] : memref<2x128x128xf32, #tpu.memory_space<vmem>> -> memref<1x128x128xf32, #tpu.memory_space<vmem>>
      %dma_wait3A_1044 = tpu.memref_squeeze %dma_wait3A_1043 : memref<1x128x128xf32, #tpu.memory_space<vmem>> -> memref<128x128xf32, #tpu.memory_space<vmem>>
      tpu.wait_dma2 semaphore(%run_scoped3A_1016 : memref<!tpu.dma_semaphore, #tpu.memory_space<semaphore_mem>>) src(%dma_wait3A_1044 : memref<128x128xf32, #tpu.memory_space<vmem>>) dst(%dma_wait3A_1040 : memref<128x128xf32, #tpu.memory_space<hbm>>)
      tpu.yield
    }) : () -> ()
    %mul3A_1010 = arith.constant 640 : i32
    %mul3A_1011 = arith.muli %arg1, %mul3A_1010 : i32
    %add3A_1012 = arith.constant 512 : i32
    %add3A_1013 = arith.addi %mul3A_1011, %add3A_1012 : i32
    %run_scoped3A_1014 = arith.constant 0 : i32
    "tpu.region"() ({
      %run_scoped3A_1016 = tpu.sem_alloc : memref<!tpu.dma_semaphore, #tpu.memory_space<semaphore_mem>>
      %dma_start3A_1017 = arith.constant 0 : i32
      %dma_start3A_1018 = arith.constant 0 : i32
      %dma_start3A_1019 = tpu.memref_slice %arg8[%run_scoped3A_1014, %dma_start3A_1017, %dma_start3A_1018] : memref<2x128x128xf32, #tpu.memory_space<vmem>> -> memref<1x128x128xf32, #tpu.memory_space<vmem>>
      %dma_start3A_1020 = tpu.memref_squeeze %dma_start3A_1019 : memref<1x128x128xf32, #tpu.memory_space<vmem>> -> memref<128x128xf32, #tpu.memory_space<vmem>>
      %dma_start3A_1021 = arith.constant 0 : i32
      %dma_start3A_1022 = tpu.memref_slice %arg9[%add3A_1013, %dma_start3A_1021] : memref<10240x128xf32, #tpu.memory_space<vmem_shared>> -> memref<128x128xf32, #tpu.memory_space<vmem_shared>>
      %dma_start3A_1023 = arith.constant 0 : i32
      %dma_start3A_1024 = arith.constant 0 : i32
      %dma_start3A_1025 = tpu.memref_slice %arg8[%run_scoped3A_1014, %dma_start3A_1023, %dma_start3A_1024] : memref<2x128x128xf32, #tpu.memory_space<vmem>> -> memref<1x128x128xf32, #tpu.memory_space<vmem>>
      %dma_start3A_1026 = tpu.memref_squeeze %dma_start3A_1025 : memref<1x128x128xf32, #tpu.memory_space<vmem>> -> memref<128x128xf32, #tpu.memory_space<vmem>>
      %dma_start3A_1027 = arith.constant 0 : i32
      %dma_start3A_1028 = tpu.memref_slice %arg9[%add3A_1013, %dma_start3A_1027] : memref<10240x128xf32, #tpu.memory_space<vmem_shared>> -> memref<128x128xf32, #tpu.memory_space<vmem_shared>>
      tpu.enqueue_dma source(%dma_start3A_1028 : memref<128x128xf32, #tpu.memory_space<vmem_shared>>) target(%dma_start3A_1026 : memref<128x128xf32, #tpu.memory_space<vmem>>) target_semaphore(%run_scoped3A_1016 : memref<!tpu.dma_semaphore, #tpu.memory_space<semaphore_mem>>)
      %dma_wait3A_1029 = arith.constant 0 : i32
      %dma_wait3A_1030 = arith.constant 0 : i32
      %dma_wait3A_1031 = tpu.memref_slice %arg8[%run_scoped3A_1014, %dma_wait3A_1029, %dma_wait3A_1030] : memref<2x128x128xf32, #tpu.memory_space<vmem>> -> memref<1x128x128xf32, #tpu.memory_space<vmem>>
      %dma_wait3A_1032 = tpu.memref_squeeze %dma_wait3A_1031 : memref<1x128x128xf32, #tpu.memory_space<vmem>> -> memref<128x128xf32, #tpu.memory_space<vmem>>
      %dma_wait3A_1033 = arith.constant 0 : i32
      %dma_wait3A_1034 = tpu.memref_slice %arg9[%add3A_1013, %dma_wait3A_1033] : memref<10240x128xf32, #tpu.memory_space<vmem_shared>> -> memref<128x128xf32, #tpu.memory_space<vmem_shared>>
      %dma_wait3A_1035 = arith.constant 0 : i32
      %dma_wait3A_1036 = arith.constant 0 : i32
      %dma_wait3A_1037 = tpu.memref_slice %arg8[%run_scoped3A_1014, %dma_wait3A_1035, %dma_wait3A_1036] : memref<2x128x128xf32, #tpu.memory_space<vmem>> -> memref<1x128x128xf32, #tpu.memory_space<vmem>>
      %dma_wait3A_1038 = tpu.memref_squeeze %dma_wait3A_1037 : memref<1x128x128xf32, #tpu.memory_space<vmem>> -> memref<128x128xf32, #tpu.memory_space<vmem>>
      %dma_wait3A_1039 = arith.constant 0 : i32
      %dma_wait3A_1040 = tpu.memref_slice %arg9[%add3A_1013, %dma_wait3A_1039] : memref<10240x128xf32, #tpu.memory_space<vmem_shared>> -> memref<128x128xf32, #tpu.memory_space<vmem_shared>>
      tpu.wait_dma2 semaphore(%run_scoped3A_1016 : memref<!tpu.dma_semaphore, #tpu.memory_space<semaphore_mem>>) src(%dma_wait3A_1040 : memref<128x128xf32, #tpu.memory_space<vmem_shared>>) dst(%dma_wait3A_1038 : memref<128x128xf32, #tpu.memory_space<vmem>>)
      tpu.yield
    }) : () -> ()
    %run_scoped3A_1015 = arith.constant 0 : i32
    "tpu.region"() ({
      %run_scoped3A_1016 = tpu.sem_alloc : memref<!tpu.dma_semaphore, #tpu.memory_space<semaphore_mem>>
      %dma_start3A_1017 = arith.constant 0 : i32
      %dma_start3A_1018 = arith.constant 0 : i32
      %dma_start3A_1019 = tpu.memref_slice %arg8[%run_scoped3A_1015, %dma_start3A_1017, %dma_start3A_1018] : memref<2x128x128xf32, #tpu.memory_space<vmem>> -> memref<1x128x128xf32, #tpu.memory_space<vmem>>
      %dma_start3A_1020 = tpu.memref_squeeze %dma_start3A_1019 : memref<1x128x128xf32, #tpu.memory_space<vmem>> -> memref<128x128xf32, #tpu.memory_space<vmem>>
      %dma_start3A_1021 = arith.constant 0 : i32
      %dma_start3A_1022 = tpu.memref_slice %arg5[%arg0, %add3A_1013, %dma_start3A_1021] : memref<2x10240x128xf32, #tpu.memory_space<hbm>> -> memref<1x128x128xf32, #tpu.memory_space<hbm>>
      %dma_start3A_1023 = tpu.memref_squeeze %dma_start3A_1022 : memref<1x128x128xf32, #tpu.memory_space<hbm>> -> memref<128x128xf32, #tpu.memory_space<hbm>>
      %dma_start3A_1024 = arith.constant 0 : i32
      %dma_start3A_1025 = tpu.memref_slice %arg5[%arg0, %add3A_1013, %dma_start3A_1024] : memref<2x10240x128xf32, #tpu.memory_space<hbm>> -> memref<1x128x128xf32, #tpu.memory_space<hbm>>
      %dma_start3A_1026 = tpu.memref_squeeze %dma_start3A_1025 : memref<1x128x128xf32, #tpu.memory_space<hbm>> -> memref<128x128xf32, #tpu.memory_space<hbm>>
      %dma_start3A_1027 = arith.constant 0 : i32
      %dma_start3A_1028 = arith.constant 0 : i32
      %dma_start3A_1029 = tpu.memref_slice %arg8[%run_scoped3A_1015, %dma_start3A_1027, %dma_start3A_1028] : memref<2x128x128xf32, #tpu.memory_space<vmem>> -> memref<1x128x128xf32, #tpu.memory_space<vmem>>
      %dma_start3A_1030 = tpu.memref_squeeze %dma_start3A_1029 : memref<1x128x128xf32, #tpu.memory_space<vmem>> -> memref<128x128xf32, #tpu.memory_space<vmem>>
      tpu.enqueue_dma source(%dma_start3A_1030 : memref<128x128xf32, #tpu.memory_space<vmem>>) target(%dma_start3A_1026 : memref<128x128xf32, #tpu.memory_space<hbm>>) target_semaphore(%run_scoped3A_1016 : memref<!tpu.dma_semaphore, #tpu.memory_space<semaphore_mem>>)
      %dma_wait3A_1031 = arith.constant 0 : i32
      %dma_wait3A_1032 = arith.constant 0 : i32
      %dma_wait3A_1033 = tpu.memref_slice %arg8[%run_scoped3A_1015, %dma_wait3A_1031, %dma_wait3A_1032] : memref<2x128x128xf32, #tpu.memory_space<vmem>> -> memref<1x128x128xf32, #tpu.memory_space<vmem>>
      %dma_wait3A_1034 = tpu.memref_squeeze %dma_wait3A_1033 : memref<1x128x128xf32, #tpu.memory_space<vmem>> -> memref<128x128xf32, #tpu.memory_space<vmem>>
      %dma_wait3A_1035 = arith.constant 0 : i32
      %dma_wait3A_1036 = tpu.memref_slice %arg5[%arg0, %add3A_1013, %dma_wait3A_1035] : memref<2x10240x128xf32, #tpu.memory_space<hbm>> -> memref<1x128x128xf32, #tpu.memory_space<hbm>>
      %dma_wait3A_1037 = tpu.memref_squeeze %dma_wait3A_1036 : memref<1x128x128xf32, #tpu.memory_space<hbm>> -> memref<128x128xf32, #tpu.memory_space<hbm>>
      %dma_wait3A_1038 = arith.constant 0 : i32
      %dma_wait3A_1039 = tpu.memref_slice %arg5[%arg0, %add3A_1013, %dma_wait3A_1038] : memref<2x10240x128xf32, #tpu.memory_space<hbm>> -> memref<1x128x128xf32, #tpu.memory_space<hbm>>
      %dma_wait3A_1040 = tpu.memref_squeeze %dma_wait3A_1039 : memref<1x128x128xf32, #tpu.memory_space<hbm>> -> memref<128x128xf32, #tpu.memory_space<hbm>>
      %dma_wait3A_1041 = arith.constant 0 : i32
      %dma_wait3A_1042 = arith.constant 0 : i32
      %dma_wait3A_1043 = tpu.memref_slice %arg8[%run_scoped3A_1015, %dma_wait3A_1041, %dma_wait3A_1042] : memref<2x128x128xf32, #tpu.memory_space<vmem>> -> memref<1x128x128xf32, #tpu.memory_space<vmem>>
      %dma_wait3A_1044 = tpu.memref_squeeze %dma_wait3A_1043 : memref<1x128x128xf32, #tpu.memory_space<vmem>> -> memref<128x128xf32, #tpu.memory_space<vmem>>
      tpu.wait_dma2 semaphore(%run_scoped3A_1016 : memref<!tpu.dma_semaphore, #tpu.memory_space<semaphore_mem>>) src(%dma_wait3A_1044 : memref<128x128xf32, #tpu.memory_space<vmem>>) dst(%dma_wait3A_1040 : memref<128x128xf32, #tpu.memory_space<hbm>>)
      tpu.yield
    }) : () -> ()
    return
  }
}

module attributes {stable_mosaic.version = 14 : i64} {
  func.func @_table_body(%arg0: i32, %arg1: memref<1024x128xf32, #tpu.memory_space<vmem>>, %arg2: memref<1024x1xf32, #tpu.memory_space<vmem>>, %arg3: memref<2x1024x128xf32, #tpu.memory_space<vmem>>) attributes {dimension_semantics = [#tpu.dimension_semantics<arbitrary>], iteration_bounds = array<i64: 10>, scalar_prefetch = 0 : i64, scratch_operands = 0 : i64, tpu.core_type = #tpu.core_type<tc>, window_params = [{transform_indices = @transform_0, window_bounds = array<i64: 1024, 128>}, {transform_indices = @transform_1, window_bounds = array<i64: 1024, 1>}, {transform_indices = @transform_2, window_bounds = array<i64: 2, 1024, 128>}]} {
    %get3A = arith.constant 0 : index
    %get3A_0 = arith.constant 0 : index
    %get3A_1 = vector.load %arg1[%get3A, %get3A_0] : memref<1024x128xf32, #tpu.memory_space<vmem>>, vector<1024x128xf32>
    %get3A_2 = arith.constant 0 : index
    %get3A_3 = arith.constant 0 : index
    %get3A_4 = vector.load %arg2[%get3A_2, %get3A_3] : memref<1024x1xf32, #tpu.memory_space<vmem>>, vector<1024x1xf32>
    %gt3A = arith.constant 0.000000e+00 : f32
    %gt3A_5 = vector.broadcast %gt3A : f32 to vector<1024x1xf32>
    %gt3A_6 = arith.cmpf ogt, %get3A_4, %gt3A_5 : vector<1024x1xf32>
    %div3A = arith.constant 1.000000e+00 : f32
    %div3A_7 = vector.broadcast %div3A : f32 to vector<1024x1xf32>
    %div3A_8 = arith.divf %div3A_7, %get3A_4 : vector<1024x1xf32>
    %jit3A = arith.constant 0.000000e+00 : f32
    %broadcast_in_dim3A = vector.broadcast %jit3A : f32 to vector<1024x1xf32>
    %select_n3A = arith.select %gt3A_6, %div3A_8, %broadcast_in_dim3A : vector<1024x1xi1>, vector<1024x1xf32>
    %swap3A = arith.constant 0 : index
    %swap3A_9 = arith.constant 0 : index
    %swap3A_10 = arith.constant 0 : index
    %swap3A_11 = vector.load %arg3[%swap3A, %swap3A_9, %swap3A_10] : memref<2x1024x128xf32, #tpu.memory_space<vmem>>, vector<1x1024x128xf32>
    %swap3A_12 = vector.shape_cast %swap3A_11 : vector<1x1024x128xf32> to vector<1024x128xf32>
    %swap3A_13 = vector.shape_cast %get3A_1 : vector<1024x128xf32> to vector<1x1024x128xf32>
    tpu.vector_store %arg3[%swap3A, %swap3A_9, %swap3A_10], %swap3A_13 {strides = array<i32>} : memref<2x1024x128xf32, #tpu.memory_space<vmem>>, vector<1x1024x128xf32>,
    %mul3A = vector.broadcast %select_n3A : vector<1024x1xf32> to vector<1024x128xf32>
    %mul3A_14 = arith.mulf %get3A_1, %mul3A : vector<1024x128xf32>
    %swap3A_15 = arith.constant 1 : index
    %swap3A_16 = arith.constant 0 : index
    %swap3A_17 = arith.constant 0 : index
    %swap3A_18 = vector.load %arg3[%swap3A_15, %swap3A_16, %swap3A_17] : memref<2x1024x128xf32, #tpu.memory_space<vmem>>, vector<1x1024x128xf32>
    %swap3A_19 = vector.shape_cast %swap3A_18 : vector<1x1024x128xf32> to vector<1024x128xf32>
    %swap3A_20 = vector.shape_cast %mul3A_14 : vector<1024x128xf32> to vector<1x1024x128xf32>
    tpu.vector_store %arg3[%swap3A_15, %swap3A_16, %swap3A_17], %swap3A_20 {strides = array<i32>} : memref<2x1024x128xf32, #tpu.memory_space<vmem>>, vector<1x1024x128xf32>,
    return
  }
  func.func @transform_0(%arg0: i32) -> (i32, i32) {
    %c0_i32 = arith.constant 0 : i32
    %c0_i32_0 = arith.constant 0 : i32
    return %arg0, %c0_i32 : i32, i32
  }
  func.func @transform_1(%arg0: i32) -> (i32, i32) {
    %c0_i32 = arith.constant 0 : i32
    %c0_i32_0 = arith.constant 0 : i32
    return %arg0, %c0_i32 : i32, i32
  }
  func.func @transform_2(%arg0: i32) -> (i32, i32, i32) {
    %c0_i32 = arith.constant 0 : i32
    %c0_i32_0 = arith.constant 0 : i32
    %c0_i32_1 = arith.constant 0 : i32
    return %c0_i32, %arg0, %c0_i32_0 : i32, i32, i32
  }
}

module attributes {stable_mosaic.version = 14 : i64} {
  func.func @_dense_body(%arg0: i32, %arg1: memref<1024x128xf32, #tpu.memory_space<vmem>>, %arg2: memref<2x1024x128xf32, #tpu.memory_space<vmem>>, %arg3: memref<1024x1xf32, #tpu.memory_space<vmem>>, %arg4: memref<128x128xf32, #tpu.memory_space<vmem>>, %arg5: memref<128x128xf32, #tpu.memory_space<vmem>>, %arg6: memref<128x128xf32, #tpu.memory_space<vmem>>, %arg7: memref<128x128xf32, #tpu.memory_space<vmem>>, %arg8: memref<128x128xf32, #tpu.memory_space<vmem>>, %arg9: memref<128x128xf32, #tpu.memory_space<vmem>>, %arg10: memref<128x128xf32, #tpu.memory_space<vmem>>, %arg11: memref<128x128xf32, #tpu.memory_space<vmem>>, %arg12: memref<1x128xf32, #tpu.memory_space<vmem>>, %arg13: memref<1x128xf32, #tpu.memory_space<vmem>>, %arg14: memref<128x12xf32, #tpu.memory_space<vmem>>, %arg15: memref<1x12xf32, #tpu.memory_space<vmem>>, %arg16: memref<1024x12xf32, #tpu.memory_space<vmem>>) attributes {dimension_semantics = [#tpu.dimension_semantics<arbitrary>], iteration_bounds = array<i64: 10>, scalar_prefetch = 0 : i64, scratch_operands = 0 : i64, tpu.core_type = #tpu.core_type<tc>, window_params = [{transform_indices = @transform_0, window_bounds = array<i64: 1024, 128>}, {transform_indices = @transform_1, window_bounds = array<i64: 2, 1024, 128>}, {transform_indices = @transform_2, window_bounds = array<i64: 1024, 1>}, {pipeline_mode = #tpu.pipeline_mode<synchronous>, transform_indices = @transform_3, window_bounds = array<i64: 128, 128>}, {pipeline_mode = #tpu.pipeline_mode<synchronous>, transform_indices = @transform_4, window_bounds = array<i64: 128, 128>}, {pipeline_mode = #tpu.pipeline_mode<synchronous>, transform_indices = @transform_5, window_bounds = array<i64: 128, 128>}, {pipeline_mode = #tpu.pipeline_mode<synchronous>, transform_indices = @transform_6, window_bounds = array<i64: 128, 128>}, {pipeline_mode = #tpu.pipeline_mode<synchronous>, transform_indices = @transform_7, window_bounds = array<i64: 128, 128>}, {pipeline_mode = #tpu.pipeline_mode<synchronous>, transform_indices = @transform_8, window_bounds = array<i64: 128, 128>}, {pipeline_mode = #tpu.pipeline_mode<synchronous>, transform_indices = @transform_9, window_bounds = array<i64: 128, 128>}, {pipeline_mode = #tpu.pipeline_mode<synchronous>, transform_indices = @transform_10, window_bounds = array<i64: 128, 128>}, {pipeline_mode = #tpu.pipeline_mode<synchronous>, transform_indices = @transform_11, window_bounds = array<i64: 1, 128>}, {pipeline_mode = #tpu.pipeline_mode<synchronous>, transform_indices = @transform_12, window_bounds = array<i64: 1, 128>}, {pipeline_mode = #tpu.pipeline_mode<synchronous>, transform_indices = @transform_13, window_bounds = array<i64: 128, 12>}, {pipeline_mode = #tpu.pipeline_mode<synchronous>, transform_indices = @transform_14, window_bounds = array<i64: 1, 12>}, {transform_indices = @transform_15, window_bounds = array<i64: 1024, 12>}]} {
    %get3A = arith.constant 0 : index
    %get3A_0 = arith.constant 0 : index
    %get3A_1 = vector.load %arg1[%get3A, %get3A_0] : memref<1024x128xf32, #tpu.memory_space<vmem>>, vector<1024x128xf32>
    %get3A_2 = arith.constant 0 : index
    %get3A_3 = arith.constant 0 : index
    %get3A_4 = arith.constant 0 : index
    %get3A_5 = vector.load %arg2[%get3A_2, %get3A_3, %get3A_4] : memref<2x1024x128xf32, #tpu.memory_space<vmem>>, vector<1x1024x128xf32>
    %get3A_6 = vector.shape_cast %get3A_5 : vector<1x1024x128xf32> to vector<1024x128xf32>
    %get3A_7 = arith.constant 1 : index
    %get3A_8 = arith.constant 0 : index
    %get3A_9 = arith.constant 0 : index
    %get3A_10 = vector.load %arg2[%get3A_7, %get3A_8, %get3A_9] : memref<2x1024x128xf32, #tpu.memory_space<vmem>>, vector<1x1024x128xf32>
    %get3A_11 = vector.shape_cast %get3A_10 : vector<1x1024x128xf32> to vector<1024x128xf32>
    %get3A_12 = arith.constant 0 : index
    %get3A_13 = arith.constant 0 : index
    %get3A_14 = vector.load %arg3[%get3A_12, %get3A_13] : memref<1024x1xf32, #tpu.memory_space<vmem>>, vector<1024x1xf32>
    %gt3A = arith.constant 0.000000e+00 : f32
    %gt3A_15 = vector.broadcast %gt3A : f32 to vector<1024x1xf32>
    %gt3A_16 = arith.cmpf ogt, %get3A_14, %gt3A_15 : vector<1024x1xf32>
    %div3A = arith.constant 1.000000e+00 : f32
    %div3A_17 = vector.broadcast %div3A : f32 to vector<1024x1xf32>
    %div3A_18 = arith.divf %div3A_17, %get3A_14 : vector<1024x1xf32>
    %jit3A = arith.constant 0.000000e+00 : f32
    %broadcast_in_dim3A = vector.broadcast %jit3A : f32 to vector<1024x1xf32>
    %select_n3A = arith.select %gt3A_16, %div3A_18, %broadcast_in_dim3A : vector<1024x1xi1>, vector<1024x1xf32>
    %mul3A = vector.broadcast %select_n3A : vector<1024x1xf32> to vector<1024x128xf32>
    %mul3A_19 = arith.mulf %get3A_6, %mul3A : vector<1024x128xf32>
    %get3A_20 = arith.constant 0 : index
    %get3A_21 = arith.constant 0 : index
    %get3A_22 = vector.load %arg4[%get3A_20, %get3A_21] : memref<128x128xf32, #tpu.memory_space<vmem>>, vector<128x128xf32>
    %get3A_23 = arith.constant 0 : index
    %get3A_24 = arith.constant 0 : index
    %get3A_25 = vector.load %arg5[%get3A_23, %get3A_24] : memref<128x128xf32, #tpu.memory_space<vmem>>, vector<128x128xf32>
    %add3A = arith.addf %get3A_22, %get3A_25 : vector<128x128xf32>
    %dot_general3A = arith.constant dense<0.000000e+00> : vector<1024x128xf32>
    %dot_general3A_26 = tpu.matmul %get3A_1, %add3A, %dot_general3A {dimension_numbers = #tpu.dot_dimension_numbers<[1], [0], [0], [1], [0, 0, 1, 1], [], []>, transpose_lhs_hint = false} : vector<1024x128xf32>, vector<128x128xf32>, vector<1024x128xf32> -> vector<1024x128xf32>
    %get3A_27 = arith.constant 0 : index
    %get3A_28 = arith.constant 0 : index
    %get3A_29 = vector.load %arg6[%get3A_27, %get3A_28] : memref<128x128xf32, #tpu.memory_space<vmem>>, vector<128x128xf32>
    %dot_general3A_30 = arith.constant dense<0.000000e+00> : vector<1024x128xf32>
    %dot_general3A_31 = tpu.matmul %get3A_11, %get3A_29, %dot_general3A_30 {dimension_numbers = #tpu.dot_dimension_numbers<[1], [0], [0], [1], [0, 0, 1, 1], [], []>, transpose_lhs_hint = false} : vector<1024x128xf32>, vector<128x128xf32>, vector<1024x128xf32> -> vector<1024x128xf32>
    %add3A_32 = arith.addf %dot_general3A_26, %dot_general3A_31 : vector<1024x128xf32>
    %get3A_33 = arith.constant 0 : index
    %get3A_34 = arith.constant 0 : index
    %get3A_35 = vector.load %arg7[%get3A_33, %get3A_34] : memref<128x128xf32, #tpu.memory_space<vmem>>, vector<128x128xf32>
    %dot_general3A_36 = arith.constant dense<0.000000e+00> : vector<1024x128xf32>
    %dot_general3A_37 = tpu.matmul %mul3A_19, %get3A_35, %dot_general3A_36 {dimension_numbers = #tpu.dot_dimension_numbers<[1], [0], [0], [1], [0, 0, 1, 1], [], []>, transpose_lhs_hint = false} : vector<1024x128xf32>, vector<128x128xf32>, vector<1024x128xf32> -> vector<1024x128xf32>
    %add3A_38 = arith.addf %add3A_32, %dot_general3A_37 : vector<1024x128xf32>
    %get3A_39 = arith.constant 0 : index
    %get3A_40 = arith.constant 0 : index
    %get3A_41 = vector.load %arg12[%get3A_39, %get3A_40] : memref<1x128xf32, #tpu.memory_space<vmem>>, vector<1x128xf32>
    %add3A_42 = vector.broadcast %get3A_41 : vector<1x128xf32> to vector<1024x128xf32>
    %add3A_43 = arith.addf %add3A_38, %add3A_42 : vector<1024x128xf32>
    %get3A_44 = arith.constant 0 : index
    %get3A_45 = arith.constant 0 : index
    %get3A_46 = vector.load %arg8[%get3A_44, %get3A_45] : memref<128x128xf32, #tpu.memory_space<vmem>>, vector<128x128xf32>
    %get3A_47 = arith.constant 0 : index
    %get3A_48 = arith.constant 0 : index
    %get3A_49 = vector.load %arg9[%get3A_47, %get3A_48] : memref<128x128xf32, #tpu.memory_space<vmem>>, vector<128x128xf32>
    %add3A_50 = arith.addf %get3A_46, %get3A_49 : vector<128x128xf32>
    %dot_general3A_51 = arith.constant dense<0.000000e+00> : vector<1024x128xf32>
    %dot_general3A_52 = tpu.matmul %get3A_1, %add3A_50, %dot_general3A_51 {dimension_numbers = #tpu.dot_dimension_numbers<[1], [0], [0], [1], [0, 0, 1, 1], [], []>, transpose_lhs_hint = false} : vector<1024x128xf32>, vector<128x128xf32>, vector<1024x128xf32> -> vector<1024x128xf32>
    %get3A_53 = arith.constant 0 : index
    %get3A_54 = arith.constant 0 : index
    %get3A_55 = vector.load %arg10[%get3A_53, %get3A_54] : memref<128x128xf32, #tpu.memory_space<vmem>>, vector<128x128xf32>
    %dot_general3A_56 = arith.constant dense<0.000000e+00> : vector<1024x128xf32>
    %dot_general3A_57 = tpu.matmul %get3A_11, %get3A_55, %dot_general3A_56 {dimension_numbers = #tpu.dot_dimension_numbers<[1], [0], [0], [1], [0, 0, 1, 1], [], []>, transpose_lhs_hint = false} : vector<1024x128xf32>, vector<128x128xf32>, vector<1024x128xf32> -> vector<1024x128xf32>
    %add3A_58 = arith.addf %dot_general3A_52, %dot_general3A_57 : vector<1024x128xf32>
    %get3A_59 = arith.constant 0 : index
    %get3A_60 = arith.constant 0 : index
    %get3A_61 = vector.load %arg11[%get3A_59, %get3A_60] : memref<128x128xf32, #tpu.memory_space<vmem>>, vector<128x128xf32>
    %dot_general3A_62 = arith.constant dense<0.000000e+00> : vector<1024x128xf32>
    %dot_general3A_63 = tpu.matmul %mul3A_19, %get3A_61, %dot_general3A_62 {dimension_numbers = #tpu.dot_dimension_numbers<[1], [0], [0], [1], [0, 0, 1, 1], [], []>, transpose_lhs_hint = false} : vector<1024x128xf32>, vector<128x128xf32>, vector<1024x128xf32> -> vector<1024x128xf32>
    %add3A_64 = arith.addf %add3A_58, %dot_general3A_63 : vector<1024x128xf32>
    %get3A_65 = arith.constant 0 : index
    %get3A_66 = arith.constant 0 : index
    %get3A_67 = vector.load %arg13[%get3A_65, %get3A_66] : memref<1x128xf32, #tpu.memory_space<vmem>>, vector<1x128xf32>
    %add3A_68 = vector.broadcast %get3A_67 : vector<1x128xf32> to vector<1024x128xf32>
    %add3A_69 = arith.addf %add3A_64, %add3A_68 : vector<1024x128xf32>
    %logistic3A = arith.negf %add3A_43 : vector<1024x128xf32>
    %logistic3A_70 = math.exp %logistic3A : vector<1024x128xf32>
    %logistic3A_71 = arith.constant 1.000000e+00 : f32
    %logistic3A_72 = vector.broadcast %logistic3A_71 : f32 to vector<1024x128xf32>
    %logistic3A_73 = arith.addf %logistic3A_72, %logistic3A_70 : vector<1024x128xf32>
    %logistic3A_74 = arith.divf %logistic3A_72, %logistic3A_73 : vector<1024x128xf32>
    %tanh3A = math.tanh %add3A_69 : vector<1024x128xf32>
    %sub3A = arith.constant 1.000000e+00 : f32
    %sub3A_75 = vector.broadcast %sub3A : f32 to vector<1024x128xf32>
    %sub3A_76 = arith.subf %sub3A_75, %logistic3A_74 : vector<1024x128xf32>
    %mul3A_77 = arith.mulf %sub3A_76, %tanh3A : vector<1024x128xf32>
    %max3A = arith.constant 0.000000e+00 : f32
    %max3A_78 = vector.broadcast %max3A : f32 to vector<1024x128xf32>
    %max3A_79 = arith.maximumf %mul3A_77, %max3A_78 : vector<1024x128xf32>
    %get3A_80 = arith.constant 0 : index
    %get3A_81 = arith.constant 0 : index
    %get3A_82 = vector.load %arg14[%get3A_80, %get3A_81] : memref<128x12xf32, #tpu.memory_space<vmem>>, vector<128x12xf32>
    %dot_general3A_83 = arith.constant dense<0.000000e+00> : vector<1024x12xf32>
    %dot_general3A_84 = tpu.matmul %max3A_79, %get3A_82, %dot_general3A_83 {dimension_numbers = #tpu.dot_dimension_numbers<[1], [0], [0], [1], [0, 0, 1, 1], [], []>, transpose_lhs_hint = false} : vector<1024x128xf32>, vector<128x12xf32>, vector<1024x12xf32> -> vector<1024x12xf32>
    %get3A_85 = arith.constant 0 : index
    %get3A_86 = arith.constant 0 : index
    %get3A_87 = vector.load %arg15[%get3A_85, %get3A_86] : memref<1x12xf32, #tpu.memory_space<vmem>>, vector<1x12xf32>
    %add3A_88 = vector.broadcast %get3A_87 : vector<1x12xf32> to vector<1024x12xf32>
    %add3A_89 = arith.addf %dot_general3A_84, %add3A_88 : vector<1024x12xf32>
    %swap3A = arith.constant 0 : index
    %swap3A_90 = arith.constant 0 : index
    %swap3A_91 = vector.load %arg16[%swap3A, %swap3A_90] : memref<1024x12xf32, #tpu.memory_space<vmem>>, vector<1024x12xf32>
    tpu.vector_store %arg16[%swap3A, %swap3A_90], %add3A_89 {strides = array<i32>} : memref<1024x12xf32, #tpu.memory_space<vmem>>, vector<1024x12xf32>,
    return
  }
  func.func @transform_0(%arg0: i32) -> (i32, i32) {
    %c0_i32 = arith.constant 0 : i32
    %c0_i32_0 = arith.constant 0 : i32
    return %arg0, %c0_i32 : i32, i32
  }
  func.func @transform_1(%arg0: i32) -> (i32, i32, i32) {
    %c0_i32 = arith.constant 0 : i32
    %c0_i32_0 = arith.constant 0 : i32
    %c0_i32_1 = arith.constant 0 : i32
    return %c0_i32, %arg0, %c0_i32_0 : i32, i32, i32
  }
  func.func @transform_2(%arg0: i32) -> (i32, i32) {
    %c0_i32 = arith.constant 0 : i32
    %c0_i32_0 = arith.constant 0 : i32
    return %arg0, %c0_i32 : i32, i32
  }
  func.func @transform_3(%arg0: i32) -> (i32, i32) {
    %c0_i32 = arith.constant 0 : i32
    %c0_i32_0 = arith.constant 0 : i32
    %c0_i32_1 = arith.constant 0 : i32
    return %c0_i32, %c0_i32_0 : i32, i32
  }
  func.func @transform_4(%arg0: i32) -> (i32, i32) {
    %c0_i32 = arith.constant 0 : i32
    %c0_i32_0 = arith.constant 0 : i32
    %c0_i32_1 = arith.constant 0 : i32
    return %c0_i32, %c0_i32_0 : i32, i32
  }
  func.func @transform_5(%arg0: i32) -> (i32, i32) {
    %c0_i32 = arith.constant 0 : i32
    %c0_i32_0 = arith.constant 0 : i32
    %c0_i32_1 = arith.constant 0 : i32
    return %c0_i32, %c0_i32_0 : i32, i32
  }
  func.func @transform_6(%arg0: i32) -> (i32, i32) {
    %c0_i32 = arith.constant 0 : i32
    %c0_i32_0 = arith.constant 0 : i32
    %c0_i32_1 = arith.constant 0 : i32
    return %c0_i32, %c0_i32_0 : i32, i32
  }
  func.func @transform_7(%arg0: i32) -> (i32, i32) {
    %c0_i32 = arith.constant 0 : i32
    %c0_i32_0 = arith.constant 0 : i32
    %c0_i32_1 = arith.constant 0 : i32
    return %c0_i32, %c0_i32_0 : i32, i32
  }
  func.func @transform_8(%arg0: i32) -> (i32, i32) {
    %c0_i32 = arith.constant 0 : i32
    %c0_i32_0 = arith.constant 0 : i32
    %c0_i32_1 = arith.constant 0 : i32
    return %c0_i32, %c0_i32_0 : i32, i32
  }
  func.func @transform_9(%arg0: i32) -> (i32, i32) {
    %c0_i32 = arith.constant 0 : i32
    %c0_i32_0 = arith.constant 0 : i32
    %c0_i32_1 = arith.constant 0 : i32
    return %c0_i32, %c0_i32_0 : i32, i32
  }
  func.func @transform_10(%arg0: i32) -> (i32, i32) {
    %c0_i32 = arith.constant 0 : i32
    %c0_i32_0 = arith.constant 0 : i32
    %c0_i32_1 = arith.constant 0 : i32
    return %c0_i32, %c0_i32_0 : i32, i32
  }
  func.func @transform_11(%arg0: i32) -> (i32, i32) {
    %c0_i32 = arith.constant 0 : i32
    %c0_i32_0 = arith.constant 0 : i32
    %c0_i32_1 = arith.constant 0 : i32
    return %c0_i32, %c0_i32_0 : i32, i32
  }
  func.func @transform_12(%arg0: i32) -> (i32, i32) {
    %c0_i32 = arith.constant 0 : i32
    %c0_i32_0 = arith.constant 0 : i32
    %c0_i32_1 = arith.constant 0 : i32
    return %c0_i32, %c0_i32_0 : i32, i32
  }
  func.func @transform_13(%arg0: i32) -> (i32, i32) {
    %c0_i32 = arith.constant 0 : i32
    %c0_i32_0 = arith.constant 0 : i32
    %c0_i32_1 = arith.constant 0 : i32
    return %c0_i32, %c0_i32_0 : i32, i32
  }
  func.func @transform_14(%arg0: i32) -> (i32, i32) {
    %c0_i32 = arith.constant 0 : i32
    %c0_i32_0 = arith.constant 0 : i32
    %c0_i32_1 = arith.constant 0 : i32
    return %c0_i32, %c0_i32_0 : i32, i32
  }
  func.func @transform_15(%arg0: i32) -> (i32, i32) {
    %c0_i32 = arith.constant 0 : i32
    %c0_i32_0 = arith.constant 0 : i32
    return %arg0, %c0_i32 : i32, i32
  }
}

</mosaic_0001>

<sc_bundles>
// kernel: kernel.6.cloned.1.call-start
scs
__scs_entry_jumppad:
0x0: {  	(pc) =	sbr.rel $0x88, $3  }
0x1: {  	(tag) =	ssettag $0x0;
	lr =	simm.s32 $0x1  }
0x2: {  	[smem:$0x3F98] =	sst lr;
	_ =	strace $0xD0000000  }
0x3: {  	_ = 	snop  }
0x4: {  	_ = 	snop  }
0x5: {  	_ = 	snop  }
0x6: {  	_ = 	snop  }
0x7: {  	_ = 	snop  }
__scs_overlays_trampoline_lowered:
0x8: {  	[smem:$0x3FA7] =	sst s0  }
0x9: {  	[smem:$0x3FA8] =	sst s1  }
0xa: {  	[smem:$0x3FA9] =	sst s2  }
0xb: {  	[smem:$0x3FAA] =	sst s3  }
0xc: {  	[smem:$0x3FAB] =	sst s4  }
0xd: {  	[smem:$0x3FAC] =	sst s5  }
0xe: {  	[smem:$0x3FAD] =	sst s6  }
0xf: {  	[smem:$0x3FAE] =	sst s7  }
0x10: {  	[smem:$0x3FAF] =	sst s8  }
0x11: {  	[smem:$0x3FB0] =	sst s9;
	s0 =	simm.s32 @!p0 $0x0  }
0x12: {  	s1 =	sld [smem:$0x3F96];
	s0 =	simm.s32 @p0 $0x1  }
0x13: {  	[smem:$0x3FB1] =	sst s0;
	s0 =	simm.s32 @!p1 $0x0  }
0x14: {  	s2 =	sld [smem:$0x3F95];
	s0 =	simm.s32 @p1 $0x1  }
0x15: {  	[smem:$0x3FB2] =	sst s0;
	s0 =	simm.s32 @!p2 $0x0  }
0x16: {  	s3 =	sld [smem:$0x3FDB];
	s0 =	simm.s32 @p2 $0x1  }
0x17: {  	s4 =	simm.s32 $0x1BF5;
	[smem:$0x3FB4] =	sst s0  }
0x18: {  	s0 =	sld [smem:$0x3F97];
	_ =	swait.ge [sflag:s4], $0x0  }
0x19: {  	s7 =	sld [smem:$0x3F98]  }
0x1a: {  	s8 =	sadd.s32 $0xFFFFE003, lr  }
0x1b: {  	s9 =	sadd.s32 $0xFFFFFEF7, lr;
	s5 =	simm.s32 $0xFFFFFFFF;
	p2 =	slt.u32 s8, $0xFFFFF086  }
0x1c: {  	p1 =	slt.u32 s9, $0xF7A;
	s5 =	simm.s32 @!p2 $0x0  }
0x1d: {  	s5 =	simm.s32 @p1 $0x1;
	p0 =	seq.s32 s7, s2  }
0x1e: {  	s7 =	smul.u32 @!p0 $0xF7A, s2;
	p2 =	seq.s32 @!p0 s5, $0x0  }
0x1f: {  	s9 =	smul.u32 $0xF7A, s1;
	s8 =	simm.s32 @!p0 $0x1BF5;
	p2 =	por !p2, p0  }
0x20: {  	[sflag:s8] =	ssyncset.s32 @!p0 $0xFFFFF086;
	s6 =	sadd.s32 @!p0 s3, s7;
	s7 =	simm.s32 @!p0 $0x108  }
0x21: {  	s3 =	sadd.s32 s3, s9;
	s6 =	sadd.s32 @!p0 $0x88, s6;
	s7 =	simm.s32 @p2 $0x1082  }
0x22: {  	[simem:s7], [sflag:s8] =	dma.local @!p0 [hbm:s6], $0xF7A  }
0x23: {  	s9 =	sor.u32 $0xD0000000, s2;
	s6 =	simm.s32 $0x108;
	_ =	swait.ge @!p0 [sflag:s8], $0x0  }
0x24: {  	s3 =	sadd.s32 $0x88, s3;
	s6 =	simm.s32 @!p1 $0x1082;
	[sflag:s4] =	ssyncset.s32 $0xFFFFF086  }
0x25: {  	[simem:s6], [sflag:s4] =	dma.local [hbm:s3], $0xF7A  }
0x26: {  	[smem:$0x3F98] =	sst s1;
	(tag) =	ssettag s2;
	_ =	strace s9  }
0x27: {  	s1 =	sld [smem:$0x3FA8]  }
0x28: {  	s2 =	sld [smem:$0x3FA9]  }
0x29: {  	s4 =	sld [smem:$0x3FAB]  }
0x2a: {  	p0 =	seq.s32 s5, $0x0;
	s5 =	sld [smem:$0x3FAC]  }
0x2b: {  	s6 =	sld [smem:$0x3FAD]  }
0x2c: {  	s7 =	sld [smem:$0x3FAE]  }
0x2d: {  	s3 =	simm.s32 $0x108;
	s8 =	sld [smem:$0x3FAF]  }
0x2e: {  	s3 =	simm.s32 @!p0 $0x1082;
	s9 =	sld [smem:$0x3FB0]  }
0x2f: {  	lr =	sadd.s32 s0, s3;
	s0 =	sld [smem:$0x3FA7]  }
0x30: {  	s3 =	sld [smem:$0x3FAA]  }
0x31: {  	[smem:$0x3FB3] =	sst s10  }
0x32: {  	s10 =	sld [smem:$0x3FB1];
	_ =	sdelay $0x3  }
0x33: {  	p0 =	seq.s32 s10, $0x1;
	s10 =	sld [smem:$0x3FB3];
	_ =	sdelay $0x3  }
0x34: {  	[smem:$0x3FB3] =	sst s10  }
0x35: {  	s10 =	sld [smem:$0x3FB2];
	_ =	sdelay $0x3  }
0x36: {  	p1 =	seq.s32 s10, $0x1;
	s10 =	sld [smem:$0x3FB3];
	_ =	sdelay $0x3  }
0x37: {  	[smem:$0x3FB3] =	sst s10  }
0x38: {  	s10 =	sld [smem:$0x3FB4]  }
0x39: {  	_ = 	snop;
	(pc) =	sbr.ind lr, $3  }
0x3a: {  	_ = 	snop  }
0x3b: {  	_ = 	snop  }
0x3c: {  	p2 =	seq.s32 s10, $0x1;
	s10 =	sld [smem:$0x3FB3]  }
0x3d: {  	_ =	shalt  }
0x3e: {  	_ =	shalt  }
0x3f: {  	_ =	shalt  }
0x40: {  	_ =	shalt  }
0x41: {  	_ =	shalt  }
0x42: {  	_ =	shalt  }
0x43: {  	_ =	shalt  }
0x44: {  	_ =	shalt  }
0x45: {  	_ =	shalt  }
0x46: {  	_ =	shalt  }
0x47: {  	_ =	shalt  }
0x48: {  	_ =	shalt  }
0x49: {  	_ =	shalt  }
0x4a: {  	_ =	shalt  }
0x4b: {  	_ =	shalt  }
0x4c: {  	_ =	shalt  }
0x4d: {  	_ =	shalt  }
0x4e: {  	_ =	shalt  }
0x4f: {  	_ =	shalt  }
0x50: {  	_ =	shalt  }
0x51: {  	_ =	shalt  }
0x52: {  	_ =	shalt  }
0x53: {  	_ =	shalt  }
0x54: {  	_ =	shalt  }
0x55: {  	_ =	shalt  }
0x56: {  	_ =	shalt  }
0x57: {  	_ =	shalt  }
0x58: {  	_ =	shalt  }
0x59: {  	_ =	shalt  }
0x5a: {  	_ =	shalt  }
0x5b: {  	_ =	shalt  }
0x5c: {  	_ =	shalt  }
0x5d: {  	_ =	shalt  }
0x5e: {  	_ =	shalt  }
0x5f: {  	_ =	shalt  }
0x60: {  	_ =	shalt  }
0x61: {  	_ =	shalt  }
0x62: {  	_ =	shalt  }
0x63: {  	_ =	shalt  }
0x64: {  	_ =	shalt  }
0x65: {  	_ =	shalt  }
0x66: {  	_ =	shalt  }
0x67: {  	_ =	shalt  }
0x68: {  	_ =	shalt  }
0x69: {  	_ =	shalt  }
0x6a: {  	_ =	shalt  }
0x6b: {  	_ =	shalt  }
0x6c: {  	_ =	shalt  }
0x6d: {  	_ =	shalt  }
0x6e: {  	_ =	shalt  }
0x6f: {  	_ =	shalt  }
0x70: {  	_ =	shalt  }
0x71: {  	_ =	shalt  }
0x72: {  	_ =	shalt  }
0x73: {  	_ =	shalt  }
0x74: {  	_ =	shalt  }
0x75: {  	_ =	shalt  }
0x76: {  	_ =	shalt  }
0x77: {  	_ =	shalt  }
0x78: {  	_ =	shalt  }
0x79: {  	_ =	shalt  }
0x7a: {  	_ =	shalt  }
0x7b: {  	_ =	shalt  }
0x7c: {  	_ =	shalt  }
0x7d: {  	_ =	shalt  }
0x7e: {  	_ =	shalt  }
0x7f: {  	_ =	shalt  }
0x80: {  	_ =	shalt  }
0x81: {  	_ =	shalt  }
0x82: {  	_ =	shalt  }
0x83: {  	_ =	shalt  }
0x84: {  	_ =	shalt  }
0x85: {  	_ =	shalt  }
0x86: {  	_ =	shalt  }
0x87: {  	_ =	shalt  }
.Lfunc_end0:
.L_simem_size_0:
called_computation_lowered:
.L_overlay_start_0:
0x88: {  	s2 =	sld [smem:$0x3FD9]  }
0x89: {  	s3 =	sld [smem:$0x3FFE];
	_ =	sdelay $0x1  }
0x8a: {  	s1 =	srdreg.scid  }
0x8b: {  	s0 =	sand.u32 $0x1, s1  }
0x8c: {  	s17 =	sshll.u32 s0, $0xA;
	s2 =	sadd.s32 s3, s2  }
0x8d: {  	s2 =	sadd.s32 s2, s17  }
0x8e: {  	[smem:$0x3FBF] =	sst s2  }
0x8f: {  	_ = 	snop  }
0x90: {  	s2 =	sld [smem:$0x3FD0];
	(tm) =	ssettm $0x1  }
0x91: {  	s18 =	sld [smem:$0x3FFB];
	_ =	sdelay $0x3  }
0x92: {  	_ =	strace s18  }
0x93: {  	s3 =	sld [smem:$0x3FFC];
	_ =	sdelay $0x3  }
0x94: {  	_ =	strace s3  }
0x95: {  	s3 =	sld [smem:$0x3FFD];
	_ =	sdelay $0x3  }
0x96: {  	_ =	strace s3  }
0x97: {  	_ =	strace $0x8FFFFFFF  }
0x98: {  	s19 =	sld [smem:$0x3FDB];
	_ =	sdelay $0x1  }
0x99: {  	s4 =	simm.s32 $_scs_section_size  }
0x9a: {  	s5 =	simm.s32 $_size__tile_overlayer_lowered;
	s6 =	simm.s32 $_tile_overlayer_lowered  }
0x9b: {  	s22 =	simm.s32 $0x1BFF;
	s21 =	sshll.u32 s6, $0x1;
	s3 =	sadd.s32 s4, s19  }
0x9c: {  	s7 =	simm.s32 $0x0;
	s20 =	sshll.u32 s5, $0x1;
	s5 =	sadd.s32 s21, s3  }
0x9d: {  	[timem:s7], [sflag:s22] =	dma.local [hbm:s5], s20  }
0x9e: {  	_ =	swait.ge [sflag:s22], s20  }
0x9f: {  	s4 =	ssub.s32 $0x0, s20;
	[sflag:s22] =	ssyncset.done $0x0  }
0xa0: {  	[sflag:s22] =	ssyncadd.s32 s4;
	_ =	sdelay $0x1  }
0xa1: {  	s23 =	simm.s32 $0x1B8B  }
0xa2: {  	_ =	swait.ge [sflag:s23], $0x1  }
0xa3: {  	[sflag:s23] =	ssyncset.done $0x0  }
0xa4: {  	s25 =	simm.s32 $0x1B8E;
	s24 =	sld [smem:$0x3FFE];
	[sflag:s23] =	ssyncadd.s32 $0xFFFFFFFF  }
0xa5: {  	s26 =	simm.s32 $execute0_lowered;
	[smem:$0x3FD2] =	sst s25  }
0xa6: {  	s5 =	sshll.u32 s26, $0x1;
	_ =	strace $0x80000046;
	[dreg:$0x1] =	wrdreg $0xFFFFFFFF  }
0xa7: {  	s28 =	simm.s32 $_size_execute0_lowered;
	s3 =	sadd.s32 s3, s5;
	[dreg:$0x0] =	wrdreg $0x0  }
0xa8: {  	s5 =	sshll.u32 s28, $0x1;
	[dreg:$0x2] =	wrdreg s3  }
0xa9: {  	[dreg:$0x3] =	wrdreg s5  }
0xaa: {  	[dreg:$0x4] =	wrdreg $0xC0  }
0xab: {  	_ =	task [dreg:s7], $0x5FFFF  }
0xac: {  	[dreg:$0x1] =	wrdreg $0xFFFFFFFF  }
0xad: {  	[dreg:$0x0] =	wrdreg $0x60  }
0xae: {  	[dreg:$0x2] =	wrdreg s24  }
0xaf: {  	[dreg:$0x3] =	wrdreg s2  }
0xb0: {  	[dreg:$0x4] =	wrdreg $0xA2800  }
0xb1: {  	[dreg:$0x5] =	wrdreg $0x9  }
0xb2: {  	_ =	task.clear_ibuf [dreg:s7], $0x6FFFF;
	_ =	strace $0x90000046  }
0xb3: {  	s29 =	simm.s32 $0x9;
	_ =	strace $0x80000048  }
0xb4: {  	_ =	swait.ge [sflag:s29], $0x1  }
0xb5: {  	[sflag:s29] =	ssyncadd.s32 $0xFFFFFFFF  }
0xb6: {  	_ =	strace $0x90000048  }
0xb7: {  	_ =	sfence  }
0xb8: {  	s30 =	sld [smem:$0x0];
	_ =	sdelay $0x2  }
0xb9: {  	s31 =	sshll.u32 s1, $0xD;
	s1 =	sshrl.u32 s1, $0x2  }
0xba: {  	s3 =	sand.u32 $0x4000, s31;
	s1 =	sadd.s32 s1, s30  }
0xbb: {  	s0 =	sor.u32 s3, s0;
	s1 =	sshll.u32 s1, $0x11  }
0xbc: {  	s0 =	sor.u32 s1, s0  }
0xbd: {  	s0 =	sadd.s32 $0x8F2B, s0  }
0xbe: {  	[sflag:s0] =	ssyncadd.remote.s32 $0x1  }
0xbf: {  	_ =	sfence.sel $0xFFFF  }
0xc0: {  	[dreg:$0x0] =	wrdreg $0xFFFFFFFF;
	(pc) =	sbr.abs _section_cstart, $3  }
0xc1: {  	[dreg:$0x1] =	wrdreg $0xFFFFFFFF  }
0xc2: {  	_ =	task.clear_ibuf [dreg:s7], $0x2FFFF;
	_ =	strace $0x9FFFFFFF  }
0xc3: {  	(tm) =	ssettm $0x7FFFFFFF  }
tec
execute0_lowered:
.L_overlay_start_1:
0x0: {  	(tag) =	ssettag $0x1  }
0x1: {  	s4 =	rddreg [dreg:$0x0]  }
0x2: {  	s1 =	srdreg.scid;
	s7 =	rddreg [dreg:$0x1]  }
0x3: {  	s0 =	stileid.u32;
	s2 =	rddreg [dreg:$0x2]  }
0x4: {  	s3 =	simm.s32 $0x0;
	s13 =	simm.s32 $0x1;
	s6 =	smul.u32 $0x5000, s0  }
0x5: {  	s14 =	simm.s32 $0x100;
	s15 =	simm.s32 $0x0;
	s10 =	smul.u32 $0xA00, s0  }
0x6: {  	s5 =	sand.u32 $0x1, s1;
	s1 =	rddreg [dreg:$0x3];
	s12 =	smul.u32 $0x500, s0  }
0x7: {  	[smem:$0x7FF] =	sst s3;
	s8 =	smul.u32 $0x50000, s5;
	s9 =	ssub.s32 $0x2, s5  }
0x8: {  	_ =	strace $0x80000047;
	s5 =	sshll.u32 s5, $0x7;
	s11 =	sshrl.u32 s9, $0x1  }
0x9: {  	s29 =	sshrl.u32 s10, $0x2;
	s30 =	sor.u32 s5, s12;
	s10 =	simm.s32 $0x5000  }
0xa: {  	s12 =	simm.s32 $0x80;
	s8 =	sadd.s32 s6, s8;
	s6 =	sshrl.u32 s6, $0x3  }
0xb: {  	s9 =	ssub.s32 s9, s11;
	s31 =	sshrl.u32 s30, $0x3;
	s11 =	simm.s32 $0xA000  }
0xc: {  	s8 =	sshrl.u32 s8, $0x3;
	s6 =	sadd.s32 s6, s4;
	s7 =	sadd.s32 s7, s31  }
0xd: {  	s8 =	sadd.s32 s8, s4;
	s5 =	sadd.s32 $0x2000, s6;
	s6 =	sadd.s32 s29, s2  }
0xe: {  	v0 =	vimm.f32 $0.0e+00;
	s4 =	sadd.s32 $0x16000, s8;
	s8 =	smax.u32 s9, $0x1;
	s9 =	simm.s32 $0x2  }
.LBB2_1:
0xf: {  	[tilespmem:s3], [sflag:$0x2] =	stream.linear.gather [hbm4b:s4+s3], $0x5000, $0x38;
	[tilespmem:$0xA500] =	vst v63  }
0x10: {  	_ =	swait.ge [sflag:s9], $0x5000  }
0x11: {  	[sflag:s9] =	ssyncset.done $0x0  }
0x12: {  	[sflag:s9] =	ssyncadd.s32 $0xFFFFB000  }
0x13: {  	[tilespmem:s10], [sflag:$0x2] =	stream.linear.gather [hbm4b:s5+s3], $0x5000, $0x38;
	[tilespmem:$0xA500] =	vst v63  }
0x14: {  	_ =	swait.ge [sflag:s9], $0x5000  }
0x15: {  	[sflag:s9] =	ssyncset.done $0x0  }
0x16: {  	[sflag:s9] =	ssyncadd.s32 $0xFFFFB000  }
0x17: {  	[tilespmem:$0xA000] =	vst v0  }
0x18: {  	[tilespmem:$0xA010] =	vst v0  }
0x19: {  	[tilespmem:$0xA020] =	vst v0  }
0x1a: {  	[tilespmem:$0xA030] =	vst v0  }
0x1b: {  	[tilespmem:$0xA040] =	vst v0  }
0x1c: {  	[tilespmem:$0xA050] =	vst v0  }
0x1d: {  	[tilespmem:$0xA060] =	vst v0  }
0x1e: {  	[tilespmem:$0xA070] =	vst v0  }
0x1f: {  	[tilespmem:$0xA080] =	vst v0  }
0x20: {  	[tilespmem:$0xA090] =	vst v0  }
0x21: {  	[tilespmem:$0xA0A0] =	vst v0  }
0x22: {  	[tilespmem:$0xA0B0] =	vst v0  }
0x23: {  	[tilespmem:$0xA0C0] =	vst v0  }
0x24: {  	[tilespmem:$0xA0D0] =	vst v0  }
0x25: {  	[tilespmem:$0xA0E0] =	vst v0  }
0x26: {  	[tilespmem:$0xA0F0] =	vst v0  }
0x27: {  	[tilespmem:$0xA100] =	vst v0  }
0x28: {  	[tilespmem:$0xA110] =	vst v0  }
0x29: {  	[tilespmem:$0xA120] =	vst v0  }
0x2a: {  	[tilespmem:$0xA130] =	vst v0  }
0x2b: {  	[tilespmem:$0xA140] =	vst v0  }
0x2c: {  	[tilespmem:$0xA150] =	vst v0  }
0x2d: {  	[tilespmem:$0xA160] =	vst v0  }
0x2e: {  	[tilespmem:$0xA170] =	vst v0  }
0x2f: {  	[tilespmem:$0xA180] =	vst v0  }
0x30: {  	[tilespmem:$0xA190] =	vst v0  }
0x31: {  	[tilespmem:$0xA1A0] =	vst v0  }
0x32: {  	[tilespmem:$0xA1B0] =	vst v0  }
0x33: {  	[tilespmem:$0xA1C0] =	vst v0  }
0x34: {  	[tilespmem:$0xA1D0] =	vst v0  }
0x35: {  	[tilespmem:$0xA1E0] =	vst v0  }
0x36: {  	[tilespmem:$0xA1F0] =	vst v0  }
0x37: {  	[tilespmem:$0xA200] =	vst v0  }
0x38: {  	[tilespmem:$0xA210] =	vst v0  }
0x39: {  	[tilespmem:$0xA220] =	vst v0  }
0x3a: {  	[tilespmem:$0xA230] =	vst v0  }
0x3b: {  	[tilespmem:$0xA240] =	vst v0  }
0x3c: {  	[tilespmem:$0xA250] =	vst v0  }
0x3d: {  	[tilespmem:$0xA260] =	vst v0  }
0x3e: {  	[tilespmem:$0xA270] =	vst v0  }
0x3f: {  	[spmem:s6] =	stream.linear.scatter [tilespmem:s11], [sflag:$0x2], $0x280, $0x38;
	[tilespmem:$0xA500] =	vst v63  }
0x40: {  	_ =	swait.ge [sflag:s9], $0x280  }
0x41: {  	[sflag:s9] =	ssyncset.done $0x0  }
0x42: {  	[sflag:s9] =	ssyncadd.s32 $0xFFFFFD80  }
0x43: {  	s16 =	simm.s32 $0x0;
	[bflag:$0x0] =	sbarrier.arrive $0xFFFF  }
.LBB2_2:
0x44: {  	p0 =	sne.s32 s16, $0x3E00  }
.Ltmp0:
0x45: {  	_ = 	snop;
	(pc) =	sbr.rel @p0 .LBB2_2-.Ltmp0, $4  }
0x46: {  	_ = 	snop  }
0x47: {  	s17 =	sshra.s32 s16, $0x2  }
0x48: {  	s16 =	sadd.s32 $0x200, s16;
	s18 =	sadd.s32 $0x5000, s17  }
0x49: {  	[spmem:s2] =	stream.indirect.scatter.add.f32 [tilespmem:s18], [sflag:$0x1], $0x1, s17, s12, $0xb8;
	[tilespmem:$0xA500] =	vst v63  }
0x4a: {  	s18 =	simm.s32 $0x1000  }
0x4b: {  	s17 =	simm.s32 $0x6000;
	s16 =	simm.s32 $0x1;
	_ =	swait.ge [sflag:s13], $0x80  }
0x4c: {  	p0 =	por $0x0, $0x0;
	s19 =	simm.s32 $0x6080;
	[sflag:s13] =	ssyncset.done $0x0  }
0x4d: {  	s20 =	simm.s32 $0x1080;
	s21 =	simm.s32 @!p0 $0x80;
	[sflag:s13] =	ssyncadd.s32 $0xFFFFFF80  }
.LBB2_4:
0x4e: {  	[spmem:s2] =	stream.indirect.scatter.add.f32 @!p0 [tilespmem:s17], [sflag:$0x1], $0x1, s18, s21, $0xb8;
	[tilespmem:$0xA500] =	vst v63  }
0x4f: {  	s21 =	smov.u32 s16;
	s16 =	sadd.s32 $0x1, s16  }
0x50: {  	p1 =	sne.s32 s16, $0xA0  }
.Ltmp1:
0x51: {  	(pc) =	sbr.rel @p1 .LBB2_4-.Ltmp1, $4  }
0x52: {  	s17 =	smov.u32 s19;
	s18 =	smov.u32 s20  }
0x53: {  	_ =	swait.ge [sflag:s13], $0x80  }
0x54: {  	s19 =	sadd.s32 $0x80, s19;
	p0 =	sgt.u32 s21, $0x7F;
	[sflag:s13] =	ssyncset.done $0x0  }
0x55: {  	s20 =	sadd.s32 $0x80, s20;
	s21 =	simm.s32 @!p0 $0x80;
	[sflag:s13] =	ssyncadd.s32 $0xFFFFFF80  }
0x56: {  	[spmem:s2] =	stream.indirect.scatter.add.f32 @!p0 [tilespmem:s17], [sflag:$0x1], $0x1, s18, s21, $0xb8;
	[tilespmem:$0xA500] =	vst v63  }
0x57: {  	[bflag:$0x0] =	sbarrier.arrive $0xFFFF  }
0x58: {  	[tilespmem:s11], [sflag:$0x2] =	stream.linear.gather [spmem:s6], $0x280, $0x38;
	[tilespmem:$0xA500] =	vst v63  }
0x59: {  	s15 =	sadd.s32 $0x1, s15;
	_ =	swait.ge [sflag:s9], $0x280  }
0x5a: {  	p0 =	sne.s32 s15, s8;
	[sflag:s9] =	ssyncset.done $0x0  }
.Ltmp2:
0x5b: {  	[sflag:s9] =	ssyncadd.s32 $0xFFFFFD80;
	(pc) =	sbr.rel @p0 .LBB2_1-.Ltmp2, $4  }
0x5c: {  	[hbm4b:s7+s12] =	stream.strided.scatter [tilespmem:s11], [sflag:$0x2], $0x280, s14, s12, $0x38;
	[tilespmem:$0xA500] =	vst v63  }
0x5d: {  	_ =	swait.ge [sflag:s9], $0x280  }
0x5e: {  	[sflag:s9] =	ssyncset.done $0x0  }
0x5f: {  	[sflag:s9] =	ssyncadd.s32 $0xFFFFFD80  }
0x60: {  	_ =	sfence.sel $0x180000  }
0x61: {  	[bflag:$0x0] =	sbarrier.arrive $0xFFFF  }
0x62: {  	p0 =	sne.s32 s0, $0x0;
	_ =	strace $0x90000047  }
0x63: {  	s0 =	sadd.s32 @!p0 $0x100000, s1;
	[bflag:$0x2] =	sbarrier.arrive $0xFFFF  }
0x64: {  	[sflag:s0] =	ssyncadd.tile.s32 @!p0 $0x1;
	_ =	shalt  }
.Lfunc_end2:
_tile_overlayer_lowered:
.L_overlay_start_2:
0x65: {  	(tag) =	ssettag $0x2  }
0x66: {  	s0 =	rddreg [dreg:$0x0];
	s2 =	stileid.u32  }
0x67: {  	s1 =	rddreg [dreg:$0x1];
	p0 =	sne.s32 s2, $0x0  }
0x68: {  	s3 =	rddreg [dreg:$0x2];
	[bflag:$0x3] =	sbarrier.arrive $0xFFFF;
	s2 =	simm.s32 @!p0 $0x1C02  }
0x69: {  	[timem:s3], [sflag:s2] =	dma.local @!p0 [hbm:s0], s1  }
0x6a: {  	s0 =	simm.s32 @!p0 $0x2  }
0x6b: {  	_ =	swait.ge @!p0 [sflag:s0], s1  }
0x6c: {  	s1 =	ssub.s32 @!p0 $0x0, s1;
	[sflag:s0] =	ssyncset.done @!p0 $0x0  }
0x6d: {  	[sflag:s0] =	ssyncadd.s32 @!p0 s1  }
0x6e: {  	[bflag:$0x3] =	sbarrier.arrive $0xFFFF  }
0x6f: {  	_ =	shalt  }

// kernel: kernel.9.cloned.1.call-start
scs
__scs_entry_jumppad:
0x0: {  	(pc) =	sbr.rel $0x88, $3  }
0x1: {  	(tag) =	ssettag $0x0;
	lr =	simm.s32 $0x1  }
0x2: {  	[smem:$0x3F98] =	sst lr;
	_ =	strace $0xD0000000  }
0x3: {  	_ = 	snop  }
0x4: {  	_ = 	snop  }
0x5: {  	_ = 	snop  }
0x6: {  	_ = 	snop  }
0x7: {  	_ = 	snop  }
__scs_overlays_trampoline_lowered:
0x8: {  	[smem:$0x3FA7] =	sst s0  }
0x9: {  	[smem:$0x3FA8] =	sst s1  }
0xa: {  	[smem:$0x3FA9] =	sst s2  }
0xb: {  	[smem:$0x3FAA] =	sst s3  }
0xc: {  	[smem:$0x3FAB] =	sst s4  }
0xd: {  	[smem:$0x3FAC] =	sst s5  }
0xe: {  	[smem:$0x3FAD] =	sst s6  }
0xf: {  	[smem:$0x3FAE] =	sst s7  }
0x10: {  	[smem:$0x3FAF] =	sst s8  }
0x11: {  	[smem:$0x3FB0] =	sst s9;
	s0 =	simm.s32 @!p0 $0x0  }
0x12: {  	s1 =	sld [smem:$0x3F96];
	s0 =	simm.s32 @p0 $0x1  }
0x13: {  	[smem:$0x3FB1] =	sst s0;
	s0 =	simm.s32 @!p1 $0x0  }
0x14: {  	s2 =	sld [smem:$0x3F95];
	s0 =	simm.s32 @p1 $0x1  }
0x15: {  	[smem:$0x3FB2] =	sst s0;
	s0 =	simm.s32 @!p2 $0x0  }
0x16: {  	s3 =	sld [smem:$0x3FDB];
	s0 =	simm.s32 @p2 $0x1  }
0x17: {  	s4 =	simm.s32 $0x1BF5;
	[smem:$0x3FB4] =	sst s0  }
0x18: {  	s0 =	sld [smem:$0x3F97];
	_ =	swait.ge [sflag:s4], $0x0  }
0x19: {  	s7 =	sld [smem:$0x3F98]  }
0x1a: {  	s8 =	sadd.s32 $0xFFFFE003, lr  }
0x1b: {  	s9 =	sadd.s32 $0xFFFFFEF7, lr;
	s5 =	simm.s32 $0xFFFFFFFF;
	p2 =	slt.u32 s8, $0xFFFFF086  }
0x1c: {  	p1 =	slt.u32 s9, $0xF7A;
	s5 =	simm.s32 @!p2 $0x0  }
0x1d: {  	s5 =	simm.s32 @p1 $0x1;
	p0 =	seq.s32 s7, s2  }
0x1e: {  	s7 =	smul.u32 @!p0 $0xF7A, s2;
	p2 =	seq.s32 @!p0 s5, $0x0  }
0x1f: {  	s9 =	smul.u32 $0xF7A, s1;
	s8 =	simm.s32 @!p0 $0x1BF5;
	p2 =	por !p2, p0  }
0x20: {  	[sflag:s8] =	ssyncset.s32 @!p0 $0xFFFFF086;
	s6 =	sadd.s32 @!p0 s3, s7;
	s7 =	simm.s32 @!p0 $0x108  }
0x21: {  	s3 =	sadd.s32 s3, s9;
	s6 =	sadd.s32 @!p0 $0x88, s6;
	s7 =	simm.s32 @p2 $0x1082  }
0x22: {  	[simem:s7], [sflag:s8] =	dma.local @!p0 [hbm:s6], $0xF7A  }
0x23: {  	s9 =	sor.u32 $0xD0000000, s2;
	s6 =	simm.s32 $0x108;
	_ =	swait.ge @!p0 [sflag:s8], $0x0  }
0x24: {  	s3 =	sadd.s32 $0x88, s3;
	s6 =	simm.s32 @!p1 $0x1082;
	[sflag:s4] =	ssyncset.s32 $0xFFFFF086  }
0x25: {  	[simem:s6], [sflag:s4] =	dma.local [hbm:s3], $0xF7A  }
0x26: {  	[smem:$0x3F98] =	sst s1;
	(tag) =	ssettag s2;
	_ =	strace s9  }
0x27: {  	s1 =	sld [smem:$0x3FA8]  }
0x28: {  	s2 =	sld [smem:$0x3FA9]  }
0x29: {  	s4 =	sld [smem:$0x3FAB]  }
0x2a: {  	p0 =	seq.s32 s5, $0x0;
	s5 =	sld [smem:$0x3FAC]  }
0x2b: {  	s6 =	sld [smem:$0x3FAD]  }
0x2c: {  	s7 =	sld [smem:$0x3FAE]  }
0x2d: {  	s3 =	simm.s32 $0x108;
	s8 =	sld [smem:$0x3FAF]  }
0x2e: {  	s3 =	simm.s32 @!p0 $0x1082;
	s9 =	sld [smem:$0x3FB0]  }
0x2f: {  	lr =	sadd.s32 s0, s3;
	s0 =	sld [smem:$0x3FA7]  }
0x30: {  	s3 =	sld [smem:$0x3FAA]  }
0x31: {  	[smem:$0x3FB3] =	sst s10  }
0x32: {  	s10 =	sld [smem:$0x3FB1];
	_ =	sdelay $0x3  }
0x33: {  	p0 =	seq.s32 s10, $0x1;
	s10 =	sld [smem:$0x3FB3];
	_ =	sdelay $0x3  }
0x34: {  	[smem:$0x3FB3] =	sst s10  }
0x35: {  	s10 =	sld [smem:$0x3FB2];
	_ =	sdelay $0x3  }
0x36: {  	p1 =	seq.s32 s10, $0x1;
	s10 =	sld [smem:$0x3FB3];
	_ =	sdelay $0x3  }
0x37: {  	[smem:$0x3FB3] =	sst s10  }
0x38: {  	s10 =	sld [smem:$0x3FB4]  }
0x39: {  	_ = 	snop;
	(pc) =	sbr.ind lr, $3  }
0x3a: {  	_ = 	snop  }
0x3b: {  	_ = 	snop  }
0x3c: {  	p2 =	seq.s32 s10, $0x1;
	s10 =	sld [smem:$0x3FB3]  }
0x3d: {  	_ =	shalt  }
0x3e: {  	_ =	shalt  }
0x3f: {  	_ =	shalt  }
0x40: {  	_ =	shalt  }
0x41: {  	_ =	shalt  }
0x42: {  	_ =	shalt  }
0x43: {  	_ =	shalt  }
0x44: {  	_ =	shalt  }
0x45: {  	_ =	shalt  }
0x46: {  	_ =	shalt  }
0x47: {  	_ =	shalt  }
0x48: {  	_ =	shalt  }
0x49: {  	_ =	shalt  }
0x4a: {  	_ =	shalt  }
0x4b: {  	_ =	shalt  }
0x4c: {  	_ =	shalt  }
0x4d: {  	_ =	shalt  }
0x4e: {  	_ =	shalt  }
0x4f: {  	_ =	shalt  }
0x50: {  	_ =	shalt  }
0x51: {  	_ =	shalt  }
0x52: {  	_ =	shalt  }
0x53: {  	_ =	shalt  }
0x54: {  	_ =	shalt  }
0x55: {  	_ =	shalt  }
0x56: {  	_ =	shalt  }
0x57: {  	_ =	shalt  }
0x58: {  	_ =	shalt  }
0x59: {  	_ =	shalt  }
0x5a: {  	_ =	shalt  }
0x5b: {  	_ =	shalt  }
0x5c: {  	_ =	shalt  }
0x5d: {  	_ =	shalt  }
0x5e: {  	_ =	shalt  }
0x5f: {  	_ =	shalt  }
0x60: {  	_ =	shalt  }
0x61: {  	_ =	shalt  }
0x62: {  	_ =	shalt  }
0x63: {  	_ =	shalt  }
0x64: {  	_ =	shalt  }
0x65: {  	_ =	shalt  }
0x66: {  	_ =	shalt  }
0x67: {  	_ =	shalt  }
0x68: {  	_ =	shalt  }
0x69: {  	_ =	shalt  }
0x6a: {  	_ =	shalt  }
0x6b: {  	_ =	shalt  }
0x6c: {  	_ =	shalt  }
0x6d: {  	_ =	shalt  }
0x6e: {  	_ =	shalt  }
0x6f: {  	_ =	shalt  }
0x70: {  	_ =	shalt  }
0x71: {  	_ =	shalt  }
0x72: {  	_ =	shalt  }
0x73: {  	_ =	shalt  }
0x74: {  	_ =	shalt  }
0x75: {  	_ =	shalt  }
0x76: {  	_ =	shalt  }
0x77: {  	_ =	shalt  }
0x78: {  	_ =	shalt  }
0x79: {  	_ =	shalt  }
0x7a: {  	_ =	shalt  }
0x7b: {  	_ =	shalt  }
0x7c: {  	_ =	shalt  }
0x7d: {  	_ =	shalt  }
0x7e: {  	_ =	shalt  }
0x7f: {  	_ =	shalt  }
0x80: {  	_ =	shalt  }
0x81: {  	_ =	shalt  }
0x82: {  	_ =	shalt  }
0x83: {  	_ =	shalt  }
0x84: {  	_ =	shalt  }
0x85: {  	_ =	shalt  }
0x86: {  	_ =	shalt  }
0x87: {  	_ =	shalt  }
.Lfunc_end0:
.L_simem_size_0:
called_computation.1_lowered:
.L_overlay_start_0:
0x88: {  	s2 =	sld [smem:$0x3FD9]  }
0x89: {  	s3 =	sld [smem:$0x3FFE];
	_ =	sdelay $0x1  }
0x8a: {  	s1 =	srdreg.scid  }
0x8b: {  	s0 =	sand.u32 $0x1, s1  }
0x8c: {  	s16 =	sshll.u32 s0, $0xA;
	s2 =	sadd.s32 s3, s2  }
0x8d: {  	s2 =	sadd.s32 s2, s16  }
0x8e: {  	[smem:$0x3FBF] =	sst s2  }
0x8f: {  	_ = 	snop  }
0x90: {  	(tm) =	ssettm $0x1  }
0x91: {  	s17 =	sld [smem:$0x3FFB];
	_ =	sdelay $0x3  }
0x92: {  	_ =	strace s17  }
0x93: {  	s2 =	sld [smem:$0x3FFC];
	_ =	sdelay $0x3  }
0x94: {  	_ =	strace s2  }
0x95: {  	s2 =	sld [smem:$0x3FFD];
	_ =	sdelay $0x3  }
0x96: {  	_ =	strace s2  }
0x97: {  	_ =	strace $0x8FFFFFFF  }
0x98: {  	s18 =	sld [smem:$0x3FDB];
	_ =	sdelay $0x1  }
0x99: {  	s19 =	simm.s32 $_scs_section_size  }
0x9a: {  	s4 =	simm.s32 $_size__tile_overlayer_lowered;
	s5 =	simm.s32 $_tile_overlayer_lowered  }
0x9b: {  	s22 =	simm.s32 $0x1BFF;
	s21 =	sshll.u32 s5, $0x1;
	s2 =	sadd.s32 s19, s18  }
0x9c: {  	s6 =	simm.s32 $0x0;
	s20 =	sshll.u32 s4, $0x1;
	s4 =	sadd.s32 s21, s2  }
0x9d: {  	[timem:s6], [sflag:s22] =	dma.local [hbm:s4], s20  }
0x9e: {  	_ =	swait.ge [sflag:s22], s20  }
0x9f: {  	s3 =	ssub.s32 $0x0, s20;
	[sflag:s22] =	ssyncset.done $0x0  }
0xa0: {  	[sflag:s22] =	ssyncadd.s32 s3;
	_ =	sdelay $0x1  }
0xa1: {  	s23 =	simm.s32 $0x1B8B  }
0xa2: {  	_ =	swait.ge [sflag:s23], $0x1  }
0xa3: {  	[sflag:s23] =	ssyncset.done $0x0  }
0xa4: {  	s25 =	simm.s32 $0x1B8E;
	s24 =	sld [smem:$0x3FFE];
	[sflag:s23] =	ssyncadd.s32 $0xFFFFFFFF  }
0xa5: {  	s26 =	simm.s32 $execute0_lowered;
	[smem:$0x3FD2] =	sst s25  }
0xa6: {  	s4 =	sshll.u32 s26, $0x1;
	_ =	strace $0x80000049;
	[dreg:$0x1] =	wrdreg $0xFFFFFFFF  }
0xa7: {  	s28 =	simm.s32 $_size_execute0_lowered;
	s2 =	sadd.s32 s2, s4;
	[dreg:$0x0] =	wrdreg $0x0  }
0xa8: {  	s4 =	sshll.u32 s28, $0x1;
	[dreg:$0x2] =	wrdreg s2  }
0xa9: {  	[dreg:$0x3] =	wrdreg s4  }
0xaa: {  	[dreg:$0x4] =	wrdreg $0xC0  }
0xab: {  	_ =	task [dreg:s6], $0x5FFFF  }
0xac: {  	[dreg:$0x1] =	wrdreg $0xFFFFFFFF  }
0xad: {  	[dreg:$0x0] =	wrdreg $0x60  }
0xae: {  	[dreg:$0x2] =	wrdreg s24  }
0xaf: {  	[dreg:$0x3] =	wrdreg $0xA0000  }
0xb0: {  	[dreg:$0x4] =	wrdreg $0x9  }
0xb1: {  	_ =	task.clear_ibuf [dreg:s6], $0x5FFFF;
	_ =	strace $0x90000049  }
0xb2: {  	s29 =	simm.s32 $0x9;
	_ =	strace $0x8000004B  }
0xb3: {  	_ =	swait.ge [sflag:s29], $0x1  }
0xb4: {  	[sflag:s29] =	ssyncadd.s32 $0xFFFFFFFF  }
0xb5: {  	_ =	strace $0x9000004B  }
0xb6: {  	_ =	sfence  }
0xb7: {  	s30 =	sld [smem:$0x0];
	_ =	sdelay $0x2  }
0xb8: {  	s31 =	sshll.u32 s1, $0xD;
	s1 =	sshrl.u32 s1, $0x2  }
0xb9: {  	s3 =	sand.u32 $0x4000, s31;
	s1 =	sadd.s32 s1, s30  }
0xba: {  	s0 =	sor.u32 s3, s0;
	s1 =	sshll.u32 s1, $0x11  }
0xbb: {  	s0 =	sor.u32 s1, s0  }
0xbc: {  	s0 =	sadd.s32 $0x8F2B, s0  }
0xbd: {  	[sflag:s0] =	ssyncadd.remote.s32 $0x1  }
0xbe: {  	_ =	sfence.sel $0xFFFF  }
0xbf: {  	[dreg:$0x0] =	wrdreg $0xFFFFFFFF;
	(pc) =	sbr.abs _section_cstart, $3  }
0xc0: {  	[dreg:$0x1] =	wrdreg $0xFFFFFFFF  }
0xc1: {  	_ =	task.clear_ibuf [dreg:s6], $0x2FFFF;
	_ =	strace $0x9FFFFFFF  }
0xc2: {  	(tm) =	ssettm $0x7FFFFFFF  }
0xc3: {  	_ =	shalt  }
tec
execute0_lowered:
.L_overlay_start_1:
0x0: {  	(tag) =	ssettag $0x1  }
0x1: {  	s0 =	srdreg.scid  }
0x2: {  	s18 =	stileid.u32;
	s28 =	rddreg [dreg:$0x1]  }
0x3: {  	s3 =	sand.u32 $0x1, s0;
	s5 =	smul.u32 $0x5000, s18;
	s0 =	rddreg [dreg:$0x0]  }
0x4: {  	s4 =	smul.u32 $0x50000, s3;
	s2 =	ssub.s32 $0x2, s3;
	s6 =	sadd.s32 $0x2A000, s0  }
0x5: {  	s3 =	smul.u32 $0x140000, s3;
	s30 =	sadd.s32 $0x3E000, s0;
	s7 =	sshrl.u32 s2, $0x1  }
0x6: {  	s9 =	sadd.s32 $0x1800, s5;
	s21 =	sadd.s32 $0x2000, s5;
	s22 =	sadd.s32 $0x2800, s5  }
0x7: {  	s25 =	sadd.s32 $0x3800, s5;
	s26 =	sadd.s32 $0x4000, s5;
	s29 =	sadd.s32 $0x4800, s5  }
0x8: {  	s1 =	sadd.s32 s5, s4;
	s2 =	ssub.s32 s2, s7;
	s7 =	sor.u32 $0x800, s5  }
0x9: {  	s12 =	sadd.s32 s4, s9;
	s13 =	sadd.s32 s4, s21;
	s14 =	sadd.s32 s4, s22  }
0xa: {  	s16 =	sadd.s32 s4, s25;
	s22 =	sshrl.u32 s22, $0x3;
	s8 =	sshrl.u32 s1, $0x3  }
0xb: {  	s1 =	simm.s32 $0x0;
	s10 =	sadd.s32 s4, s7;
	s12 =	sshrl.u32 s12, $0x3  }
0xc: {  	s13 =	sshrl.u32 s13, $0x3;
	s14 =	sshrl.u32 s14, $0x3;
	s16 =	sshrl.u32 s16, $0x3  }
0xd: {  	s7 =	sshrl.u32 s7, $0x3;
	s17 =	sadd.s32 s6, s8;
	s8 =	sadd.s32 $0x1000, s5  }
0xe: {  	s10 =	sshrl.u32 s10, $0x3;
	s20 =	sadd.s32 s6, s12;
	[smem:$0x7FF] =	sst s1  }
0xf: {  	s12 =	sadd.s32 $0x3000, s5;
	s13 =	sadd.s32 s6, s13;
	[dreg:$0x3] =	wrdreg s17  }
0x10: {  	s23 =	sadd.s32 s6, s14;
	s16 =	sadd.s32 s6, s16;
	[dreg:$0x6] =	wrdreg s20  }
0x11: {  	s5 =	sshrl.u32 s5, $0x3;
	s11 =	sadd.s32 s4, s8;
	[dreg:$0x7] =	wrdreg s13  }
0x12: {  	s10 =	sadd.s32 s6, s10;
	s15 =	sadd.s32 s4, s12;
	[dreg:$0x8] =	wrdreg s23  }
0x13: {  	s17 =	sadd.s32 s4, s26;
	s4 =	sadd.s32 s4, s29;
	[dreg:$0xa] =	wrdreg s16  }
0x14: {  	s20 =	sshrl.u32 s21, $0x3;
	s23 =	sshrl.u32 s12, $0x3;
	s26 =	sshrl.u32 s26, $0x3  }
0x15: {  	s29 =	sshrl.u32 s29, $0x3;
	s13 =	sadd.s32 $0x8E000, s0;
	s11 =	sshrl.u32 s11, $0x3  }
0x16: {  	[dreg:$0x4] =	wrdreg s10;
	s15 =	sshrl.u32 s15, $0x3;
	s19 =	sadd.s32 s6, s11  }
0x17: {  	s4 =	sshrl.u32 s4, $0x3;
	s24 =	sadd.s32 s6, s15;
	[dreg:$0x5] =	wrdreg s19  }
0x18: {  	s17 =	sshrl.u32 s17, $0x3;
	s4 =	sadd.s32 s6, s4;
	[dreg:$0x9] =	wrdreg s24  }
0x19: {  	s31 =	sadd.s32 s6, s17;
	[dreg:$0xc] =	wrdreg s4;
	s4 =	sadd.s32 $0xC000, s0  }
0x1a: {  	s17 =	sshrl.u32 s8, $0x3;
	[dreg:$0xb] =	wrdreg s31;
	s5 =	sadd.s32 s4, s5  }
0x1b: {  	s19 =	sshrl.u32 s9, $0x3;
	s16 =	sadd.s32 s4, s7;
	[dreg:$0xd] =	wrdreg s5  }
0x1c: {  	s24 =	sshrl.u32 s25, $0x3;
	s21 =	sadd.s32 s4, s20;
	[dreg:$0xe] =	wrdreg s16  }
0x1d: {  	s31 =	smul.u32 $0x14000, s18;
	s25 =	sadd.s32 s4, s24;
	[dreg:$0x11] =	wrdreg s21  }
0x1e: {  	s0 =	simm.s32 $0x0;
	s5 =	sadd.s32 s4, s17;
	[dreg:$0x14] =	wrdreg s25  }
0x1f: {  	s8 =	sadd.s32 $0x8000, s31;
	s11 =	sadd.s32 s31, s3;
	s12 =	sadd.s32 $0xC000, s31  }
0x20: {  	s7 =	sadd.s32 $0x10000, s31;
	[dreg:$0xf] =	wrdreg s5;
	s5 =	sadd.s32 s4, s19  }
0x21: {  	s6 =	sshrl.u32 s11, $0x3;
	[dreg:$0x10] =	wrdreg s5;
	s5 =	sadd.s32 s4, s22  }
0x22: {  	s21 =	smul.u32 $0x50000, s18;
	s6 =	sadd.s32 s13, s6;
	[dreg:$0x12] =	wrdreg s5  }
0x23: {  	s15 =	sadd.s32 s3, s8;
	s5 =	sadd.s32 s4, s23;
	[dreg:$0x17] =	wrdreg s6  }
0x24: {  	s20 =	sadd.s32 s3, s12;
	[dreg:$0x13] =	wrdreg s5;
	s5 =	sadd.s32 s4, s26  }
0x25: {  	s17 =	sshrl.u32 s15, $0x3;
	[dreg:$0x15] =	wrdreg s5;
	s5 =	sadd.s32 $0x4000, s31  }
0x26: {  	s19 =	sadd.s32 s13, s17;
	s4 =	sadd.s32 s4, s29;
	s14 =	sadd.s32 s3, s5  }
0x27: {  	[dreg:$0x19] =	wrdreg s19;
	s3 =	sadd.s32 s3, s7;
	s16 =	sshrl.u32 s14, $0x3  }
0x28: {  	[dreg:$0x16] =	wrdreg s4;
	s3 =	sshrl.u32 s3, $0x3;
	s6 =	sadd.s32 s13, s16  }
0x29: {  	s3 =	sadd.s32 s13, s3;
	[dreg:$0x18] =	wrdreg s6;
	s6 =	sshrl.u32 s20, $0x3  }
0x2a: {  	s22 =	sshrl.u32 s21, $0x2;
	[dreg:$0x1b] =	wrdreg s3;
	s6 =	sadd.s32 s13, s6  }
0x2b: {  	s25 =	sadd.s32 s8, s28;
	s23 =	sadd.s32 s22, s28;
	[dreg:$0x1a] =	wrdreg s6  }
0x2c: {  	s24 =	sadd.s32 s5, s28;
	_ =	strace $0x8000004A;
	[dreg:$0x1c] =	wrdreg s23  }
0x2d: {  	s8 =	simm.s32 $0x3;
	s11 =	simm.s32 $0x80;
	[dreg:$0x1d] =	wrdreg s24  }
0x2e: {  	s15 =	simm.s32 $0x2;
	s26 =	sadd.s32 s12, s28;
	[dreg:$0x1e] =	wrdreg s25  }
0x2f: {  	s29 =	sadd.s32 s7, s28;
	s12 =	simm.s32 $0x6000;
	[dreg:$0x1f] =	wrdreg s26  }
0x30: {  	s31 =	smax.u32 s2, $0x1;
	s5 =	simm.s32 $0x2000;
	[smem:$0x7FC] =	sst s29  }
0x31: {  	v0 =	vimm.f32 $0.0e+00;
	s13 =	simm.s32 $0x1;
	s6 =	simm.s32 $0x4;
	[smem:$0x7FD] =	sst s31  }
.LBB2_1:
0x32: {  	s21 =	sand.u32 $0xFE00, s1  }
0x33: {  	[smem:$0x7FB] =	sst s0;
	s22 =	sand.u32 $0x70, s1;
	s23 =	sshrl.u32 s21, $0x2  }
0x34: {  	s21 =	simm.s32 $0x40;
	s23 =	sor.u32 s22, s23;
	s22 =	simm.s32 $0x0  }
.LBB2_2:
0x35: {  	p0 =	sne.s32 s21, $0xFFC0  }
0x36: {  	[tilespmem:s23+$0x2000] =	vst v0;
	s22 =	sadd.s32 $0x10, s22;
	s23 =	smov.u32 s21;
	s21 =	sadd.s32 $0x40, s21  }
.Ltmp0:
0x37: {  	(pc) =	sbr.rel @p0 .LBB2_2-.Ltmp0, $4  }
0x38: {  	_ = 	snop  }
0x39: {  	s23 =	sand.u32 $0xFE00, s23  }
0x3a: {  	s24 =	sand.u32 $0x70, s22;
	s23 =	sshrl.u32 s23, $0x2  }
0x3b: {  	s23 =	sor.u32 s24, s23  }
0x3c: {  	[tilespmem:s23+$0x2000] =	vst v0;
	s0 =	rddreg [dreg:$0x1c]  }
0x3d: {  	[spmem:s0] =	stream.linear.scatter [tilespmem:s5], [sflag:$0x4], $0x4000, $0x38;
	[tilespmem:$0x1E000] =	vst v63  }
0x3e: {  	_ =	swait.ge [sflag:s6], $0x4000  }
0x3f: {  	[sflag:s6] =	ssyncset.done $0x0  }
0x40: {  	s16 =	rddreg [dreg:$0x1d];
	[sflag:s6] =	ssyncadd.s32 $0xFFFFC000  }
0x41: {  	[spmem:s16] =	stream.linear.scatter [tilespmem:s5], [sflag:$0x4], $0x4000, $0x38;
	[tilespmem:$0x1E000] =	vst v63  }
0x42: {  	_ =	swait.ge [sflag:s6], $0x4000  }
0x43: {  	[sflag:s6] =	ssyncset.done $0x0  }
0x44: {  	s17 =	rddreg [dreg:$0x1e];
	[sflag:s6] =	ssyncadd.s32 $0xFFFFC000  }
0x45: {  	[spmem:s17] =	stream.linear.scatter [tilespmem:s5], [sflag:$0x4], $0x4000, $0x38;
	[tilespmem:$0x1E000] =	vst v63  }
0x46: {  	_ =	swait.ge [sflag:s6], $0x4000  }
0x47: {  	[sflag:s6] =	ssyncset.done $0x0  }
0x48: {  	s18 =	rddreg [dreg:$0x1f];
	[sflag:s6] =	ssyncadd.s32 $0xFFFFC000  }
0x49: {  	[spmem:s18] =	stream.linear.scatter [tilespmem:s5], [sflag:$0x4], $0x4000, $0x38;
	[tilespmem:$0x1E000] =	vst v63  }
0x4a: {  	_ =	swait.ge [sflag:s6], $0x4000  }
0x4b: {  	s19 =	sld [smem:$0x7FC]  }
0x4c: {  	[sflag:s6] =	ssyncset.done $0x0  }
0x4d: {  	[sflag:s6] =	ssyncadd.s32 $0xFFFFC000  }
0x4e: {  	[spmem:s19] =	stream.linear.scatter [tilespmem:s5], [sflag:$0x4], $0x4000, $0x38;
	[tilespmem:$0x1E000] =	vst v63  }
0x4f: {  	_ =	swait.ge [sflag:s6], $0x4000  }
0x50: {  	[sflag:s6] =	ssyncset.done $0x0  }
0x51: {  	[sflag:s6] =	ssyncadd.s32 $0xFFFFC000  }
0x52: {  	[bflag:$0x0] =	sbarrier.arrive $0xFFFF  }
0x53: {  	s21 =	rddreg [dreg:$0x3]  }
0x54: {  	[tilespmem:s1], [sflag:$0x3] =	stream.linear.gather [hbm4b:s21+s1], $0x800, $0x38;
	[tilespmem:$0x1E000] =	vst v63  }
0x55: {  	s22 =	simm.s32 $0x1000;
	s20 =	rddreg [dreg:$0xd]  }
0x56: {  	[tilespmem:s22], [sflag:$0x3] =	stream.linear.gather [hbm4b:s20+s1], $0x800, $0x38;
	[tilespmem:$0x1E000] =	vst v63  }
0x57: {  	_ =	swait.ge [sflag:s8], $0x800  }
0x58: {  	[sflag:s8] =	ssyncset.done $0x0  }
0x59: {  	[sflag:s8] =	ssyncadd.s32 $0xFFFFF800  }
0x5a: {  	_ =	swait.ge [sflag:s8], $0x800  }
0x5b: {  	[sflag:s8] =	ssyncset.done $0x0  }
0x5c: {  	s24 =	simm.s32 $0x800;
	s23 =	rddreg [dreg:$0x4];
	[sflag:s8] =	ssyncadd.s32 $0xFFFFF800  }
0x5d: {  	[tilespmem:s24], [sflag:$0x3] =	stream.linear.gather [hbm4b:s23+s1], $0x800, $0x38;
	[tilespmem:$0x1E000] =	vst v63  }
0x5e: {  	s26 =	simm.s32 $0x1800;
	s25 =	rddreg [dreg:$0xe]  }
0x5f: {  	[tilespmem:s26], [sflag:$0x3] =	stream.linear.gather [hbm4b:s25+s1], $0x800, $0x38;
	[tilespmem:$0x1E000] =	vst v63  }
0x60: {  	_ = 	snop  }
0x61: {  	[tilespmem:s5], [sflag:$0x1] =	stream.indirect.gather [hbm4b:s30+s11], $0x80, s1, s11, $0xb8;
	[tilespmem:$0x1E000] =	vst v63  }
0x62: {  	_ = 	snop  }
0x63: {  	[tilespmem:s12], [sflag:$0x2] =	stream.indirect.gather [hbm4b:s30+s11], $0x80, s11, s11, $0xb8;
	[tilespmem:$0x1E000] =	vst v63  }
0x64: {  	_ =	swait.ge [sflag:s13], $0x4000  }
0x65: {  	[sflag:s13] =	ssyncset.done $0x0  }
0x66: {  	s3 =	simm.s32 $0x1000;
	[sflag:s13] =	ssyncadd.s32 $0xFFFFC000  }
0x67: {  	[spmem:s28] =	stream.indirect.scatter.add.f32 [tilespmem:s5], [sflag:$0x4], $0x80, s3, s11, $0xb8;
	[tilespmem:$0x1E000] =	vst v63  }
0x68: {  	_ =	swait.ge [sflag:s6], $0x4000  }
0x69: {  	[sflag:s6] =	ssyncset.done $0x0  }
0x6a: {  	s29 =	simm.s32 $0x100;
	[sflag:s6] =	ssyncadd.s32 $0xFFFFC000  }
0x6b: {  	[tilespmem:s5], [sflag:$0x1] =	stream.indirect.gather [hbm4b:s30+s11], $0x80, s29, s11, $0xb8;
	[tilespmem:$0x1E000] =	vst v63  }
0x6c: {  	_ =	swait.ge [sflag:s15], $0x4000  }
0x6d: {  	[sflag:s15] =	ssyncset.done $0x0  }
0x6e: {  	s31 =	simm.s32 $0x1080;
	[sflag:s15] =	ssyncadd.s32 $0xFFFFC000  }
0x6f: {  	[spmem:s28] =	stream.indirect.scatter.add.f32 [tilespmem:s12], [sflag:$0x4], $0x80, s31, s11, $0xb8;
	[tilespmem:$0x1E000] =	vst v63  }
0x70: {  	_ =	swait.ge [sflag:s6], $0x4000  }
0x71: {  	[sflag:s6] =	ssyncset.done $0x0  }
0x72: {  	s4 =	simm.s32 $0x180;
	[sflag:s6] =	ssyncadd.s32 $0xFFFFC000  }
0x73: {  	[tilespmem:s12], [sflag:$0x2] =	stream.indirect.gather [hbm4b:s30+s11], $0x80, s4, s11, $0xb8;
	[tilespmem:$0x1E000] =	vst v63  }
0x74: {  	_ =	swait.ge [sflag:s13], $0x4000  }
0x75: {  	[sflag:s13] =	ssyncset.done $0x0  }
0x76: {  	s7 =	simm.s32 $0x1100;
	[sflag:s13] =	ssyncadd.s32 $0xFFFFC000  }
0x77: {  	[spmem:s28] =	stream.indirect.scatter.add.f32 [tilespmem:s5], [sflag:$0x4], $0x80, s7, s11, $0xb8;
	[tilespmem:$0x1E000] =	vst v63  }
0x78: {  	_ =	swait.ge [sflag:s6], $0x4000  }
0x79: {  	[sflag:s6] =	ssyncset.done $0x0  }
0x7a: {  	s9 =	simm.s32 $0x200;
	[sflag:s6] =	ssyncadd.s32 $0xFFFFC000  }
0x7b: {  	[tilespmem:s5], [sflag:$0x1] =	stream.indirect.gather [hbm4b:s30+s11], $0x80, s9, s11, $0xb8;
	[tilespmem:$0x1E000] =	vst v63  }
0x7c: {  	_ =	swait.ge [sflag:s15], $0x4000  }
0x7d: {  	[sflag:s15] =	ssyncset.done $0x0  }
0x7e: {  	s10 =	simm.s32 $0x1180;
	[sflag:s15] =	ssyncadd.s32 $0xFFFFC000  }
0x7f: {  	[spmem:s28] =	stream.indirect.scatter.add.f32 [tilespmem:s12], [sflag:$0x4], $0x80, s10, s11, $0xb8;
	[tilespmem:$0x1E000] =	vst v63  }
0x80: {  	_ =	swait.ge [sflag:s6], $0x4000  }
0x81: {  	[sflag:s6] =	ssyncset.done $0x0  }
0x82: {  	s14 =	simm.s32 $0x280;
	[sflag:s6] =	ssyncadd.s32 $0xFFFFC000  }
0x83: {  	[tilespmem:s12], [sflag:$0x2] =	stream.indirect.gather [hbm4b:s30+s11], $0x80, s14, s11, $0xb8;
	[tilespmem:$0x1E000] =	vst v63  }
0x84: {  	_ =	swait.ge [sflag:s13], $0x4000  }
0x85: {  	[sflag:s13] =	ssyncset.done $0x0  }
0x86: {  	s16 =	simm.s32 $0x1200;
	[sflag:s13] =	ssyncadd.s32 $0xFFFFC000  }
0x87: {  	[spmem:s28] =	stream.indirect.scatter.add.f32 [tilespmem:s5], [sflag:$0x4], $0x80, s16, s11, $0xb8;
	[tilespmem:$0x1E000] =	vst v63  }
0x88: {  	_ =	swait.ge [sflag:s6], $0x4000  }
0x89: {  	[sflag:s6] =	ssyncset.done $0x0  }
0x8a: {  	s17 =	simm.s32 $0x300;
	[sflag:s6] =	ssyncadd.s32 $0xFFFFC000  }
0x8b: {  	[tilespmem:s5], [sflag:$0x1] =	stream.indirect.gather [hbm4b:s30+s11], $0x80, s17, s11, $0xb8;
	[tilespmem:$0x1E000] =	vst v63  }
0x8c: {  	_ =	swait.ge [sflag:s15], $0x4000  }
0x8d: {  	[sflag:s15] =	ssyncset.done $0x0  }
0x8e: {  	s18 =	simm.s32 $0x1280;
	[sflag:s15] =	ssyncadd.s32 $0xFFFFC000  }
0x8f: {  	[spmem:s28] =	stream.indirect.scatter.add.f32 [tilespmem:s12], [sflag:$0x4], $0x80, s18, s11, $0xb8;
	[tilespmem:$0x1E000] =	vst v63  }
0x90: {  	_ =	swait.ge [sflag:s6], $0x4000  }
0x91: {  	[sflag:s6] =	ssyncset.done $0x0  }
0x92: {  	s19 =	simm.s32 $0x380;
	[sflag:s6] =	ssyncadd.s32 $0xFFFFC000  }
0x93: {  	[tilespmem:s12], [sflag:$0x2] =	stream.indirect.gather [hbm4b:s30+s11], $0x80, s19, s11, $0xb8;
	[tilespmem:$0x1E000] =	vst v63  }
0x94: {  	_ =	swait.ge [sflag:s13], $0x4000  }
0x95: {  	[sflag:s13] =	ssyncset.done $0x0  }
0x96: {  	s20 =	simm.s32 $0x1300;
	[sflag:s13] =	ssyncadd.s32 $0xFFFFC000  }
0x97: {  	[spmem:s28] =	stream.indirect.scatter.add.f32 [tilespmem:s5], [sflag:$0x4], $0x80, s20, s11, $0xb8;
	[tilespmem:$0x1E000] =	vst v63  }
0x98: {  	_ =	swait.ge [sflag:s6], $0x4000  }
0x99: {  	[sflag:s6] =	ssyncset.done $0x0  }
0x9a: {  	s21 =	simm.s32 $0x400;
	[sflag:s6] =	ssyncadd.s32 $0xFFFFC000  }
0x9b: {  	[tilespmem:s5], [sflag:$0x1] =	stream.indirect.gather [hbm4b:s30+s11], $0x80, s21, s11, $0xb8;
	[tilespmem:$0x1E000] =	vst v63  }
0x9c: {  	_ =	swait.ge [sflag:s15], $0x4000  }
0x9d: {  	[sflag:s15] =	ssyncset.done $0x0  }
0x9e: {  	s22 =	simm.s32 $0x1380;
	[sflag:s15] =	ssyncadd.s32 $0xFFFFC000  }
0x9f: {  	[spmem:s28] =	stream.indirect.scatter.add.f32 [tilespmem:s12], [sflag:$0x4], $0x80, s22, s11, $0xb8;
	[tilespmem:$0x1E000] =	vst v63  }
0xa0: {  	_ =	swait.ge [sflag:s6], $0x4000  }
0xa1: {  	[sflag:s6] =	ssyncset.done $0x0  }
0xa2: {  	s23 =	simm.s32 $0x480;
	[sflag:s6] =	ssyncadd.s32 $0xFFFFC000  }
0xa3: {  	[tilespmem:s12], [sflag:$0x2] =	stream.indirect.gather [hbm4b:s30+s11], $0x80, s23, s11, $0xb8;
	[tilespmem:$0x1E000] =	vst v63  }
0xa4: {  	_ =	swait.ge [sflag:s13], $0x4000  }
0xa5: {  	[sflag:s13] =	ssyncset.done $0x0  }
0xa6: {  	s24 =	simm.s32 $0x1400;
	[sflag:s13] =	ssyncadd.s32 $0xFFFFC000  }
0xa7: {  	[spmem:s28] =	stream.indirect.scatter.add.f32 [tilespmem:s5], [sflag:$0x4], $0x80, s24, s11, $0xb8;
	[tilespmem:$0x1E000] =	vst v63  }
0xa8: {  	_ =	swait.ge [sflag:s6], $0x4000  }
0xa9: {  	[sflag:s6] =	ssyncset.done $0x0  }
0xaa: {  	s25 =	simm.s32 $0x500;
	[sflag:s6] =	ssyncadd.s32 $0xFFFFC000  }
0xab: {  	[tilespmem:s5], [sflag:$0x1] =	stream.indirect.gather [hbm4b:s30+s11], $0x80, s25, s11, $0xb8;
	[tilespmem:$0x1E000] =	vst v63  }
0xac: {  	_ =	swait.ge [sflag:s15], $0x4000  }
0xad: {  	[sflag:s15] =	ssyncset.done $0x0  }
0xae: {  	s26 =	simm.s32 $0x1480;
	[sflag:s15] =	ssyncadd.s32 $0xFFFFC000  }
0xaf: {  	[spmem:s28] =	stream.indirect.scatter.add.f32 [tilespmem:s12], [sflag:$0x4], $0x80, s26, s11, $0xb8;
	[tilespmem:$0x1E000] =	vst v63  }
0xb0: {  	_ =	swait.ge [sflag:s6], $0x4000  }
0xb1: {  	[sflag:s6] =	ssyncset.done $0x0  }
0xb2: {  	s29 =	simm.s32 $0x580;
	[sflag:s6] =	ssyncadd.s32 $0xFFFFC000  }
0xb3: {  	[tilespmem:s12], [sflag:$0x2] =	stream.indirect.gather [hbm4b:s30+s11], $0x80, s29, s11, $0xb8;
	[tilespmem:$0x1E000] =	vst v63  }
0xb4: {  	_ =	swait.ge [sflag:s13], $0x4000  }
0xb5: {  	[sflag:s13] =	ssyncset.done $0x0  }
0xb6: {  	s31 =	simm.s32 $0x1500;
	[sflag:s13] =	ssyncadd.s32 $0xFFFFC000  }
0xb7: {  	[spmem:s28] =	stream.indirect.scatter.add.f32 [tilespmem:s5], [sflag:$0x4], $0x80, s31, s11, $0xb8;
	[tilespmem:$0x1E000] =	vst v63  }
0xb8: {  	_ =	swait.ge [sflag:s6], $0x4000  }
0xb9: {  	[sflag:s6] =	ssyncset.done $0x0  }
0xba: {  	s4 =	simm.s32 $0x600;
	[sflag:s6] =	ssyncadd.s32 $0xFFFFC000  }
0xbb: {  	[tilespmem:s5], [sflag:$0x1] =	stream.indirect.gather [hbm4b:s30+s11], $0x80, s4, s11, $0xb8;
	[tilespmem:$0x1E000] =	vst v63  }
0xbc: {  	_ =	swait.ge [sflag:s15], $0x4000  }
0xbd: {  	[sflag:s15] =	ssyncset.done $0x0  }
0xbe: {  	s7 =	simm.s32 $0x1580;
	[sflag:s15] =	ssyncadd.s32 $0xFFFFC000  }
0xbf: {  	[spmem:s28] =	stream.indirect.scatter.add.f32 [tilespmem:s12], [sflag:$0x4], $0x80, s7, s11, $0xb8;
	[tilespmem:$0x1E000] =	vst v63  }
0xc0: {  	_ =	swait.ge [sflag:s6], $0x4000  }
0xc1: {  	[sflag:s6] =	ssyncset.done $0x0  }
0xc2: {  	s9 =	simm.s32 $0x680;
	[sflag:s6] =	ssyncadd.s32 $0xFFFFC000  }
0xc3: {  	[tilespmem:s12], [sflag:$0x2] =	stream.indirect.gather [hbm4b:s30+s11], $0x80, s9, s11, $0xb8;
	[tilespmem:$0x1E000] =	vst v63  }
0xc4: {  	_ =	swait.ge [sflag:s13], $0x4000  }
0xc5: {  	[sflag:s13] =	ssyncset.done $0x0  }
0xc6: {  	s10 =	simm.s32 $0x1600;
	[sflag:s13] =	ssyncadd.s32 $0xFFFFC000  }
0xc7: {  	[spmem:s28] =	stream.indirect.scatter.add.f32 [tilespmem:s5], [sflag:$0x4], $0x80, s10, s11, $0xb8;
	[tilespmem:$0x1E000] =	vst v63  }
0xc8: {  	_ =	swait.ge [sflag:s6], $0x4000  }
0xc9: {  	[sflag:s6] =	ssyncset.done $0x0  }
0xca: {  	s14 =	simm.s32 $0x700;
	[sflag:s6] =	ssyncadd.s32 $0xFFFFC000  }
0xcb: {  	[tilespmem:s5], [sflag:$0x1] =	stream.indirect.gather [hbm4b:s30+s11], $0x80, s14, s11, $0xb8;
	[tilespmem:$0x1E000] =	vst v63  }
0xcc: {  	_ =	swait.ge [sflag:s15], $0x4000  }
0xcd: {  	[sflag:s15] =	ssyncset.done $0x0  }
0xce: {  	s16 =	simm.s32 $0x1680;
	[sflag:s15] =	ssyncadd.s32 $0xFFFFC000  }
0xcf: {  	[spmem:s28] =	stream.indirect.scatter.add.f32 [tilespmem:s12], [sflag:$0x4], $0x80, s16, s11, $0xb8;
	[tilespmem:$0x1E000] =	vst v63  }
0xd0: {  	_ =	swait.ge [sflag:s6], $0x4000  }
0xd1: {  	[sflag:s6] =	ssyncset.done $0x0  }
0xd2: {  	s17 =	simm.s32 $0x780;
	[sflag:s6] =	ssyncadd.s32 $0xFFFFC000  }
0xd3: {  	[tilespmem:s12], [sflag:$0x2] =	stream.indirect.gather [hbm4b:s30+s11], $0x80, s17, s11, $0xb8;
	[tilespmem:$0x1E000] =	vst v63  }
0xd4: {  	_ =	swait.ge [sflag:s13], $0x4000  }
0xd5: {  	[sflag:s13] =	ssyncset.done $0x0  }
0xd6: {  	s18 =	simm.s32 $0x1700;
	[sflag:s13] =	ssyncadd.s32 $0xFFFFC000  }
0xd7: {  	[spmem:s28] =	stream.indirect.scatter.add.f32 [tilespmem:s5], [sflag:$0x4], $0x80, s18, s11, $0xb8;
	[tilespmem:$0x1E000] =	vst v63  }
0xd8: {  	_ =	swait.ge [sflag:s6], $0x4000  }
0xd9: {  	[sflag:s6] =	ssyncset.done $0x0  }
0xda: {  	[sflag:s6] =	ssyncadd.s32 $0xFFFFC000  }
0xdb: {  	_ =	swait.ge [sflag:s15], $0x4000  }
0xdc: {  	[sflag:s15] =	ssyncset.done $0x0  }
0xdd: {  	s19 =	simm.s32 $0x1780;
	[sflag:s15] =	ssyncadd.s32 $0xFFFFC000  }
0xde: {  	[spmem:s28] =	stream.indirect.scatter.add.f32 [tilespmem:s12], [sflag:$0x4], $0x80, s19, s11, $0xb8;
	[tilespmem:$0x1E000] =	vst v63  }
0xdf: {  	_ =	swait.ge [sflag:s6], $0x4000  }
0xe0: {  	[sflag:s6] =	ssyncset.done $0x0  }
0xe1: {  	[sflag:s6] =	ssyncadd.s32 $0xFFFFC000  }
0xe2: {  	_ =	swait.ge [sflag:s8], $0x800  }
0xe3: {  	[sflag:s8] =	ssyncset.done $0x0  }
0xe4: {  	[sflag:s8] =	ssyncadd.s32 $0xFFFFF800  }
0xe5: {  	_ =	swait.ge [sflag:s8], $0x800  }
0xe6: {  	[sflag:s8] =	ssyncset.done $0x0  }
0xe7: {  	s20 =	rddreg [dreg:$0x5];
	[sflag:s8] =	ssyncadd.s32 $0xFFFFF800  }
0xe8: {  	[tilespmem:s1], [sflag:$0x3] =	stream.linear.gather [hbm4b:s20+s1], $0x800, $0x38;
	[tilespmem:$0x1E000] =	vst v63  }
0xe9: {  	s3 =	simm.s32 $0x1000;
	s22 =	rddreg [dreg:$0xf]  }
0xea: {  	[tilespmem:s3], [sflag:$0x3] =	stream.linear.gather [hbm4b:s22+s1], $0x800, $0x38;
	[tilespmem:$0x1E000] =	vst v63  }
0xeb: {  	s2 =	simm.s32 $0x800  }
0xec: {  	[tilespmem:s5], [sflag:$0x1] =	stream.indirect.gather [hbm4b:s30+s11], $0x80, s2, s11, $0xb8;
	[tilespmem:$0x1E000] =	vst v63  }
0xed: {  	s23 =	simm.s32 $0x880  }
0xee: {  	[tilespmem:s12], [sflag:$0x2] =	stream.indirect.gather [hbm4b:s30+s11], $0x80, s23, s11, $0xb8;
	[tilespmem:$0x1E000] =	vst v63  }
0xef: {  	_ =	swait.ge [sflag:s13], $0x4000  }
0xf0: {  	[sflag:s13] =	ssyncset.done $0x0  }
0xf1: {  	s0 =	simm.s32 $0x1800;
	[sflag:s13] =	ssyncadd.s32 $0xFFFFC000  }
0xf2: {  	[spmem:s28] =	stream.indirect.scatter.add.f32 [tilespmem:s5], [sflag:$0x4], $0x80, s0, s11, $0xb8;
	[tilespmem:$0x1E000] =	vst v63  }
0xf3: {  	_ =	swait.ge [sflag:s6], $0x4000  }
0xf4: {  	[sflag:s6] =	ssyncset.done $0x0  }
0xf5: {  	s24 =	simm.s32 $0x900;
	[sflag:s6] =	ssyncadd.s32 $0xFFFFC000  }
0xf6: {  	[tilespmem:s5], [sflag:$0x1] =	stream.indirect.gather [hbm4b:s30+s11], $0x80, s24, s11, $0xb8;
	[tilespmem:$0x1E000] =	vst v63  }
0xf7: {  	_ =	swait.ge [sflag:s15], $0x4000  }
0xf8: {  	[sflag:s15] =	ssyncset.done $0x0  }
0xf9: {  	s25 =	simm.s32 $0x1880;
	[sflag:s15] =	ssyncadd.s32 $0xFFFFC000  }
0xfa: {  	[spmem:s28] =	stream.indirect.scatter.add.f32 [tilespmem:s12], [sflag:$0x4], $0x80, s25, s11, $0xb8;
	[tilespmem:$0x1E000] =	vst v63  }
0xfb: {  	_ =	swait.ge [sflag:s6], $0x4000  }
0xfc: {  	[sflag:s6] =	ssyncset.done $0x0  }
0xfd: {  	s26 =	simm.s32 $0x980;
	[sflag:s6] =	ssyncadd.s32 $0xFFFFC000  }
0xfe: {  	[tilespmem:s12], [sflag:$0x2] =	stream.indirect.gather [hbm4b:s30+s11], $0x80, s26, s11, $0xb8;
	[tilespmem:$0x1E000] =	vst v63  }
0xff: {  	_ =	swait.ge [sflag:s13], $0x4000  }
0x100: {  	[sflag:s13] =	ssyncset.done $0x0  }
0x101: {  	s29 =	simm.s32 $0x1900;
	[sflag:s13] =	ssyncadd.s32 $0xFFFFC000  }
0x102: {  	[spmem:s28] =	stream.indirect.scatter.add.f32 [tilespmem:s5], [sflag:$0x4], $0x80, s29, s11, $0xb8;
	[tilespmem:$0x1E000] =	vst v63  }
0x103: {  	_ =	swait.ge [sflag:s6], $0x4000  }
0x104: {  	[sflag:s6] =	ssyncset.done $0x0  }
0x105: {  	s31 =	simm.s32 $0xA00;
	[sflag:s6] =	ssyncadd.s32 $0xFFFFC000  }
0x106: {  	[tilespmem:s5], [sflag:$0x1] =	stream.indirect.gather [hbm4b:s30+s11], $0x80, s31, s11, $0xb8;
	[tilespmem:$0x1E000] =	vst v63  }
0x107: {  	_ =	swait.ge [sflag:s15], $0x4000  }
0x108: {  	[sflag:s15] =	ssyncset.done $0x0  }
0x109: {  	s3 =	simm.s32 $0x1980;
	[sflag:s15] =	ssyncadd.s32 $0xFFFFC000  }
0x10a: {  	[spmem:s28] =	stream.indirect.scatter.add.f32 [tilespmem:s12], [sflag:$0x4], $0x80, s3, s11, $0xb8;
	[tilespmem:$0x1E000] =	vst v63  }
0x10b: {  	_ =	swait.ge [sflag:s6], $0x4000  }
0x10c: {  	[sflag:s6] =	ssyncset.done $0x0  }
0x10d: {  	s4 =	simm.s32 $0xA80;
	[sflag:s6] =	ssyncadd.s32 $0xFFFFC000  }
0x10e: {  	[tilespmem:s12], [sflag:$0x2] =	stream.indirect.gather [hbm4b:s30+s11], $0x80, s4, s11, $0xb8;
	[tilespmem:$0x1E000] =	vst v63  }
0x10f: {  	_ =	swait.ge [sflag:s13], $0x4000  }
0x110: {  	[sflag:s13] =	ssyncset.done $0x0  }
0x111: {  	s7 =	simm.s32 $0x1A00;
	[sflag:s13] =	ssyncadd.s32 $0xFFFFC000  }
0x112: {  	[spmem:s28] =	stream.indirect.scatter.add.f32 [tilespmem:s5], [sflag:$0x4], $0x80, s7, s11, $0xb8;
	[tilespmem:$0x1E000] =	vst v63  }
0x113: {  	_ =	swait.ge [sflag:s6], $0x4000  }
0x114: {  	[sflag:s6] =	ssyncset.done $0x0  }
0x115: {  	s9 =	simm.s32 $0xB00;
	[sflag:s6] =	ssyncadd.s32 $0xFFFFC000  }
0x116: {  	[tilespmem:s5], [sflag:$0x1] =	stream.indirect.gather [hbm4b:s30+s11], $0x80, s9, s11, $0xb8;
	[tilespmem:$0x1E000] =	vst v63  }
0x117: {  	_ =	swait.ge [sflag:s15], $0x4000  }
0x118: {  	[sflag:s15] =	ssyncset.done $0x0  }
0x119: {  	s10 =	simm.s32 $0x1A80;
	[sflag:s15] =	ssyncadd.s32 $0xFFFFC000  }
0x11a: {  	[spmem:s28] =	stream.indirect.scatter.add.f32 [tilespmem:s12], [sflag:$0x4], $0x80, s10, s11, $0xb8;
	[tilespmem:$0x1E000] =	vst v63  }
0x11b: {  	_ =	swait.ge [sflag:s6], $0x4000  }
0x11c: {  	[sflag:s6] =	ssyncset.done $0x0  }
0x11d: {  	s14 =	simm.s32 $0xB80;
	[sflag:s6] =	ssyncadd.s32 $0xFFFFC000  }
0x11e: {  	[tilespmem:s12], [sflag:$0x2] =	stream.indirect.gather [hbm4b:s30+s11], $0x80, s14, s11, $0xb8;
	[tilespmem:$0x1E000] =	vst v63  }
0x11f: {  	_ =	swait.ge [sflag:s13], $0x4000  }
0x120: {  	[sflag:s13] =	ssyncset.done $0x0  }
0x121: {  	s16 =	simm.s32 $0x1B00;
	[sflag:s13] =	ssyncadd.s32 $0xFFFFC000  }
0x122: {  	[spmem:s28] =	stream.indirect.scatter.add.f32 [tilespmem:s5], [sflag:$0x4], $0x80, s16, s11, $0xb8;
	[tilespmem:$0x1E000] =	vst v63  }
0x123: {  	_ =	swait.ge [sflag:s6], $0x4000  }
0x124: {  	[sflag:s6] =	ssyncset.done $0x0  }
0x125: {  	s17 =	simm.s32 $0xC00;
	[sflag:s6] =	ssyncadd.s32 $0xFFFFC000  }
0x126: {  	[tilespmem:s5], [sflag:$0x1] =	stream.indirect.gather [hbm4b:s30+s11], $0x80, s17, s11, $0xb8;
	[tilespmem:$0x1E000] =	vst v63  }
0x127: {  	_ =	swait.ge [sflag:s15], $0x4000  }
0x128: {  	[sflag:s15] =	ssyncset.done $0x0  }
0x129: {  	s18 =	simm.s32 $0x1B80;
	[sflag:s15] =	ssyncadd.s32 $0xFFFFC000  }
0x12a: {  	[spmem:s28] =	stream.indirect.scatter.add.f32 [tilespmem:s12], [sflag:$0x4], $0x80, s18, s11, $0xb8;
	[tilespmem:$0x1E000] =	vst v63  }
0x12b: {  	_ =	swait.ge [sflag:s6], $0x4000  }
0x12c: {  	[sflag:s6] =	ssyncset.done $0x0  }
0x12d: {  	s19 =	simm.s32 $0xC80;
	[sflag:s6] =	ssyncadd.s32 $0xFFFFC000  }
0x12e: {  	[tilespmem:s12], [sflag:$0x2] =	stream.indirect.gather [hbm4b:s30+s11], $0x80, s19, s11, $0xb8;
	[tilespmem:$0x1E000] =	vst v63  }
0x12f: {  	_ =	swait.ge [sflag:s13], $0x4000  }
0x130: {  	[sflag:s13] =	ssyncset.done $0x0  }
0x131: {  	s20 =	simm.s32 $0x1C00;
	[sflag:s13] =	ssyncadd.s32 $0xFFFFC000  }
0x132: {  	[spmem:s28] =	stream.indirect.scatter.add.f32 [tilespmem:s5], [sflag:$0x4], $0x80, s20, s11, $0xb8;
	[tilespmem:$0x1E000] =	vst v63  }
0x133: {  	_ =	swait.ge [sflag:s6], $0x4000  }
0x134: {  	[sflag:s6] =	ssyncset.done $0x0  }
0x135: {  	s21 =	simm.s32 $0xD00;
	[sflag:s6] =	ssyncadd.s32 $0xFFFFC000  }
0x136: {  	[tilespmem:s5], [sflag:$0x1] =	stream.indirect.gather [hbm4b:s30+s11], $0x80, s21, s11, $0xb8;
	[tilespmem:$0x1E000] =	vst v63  }
0x137: {  	_ =	swait.ge [sflag:s15], $0x4000  }
0x138: {  	[sflag:s15] =	ssyncset.done $0x0  }
0x139: {  	s22 =	simm.s32 $0x1C80;
	[sflag:s15] =	ssyncadd.s32 $0xFFFFC000  }
0x13a: {  	[spmem:s28] =	stream.indirect.scatter.add.f32 [tilespmem:s12], [sflag:$0x4], $0x80, s22, s11, $0xb8;
	[tilespmem:$0x1E000] =	vst v63  }
0x13b: {  	_ =	swait.ge [sflag:s6], $0x4000  }
0x13c: {  	[sflag:s6] =	ssyncset.done $0x0  }
0x13d: {  	s23 =	simm.s32 $0xD80;
	[sflag:s6] =	ssyncadd.s32 $0xFFFFC000  }
0x13e: {  	[tilespmem:s12], [sflag:$0x2] =	stream.indirect.gather [hbm4b:s30+s11], $0x80, s23, s11, $0xb8;
	[tilespmem:$0x1E000] =	vst v63  }
0x13f: {  	_ =	swait.ge [sflag:s13], $0x4000  }
0x140: {  	[sflag:s13] =	ssyncset.done $0x0  }
0x141: {  	s24 =	simm.s32 $0x1D00;
	[sflag:s13] =	ssyncadd.s32 $0xFFFFC000  }
0x142: {  	[spmem:s28] =	stream.indirect.scatter.add.f32 [tilespmem:s5], [sflag:$0x4], $0x80, s24, s11, $0xb8;
	[tilespmem:$0x1E000] =	vst v63  }
0x143: {  	_ =	swait.ge [sflag:s6], $0x4000  }
0x144: {  	[sflag:s6] =	ssyncset.done $0x0  }
0x145: {  	s25 =	simm.s32 $0xE00;
	[sflag:s6] =	ssyncadd.s32 $0xFFFFC000  }
0x146: {  	[tilespmem:s5], [sflag:$0x1] =	stream.indirect.gather [hbm4b:s30+s11], $0x80, s25, s11, $0xb8;
	[tilespmem:$0x1E000] =	vst v63  }
0x147: {  	_ =	swait.ge [sflag:s15], $0x4000  }
0x148: {  	[sflag:s15] =	ssyncset.done $0x0  }
0x149: {  	s26 =	simm.s32 $0x1D80;
	[sflag:s15] =	ssyncadd.s32 $0xFFFFC000  }
0x14a: {  	[spmem:s28] =	stream.indirect.scatter.add.f32 [tilespmem:s12], [sflag:$0x4], $0x80, s26, s11, $0xb8;
	[tilespmem:$0x1E000] =	vst v63  }
0x14b: {  	_ =	swait.ge [sflag:s6], $0x4000  }
0x14c: {  	[sflag:s6] =	ssyncset.done $0x0  }
0x14d: {  	s29 =	simm.s32 $0xE80;
	[sflag:s6] =	ssyncadd.s32 $0xFFFFC000  }
0x14e: {  	[tilespmem:s12], [sflag:$0x2] =	stream.indirect.gather [hbm4b:s30+s11], $0x80, s29, s11, $0xb8;
	[tilespmem:$0x1E000] =	vst v63  }
0x14f: {  	_ =	swait.ge [sflag:s13], $0x4000  }
0x150: {  	[sflag:s13] =	ssyncset.done $0x0  }
0x151: {  	s31 =	simm.s32 $0x1E00;
	[sflag:s13] =	ssyncadd.s32 $0xFFFFC000  }
0x152: {  	[spmem:s28] =	stream.indirect.scatter.add.f32 [tilespmem:s5], [sflag:$0x4], $0x80, s31, s11, $0xb8;
	[tilespmem:$0x1E000] =	vst v63  }
0x153: {  	_ =	swait.ge [sflag:s6], $0x4000  }
0x154: {  	[sflag:s6] =	ssyncset.done $0x0  }
0x155: {  	s3 =	simm.s32 $0xF00;
	[sflag:s6] =	ssyncadd.s32 $0xFFFFC000  }
0x156: {  	[tilespmem:s5], [sflag:$0x1] =	stream.indirect.gather [hbm4b:s30+s11], $0x80, s3, s11, $0xb8;
	[tilespmem:$0x1E000] =	vst v63  }
0x157: {  	_ =	swait.ge [sflag:s15], $0x4000  }
0x158: {  	[sflag:s15] =	ssyncset.done $0x0  }
0x159: {  	s4 =	simm.s32 $0x1E80;
	[sflag:s15] =	ssyncadd.s32 $0xFFFFC000  }
0x15a: {  	[spmem:s28] =	stream.indirect.scatter.add.f32 [tilespmem:s12], [sflag:$0x4], $0x80, s4, s11, $0xb8;
	[tilespmem:$0x1E000] =	vst v63  }
0x15b: {  	_ =	swait.ge [sflag:s6], $0x4000  }
0x15c: {  	[sflag:s6] =	ssyncset.done $0x0  }
0x15d: {  	s7 =	simm.s32 $0xF80;
	[sflag:s6] =	ssyncadd.s32 $0xFFFFC000  }
0x15e: {  	[tilespmem:s12], [sflag:$0x2] =	stream.indirect.gather [hbm4b:s30+s11], $0x80, s7, s11, $0xb8;
	[tilespmem:$0x1E000] =	vst v63  }
0x15f: {  	_ =	swait.ge [sflag:s13], $0x4000  }
0x160: {  	[sflag:s13] =	ssyncset.done $0x0  }
0x161: {  	s9 =	simm.s32 $0x1F00;
	[sflag:s13] =	ssyncadd.s32 $0xFFFFC000  }
0x162: {  	[spmem:s28] =	stream.indirect.scatter.add.f32 [tilespmem:s5], [sflag:$0x4], $0x80, s9, s11, $0xb8;
	[tilespmem:$0x1E000] =	vst v63  }
0x163: {  	_ =	swait.ge [sflag:s6], $0x4000  }
0x164: {  	[sflag:s6] =	ssyncset.done $0x0  }
0x165: {  	[sflag:s6] =	ssyncadd.s32 $0xFFFFC000  }
0x166: {  	_ =	swait.ge [sflag:s15], $0x4000  }
0x167: {  	[sflag:s15] =	ssyncset.done $0x0  }
0x168: {  	s10 =	simm.s32 $0x1F80;
	[sflag:s15] =	ssyncadd.s32 $0xFFFFC000  }
0x169: {  	[spmem:s28] =	stream.indirect.scatter.add.f32 [tilespmem:s12], [sflag:$0x4], $0x80, s10, s11, $0xb8;
	[tilespmem:$0x1E000] =	vst v63  }
0x16a: {  	_ =	swait.ge [sflag:s6], $0x4000  }
0x16b: {  	[sflag:s6] =	ssyncset.done $0x0  }
0x16c: {  	[sflag:s6] =	ssyncadd.s32 $0xFFFFC000  }
0x16d: {  	_ =	swait.ge [sflag:s8], $0x800  }
0x16e: {  	[sflag:s8] =	ssyncset.done $0x0  }
0x16f: {  	[sflag:s8] =	ssyncadd.s32 $0xFFFFF800  }
0x170: {  	_ =	swait.ge [sflag:s8], $0x800  }
0x171: {  	[sflag:s8] =	ssyncset.done $0x0  }
0x172: {  	s2 =	simm.s32 $0x800;
	s14 =	rddreg [dreg:$0x6];
	[sflag:s8] =	ssyncadd.s32 $0xFFFFF800  }
0x173: {  	[tilespmem:s2], [sflag:$0x3] =	stream.linear.gather [hbm4b:s14+s1], $0x800, $0x38;
	[tilespmem:$0x1E000] =	vst v63  }
0x174: {  	s16 =	rddreg [dreg:$0x10]  }
0x175: {  	[tilespmem:s0], [sflag:$0x3] =	stream.linear.gather [hbm4b:s16+s1], $0x800, $0x38;
	[tilespmem:$0x1E000] =	vst v63  }
0x176: {  	_ = 	snop  }
0x177: {  	[tilespmem:s5], [sflag:$0x1] =	stream.indirect.gather [hbm4b:s30+s11], $0x80, s1, s11, $0xb8;
	[tilespmem:$0x1E000] =	vst v63  }
0x178: {  	_ = 	snop  }
0x179: {  	[tilespmem:s12], [sflag:$0x2] =	stream.indirect.gather [hbm4b:s30+s11], $0x80, s11, s11, $0xb8;
	[tilespmem:$0x1E000] =	vst v63  }
0x17a: {  	_ =	swait.ge [sflag:s13], $0x4000  }
0x17b: {  	[sflag:s13] =	ssyncset.done $0x0  }
0x17c: {  	s0 =	simm.s32 $0x1000;
	[sflag:s13] =	ssyncadd.s32 $0xFFFFC000  }
0x17d: {  	[spmem:s28] =	stream.indirect.scatter.add.f32 [tilespmem:s5], [sflag:$0x4], $0x80, s0, s11, $0xb8;
	[tilespmem:$0x1E000] =	vst v63  }
0x17e: {  	_ =	swait.ge [sflag:s6], $0x4000  }
0x17f: {  	[sflag:s6] =	ssyncset.done $0x0  }
0x180: {  	s4 =	simm.s32 $0x100;
	[sflag:s6] =	ssyncadd.s32 $0xFFFFC000  }
0x181: {  	[tilespmem:s5], [sflag:$0x1] =	stream.indirect.gather [hbm4b:s30+s11], $0x80, s4, s11, $0xb8;
	[tilespmem:$0x1E000] =	vst v63  }
0x182: {  	_ =	swait.ge [sflag:s15], $0x4000  }
0x183: {  	[sflag:s15] =	ssyncset.done $0x0  }
0x184: {  	s17 =	simm.s32 $0x1080;
	[sflag:s15] =	ssyncadd.s32 $0xFFFFC000  }
0x185: {  	[spmem:s28] =	stream.indirect.scatter.add.f32 [tilespmem:s12], [sflag:$0x4], $0x80, s17, s11, $0xb8;
	[tilespmem:$0x1E000] =	vst v63  }
0x186: {  	_ =	swait.ge [sflag:s6], $0x4000  }
0x187: {  	[sflag:s6] =	ssyncset.done $0x0  }
0x188: {  	s18 =	simm.s32 $0x180;
	[sflag:s6] =	ssyncadd.s32 $0xFFFFC000  }
0x189: {  	[tilespmem:s12], [sflag:$0x2] =	stream.indirect.gather [hbm4b:s30+s11], $0x80, s18, s11, $0xb8;
	[tilespmem:$0x1E000] =	vst v63  }
0x18a: {  	_ =	swait.ge [sflag:s13], $0x4000  }
0x18b: {  	[sflag:s13] =	ssyncset.done $0x0  }
0x18c: {  	s19 =	simm.s32 $0x1100;
	[sflag:s13] =	ssyncadd.s32 $0xFFFFC000  }
0x18d: {  	[spmem:s28] =	stream.indirect.scatter.add.f32 [tilespmem:s5], [sflag:$0x4], $0x80, s19, s11, $0xb8;
	[tilespmem:$0x1E000] =	vst v63  }
0x18e: {  	_ =	swait.ge [sflag:s6], $0x4000  }
0x18f: {  	[sflag:s6] =	ssyncset.done $0x0  }
0x190: {  	s20 =	simm.s32 $0x200;
	[sflag:s6] =	ssyncadd.s32 $0xFFFFC000  }
0x191: {  	[tilespmem:s5], [sflag:$0x1] =	stream.indirect.gather [hbm4b:s30+s11], $0x80, s20, s11, $0xb8;
	[tilespmem:$0x1E000] =	vst v63  }
0x192: {  	_ =	swait.ge [sflag:s15], $0x4000  }
0x193: {  	[sflag:s15] =	ssyncset.done $0x0  }
0x194: {  	s14 =	simm.s32 $0x1180;
	[sflag:s15] =	ssyncadd.s32 $0xFFFFC000  }
0x195: {  	[spmem:s28] =	stream.indirect.scatter.add.f32 [tilespmem:s12], [sflag:$0x4], $0x80, s14, s11, $0xb8;
	[tilespmem:$0x1E000] =	vst v63  }
0x196: {  	_ =	swait.ge [sflag:s6], $0x4000  }
0x197: {  	[sflag:s6] =	ssyncset.done $0x0  }
0x198: {  	s16 =	simm.s32 $0x280;
	[sflag:s6] =	ssyncadd.s32 $0xFFFFC000  }
0x199: {  	[tilespmem:s12], [sflag:$0x2] =	stream.indirect.gather [hbm4b:s30+s11], $0x80, s16, s11, $0xb8;
	[tilespmem:$0x1E000] =	vst v63  }
0x19a: {  	_ =	swait.ge [sflag:s13], $0x4000  }
0x19b: {  	[sflag:s13] =	ssyncset.done $0x0  }
0x19c: {  	s17 =	simm.s32 $0x1200;
	[sflag:s13] =	ssyncadd.s32 $0xFFFFC000  }
0x19d: {  	[spmem:s28] =	stream.indirect.scatter.add.f32 [tilespmem:s5], [sflag:$0x4], $0x80, s17, s11, $0xb8;
	[tilespmem:$0x1E000] =	vst v63  }
0x19e: {  	_ =	swait.ge [sflag:s6], $0x4000  }
0x19f: {  	[sflag:s6] =	ssyncset.done $0x0  }
0x1a0: {  	s18 =	simm.s32 $0x300;
	[sflag:s6] =	ssyncadd.s32 $0xFFFFC000  }
0x1a1: {  	[tilespmem:s5], [sflag:$0x1] =	stream.indirect.gather [hbm4b:s30+s11], $0x80, s18, s11, $0xb8;
	[tilespmem:$0x1E000] =	vst v63  }
0x1a2: {  	_ =	swait.ge [sflag:s15], $0x4000  }
0x1a3: {  	[sflag:s15] =	ssyncset.done $0x0  }
0x1a4: {  	s19 =	simm.s32 $0x1280;
	[sflag:s15] =	ssyncadd.s32 $0xFFFFC000  }
0x1a5: {  	[spmem:s28] =	stream.indirect.scatter.add.f32 [tilespmem:s12], [sflag:$0x4], $0x80, s19, s11, $0xb8;
	[tilespmem:$0x1E000] =	vst v63  }
0x1a6: {  	_ =	swait.ge [sflag:s6], $0x4000  }
0x1a7: {  	[sflag:s6] =	ssyncset.done $0x0  }
0x1a8: {  	s25 =	simm.s32 $0x380;
	[sflag:s6] =	ssyncadd.s32 $0xFFFFC000  }
0x1a9: {  	[tilespmem:s12], [sflag:$0x2] =	stream.indirect.gather [hbm4b:s30+s11], $0x80, s25, s11, $0xb8;
	[tilespmem:$0x1E000] =	vst v63  }
0x1aa: {  	_ =	swait.ge [sflag:s13], $0x4000  }
0x1ab: {  	[sflag:s13] =	ssyncset.done $0x0  }
0x1ac: {  	s26 =	simm.s32 $0x1300;
	[sflag:s13] =	ssyncadd.s32 $0xFFFFC000  }
0x1ad: {  	[spmem:s28] =	stream.indirect.scatter.add.f32 [tilespmem:s5], [sflag:$0x4], $0x80, s26, s11, $0xb8;
	[tilespmem:$0x1E000] =	vst v63  }
0x1ae: {  	_ =	swait.ge [sflag:s6], $0x4000  }
0x1af: {  	[sflag:s6] =	ssyncset.done $0x0  }
0x1b0: {  	s29 =	simm.s32 $0x400;
	[sflag:s6] =	ssyncadd.s32 $0xFFFFC000  }
0x1b1: {  	[tilespmem:s5], [sflag:$0x1] =	stream.indirect.gather [hbm4b:s30+s11], $0x80, s29, s11, $0xb8;
	[tilespmem:$0x1E000] =	vst v63  }
0x1b2: {  	_ =	swait.ge [sflag:s15], $0x4000  }
0x1b3: {  	[sflag:s15] =	ssyncset.done $0x0  }
0x1b4: {  	s31 =	simm.s32 $0x1380;
	[sflag:s15] =	ssyncadd.s32 $0xFFFFC000  }
0x1b5: {  	[spmem:s28] =	stream.indirect.scatter.add.f32 [tilespmem:s12], [sflag:$0x4], $0x80, s31, s11, $0xb8;
	[tilespmem:$0x1E000] =	vst v63  }
0x1b6: {  	_ =	swait.ge [sflag:s6], $0x4000  }
0x1b7: {  	[sflag:s6] =	ssyncset.done $0x0  }
0x1b8: {  	s20 =	simm.s32 $0x480;
	[sflag:s6] =	ssyncadd.s32 $0xFFFFC000  }
0x1b9: {  	[tilespmem:s12], [sflag:$0x2] =	stream.indirect.gather [hbm4b:s30+s11], $0x80, s20, s11, $0xb8;
	[tilespmem:$0x1E000] =	vst v63  }
0x1ba: {  	_ =	swait.ge [sflag:s13], $0x4000  }
0x1bb: {  	[sflag:s13] =	ssyncset.done $0x0  }
0x1bc: {  	s10 =	simm.s32 $0x1400;
	[sflag:s13] =	ssyncadd.s32 $0xFFFFC000  }
0x1bd: {  	[spmem:s28] =	stream.indirect.scatter.add.f32 [tilespmem:s5], [sflag:$0x4], $0x80, s10, s11, $0xb8;
	[tilespmem:$0x1E000] =	vst v63  }
0x1be: {  	_ =	swait.ge [sflag:s6], $0x4000  }
0x1bf: {  	[sflag:s6] =	ssyncset.done $0x0  }
0x1c0: {  	s9 =	simm.s32 $0x500;
	[sflag:s6] =	ssyncadd.s32 $0xFFFFC000  }
0x1c1: {  	[tilespmem:s5], [sflag:$0x1] =	stream.indirect.gather [hbm4b:s30+s11], $0x80, s9, s11, $0xb8;
	[tilespmem:$0x1E000] =	vst v63  }
0x1c2: {  	_ =	swait.ge [sflag:s15], $0x4000  }
0x1c3: {  	[sflag:s15] =	ssyncset.done $0x0  }
0x1c4: {  	s22 =	simm.s32 $0x1480;
	[sflag:s15] =	ssyncadd.s32 $0xFFFFC000  }
0x1c5: {  	[spmem:s28] =	stream.indirect.scatter.add.f32 [tilespmem:s12], [sflag:$0x4], $0x80, s22, s11, $0xb8;
	[tilespmem:$0x1E000] =	vst v63  }
0x1c6: {  	_ =	swait.ge [sflag:s6], $0x4000  }
0x1c7: {  	[sflag:s6] =	ssyncset.done $0x0  }
0x1c8: {  	s23 =	simm.s32 $0x580;
	[sflag:s6] =	ssyncadd.s32 $0xFFFFC000  }
0x1c9: {  	[tilespmem:s12], [sflag:$0x2] =	stream.indirect.gather [hbm4b:s30+s11], $0x80, s23, s11, $0xb8;
	[tilespmem:$0x1E000] =	vst v63  }
0x1ca: {  	_ =	swait.ge [sflag:s13], $0x4000  }
0x1cb: {  	[sflag:s13] =	ssyncset.done $0x0  }
0x1cc: {  	s24 =	simm.s32 $0x1500;
	[sflag:s13] =	ssyncadd.s32 $0xFFFFC000  }
0x1cd: {  	[spmem:s28] =	stream.indirect.scatter.add.f32 [tilespmem:s5], [sflag:$0x4], $0x80, s24, s11, $0xb8;
	[tilespmem:$0x1E000] =	vst v63  }
0x1ce: {  	_ =	swait.ge [sflag:s6], $0x4000  }
0x1cf: {  	[sflag:s6] =	ssyncset.done $0x0  }
0x1d0: {  	s21 =	simm.s32 $0x600;
	[sflag:s6] =	ssyncadd.s32 $0xFFFFC000  }
0x1d1: {  	[tilespmem:s5], [sflag:$0x1] =	stream.indirect.gather [hbm4b:s30+s11], $0x80, s21, s11, $0xb8;
	[tilespmem:$0x1E000] =	vst v63  }
0x1d2: {  	_ =	swait.ge [sflag:s15], $0x4000  }
0x1d3: {  	[sflag:s15] =	ssyncset.done $0x0  }
0x1d4: {  	s7 =	simm.s32 $0x1580;
	[sflag:s15] =	ssyncadd.s32 $0xFFFFC000  }
0x1d5: {  	[spmem:s28] =	stream.indirect.scatter.add.f32 [tilespmem:s12], [sflag:$0x4], $0x80, s7, s11, $0xb8;
	[tilespmem:$0x1E000] =	vst v63  }
0x1d6: {  	_ =	swait.ge [sflag:s6], $0x4000  }
0x1d7: {  	[sflag:s6] =	ssyncset.done $0x0  }
0x1d8: {  	s21 =	simm.s32 $0x680;
	[sflag:s6] =	ssyncadd.s32 $0xFFFFC000  }
0x1d9: {  	[tilespmem:s12], [sflag:$0x2] =	stream.indirect.gather [hbm4b:s30+s11], $0x80, s21, s11, $0xb8;
	[tilespmem:$0x1E000] =	vst v63  }
0x1da: {  	_ =	swait.ge [sflag:s13], $0x4000  }
0x1db: {  	[sflag:s13] =	ssyncset.done $0x0  }
0x1dc: {  	s7 =	simm.s32 $0x1600;
	[sflag:s13] =	ssyncadd.s32 $0xFFFFC000  }
0x1dd: {  	[spmem:s28] =	stream.indirect.scatter.add.f32 [tilespmem:s5], [sflag:$0x4], $0x80, s7, s11, $0xb8;
	[tilespmem:$0x1E000] =	vst v63  }
0x1de: {  	_ =	swait.ge [sflag:s6], $0x4000  }
0x1df: {  	[sflag:s6] =	ssyncset.done $0x0  }
0x1e0: {  	s21 =	simm.s32 $0x700;
	[sflag:s6] =	ssyncadd.s32 $0xFFFFC000  }
0x1e1: {  	[tilespmem:s5], [sflag:$0x1] =	stream.indirect.gather [hbm4b:s30+s11], $0x80, s21, s11, $0xb8;
	[tilespmem:$0x1E000] =	vst v63  }
0x1e2: {  	_ =	swait.ge [sflag:s15], $0x4000  }
0x1e3: {  	[sflag:s15] =	ssyncset.done $0x0  }
0x1e4: {  	s7 =	simm.s32 $0x1680;
	[sflag:s15] =	ssyncadd.s32 $0xFFFFC000  }
0x1e5: {  	[spmem:s28] =	stream.indirect.scatter.add.f32 [tilespmem:s12], [sflag:$0x4], $0x80, s7, s11, $0xb8;
	[tilespmem:$0x1E000] =	vst v63  }
0x1e6: {  	_ =	swait.ge [sflag:s6], $0x4000  }
0x1e7: {  	[sflag:s6] =	ssyncset.done $0x0  }
0x1e8: {  	s21 =	simm.s32 $0x780;
	[sflag:s6] =	ssyncadd.s32 $0xFFFFC000  }
0x1e9: {  	[tilespmem:s12], [sflag:$0x2] =	stream.indirect.gather [hbm4b:s30+s11], $0x80, s21, s11, $0xb8;
	[tilespmem:$0x1E000] =	vst v63  }
0x1ea: {  	_ =	swait.ge [sflag:s13], $0x4000  }
0x1eb: {  	[sflag:s13] =	ssyncset.done $0x0  }
0x1ec: {  	s7 =	simm.s32 $0x1700;
	[sflag:s13] =	ssyncadd.s32 $0xFFFFC000  }
0x1ed: {  	[spmem:s28] =	stream.indirect.scatter.add.f32 [tilespmem:s5], [sflag:$0x4], $0x80, s7, s11, $0xb8;
	[tilespmem:$0x1E000] =	vst v63  }
0x1ee: {  	_ =	swait.ge [sflag:s6], $0x4000  }
0x1ef: {  	[sflag:s6] =	ssyncset.done $0x0  }
0x1f0: {  	[sflag:s6] =	ssyncadd.s32 $0xFFFFC000  }
0x1f1: {  	_ =	swait.ge [sflag:s15], $0x4000  }
0x1f2: {  	[sflag:s15] =	ssyncset.done $0x0  }
0x1f3: {  	s21 =	simm.s32 $0x1780;
	[sflag:s15] =	ssyncadd.s32 $0xFFFFC000  }
0x1f4: {  	[spmem:s28] =	stream.indirect.scatter.add.f32 [tilespmem:s12], [sflag:$0x4], $0x80, s21, s11, $0xb8;
	[tilespmem:$0x1E000] =	vst v63  }
0x1f5: {  	_ =	swait.ge [sflag:s6], $0x4000  }
0x1f6: {  	[sflag:s6] =	ssyncset.done $0x0  }
0x1f7: {  	[sflag:s6] =	ssyncadd.s32 $0xFFFFC000  }
0x1f8: {  	_ =	swait.ge [sflag:s8], $0x800  }
0x1f9: {  	[sflag:s8] =	ssyncset.done $0x0  }
0x1fa: {  	[sflag:s8] =	ssyncadd.s32 $0xFFFFF800  }
0x1fb: {  	_ =	swait.ge [sflag:s8], $0x800  }
0x1fc: {  	[sflag:s8] =	ssyncset.done $0x0  }
0x1fd: {  	s4 =	rddreg [dreg:$0x7];
	[sflag:s8] =	ssyncadd.s32 $0xFFFFF800  }
0x1fe: {  	[tilespmem:s1], [sflag:$0x3] =	stream.linear.gather [hbm4b:s4+s1], $0x800, $0x38;
	[tilespmem:$0x1E000] =	vst v63  }
0x1ff: {  	s7 =	rddreg [dreg:$0x11]  }
0x200: {  	[tilespmem:s0], [sflag:$0x3] =	stream.linear.gather [hbm4b:s7+s1], $0x800, $0x38;
	[tilespmem:$0x1E000] =	vst v63  }
0x201: {  	_ = 	snop  }
0x202: {  	[tilespmem:s5], [sflag:$0x1] =	stream.indirect.gather [hbm4b:s30+s11], $0x80, s2, s11, $0xb8;
	[tilespmem:$0x1E000] =	vst v63  }
0x203: {  	s7 =	simm.s32 $0x880  }
0x204: {  	[tilespmem:s12], [sflag:$0x2] =	stream.indirect.gather [hbm4b:s30+s11], $0x80, s7, s11, $0xb8;
	[tilespmem:$0x1E000] =	vst v63  }
0x205: {  	_ =	swait.ge [sflag:s13], $0x4000  }
0x206: {  	[sflag:s13] =	ssyncset.done $0x0  }
0x207: {  	s3 =	simm.s32 $0x1800;
	[sflag:s13] =	ssyncadd.s32 $0xFFFFC000  }
0x208: {  	[spmem:s28] =	stream.indirect.scatter.add.f32 [tilespmem:s5], [sflag:$0x4], $0x80, s3, s11, $0xb8;
	[tilespmem:$0x1E000] =	vst v63  }
0x209: {  	_ =	swait.ge [sflag:s6], $0x4000  }
0x20a: {  	[sflag:s6] =	ssyncset.done $0x0  }
0x20b: {  	s3 =	simm.s32 $0x900;
	[sflag:s6] =	ssyncadd.s32 $0xFFFFC000  }
0x20c: {  	[tilespmem:s5], [sflag:$0x1] =	stream.indirect.gather [hbm4b:s30+s11], $0x80, s3, s11, $0xb8;
	[tilespmem:$0x1E000] =	vst v63  }
0x20d: {  	_ =	swait.ge [sflag:s15], $0x4000  }
0x20e: {  	[sflag:s15] =	ssyncset.done $0x0  }
0x20f: {  	s21 =	simm.s32 $0x1880;
	[sflag:s15] =	ssyncadd.s32 $0xFFFFC000  }
0x210: {  	[spmem:s28] =	stream.indirect.scatter.add.f32 [tilespmem:s12], [sflag:$0x4], $0x80, s21, s11, $0xb8;
	[tilespmem:$0x1E000] =	vst v63  }
0x211: {  	_ =	swait.ge [sflag:s6], $0x4000  }
0x212: {  	[sflag:s6] =	ssyncset.done $0x0  }
0x213: {  	s21 =	simm.s32 $0x980;
	[sflag:s6] =	ssyncadd.s32 $0xFFFFC000  }
0x214: {  	[tilespmem:s12], [sflag:$0x2] =	stream.indirect.gather [hbm4b:s30+s11], $0x80, s21, s11, $0xb8;
	[tilespmem:$0x1E000] =	vst v63  }
0x215: {  	_ =	swait.ge [sflag:s13], $0x4000  }
0x216: {  	[sflag:s13] =	ssyncset.done $0x0  }
0x217: {  	s21 =	simm.s32 $0x1900;
	[sflag:s13] =	ssyncadd.s32 $0xFFFFC000  }
0x218: {  	[spmem:s28] =	stream.indirect.scatter.add.f32 [tilespmem:s5], [sflag:$0x4], $0x80, s21, s11, $0xb8;
	[tilespmem:$0x1E000] =	vst v63  }
0x219: {  	_ =	swait.ge [sflag:s6], $0x4000  }
0x21a: {  	[sflag:s6] =	ssyncset.done $0x0  }
0x21b: {  	s21 =	simm.s32 $0xA00;
	[sflag:s6] =	ssyncadd.s32 $0xFFFFC000  }
0x21c: {  	[tilespmem:s5], [sflag:$0x1] =	stream.indirect.gather [hbm4b:s30+s11], $0x80, s21, s11, $0xb8;
	[tilespmem:$0x1E000] =	vst v63  }
0x21d: {  	_ =	swait.ge [sflag:s15], $0x4000  }
0x21e: {  	[sflag:s15] =	ssyncset.done $0x0  }
0x21f: {  	s21 =	simm.s32 $0x1980;
	[sflag:s15] =	ssyncadd.s32 $0xFFFFC000  }
0x220: {  	[spmem:s28] =	stream.indirect.scatter.add.f32 [tilespmem:s12], [sflag:$0x4], $0x80, s21, s11, $0xb8;
	[tilespmem:$0x1E000] =	vst v63  }
0x221: {  	_ =	swait.ge [sflag:s6], $0x4000  }
0x222: {  	[sflag:s6] =	ssyncset.done $0x0  }
0x223: {  	s21 =	simm.s32 $0xA80;
	[sflag:s6] =	ssyncadd.s32 $0xFFFFC000  }
0x224: {  	[tilespmem:s12], [sflag:$0x2] =	stream.indirect.gather [hbm4b:s30+s11], $0x80, s21, s11, $0xb8;
	[tilespmem:$0x1E000] =	vst v63  }
0x225: {  	_ =	swait.ge [sflag:s13], $0x4000  }
0x226: {  	[sflag:s13] =	ssyncset.done $0x0  }
0x227: {  	s21 =	simm.s32 $0x1A00;
	[sflag:s13] =	ssyncadd.s32 $0xFFFFC000  }
0x228: {  	[spmem:s28] =	stream.indirect.scatter.add.f32 [tilespmem:s5], [sflag:$0x4], $0x80, s21, s11, $0xb8;
	[tilespmem:$0x1E000] =	vst v63  }
0x229: {  	_ =	swait.ge [sflag:s6], $0x4000  }
0x22a: {  	[sflag:s6] =	ssyncset.done $0x0  }
0x22b: {  	s21 =	simm.s32 $0xB00;
	[sflag:s6] =	ssyncadd.s32 $0xFFFFC000  }
0x22c: {  	[tilespmem:s5], [sflag:$0x1] =	stream.indirect.gather [hbm4b:s30+s11], $0x80, s21, s11, $0xb8;
	[tilespmem:$0x1E000] =	vst v63  }
0x22d: {  	_ =	swait.ge [sflag:s15], $0x4000  }
0x22e: {  	[sflag:s15] =	ssyncset.done $0x0  }
0x22f: {  	s21 =	simm.s32 $0x1A80;
	[sflag:s15] =	ssyncadd.s32 $0xFFFFC000  }
0x230: {  	[spmem:s28] =	stream.indirect.scatter.add.f32 [tilespmem:s12], [sflag:$0x4], $0x80, s21, s11, $0xb8;
	[tilespmem:$0x1E000] =	vst v63  }
0x231: {  	_ =	swait.ge [sflag:s6], $0x4000  }
0x232: {  	[sflag:s6] =	ssyncset.done $0x0  }
0x233: {  	s21 =	simm.s32 $0xB80;
	[sflag:s6] =	ssyncadd.s32 $0xFFFFC000  }
0x234: {  	[tilespmem:s12], [sflag:$0x2] =	stream.indirect.gather [hbm4b:s30+s11], $0x80, s21, s11, $0xb8;
	[tilespmem:$0x1E000] =	vst v63  }
0x235: {  	_ =	swait.ge [sflag:s13], $0x4000  }
0x236: {  	[sflag:s13] =	ssyncset.done $0x0  }
0x237: {  	s21 =	simm.s32 $0x1B00;
	[sflag:s13] =	ssyncadd.s32 $0xFFFFC000  }
0x238: {  	[spmem:s28] =	stream.indirect.scatter.add.f32 [tilespmem:s5], [sflag:$0x4], $0x80, s21, s11, $0xb8;
	[tilespmem:$0x1E000] =	vst v63  }
0x239: {  	_ =	swait.ge [sflag:s6], $0x4000  }
0x23a: {  	[sflag:s6] =	ssyncset.done $0x0  }
0x23b: {  	s21 =	simm.s32 $0xC00;
	[sflag:s6] =	ssyncadd.s32 $0xFFFFC000  }
0x23c: {  	[tilespmem:s5], [sflag:$0x1] =	stream.indirect.gather [hbm4b:s30+s11], $0x80, s21, s11, $0xb8;
	[tilespmem:$0x1E000] =	vst v63  }
0x23d: {  	_ =	swait.ge [sflag:s15], $0x4000  }
0x23e: {  	[sflag:s15] =	ssyncset.done $0x0  }
0x23f: {  	s21 =	simm.s32 $0x1B80;
	[sflag:s15] =	ssyncadd.s32 $0xFFFFC000  }
0x240: {  	[spmem:s28] =	stream.indirect.scatter.add.f32 [tilespmem:s12], [sflag:$0x4], $0x80, s21, s11, $0xb8;
	[tilespmem:$0x1E000] =	vst v63  }
0x241: {  	_ =	swait.ge [sflag:s6], $0x4000  }
0x242: {  	[sflag:s6] =	ssyncset.done $0x0  }
0x243: {  	s21 =	simm.s32 $0xC80;
	[sflag:s6] =	ssyncadd.s32 $0xFFFFC000  }
0x244: {  	[tilespmem:s12], [sflag:$0x2] =	stream.indirect.gather [hbm4b:s30+s11], $0x80, s21, s11, $0xb8;
	[tilespmem:$0x1E000] =	vst v63  }
0x245: {  	_ =	swait.ge [sflag:s13], $0x4000  }
0x246: {  	[sflag:s13] =	ssyncset.done $0x0  }
0x247: {  	s21 =	simm.s32 $0x1C00;
	[sflag:s13] =	ssyncadd.s32 $0xFFFFC000  }
0x248: {  	[spmem:s28] =	stream.indirect.scatter.add.f32 [tilespmem:s5], [sflag:$0x4], $0x80, s21, s11, $0xb8;
	[tilespmem:$0x1E000] =	vst v63  }
0x249: {  	_ =	swait.ge [sflag:s6], $0x4000  }
0x24a: {  	[sflag:s6] =	ssyncset.done $0x0  }
0x24b: {  	s21 =	simm.s32 $0xD00;
	[sflag:s6] =	ssyncadd.s32 $0xFFFFC000  }
0x24c: {  	[tilespmem:s5], [sflag:$0x1] =	stream.indirect.gather [hbm4b:s30+s11], $0x80, s21, s11, $0xb8;
	[tilespmem:$0x1E000] =	vst v63  }
0x24d: {  	_ =	swait.ge [sflag:s15], $0x4000  }
0x24e: {  	[sflag:s15] =	ssyncset.done $0x0  }
0x24f: {  	s21 =	simm.s32 $0x1C80;
	[sflag:s15] =	ssyncadd.s32 $0xFFFFC000  }
0x250: {  	[spmem:s28] =	stream.indirect.scatter.add.f32 [tilespmem:s12], [sflag:$0x4], $0x80, s21, s11, $0xb8;
	[tilespmem:$0x1E000] =	vst v63  }
0x251: {  	_ =	swait.ge [sflag:s6], $0x4000  }
0x252: {  	[sflag:s6] =	ssyncset.done $0x0  }
0x253: {  	s21 =	simm.s32 $0xD80;
	[sflag:s6] =	ssyncadd.s32 $0xFFFFC000  }
0x254: {  	[tilespmem:s12], [sflag:$0x2] =	stream.indirect.gather [hbm4b:s30+s11], $0x80, s21, s11, $0xb8;
	[tilespmem:$0x1E000] =	vst v63  }
0x255: {  	_ =	swait.ge [sflag:s13], $0x4000  }
0x256: {  	[sflag:s13] =	ssyncset.done $0x0  }
0x257: {  	s21 =	simm.s32 $0x1D00;
	[sflag:s13] =	ssyncadd.s32 $0xFFFFC000  }
0x258: {  	[spmem:s28] =	stream.indirect.scatter.add.f32 [tilespmem:s5], [sflag:$0x4], $0x80, s21, s11, $0xb8;
	[tilespmem:$0x1E000] =	vst v63  }
0x259: {  	_ =	swait.ge [sflag:s6], $0x4000  }
0x25a: {  	[sflag:s6] =	ssyncset.done $0x0  }
0x25b: {  	s21 =	simm.s32 $0xE00;
	[sflag:s6] =	ssyncadd.s32 $0xFFFFC000  }
0x25c: {  	[tilespmem:s5], [sflag:$0x1] =	stream.indirect.gather [hbm4b:s30+s11], $0x80, s21, s11, $0xb8;
	[tilespmem:$0x1E000] =	vst v63  }
0x25d: {  	_ =	swait.ge [sflag:s15], $0x4000  }
0x25e: {  	[sflag:s15] =	ssyncset.done $0x0  }
0x25f: {  	s21 =	simm.s32 $0x1D80;
	[sflag:s15] =	ssyncadd.s32 $0xFFFFC000  }
0x260: {  	[spmem:s28] =	stream.indirect.scatter.add.f32 [tilespmem:s12], [sflag:$0x4], $0x80, s21, s11, $0xb8;
	[tilespmem:$0x1E000] =	vst v63  }
0x261: {  	_ =	swait.ge [sflag:s6], $0x4000  }
0x262: {  	[sflag:s6] =	ssyncset.done $0x0  }
0x263: {  	s21 =	simm.s32 $0xE80;
	[sflag:s6] =	ssyncadd.s32 $0xFFFFC000  }
0x264: {  	[tilespmem:s12], [sflag:$0x2] =	stream.indirect.gather [hbm4b:s30+s11], $0x80, s21, s11, $0xb8;
	[tilespmem:$0x1E000] =	vst v63  }
0x265: {  	_ =	swait.ge [sflag:s13], $0x4000  }
0x266: {  	[sflag:s13] =	ssyncset.done $0x0  }
0x267: {  	s21 =	simm.s32 $0x1E00;
	[sflag:s13] =	ssyncadd.s32 $0xFFFFC000  }
0x268: {  	[spmem:s28] =	stream.indirect.scatter.add.f32 [tilespmem:s5], [sflag:$0x4], $0x80, s21, s11, $0xb8;
	[tilespmem:$0x1E000] =	vst v63  }
0x269: {  	_ =	swait.ge [sflag:s6], $0x4000  }
0x26a: {  	[sflag:s6] =	ssyncset.done $0x0  }
0x26b: {  	s21 =	simm.s32 $0xF00;
	[sflag:s6] =	ssyncadd.s32 $0xFFFFC000  }
0x26c: {  	[tilespmem:s5], [sflag:$0x1] =	stream.indirect.gather [hbm4b:s30+s11], $0x80, s21, s11, $0xb8;
	[tilespmem:$0x1E000] =	vst v63  }
0x26d: {  	_ =	swait.ge [sflag:s15], $0x4000  }
0x26e: {  	[sflag:s15] =	ssyncset.done $0x0  }
0x26f: {  	s21 =	simm.s32 $0x1E80;
	[sflag:s15] =	ssyncadd.s32 $0xFFFFC000  }
0x270: {  	[spmem:s28] =	stream.indirect.scatter.add.f32 [tilespmem:s12], [sflag:$0x4], $0x80, s21, s11, $0xb8;
	[tilespmem:$0x1E000] =	vst v63  }
0x271: {  	_ =	swait.ge [sflag:s6], $0x4000  }
0x272: {  	[sflag:s6] =	ssyncset.done $0x0  }
0x273: {  	s21 =	simm.s32 $0xF80;
	[sflag:s6] =	ssyncadd.s32 $0xFFFFC000  }
0x274: {  	[tilespmem:s12], [sflag:$0x2] =	stream.indirect.gather [hbm4b:s30+s11], $0x80, s21, s11, $0xb8;
	[tilespmem:$0x1E000] =	vst v63  }
0x275: {  	_ =	swait.ge [sflag:s13], $0x4000  }
0x276: {  	[sflag:s13] =	ssyncset.done $0x0  }
0x277: {  	s21 =	simm.s32 $0x1F00;
	[sflag:s13] =	ssyncadd.s32 $0xFFFFC000  }
0x278: {  	[spmem:s28] =	stream.indirect.scatter.add.f32 [tilespmem:s5], [sflag:$0x4], $0x80, s21, s11, $0xb8;
	[tilespmem:$0x1E000] =	vst v63  }
0x279: {  	_ =	swait.ge [sflag:s6], $0x4000  }
0x27a: {  	[sflag:s6] =	ssyncset.done $0x0  }
0x27b: {  	[sflag:s6] =	ssyncadd.s32 $0xFFFFC000  }
0x27c: {  	_ =	swait.ge [sflag:s15], $0x4000  }
0x27d: {  	[sflag:s15] =	ssyncset.done $0x0  }
0x27e: {  	s21 =	simm.s32 $0x1F80;
	[sflag:s15] =	ssyncadd.s32 $0xFFFFC000  }
0x27f: {  	[spmem:s28] =	stream.indirect.scatter.add.f32 [tilespmem:s12], [sflag:$0x4], $0x80, s21, s11, $0xb8;
	[tilespmem:$0x1E000] =	vst v63  }
0x280: {  	_ =	swait.ge [sflag:s6], $0x4000  }
0x281: {  	[sflag:s6] =	ssyncset.done $0x0  }
0x282: {  	[sflag:s6] =	ssyncadd.s32 $0xFFFFC000  }
0x283: {  	_ =	swait.ge [sflag:s8], $0x800  }
0x284: {  	[sflag:s8] =	ssyncset.done $0x0  }
0x285: {  	[sflag:s8] =	ssyncadd.s32 $0xFFFFF800  }
0x286: {  	_ =	swait.ge [sflag:s8], $0x800  }
0x287: {  	[sflag:s8] =	ssyncset.done $0x0  }
0x288: {  	s2 =	simm.s32 $0x800;
	s21 =	rddreg [dreg:$0x8];
	[sflag:s8] =	ssyncadd.s32 $0xFFFFF800  }
0x289: {  	[tilespmem:s2], [sflag:$0x3] =	stream.linear.gather [hbm4b:s21+s1], $0x800, $0x38;
	[tilespmem:$0x1E000] =	vst v63  }
0x28a: {  	s0 =	simm.s32 $0x1800;
	s21 =	rddreg [dreg:$0x12]  }
0x28b: {  	[tilespmem:s0], [sflag:$0x3] =	stream.linear.gather [hbm4b:s21+s1], $0x800, $0x38;
	[tilespmem:$0x1E000] =	vst v63  }
0x28c: {  	_ = 	snop  }
0x28d: {  	[tilespmem:s5], [sflag:$0x1] =	stream.indirect.gather [hbm4b:s30+s11], $0x80, s1, s11, $0xb8;
	[tilespmem:$0x1E000] =	vst v63  }
0x28e: {  	_ = 	snop  }
0x28f: {  	[tilespmem:s12], [sflag:$0x2] =	stream.indirect.gather [hbm4b:s30+s11], $0x80, s11, s11, $0xb8;
	[tilespmem:$0x1E000] =	vst v63  }
0x290: {  	_ =	swait.ge [sflag:s13], $0x4000  }
0x291: {  	[sflag:s13] =	ssyncset.done $0x0  }
0x292: {  	s4 =	simm.s32 $0x1000;
	[sflag:s13] =	ssyncadd.s32 $0xFFFFC000  }
0x293: {  	[spmem:s28] =	stream.indirect.scatter.add.f32 [tilespmem:s5], [sflag:$0x4], $0x80, s4, s11, $0xb8;
	[tilespmem:$0x1E000] =	vst v63  }
0x294: {  	_ =	swait.ge [sflag:s6], $0x4000  }
0x295: {  	[sflag:s6] =	ssyncset.done $0x0  }
0x296: {  	s21 =	simm.s32 $0x100;
	[sflag:s6] =	ssyncadd.s32 $0xFFFFC000  }
0x297: {  	[tilespmem:s5], [sflag:$0x1] =	stream.indirect.gather [hbm4b:s30+s11], $0x80, s21, s11, $0xb8;
	[tilespmem:$0x1E000] =	vst v63  }
0x298: {  	_ =	swait.ge [sflag:s15], $0x4000  }
0x299: {  	[sflag:s15] =	ssyncset.done $0x0  }
0x29a: {  	s21 =	simm.s32 $0x1080;
	[sflag:s15] =	ssyncadd.s32 $0xFFFFC000  }
0x29b: {  	[spmem:s28] =	stream.indirect.scatter.add.f32 [tilespmem:s12], [sflag:$0x4], $0x80, s21, s11, $0xb8;
	[tilespmem:$0x1E000] =	vst v63  }
0x29c: {  	_ =	swait.ge [sflag:s6], $0x4000  }
0x29d: {  	[sflag:s6] =	ssyncset.done $0x0  }
0x29e: {  	s21 =	simm.s32 $0x180;
	[sflag:s6] =	ssyncadd.s32 $0xFFFFC000  }
0x29f: {  	[tilespmem:s12], [sflag:$0x2] =	stream.indirect.gather [hbm4b:s30+s11], $0x80, s21, s11, $0xb8;
	[tilespmem:$0x1E000] =	vst v63  }
0x2a0: {  	_ =	swait.ge [sflag:s13], $0x4000  }
0x2a1: {  	[sflag:s13] =	ssyncset.done $0x0  }
0x2a2: {  	s21 =	simm.s32 $0x1100;
	[sflag:s13] =	ssyncadd.s32 $0xFFFFC000  }
0x2a3: {  	[spmem:s28] =	stream.indirect.scatter.add.f32 [tilespmem:s5], [sflag:$0x4], $0x80, s21, s11, $0xb8;
	[tilespmem:$0x1E000] =	vst v63  }
0x2a4: {  	_ =	swait.ge [sflag:s6], $0x4000  }
0x2a5: {  	[sflag:s6] =	ssyncset.done $0x0  }
0x2a6: {  	s21 =	simm.s32 $0x200;
	[sflag:s6] =	ssyncadd.s32 $0xFFFFC000  }
0x2a7: {  	[tilespmem:s5], [sflag:$0x1] =	stream.indirect.gather [hbm4b:s30+s11], $0x80, s21, s11, $0xb8;
	[tilespmem:$0x1E000] =	vst v63  }
0x2a8: {  	_ =	swait.ge [sflag:s15], $0x4000  }
0x2a9: {  	[sflag:s15] =	ssyncset.done $0x0  }
0x2aa: {  	[sflag:s15] =	ssyncadd.s32 $0xFFFFC000  }
0x2ab: {  	[spmem:s28] =	stream.indirect.scatter.add.f32 [tilespmem:s12], [sflag:$0x4], $0x80, s14, s11, $0xb8;
	[tilespmem:$0x1E000] =	vst v63  }
0x2ac: {  	_ =	swait.ge [sflag:s6], $0x4000  }
0x2ad: {  	[sflag:s6] =	ssyncset.done $0x0  }
0x2ae: {  	[sflag:s6] =	ssyncadd.s32 $0xFFFFC000  }
0x2af: {  	[tilespmem:s12], [sflag:$0x2] =	stream.indirect.gather [hbm4b:s30+s11], $0x80, s16, s11, $0xb8;
	[tilespmem:$0x1E000] =	vst v63  }
0x2b0: {  	_ =	swait.ge [sflag:s13], $0x4000  }
0x2b1: {  	[sflag:s13] =	ssyncset.done $0x0  }
0x2b2: {  	[sflag:s13] =	ssyncadd.s32 $0xFFFFC000  }
0x2b3: {  	[spmem:s28] =	stream.indirect.scatter.add.f32 [tilespmem:s5], [sflag:$0x4], $0x80, s17, s11, $0xb8;
	[tilespmem:$0x1E000] =	vst v63  }
0x2b4: {  	_ =	swait.ge [sflag:s6], $0x4000  }
0x2b5: {  	[sflag:s6] =	ssyncset.done $0x0  }
0x2b6: {  	[sflag:s6] =	ssyncadd.s32 $0xFFFFC000  }
0x2b7: {  	[tilespmem:s5], [sflag:$0x1] =	stream.indirect.gather [hbm4b:s30+s11], $0x80, s18, s11, $0xb8;
	[tilespmem:$0x1E000] =	vst v63  }
0x2b8: {  	_ =	swait.ge [sflag:s15], $0x4000  }
0x2b9: {  	[sflag:s15] =	ssyncset.done $0x0  }
0x2ba: {  	[sflag:s15] =	ssyncadd.s32 $0xFFFFC000  }
0x2bb: {  	[spmem:s28] =	stream.indirect.scatter.add.f32 [tilespmem:s12], [sflag:$0x4], $0x80, s19, s11, $0xb8;
	[tilespmem:$0x1E000] =	vst v63  }
0x2bc: {  	_ =	swait.ge [sflag:s6], $0x4000  }
0x2bd: {  	[sflag:s6] =	ssyncset.done $0x0  }
0x2be: {  	[sflag:s6] =	ssyncadd.s32 $0xFFFFC000  }
0x2bf: {  	[tilespmem:s12], [sflag:$0x2] =	stream.indirect.gather [hbm4b:s30+s11], $0x80, s25, s11, $0xb8;
	[tilespmem:$0x1E000] =	vst v63  }
0x2c0: {  	_ =	swait.ge [sflag:s13], $0x4000  }
0x2c1: {  	[sflag:s13] =	ssyncset.done $0x0  }
0x2c2: {  	[sflag:s13] =	ssyncadd.s32 $0xFFFFC000  }
0x2c3: {  	[spmem:s28] =	stream.indirect.scatter.add.f32 [tilespmem:s5], [sflag:$0x4], $0x80, s26, s11, $0xb8;
	[tilespmem:$0x1E000] =	vst v63  }
0x2c4: {  	_ =	swait.ge [sflag:s6], $0x4000  }
0x2c5: {  	[sflag:s6] =	ssyncset.done $0x0  }
0x2c6: {  	[sflag:s6] =	ssyncadd.s32 $0xFFFFC000  }
0x2c7: {  	[tilespmem:s5], [sflag:$0x1] =	stream.indirect.gather [hbm4b:s30+s11], $0x80, s29, s11, $0xb8;
	[tilespmem:$0x1E000] =	vst v63  }
0x2c8: {  	_ =	swait.ge [sflag:s15], $0x4000  }
0x2c9: {  	[sflag:s15] =	ssyncset.done $0x0  }
0x2ca: {  	[sflag:s15] =	ssyncadd.s32 $0xFFFFC000  }
0x2cb: {  	[spmem:s28] =	stream.indirect.scatter.add.f32 [tilespmem:s12], [sflag:$0x4], $0x80, s31, s11, $0xb8;
	[tilespmem:$0x1E000] =	vst v63  }
0x2cc: {  	_ =	swait.ge [sflag:s6], $0x4000  }
0x2cd: {  	[sflag:s6] =	ssyncset.done $0x0  }
0x2ce: {  	[sflag:s6] =	ssyncadd.s32 $0xFFFFC000  }
0x2cf: {  	[tilespmem:s12], [sflag:$0x2] =	stream.indirect.gather [hbm4b:s30+s11], $0x80, s20, s11, $0xb8;
	[tilespmem:$0x1E000] =	vst v63  }
0x2d0: {  	_ =	swait.ge [sflag:s13], $0x4000  }
0x2d1: {  	[sflag:s13] =	ssyncset.done $0x0  }
0x2d2: {  	[sflag:s13] =	ssyncadd.s32 $0xFFFFC000  }
0x2d3: {  	[spmem:s28] =	stream.indirect.scatter.add.f32 [tilespmem:s5], [sflag:$0x4], $0x80, s10, s11, $0xb8;
	[tilespmem:$0x1E000] =	vst v63  }
0x2d4: {  	_ =	swait.ge [sflag:s6], $0x4000  }
0x2d5: {  	[sflag:s6] =	ssyncset.done $0x0  }
0x2d6: {  	[sflag:s6] =	ssyncadd.s32 $0xFFFFC000  }
0x2d7: {  	[tilespmem:s5], [sflag:$0x1] =	stream.indirect.gather [hbm4b:s30+s11], $0x80, s9, s11, $0xb8;
	[tilespmem:$0x1E000] =	vst v63  }
0x2d8: {  	_ =	swait.ge [sflag:s15], $0x4000  }
0x2d9: {  	[sflag:s15] =	ssyncset.done $0x0  }
0x2da: {  	[sflag:s15] =	ssyncadd.s32 $0xFFFFC000  }
0x2db: {  	[spmem:s28] =	stream.indirect.scatter.add.f32 [tilespmem:s12], [sflag:$0x4], $0x80, s22, s11, $0xb8;
	[tilespmem:$0x1E000] =	vst v63  }
0x2dc: {  	_ =	swait.ge [sflag:s6], $0x4000  }
0x2dd: {  	[sflag:s6] =	ssyncset.done $0x0  }
0x2de: {  	[sflag:s6] =	ssyncadd.s32 $0xFFFFC000  }
0x2df: {  	[tilespmem:s12], [sflag:$0x2] =	stream.indirect.gather [hbm4b:s30+s11], $0x80, s23, s11, $0xb8;
	[tilespmem:$0x1E000] =	vst v63  }
0x2e0: {  	_ =	swait.ge [sflag:s13], $0x4000  }
0x2e1: {  	[sflag:s13] =	ssyncset.done $0x0  }
0x2e2: {  	[sflag:s13] =	ssyncadd.s32 $0xFFFFC000  }
0x2e3: {  	[spmem:s28] =	stream.indirect.scatter.add.f32 [tilespmem:s5], [sflag:$0x4], $0x80, s24, s11, $0xb8;
	[tilespmem:$0x1E000] =	vst v63  }
0x2e4: {  	_ =	swait.ge [sflag:s6], $0x4000  }
0x2e5: {  	[sflag:s6] =	ssyncset.done $0x0  }
0x2e6: {  	s10 =	simm.s32 $0x600;
	[sflag:s6] =	ssyncadd.s32 $0xFFFFC000  }
0x2e7: {  	[tilespmem:s5], [sflag:$0x1] =	stream.indirect.gather [hbm4b:s30+s11], $0x80, s10, s11, $0xb8;
	[tilespmem:$0x1E000] =	vst v63  }
0x2e8: {  	_ =	swait.ge [sflag:s15], $0x4000  }
0x2e9: {  	[sflag:s15] =	ssyncset.done $0x0  }
0x2ea: {  	s20 =	simm.s32 $0x1580;
	[sflag:s15] =	ssyncadd.s32 $0xFFFFC000  }
0x2eb: {  	[spmem:s28] =	stream.indirect.scatter.add.f32 [tilespmem:s12], [sflag:$0x4], $0x80, s20, s11, $0xb8;
	[tilespmem:$0x1E000] =	vst v63  }
0x2ec: {  	_ =	swait.ge [sflag:s6], $0x4000  }
0x2ed: {  	[sflag:s6] =	ssyncset.done $0x0  }
0x2ee: {  	s21 =	simm.s32 $0x680;
	[sflag:s6] =	ssyncadd.s32 $0xFFFFC000  }
0x2ef: {  	[tilespmem:s12], [sflag:$0x2] =	stream.indirect.gather [hbm4b:s30+s11], $0x80, s21, s11, $0xb8;
	[tilespmem:$0x1E000] =	vst v63  }
0x2f0: {  	_ =	swait.ge [sflag:s13], $0x4000  }
0x2f1: {  	[sflag:s13] =	ssyncset.done $0x0  }
0x2f2: {  	s22 =	simm.s32 $0x1600;
	[sflag:s13] =	ssyncadd.s32 $0xFFFFC000  }
0x2f3: {  	[spmem:s28] =	stream.indirect.scatter.add.f32 [tilespmem:s5], [sflag:$0x4], $0x80, s22, s11, $0xb8;
	[tilespmem:$0x1E000] =	vst v63  }
0x2f4: {  	_ =	swait.ge [sflag:s6], $0x4000  }
0x2f5: {  	[sflag:s6] =	ssyncset.done $0x0  }
0x2f6: {  	s23 =	simm.s32 $0x700;
	[sflag:s6] =	ssyncadd.s32 $0xFFFFC000  }
0x2f7: {  	[tilespmem:s5], [sflag:$0x1] =	stream.indirect.gather [hbm4b:s30+s11], $0x80, s23, s11, $0xb8;
	[tilespmem:$0x1E000] =	vst v63  }
0x2f8: {  	_ =	swait.ge [sflag:s15], $0x4000  }
0x2f9: {  	[sflag:s15] =	ssyncset.done $0x0  }
0x2fa: {  	s24 =	simm.s32 $0x1680;
	[sflag:s15] =	ssyncadd.s32 $0xFFFFC000  }
0x2fb: {  	[spmem:s28] =	stream.indirect.scatter.add.f32 [tilespmem:s12], [sflag:$0x4], $0x80, s24, s11, $0xb8;
	[tilespmem:$0x1E000] =	vst v63  }
0x2fc: {  	_ =	swait.ge [sflag:s6], $0x4000  }
0x2fd: {  	[sflag:s6] =	ssyncset.done $0x0  }
0x2fe: {  	s10 =	simm.s32 $0x780;
	[sflag:s6] =	ssyncadd.s32 $0xFFFFC000  }
0x2ff: {  	[tilespmem:s12], [sflag:$0x2] =	stream.indirect.gather [hbm4b:s30+s11], $0x80, s10, s11, $0xb8;
	[tilespmem:$0x1E000] =	vst v63  }
0x300: {  	_ =	swait.ge [sflag:s13], $0x4000  }
0x301: {  	[sflag:s13] =	ssyncset.done $0x0  }
0x302: {  	s20 =	simm.s32 $0x1700;
	[sflag:s13] =	ssyncadd.s32 $0xFFFFC000  }
0x303: {  	[spmem:s28] =	stream.indirect.scatter.add.f32 [tilespmem:s5], [sflag:$0x4], $0x80, s20, s11, $0xb8;
	[tilespmem:$0x1E000] =	vst v63  }
0x304: {  	_ =	swait.ge [sflag:s6], $0x4000  }
0x305: {  	[sflag:s6] =	ssyncset.done $0x0  }
0x306: {  	[sflag:s6] =	ssyncadd.s32 $0xFFFFC000  }
0x307: {  	_ =	swait.ge [sflag:s15], $0x4000  }
0x308: {  	[sflag:s15] =	ssyncset.done $0x0  }
0x309: {  	s21 =	simm.s32 $0x1780;
	[sflag:s15] =	ssyncadd.s32 $0xFFFFC000  }
0x30a: {  	[spmem:s28] =	stream.indirect.scatter.add.f32 [tilespmem:s12], [sflag:$0x4], $0x80, s21, s11, $0xb8;
	[tilespmem:$0x1E000] =	vst v63  }
0x30b: {  	_ =	swait.ge [sflag:s6], $0x4000  }
0x30c: {  	[sflag:s6] =	ssyncset.done $0x0  }
0x30d: {  	[sflag:s6] =	ssyncadd.s32 $0xFFFFC000  }
0x30e: {  	_ =	swait.ge [sflag:s8], $0x800  }
0x30f: {  	[sflag:s8] =	ssyncset.done $0x0  }
0x310: {  	[sflag:s8] =	ssyncadd.s32 $0xFFFFF800  }
0x311: {  	_ =	swait.ge [sflag:s8], $0x800  }
0x312: {  	[sflag:s8] =	ssyncset.done $0x0  }
0x313: {  	s22 =	rddreg [dreg:$0x9];
	[sflag:s8] =	ssyncadd.s32 $0xFFFFF800  }
0x314: {  	[tilespmem:s1], [sflag:$0x3] =	stream.linear.gather [hbm4b:s22+s1], $0x800, $0x38;
	[tilespmem:$0x1E000] =	vst v63  }
0x315: {  	s4 =	simm.s32 $0x1000;
	s23 =	rddreg [dreg:$0x13]  }
0x316: {  	[tilespmem:s4], [sflag:$0x3] =	stream.linear.gather [hbm4b:s23+s1], $0x800, $0x38;
	[tilespmem:$0x1E000] =	vst v63  }
0x317: {  	s2 =	simm.s32 $0x800  }
0x318: {  	[tilespmem:s5], [sflag:$0x1] =	stream.indirect.gather [hbm4b:s30+s11], $0x80, s2, s11, $0xb8;
	[tilespmem:$0x1E000] =	vst v63  }
0x319: {  	_ = 	snop  }
0x31a: {  	[tilespmem:s12], [sflag:$0x2] =	stream.indirect.gather [hbm4b:s30+s11], $0x80, s7, s11, $0xb8;
	[tilespmem:$0x1E000] =	vst v63  }
0x31b: {  	_ =	swait.ge [sflag:s13], $0x4000  }
0x31c: {  	[sflag:s13] =	ssyncset.done $0x0  }
0x31d: {  	s0 =	simm.s32 $0x1800;
	[sflag:s13] =	ssyncadd.s32 $0xFFFFC000  }
0x31e: {  	[spmem:s28] =	stream.indirect.scatter.add.f32 [tilespmem:s5], [sflag:$0x4], $0x80, s0, s11, $0xb8;
	[tilespmem:$0x1E000] =	vst v63  }
0x31f: {  	_ =	swait.ge [sflag:s6], $0x4000  }
0x320: {  	[sflag:s6] =	ssyncset.done $0x0  }
0x321: {  	[sflag:s6] =	ssyncadd.s32 $0xFFFFC000  }
0x322: {  	[tilespmem:s5], [sflag:$0x1] =	stream.indirect.gather [hbm4b:s30+s11], $0x80, s3, s11, $0xb8;
	[tilespmem:$0x1E000] =	vst v63  }
0x323: {  	_ =	swait.ge [sflag:s15], $0x4000  }
0x324: {  	[sflag:s15] =	ssyncset.done $0x0  }
0x325: {  	s24 =	simm.s32 $0x1880;
	[sflag:s15] =	ssyncadd.s32 $0xFFFFC000  }
0x326: {  	[spmem:s28] =	stream.indirect.scatter.add.f32 [tilespmem:s12], [sflag:$0x4], $0x80, s24, s11, $0xb8;
	[tilespmem:$0x1E000] =	vst v63  }
0x327: {  	_ =	swait.ge [sflag:s6], $0x4000  }
0x328: {  	[sflag:s6] =	ssyncset.done $0x0  }
0x329: {  	s2 =	simm.s32 $0x980;
	[sflag:s6] =	ssyncadd.s32 $0xFFFFC000  }
0x32a: {  	[tilespmem:s12], [sflag:$0x2] =	stream.indirect.gather [hbm4b:s30+s11], $0x80, s2, s11, $0xb8;
	[tilespmem:$0x1E000] =	vst v63  }
0x32b: {  	_ =	swait.ge [sflag:s13], $0x4000  }
0x32c: {  	[sflag:s13] =	ssyncset.done $0x0  }
0x32d: {  	s3 =	simm.s32 $0x1900;
	[sflag:s13] =	ssyncadd.s32 $0xFFFFC000  }
0x32e: {  	[spmem:s28] =	stream.indirect.scatter.add.f32 [tilespmem:s5], [sflag:$0x4], $0x80, s3, s11, $0xb8;
	[tilespmem:$0x1E000] =	vst v63  }
0x32f: {  	_ =	swait.ge [sflag:s6], $0x4000  }
0x330: {  	[sflag:s6] =	ssyncset.done $0x0  }
0x331: {  	s7 =	simm.s32 $0xA00;
	[sflag:s6] =	ssyncadd.s32 $0xFFFFC000  }
0x332: {  	[tilespmem:s5], [sflag:$0x1] =	stream.indirect.gather [hbm4b:s30+s11], $0x80, s7, s11, $0xb8;
	[tilespmem:$0x1E000] =	vst v63  }
0x333: {  	_ =	swait.ge [sflag:s15], $0x4000  }
0x334: {  	[sflag:s15] =	ssyncset.done $0x0  }
0x335: {  	s20 =	simm.s32 $0x1980;
	[sflag:s15] =	ssyncadd.s32 $0xFFFFC000  }
0x336: {  	[spmem:s28] =	stream.indirect.scatter.add.f32 [tilespmem:s12], [sflag:$0x4], $0x80, s20, s11, $0xb8;
	[tilespmem:$0x1E000] =	vst v63  }
0x337: {  	_ =	swait.ge [sflag:s6], $0x4000  }
0x338: {  	[sflag:s6] =	ssyncset.done $0x0  }
0x339: {  	s21 =	simm.s32 $0xA80;
	[sflag:s6] =	ssyncadd.s32 $0xFFFFC000  }
0x33a: {  	[tilespmem:s12], [sflag:$0x2] =	stream.indirect.gather [hbm4b:s30+s11], $0x80, s21, s11, $0xb8;
	[tilespmem:$0x1E000] =	vst v63  }
0x33b: {  	_ =	swait.ge [sflag:s13], $0x4000  }
0x33c: {  	[sflag:s13] =	ssyncset.done $0x0  }
0x33d: {  	s22 =	simm.s32 $0x1A00;
	[sflag:s13] =	ssyncadd.s32 $0xFFFFC000  }
0x33e: {  	[spmem:s28] =	stream.indirect.scatter.add.f32 [tilespmem:s5], [sflag:$0x4], $0x80, s22, s11, $0xb8;
	[tilespmem:$0x1E000] =	vst v63  }
0x33f: {  	_ =	swait.ge [sflag:s6], $0x4000  }
0x340: {  	[sflag:s6] =	ssyncset.done $0x0  }
0x341: {  	s23 =	simm.s32 $0xB00;
	[sflag:s6] =	ssyncadd.s32 $0xFFFFC000  }
0x342: {  	[tilespmem:s5], [sflag:$0x1] =	stream.indirect.gather [hbm4b:s30+s11], $0x80, s23, s11, $0xb8;
	[tilespmem:$0x1E000] =	vst v63  }
0x343: {  	_ =	swait.ge [sflag:s15], $0x4000  }
0x344: {  	[sflag:s15] =	ssyncset.done $0x0  }
0x345: {  	s24 =	simm.s32 $0x1A80;
	[sflag:s15] =	ssyncadd.s32 $0xFFFFC000  }
0x346: {  	[spmem:s28] =	stream.indirect.scatter.add.f32 [tilespmem:s12], [sflag:$0x4], $0x80, s24, s11, $0xb8;
	[tilespmem:$0x1E000] =	vst v63  }
0x347: {  	_ =	swait.ge [sflag:s6], $0x4000  }
0x348: {  	[sflag:s6] =	ssyncset.done $0x0  }
0x349: {  	s2 =	simm.s32 $0xB80;
	[sflag:s6] =	ssyncadd.s32 $0xFFFFC000  }
0x34a: {  	[tilespmem:s12], [sflag:$0x2] =	stream.indirect.gather [hbm4b:s30+s11], $0x80, s2, s11, $0xb8;
	[tilespmem:$0x1E000] =	vst v63  }
0x34b: {  	_ =	swait.ge [sflag:s13], $0x4000  }
0x34c: {  	[sflag:s13] =	ssyncset.done $0x0  }
0x34d: {  	s3 =	simm.s32 $0x1B00;
	[sflag:s13] =	ssyncadd.s32 $0xFFFFC000  }
0x34e: {  	[spmem:s28] =	stream.indirect.scatter.add.f32 [tilespmem:s5], [sflag:$0x4], $0x80, s3, s11, $0xb8;
	[tilespmem:$0x1E000] =	vst v63  }
0x34f: {  	_ =	swait.ge [sflag:s6], $0x4000  }
0x350: {  	[sflag:s6] =	ssyncset.done $0x0  }
0x351: {  	s7 =	simm.s32 $0xC00;
	[sflag:s6] =	ssyncadd.s32 $0xFFFFC000  }
0x352: {  	[tilespmem:s5], [sflag:$0x1] =	stream.indirect.gather [hbm4b:s30+s11], $0x80, s7, s11, $0xb8;
	[tilespmem:$0x1E000] =	vst v63  }
0x353: {  	_ =	swait.ge [sflag:s15], $0x4000  }
0x354: {  	[sflag:s15] =	ssyncset.done $0x0  }
0x355: {  	s20 =	simm.s32 $0x1B80;
	[sflag:s15] =	ssyncadd.s32 $0xFFFFC000  }
0x356: {  	[spmem:s28] =	stream.indirect.scatter.add.f32 [tilespmem:s12], [sflag:$0x4], $0x80, s20, s11, $0xb8;
	[tilespmem:$0x1E000] =	vst v63  }
0x357: {  	_ =	swait.ge [sflag:s6], $0x4000  }
0x358: {  	[sflag:s6] =	ssyncset.done $0x0  }
0x359: {  	s21 =	simm.s32 $0xC80;
	[sflag:s6] =	ssyncadd.s32 $0xFFFFC000  }
0x35a: {  	[tilespmem:s12], [sflag:$0x2] =	stream.indirect.gather [hbm4b:s30+s11], $0x80, s21, s11, $0xb8;
	[tilespmem:$0x1E000] =	vst v63  }
0x35b: {  	_ =	swait.ge [sflag:s13], $0x4000  }
0x35c: {  	[sflag:s13] =	ssyncset.done $0x0  }
0x35d: {  	s22 =	simm.s32 $0x1C00;
	[sflag:s13] =	ssyncadd.s32 $0xFFFFC000  }
0x35e: {  	[spmem:s28] =	stream.indirect.scatter.add.f32 [tilespmem:s5], [sflag:$0x4], $0x80, s22, s11, $0xb8;
	[tilespmem:$0x1E000] =	vst v63  }
0x35f: {  	_ =	swait.ge [sflag:s6], $0x4000  }
0x360: {  	[sflag:s6] =	ssyncset.done $0x0  }
0x361: {  	s23 =	simm.s32 $0xD00;
	[sflag:s6] =	ssyncadd.s32 $0xFFFFC000  }
0x362: {  	[tilespmem:s5], [sflag:$0x1] =	stream.indirect.gather [hbm4b:s30+s11], $0x80, s23, s11, $0xb8;
	[tilespmem:$0x1E000] =	vst v63  }
0x363: {  	_ =	swait.ge [sflag:s15], $0x4000  }
0x364: {  	[sflag:s15] =	ssyncset.done $0x0  }
0x365: {  	s24 =	simm.s32 $0x1C80;
	[sflag:s15] =	ssyncadd.s32 $0xFFFFC000  }
0x366: {  	[spmem:s28] =	stream.indirect.scatter.add.f32 [tilespmem:s12], [sflag:$0x4], $0x80, s24, s11, $0xb8;
	[tilespmem:$0x1E000] =	vst v63  }
0x367: {  	_ =	swait.ge [sflag:s6], $0x4000  }
0x368: {  	[sflag:s6] =	ssyncset.done $0x0  }
0x369: {  	s2 =	simm.s32 $0xD80;
	[sflag:s6] =	ssyncadd.s32 $0xFFFFC000  }
0x36a: {  	[tilespmem:s12], [sflag:$0x2] =	stream.indirect.gather [hbm4b:s30+s11], $0x80, s2, s11, $0xb8;
	[tilespmem:$0x1E000] =	vst v63  }
0x36b: {  	_ =	swait.ge [sflag:s13], $0x4000  }
0x36c: {  	[sflag:s13] =	ssyncset.done $0x0  }
0x36d: {  	s3 =	simm.s32 $0x1D00;
	[sflag:s13] =	ssyncadd.s32 $0xFFFFC000  }
0x36e: {  	[spmem:s28] =	stream.indirect.scatter.add.f32 [tilespmem:s5], [sflag:$0x4], $0x80, s3, s11, $0xb8;
	[tilespmem:$0x1E000] =	vst v63  }
0x36f: {  	_ =	swait.ge [sflag:s6], $0x4000  }
0x370: {  	[sflag:s6] =	ssyncset.done $0x0  }
0x371: {  	s7 =	simm.s32 $0xE00;
	[sflag:s6] =	ssyncadd.s32 $0xFFFFC000  }
0x372: {  	[tilespmem:s5], [sflag:$0x1] =	stream.indirect.gather [hbm4b:s30+s11], $0x80, s7, s11, $0xb8;
	[tilespmem:$0x1E000] =	vst v63  }
0x373: {  	_ =	swait.ge [sflag:s15], $0x4000  }
0x374: {  	[sflag:s15] =	ssyncset.done $0x0  }
0x375: {  	s20 =	simm.s32 $0x1D80;
	[sflag:s15] =	ssyncadd.s32 $0xFFFFC000  }
0x376: {  	[spmem:s28] =	stream.indirect.scatter.add.f32 [tilespmem:s12], [sflag:$0x4], $0x80, s20, s11, $0xb8;
	[tilespmem:$0x1E000] =	vst v63  }
0x377: {  	_ =	swait.ge [sflag:s6], $0x4000  }
0x378: {  	[sflag:s6] =	ssyncset.done $0x0  }
0x379: {  	s21 =	simm.s32 $0xE80;
	[sflag:s6] =	ssyncadd.s32 $0xFFFFC000  }
0x37a: {  	[tilespmem:s12], [sflag:$0x2] =	stream.indirect.gather [hbm4b:s30+s11], $0x80, s21, s11, $0xb8;
	[tilespmem:$0x1E000] =	vst v63  }
0x37b: {  	_ =	swait.ge [sflag:s13], $0x4000  }
0x37c: {  	[sflag:s13] =	ssyncset.done $0x0  }
0x37d: {  	s22 =	simm.s32 $0x1E00;
	[sflag:s13] =	ssyncadd.s32 $0xFFFFC000  }
0x37e: {  	[spmem:s28] =	stream.indirect.scatter.add.f32 [tilespmem:s5], [sflag:$0x4], $0x80, s22, s11, $0xb8;
	[tilespmem:$0x1E000] =	vst v63  }
0x37f: {  	_ =	swait.ge [sflag:s6], $0x4000  }
0x380: {  	[sflag:s6] =	ssyncset.done $0x0  }
0x381: {  	s23 =	simm.s32 $0xF00;
	[sflag:s6] =	ssyncadd.s32 $0xFFFFC000  }
0x382: {  	[tilespmem:s5], [sflag:$0x1] =	stream.indirect.gather [hbm4b:s30+s11], $0x80, s23, s11, $0xb8;
	[tilespmem:$0x1E000] =	vst v63  }
0x383: {  	_ =	swait.ge [sflag:s15], $0x4000  }
0x384: {  	[sflag:s15] =	ssyncset.done $0x0  }
0x385: {  	s24 =	simm.s32 $0x1E80;
	[sflag:s15] =	ssyncadd.s32 $0xFFFFC000  }
0x386: {  	[spmem:s28] =	stream.indirect.scatter.add.f32 [tilespmem:s12], [sflag:$0x4], $0x80, s24, s11, $0xb8;
	[tilespmem:$0x1E000] =	vst v63  }
0x387: {  	_ =	swait.ge [sflag:s6], $0x4000  }
0x388: {  	[sflag:s6] =	ssyncset.done $0x0  }
0x389: {  	s2 =	simm.s32 $0xF80;
	[sflag:s6] =	ssyncadd.s32 $0xFFFFC000  }
0x38a: {  	[tilespmem:s12], [sflag:$0x2] =	stream.indirect.gather [hbm4b:s30+s11], $0x80, s2, s11, $0xb8;
	[tilespmem:$0x1E000] =	vst v63  }
0x38b: {  	_ =	swait.ge [sflag:s13], $0x4000  }
0x38c: {  	[sflag:s13] =	ssyncset.done $0x0  }
0x38d: {  	s3 =	simm.s32 $0x1F00;
	[sflag:s13] =	ssyncadd.s32 $0xFFFFC000  }
0x38e: {  	[spmem:s28] =	stream.indirect.scatter.add.f32 [tilespmem:s5], [sflag:$0x4], $0x80, s3, s11, $0xb8;
	[tilespmem:$0x1E000] =	vst v63  }
0x38f: {  	_ =	swait.ge [sflag:s6], $0x4000  }
0x390: {  	[sflag:s6] =	ssyncset.done $0x0  }
0x391: {  	[sflag:s6] =	ssyncadd.s32 $0xFFFFC000  }
0x392: {  	_ =	swait.ge [sflag:s15], $0x4000  }
0x393: {  	[sflag:s15] =	ssyncset.done $0x0  }
0x394: {  	s7 =	simm.s32 $0x1F80;
	[sflag:s15] =	ssyncadd.s32 $0xFFFFC000  }
0x395: {  	[spmem:s28] =	stream.indirect.scatter.add.f32 [tilespmem:s12], [sflag:$0x4], $0x80, s7, s11, $0xb8;
	[tilespmem:$0x1E000] =	vst v63  }
0x396: {  	_ =	swait.ge [sflag:s6], $0x4000  }
0x397: {  	[sflag:s6] =	ssyncset.done $0x0  }
0x398: {  	[sflag:s6] =	ssyncadd.s32 $0xFFFFC000  }
0x399: {  	_ =	swait.ge [sflag:s8], $0x800  }
0x39a: {  	[sflag:s8] =	ssyncset.done $0x0  }
0x39b: {  	[sflag:s8] =	ssyncadd.s32 $0xFFFFF800  }
0x39c: {  	_ =	swait.ge [sflag:s8], $0x800  }
0x39d: {  	[sflag:s8] =	ssyncset.done $0x0  }
0x39e: {  	s9 =	simm.s32 $0x800;
	s20 =	rddreg [dreg:$0xa];
	[sflag:s8] =	ssyncadd.s32 $0xFFFFF800  }
0x39f: {  	[tilespmem:s9], [sflag:$0x3] =	stream.linear.gather [hbm4b:s20+s1], $0x800, $0x38;
	[tilespmem:$0x1E000] =	vst v63  }
0x3a0: {  	s10 =	simm.s32 $0x1800;
	s22 =	rddreg [dreg:$0x14]  }
0x3a1: {  	[tilespmem:s10], [sflag:$0x3] =	stream.linear.gather [hbm4b:s22+s1], $0x800, $0x38;
	[tilespmem:$0x1E000] =	vst v63  }
0x3a2: {  	_ = 	snop  }
0x3a3: {  	[tilespmem:s5], [sflag:$0x1] =	stream.indirect.gather [hbm4b:s30+s11], $0x80, s1, s11, $0xb8;
	[tilespmem:$0x1E000] =	vst v63  }
0x3a4: {  	_ = 	snop  }
0x3a5: {  	[tilespmem:s12], [sflag:$0x2] =	stream.indirect.gather [hbm4b:s30+s11], $0x80, s11, s11, $0xb8;
	[tilespmem:$0x1E000] =	vst v63  }
0x3a6: {  	_ =	swait.ge [sflag:s13], $0x4000  }
0x3a7: {  	[sflag:s13] =	ssyncset.done $0x0  }
0x3a8: {  	s4 =	simm.s32 $0x1000;
	[sflag:s13] =	ssyncadd.s32 $0xFFFFC000  }
0x3a9: {  	[spmem:s28] =	stream.indirect.scatter.add.f32 [tilespmem:s5], [sflag:$0x4], $0x80, s4, s11, $0xb8;
	[tilespmem:$0x1E000] =	vst v63  }
0x3aa: {  	_ =	swait.ge [sflag:s6], $0x4000  }
0x3ab: {  	[sflag:s6] =	ssyncset.done $0x0  }
0x3ac: {  	s23 =	simm.s32 $0x100;
	[sflag:s6] =	ssyncadd.s32 $0xFFFFC000  }
0x3ad: {  	[tilespmem:s5], [sflag:$0x1] =	stream.indirect.gather [hbm4b:s30+s11], $0x80, s23, s11, $0xb8;
	[tilespmem:$0x1E000] =	vst v63  }
0x3ae: {  	_ =	swait.ge [sflag:s15], $0x4000  }
0x3af: {  	[sflag:s15] =	ssyncset.done $0x0  }
0x3b0: {  	s0 =	simm.s32 $0x1080;
	[sflag:s15] =	ssyncadd.s32 $0xFFFFC000  }
0x3b1: {  	[spmem:s28] =	stream.indirect.scatter.add.f32 [tilespmem:s12], [sflag:$0x4], $0x80, s0, s11, $0xb8;
	[tilespmem:$0x1E000] =	vst v63  }
0x3b2: {  	_ =	swait.ge [sflag:s6], $0x4000  }
0x3b3: {  	[sflag:s6] =	ssyncset.done $0x0  }
0x3b4: {  	s24 =	simm.s32 $0x180;
	[sflag:s6] =	ssyncadd.s32 $0xFFFFC000  }
0x3b5: {  	[tilespmem:s12], [sflag:$0x2] =	stream.indirect.gather [hbm4b:s30+s11], $0x80, s24, s11, $0xb8;
	[tilespmem:$0x1E000] =	vst v63  }
0x3b6: {  	_ =	swait.ge [sflag:s13], $0x4000  }
0x3b7: {  	[sflag:s13] =	ssyncset.done $0x0  }
0x3b8: {  	s2 =	simm.s32 $0x1100;
	[sflag:s13] =	ssyncadd.s32 $0xFFFFC000  }
0x3b9: {  	[spmem:s28] =	stream.indirect.scatter.add.f32 [tilespmem:s5], [sflag:$0x4], $0x80, s2, s11, $0xb8;
	[tilespmem:$0x1E000] =	vst v63  }
0x3ba: {  	_ =	swait.ge [sflag:s6], $0x4000  }
0x3bb: {  	[sflag:s6] =	ssyncset.done $0x0  }
0x3bc: {  	s3 =	simm.s32 $0x200;
	[sflag:s6] =	ssyncadd.s32 $0xFFFFC000  }
0x3bd: {  	[tilespmem:s5], [sflag:$0x1] =	stream.indirect.gather [hbm4b:s30+s11], $0x80, s3, s11, $0xb8;
	[tilespmem:$0x1E000] =	vst v63  }
0x3be: {  	_ =	swait.ge [sflag:s15], $0x4000  }
0x3bf: {  	[sflag:s15] =	ssyncset.done $0x0  }
0x3c0: {  	s14 =	simm.s32 $0x1180;
	[sflag:s15] =	ssyncadd.s32 $0xFFFFC000  }
0x3c1: {  	[spmem:s28] =	stream.indirect.scatter.add.f32 [tilespmem:s12], [sflag:$0x4], $0x80, s14, s11, $0xb8;
	[tilespmem:$0x1E000] =	vst v63  }
0x3c2: {  	_ =	swait.ge [sflag:s6], $0x4000  }
0x3c3: {  	[sflag:s6] =	ssyncset.done $0x0  }
0x3c4: {  	s16 =	simm.s32 $0x280;
	[sflag:s6] =	ssyncadd.s32 $0xFFFFC000  }
0x3c5: {  	[tilespmem:s12], [sflag:$0x2] =	stream.indirect.gather [hbm4b:s30+s11], $0x80, s16, s11, $0xb8;
	[tilespmem:$0x1E000] =	vst v63  }
0x3c6: {  	_ =	swait.ge [sflag:s13], $0x4000  }
0x3c7: {  	[sflag:s13] =	ssyncset.done $0x0  }
0x3c8: {  	s17 =	simm.s32 $0x1200;
	[sflag:s13] =	ssyncadd.s32 $0xFFFFC000  }
0x3c9: {  	[spmem:s28] =	stream.indirect.scatter.add.f32 [tilespmem:s5], [sflag:$0x4], $0x80, s17, s11, $0xb8;
	[tilespmem:$0x1E000] =	vst v63  }
0x3ca: {  	_ =	swait.ge [sflag:s6], $0x4000  }
0x3cb: {  	[sflag:s6] =	ssyncset.done $0x0  }
0x3cc: {  	s18 =	simm.s32 $0x300;
	[sflag:s6] =	ssyncadd.s32 $0xFFFFC000  }
0x3cd: {  	[tilespmem:s5], [sflag:$0x1] =	stream.indirect.gather [hbm4b:s30+s11], $0x80, s18, s11, $0xb8;
	[tilespmem:$0x1E000] =	vst v63  }
0x3ce: {  	_ =	swait.ge [sflag:s15], $0x4000  }
0x3cf: {  	[sflag:s15] =	ssyncset.done $0x0  }
0x3d0: {  	s19 =	simm.s32 $0x1280;
	[sflag:s15] =	ssyncadd.s32 $0xFFFFC000  }
0x3d1: {  	[spmem:s28] =	stream.indirect.scatter.add.f32 [tilespmem:s12], [sflag:$0x4], $0x80, s19, s11, $0xb8;
	[tilespmem:$0x1E000] =	vst v63  }
0x3d2: {  	_ =	swait.ge [sflag:s6], $0x4000  }
0x3d3: {  	[sflag:s6] =	ssyncset.done $0x0  }
0x3d4: {  	s25 =	simm.s32 $0x380;
	[sflag:s6] =	ssyncadd.s32 $0xFFFFC000  }
0x3d5: {  	[tilespmem:s12], [sflag:$0x2] =	stream.indirect.gather [hbm4b:s30+s11], $0x80, s25, s11, $0xb8;
	[tilespmem:$0x1E000] =	vst v63  }
0x3d6: {  	_ =	swait.ge [sflag:s13], $0x4000  }
0x3d7: {  	[sflag:s13] =	ssyncset.done $0x0  }
0x3d8: {  	s26 =	simm.s32 $0x1300;
	[sflag:s13] =	ssyncadd.s32 $0xFFFFC000  }
0x3d9: {  	[spmem:s28] =	stream.indirect.scatter.add.f32 [tilespmem:s5], [sflag:$0x4], $0x80, s26, s11, $0xb8;
	[tilespmem:$0x1E000] =	vst v63  }
0x3da: {  	_ =	swait.ge [sflag:s6], $0x4000  }
0x3db: {  	[sflag:s6] =	ssyncset.done $0x0  }
0x3dc: {  	s29 =	simm.s32 $0x400;
	[sflag:s6] =	ssyncadd.s32 $0xFFFFC000  }
0x3dd: {  	[tilespmem:s5], [sflag:$0x1] =	stream.indirect.gather [hbm4b:s30+s11], $0x80, s29, s11, $0xb8;
	[tilespmem:$0x1E000] =	vst v63  }
0x3de: {  	_ =	swait.ge [sflag:s15], $0x4000  }
0x3df: {  	[sflag:s15] =	ssyncset.done $0x0  }
0x3e0: {  	s31 =	simm.s32 $0x1380;
	[sflag:s15] =	ssyncadd.s32 $0xFFFFC000  }
0x3e1: {  	[spmem:s28] =	stream.indirect.scatter.add.f32 [tilespmem:s12], [sflag:$0x4], $0x80, s31, s11, $0xb8;
	[tilespmem:$0x1E000] =	vst v63  }
0x3e2: {  	_ =	swait.ge [sflag:s6], $0x4000  }
0x3e3: {  	[sflag:s6] =	ssyncset.done $0x0  }
0x3e4: {  	s29 =	simm.s32 $0x480;
	[sflag:s6] =	ssyncadd.s32 $0xFFFFC000  }
0x3e5: {  	[tilespmem:s12], [sflag:$0x2] =	stream.indirect.gather [hbm4b:s30+s11], $0x80, s29, s11, $0xb8;
	[tilespmem:$0x1E000] =	vst v63  }
0x3e6: {  	_ =	swait.ge [sflag:s13], $0x4000  }
0x3e7: {  	[sflag:s13] =	ssyncset.done $0x0  }
0x3e8: {  	s31 =	simm.s32 $0x1400;
	[sflag:s13] =	ssyncadd.s32 $0xFFFFC000  }
0x3e9: {  	[spmem:s28] =	stream.indirect.scatter.add.f32 [tilespmem:s5], [sflag:$0x4], $0x80, s31, s11, $0xb8;
	[tilespmem:$0x1E000] =	vst v63  }
0x3ea: {  	_ =	swait.ge [sflag:s6], $0x4000  }
0x3eb: {  	[sflag:s6] =	ssyncset.done $0x0  }
0x3ec: {  	s7 =	simm.s32 $0x500;
	[sflag:s6] =	ssyncadd.s32 $0xFFFFC000  }
0x3ed: {  	[tilespmem:s5], [sflag:$0x1] =	stream.indirect.gather [hbm4b:s30+s11], $0x80, s7, s11, $0xb8;
	[tilespmem:$0x1E000] =	vst v63  }
0x3ee: {  	_ =	swait.ge [sflag:s15], $0x4000  }
0x3ef: {  	[sflag:s15] =	ssyncset.done $0x0  }
0x3f0: {  	s14 =	simm.s32 $0x1480;
	[sflag:s15] =	ssyncadd.s32 $0xFFFFC000  }
0x3f1: {  	[spmem:s28] =	stream.indirect.scatter.add.f32 [tilespmem:s12], [sflag:$0x4], $0x80, s14, s11, $0xb8;
	[tilespmem:$0x1E000] =	vst v63  }
0x3f2: {  	_ =	swait.ge [sflag:s6], $0x4000  }
0x3f3: {  	[sflag:s6] =	ssyncset.done $0x0  }
0x3f4: {  	s16 =	simm.s32 $0x580;
	[sflag:s6] =	ssyncadd.s32 $0xFFFFC000  }
0x3f5: {  	[tilespmem:s12], [sflag:$0x2] =	stream.indirect.gather [hbm4b:s30+s11], $0x80, s16, s11, $0xb8;
	[tilespmem:$0x1E000] =	vst v63  }
0x3f6: {  	_ =	swait.ge [sflag:s13], $0x4000  }
0x3f7: {  	[sflag:s13] =	ssyncset.done $0x0  }
0x3f8: {  	s17 =	simm.s32 $0x1500;
	[sflag:s13] =	ssyncadd.s32 $0xFFFFC000  }
0x3f9: {  	[spmem:s28] =	stream.indirect.scatter.add.f32 [tilespmem:s5], [sflag:$0x4], $0x80, s17, s11, $0xb8;
	[tilespmem:$0x1E000] =	vst v63  }
0x3fa: {  	_ =	swait.ge [sflag:s6], $0x4000  }
0x3fb: {  	[sflag:s6] =	ssyncset.done $0x0  }
0x3fc: {  	s18 =	simm.s32 $0x600;
	[sflag:s6] =	ssyncadd.s32 $0xFFFFC000  }
0x3fd: {  	[tilespmem:s5], [sflag:$0x1] =	stream.indirect.gather [hbm4b:s30+s11], $0x80, s18, s11, $0xb8;
	[tilespmem:$0x1E000] =	vst v63  }
0x3fe: {  	_ =	swait.ge [sflag:s15], $0x4000  }
0x3ff: {  	[sflag:s15] =	ssyncset.done $0x0  }
0x400: {  	s19 =	simm.s32 $0x1580;
	[sflag:s15] =	ssyncadd.s32 $0xFFFFC000  }
0x401: {  	[spmem:s28] =	stream.indirect.scatter.add.f32 [tilespmem:s12], [sflag:$0x4], $0x80, s19, s11, $0xb8;
	[tilespmem:$0x1E000] =	vst v63  }
0x402: {  	_ =	swait.ge [sflag:s6], $0x4000  }
0x403: {  	[sflag:s6] =	ssyncset.done $0x0  }
0x404: {  	s20 =	simm.s32 $0x680;
	[sflag:s6] =	ssyncadd.s32 $0xFFFFC000  }
0x405: {  	[tilespmem:s12], [sflag:$0x2] =	stream.indirect.gather [hbm4b:s30+s11], $0x80, s20, s11, $0xb8;
	[tilespmem:$0x1E000] =	vst v63  }
0x406: {  	_ =	swait.ge [sflag:s13], $0x4000  }
0x407: {  	[sflag:s13] =	ssyncset.done $0x0  }
0x408: {  	s22 =	simm.s32 $0x1600;
	[sflag:s13] =	ssyncadd.s32 $0xFFFFC000  }
0x409: {  	[spmem:s28] =	stream.indirect.scatter.add.f32 [tilespmem:s5], [sflag:$0x4], $0x80, s22, s11, $0xb8;
	[tilespmem:$0x1E000] =	vst v63  }
0x40a: {  	_ =	swait.ge [sflag:s6], $0x4000  }
0x40b: {  	[sflag:s6] =	ssyncset.done $0x0  }
0x40c: {  	s23 =	simm.s32 $0x700;
	[sflag:s6] =	ssyncadd.s32 $0xFFFFC000  }
0x40d: {  	[tilespmem:s5], [sflag:$0x1] =	stream.indirect.gather [hbm4b:s30+s11], $0x80, s23, s11, $0xb8;
	[tilespmem:$0x1E000] =	vst v63  }
0x40e: {  	_ =	swait.ge [sflag:s15], $0x4000  }
0x40f: {  	[sflag:s15] =	ssyncset.done $0x0  }
0x410: {  	s24 =	simm.s32 $0x1680;
	[sflag:s15] =	ssyncadd.s32 $0xFFFFC000  }
0x411: {  	[spmem:s28] =	stream.indirect.scatter.add.f32 [tilespmem:s12], [sflag:$0x4], $0x80, s24, s11, $0xb8;
	[tilespmem:$0x1E000] =	vst v63  }
0x412: {  	_ =	swait.ge [sflag:s6], $0x4000  }
0x413: {  	[sflag:s6] =	ssyncset.done $0x0  }
0x414: {  	s25 =	simm.s32 $0x780;
	[sflag:s6] =	ssyncadd.s32 $0xFFFFC000  }
0x415: {  	[tilespmem:s12], [sflag:$0x2] =	stream.indirect.gather [hbm4b:s30+s11], $0x80, s25, s11, $0xb8;
	[tilespmem:$0x1E000] =	vst v63  }
0x416: {  	_ =	swait.ge [sflag:s13], $0x4000  }
0x417: {  	[sflag:s13] =	ssyncset.done $0x0  }
0x418: {  	s26 =	simm.s32 $0x1700;
	[sflag:s13] =	ssyncadd.s32 $0xFFFFC000  }
0x419: {  	[spmem:s28] =	stream.indirect.scatter.add.f32 [tilespmem:s5], [sflag:$0x4], $0x80, s26, s11, $0xb8;
	[tilespmem:$0x1E000] =	vst v63  }
0x41a: {  	_ =	swait.ge [sflag:s6], $0x4000  }
0x41b: {  	[sflag:s6] =	ssyncset.done $0x0  }
0x41c: {  	[sflag:s6] =	ssyncadd.s32 $0xFFFFC000  }
0x41d: {  	_ =	swait.ge [sflag:s15], $0x4000  }
0x41e: {  	[sflag:s15] =	ssyncset.done $0x0  }
0x41f: {  	s29 =	simm.s32 $0x1780;
	[sflag:s15] =	ssyncadd.s32 $0xFFFFC000  }
0x420: {  	[spmem:s28] =	stream.indirect.scatter.add.f32 [tilespmem:s12], [sflag:$0x4], $0x80, s29, s11, $0xb8;
	[tilespmem:$0x1E000] =	vst v63  }
0x421: {  	_ =	swait.ge [sflag:s6], $0x4000  }
0x422: {  	[sflag:s6] =	ssyncset.done $0x0  }
0x423: {  	[sflag:s6] =	ssyncadd.s32 $0xFFFFC000  }
0x424: {  	_ =	swait.ge [sflag:s8], $0x800  }
0x425: {  	[sflag:s8] =	ssyncset.done $0x0  }
0x426: {  	[sflag:s8] =	ssyncadd.s32 $0xFFFFF800  }
0x427: {  	_ =	swait.ge [sflag:s8], $0x800  }
0x428: {  	[sflag:s8] =	ssyncset.done $0x0  }
0x429: {  	s31 =	rddreg [dreg:$0xb];
	[sflag:s8] =	ssyncadd.s32 $0xFFFFF800  }
0x42a: {  	[tilespmem:s1], [sflag:$0x3] =	stream.linear.gather [hbm4b:s31+s1], $0x800, $0x38;
	[tilespmem:$0x1E000] =	vst v63  }
0x42b: {  	s7 =	rddreg [dreg:$0x15]  }
0x42c: {  	[tilespmem:s4], [sflag:$0x3] =	stream.linear.gather [hbm4b:s7+s1], $0x800, $0x38;
	[tilespmem:$0x1E000] =	vst v63  }
0x42d: {  	_ = 	snop  }
0x42e: {  	[tilespmem:s5], [sflag:$0x1] =	stream.indirect.gather [hbm4b:s30+s11], $0x80, s9, s11, $0xb8;
	[tilespmem:$0x1E000] =	vst v63  }
0x42f: {  	s14 =	simm.s32 $0x880  }
0x430: {  	[tilespmem:s12], [sflag:$0x2] =	stream.indirect.gather [hbm4b:s30+s11], $0x80, s14, s11, $0xb8;
	[tilespmem:$0x1E000] =	vst v63  }
0x431: {  	_ =	swait.ge [sflag:s13], $0x4000  }
0x432: {  	[sflag:s13] =	ssyncset.done $0x0  }
0x433: {  	[sflag:s13] =	ssyncadd.s32 $0xFFFFC000  }
0x434: {  	[spmem:s28] =	stream.indirect.scatter.add.f32 [tilespmem:s5], [sflag:$0x4], $0x80, s10, s11, $0xb8;
	[tilespmem:$0x1E000] =	vst v63  }
0x435: {  	_ =	swait.ge [sflag:s6], $0x4000  }
0x436: {  	[sflag:s6] =	ssyncset.done $0x0  }
0x437: {  	s16 =	simm.s32 $0x900;
	[sflag:s6] =	ssyncadd.s32 $0xFFFFC000  }
0x438: {  	[tilespmem:s5], [sflag:$0x1] =	stream.indirect.gather [hbm4b:s30+s11], $0x80, s16, s11, $0xb8;
	[tilespmem:$0x1E000] =	vst v63  }
0x439: {  	_ =	swait.ge [sflag:s15], $0x4000  }
0x43a: {  	[sflag:s15] =	ssyncset.done $0x0  }
0x43b: {  	s17 =	simm.s32 $0x1880;
	[sflag:s15] =	ssyncadd.s32 $0xFFFFC000  }
0x43c: {  	[spmem:s28] =	stream.indirect.scatter.add.f32 [tilespmem:s12], [sflag:$0x4], $0x80, s17, s11, $0xb8;
	[tilespmem:$0x1E000] =	vst v63  }
0x43d: {  	_ =	swait.ge [sflag:s6], $0x4000  }
0x43e: {  	[sflag:s6] =	ssyncset.done $0x0  }
0x43f: {  	s18 =	simm.s32 $0x980;
	[sflag:s6] =	ssyncadd.s32 $0xFFFFC000  }
0x440: {  	[tilespmem:s12], [sflag:$0x2] =	stream.indirect.gather [hbm4b:s30+s11], $0x80, s18, s11, $0xb8;
	[tilespmem:$0x1E000] =	vst v63  }
0x441: {  	_ =	swait.ge [sflag:s13], $0x4000  }
0x442: {  	[sflag:s13] =	ssyncset.done $0x0  }
0x443: {  	s19 =	simm.s32 $0x1900;
	[sflag:s13] =	ssyncadd.s32 $0xFFFFC000  }
0x444: {  	[spmem:s28] =	stream.indirect.scatter.add.f32 [tilespmem:s5], [sflag:$0x4], $0x80, s19, s11, $0xb8;
	[tilespmem:$0x1E000] =	vst v63  }
0x445: {  	_ =	swait.ge [sflag:s6], $0x4000  }
0x446: {  	[sflag:s6] =	ssyncset.done $0x0  }
0x447: {  	s20 =	simm.s32 $0xA00;
	[sflag:s6] =	ssyncadd.s32 $0xFFFFC000  }
0x448: {  	[tilespmem:s5], [sflag:$0x1] =	stream.indirect.gather [hbm4b:s30+s11], $0x80, s20, s11, $0xb8;
	[tilespmem:$0x1E000] =	vst v63  }
0x449: {  	_ =	swait.ge [sflag:s15], $0x4000  }
0x44a: {  	[sflag:s15] =	ssyncset.done $0x0  }
0x44b: {  	s21 =	simm.s32 $0x1980;
	[sflag:s15] =	ssyncadd.s32 $0xFFFFC000  }
0x44c: {  	[spmem:s28] =	stream.indirect.scatter.add.f32 [tilespmem:s12], [sflag:$0x4], $0x80, s21, s11, $0xb8;
	[tilespmem:$0x1E000] =	vst v63  }
0x44d: {  	_ =	swait.ge [sflag:s6], $0x4000  }
0x44e: {  	[sflag:s6] =	ssyncset.done $0x0  }
0x44f: {  	s22 =	simm.s32 $0xA80;
	[sflag:s6] =	ssyncadd.s32 $0xFFFFC000  }
0x450: {  	[tilespmem:s12], [sflag:$0x2] =	stream.indirect.gather [hbm4b:s30+s11], $0x80, s22, s11, $0xb8;
	[tilespmem:$0x1E000] =	vst v63  }
0x451: {  	_ =	swait.ge [sflag:s13], $0x4000  }
0x452: {  	[sflag:s13] =	ssyncset.done $0x0  }
0x453: {  	s23 =	simm.s32 $0x1A00;
	[sflag:s13] =	ssyncadd.s32 $0xFFFFC000  }
0x454: {  	[spmem:s28] =	stream.indirect.scatter.add.f32 [tilespmem:s5], [sflag:$0x4], $0x80, s23, s11, $0xb8;
	[tilespmem:$0x1E000] =	vst v63  }
0x455: {  	_ =	swait.ge [sflag:s6], $0x4000  }
0x456: {  	[sflag:s6] =	ssyncset.done $0x0  }
0x457: {  	s24 =	simm.s32 $0xB00;
	[sflag:s6] =	ssyncadd.s32 $0xFFFFC000  }
0x458: {  	[tilespmem:s5], [sflag:$0x1] =	stream.indirect.gather [hbm4b:s30+s11], $0x80, s24, s11, $0xb8;
	[tilespmem:$0x1E000] =	vst v63  }
0x459: {  	_ =	swait.ge [sflag:s15], $0x4000  }
0x45a: {  	[sflag:s15] =	ssyncset.done $0x0  }
0x45b: {  	s25 =	simm.s32 $0x1A80;
	[sflag:s15] =	ssyncadd.s32 $0xFFFFC000  }
0x45c: {  	[spmem:s28] =	stream.indirect.scatter.add.f32 [tilespmem:s12], [sflag:$0x4], $0x80, s25, s11, $0xb8;
	[tilespmem:$0x1E000] =	vst v63  }
0x45d: {  	_ =	swait.ge [sflag:s6], $0x4000  }
0x45e: {  	[sflag:s6] =	ssyncset.done $0x0  }
0x45f: {  	s26 =	simm.s32 $0xB80;
	[sflag:s6] =	ssyncadd.s32 $0xFFFFC000  }
0x460: {  	[tilespmem:s12], [sflag:$0x2] =	stream.indirect.gather [hbm4b:s30+s11], $0x80, s26, s11, $0xb8;
	[tilespmem:$0x1E000] =	vst v63  }
0x461: {  	_ =	swait.ge [sflag:s13], $0x4000  }
0x462: {  	[sflag:s13] =	ssyncset.done $0x0  }
0x463: {  	s29 =	simm.s32 $0x1B00;
	[sflag:s13] =	ssyncadd.s32 $0xFFFFC000  }
0x464: {  	[spmem:s28] =	stream.indirect.scatter.add.f32 [tilespmem:s5], [sflag:$0x4], $0x80, s29, s11, $0xb8;
	[tilespmem:$0x1E000] =	vst v63  }
0x465: {  	_ =	swait.ge [sflag:s6], $0x4000  }
0x466: {  	[sflag:s6] =	ssyncset.done $0x0  }
0x467: {  	s31 =	simm.s32 $0xC00;
	[sflag:s6] =	ssyncadd.s32 $0xFFFFC000  }
0x468: {  	[tilespmem:s5], [sflag:$0x1] =	stream.indirect.gather [hbm4b:s30+s11], $0x80, s31, s11, $0xb8;
	[tilespmem:$0x1E000] =	vst v63  }
0x469: {  	_ =	swait.ge [sflag:s15], $0x4000  }
0x46a: {  	[sflag:s15] =	ssyncset.done $0x0  }
0x46b: {  	s21 =	simm.s32 $0x1B80;
	[sflag:s15] =	ssyncadd.s32 $0xFFFFC000  }
0x46c: {  	[spmem:s28] =	stream.indirect.scatter.add.f32 [tilespmem:s12], [sflag:$0x4], $0x80, s21, s11, $0xb8;
	[tilespmem:$0x1E000] =	vst v63  }
0x46d: {  	_ =	swait.ge [sflag:s6], $0x4000  }
0x46e: {  	[sflag:s6] =	ssyncset.done $0x0  }
0x46f: {  	s21 =	simm.s32 $0xC80;
	[sflag:s6] =	ssyncadd.s32 $0xFFFFC000  }
0x470: {  	[tilespmem:s12], [sflag:$0x2] =	stream.indirect.gather [hbm4b:s30+s11], $0x80, s21, s11, $0xb8;
	[tilespmem:$0x1E000] =	vst v63  }
0x471: {  	_ =	swait.ge [sflag:s13], $0x4000  }
0x472: {  	[sflag:s13] =	ssyncset.done $0x0  }
0x473: {  	s21 =	simm.s32 $0x1C00;
	[sflag:s13] =	ssyncadd.s32 $0xFFFFC000  }
0x474: {  	[spmem:s28] =	stream.indirect.scatter.add.f32 [tilespmem:s5], [sflag:$0x4], $0x80, s21, s11, $0xb8;
	[tilespmem:$0x1E000] =	vst v63  }
0x475: {  	_ =	swait.ge [sflag:s6], $0x4000  }
0x476: {  	[sflag:s6] =	ssyncset.done $0x0  }
0x477: {  	s21 =	simm.s32 $0xD00;
	[sflag:s6] =	ssyncadd.s32 $0xFFFFC000  }
0x478: {  	[tilespmem:s5], [sflag:$0x1] =	stream.indirect.gather [hbm4b:s30+s11], $0x80, s21, s11, $0xb8;
	[tilespmem:$0x1E000] =	vst v63  }
0x479: {  	_ =	swait.ge [sflag:s15], $0x4000  }
0x47a: {  	[sflag:s15] =	ssyncset.done $0x0  }
0x47b: {  	s21 =	simm.s32 $0x1C80;
	[sflag:s15] =	ssyncadd.s32 $0xFFFFC000  }
0x47c: {  	[spmem:s28] =	stream.indirect.scatter.add.f32 [tilespmem:s12], [sflag:$0x4], $0x80, s21, s11, $0xb8;
	[tilespmem:$0x1E000] =	vst v63  }
0x47d: {  	_ =	swait.ge [sflag:s6], $0x4000  }
0x47e: {  	[sflag:s6] =	ssyncset.done $0x0  }
0x47f: {  	s21 =	simm.s32 $0xD80;
	[sflag:s6] =	ssyncadd.s32 $0xFFFFC000  }
0x480: {  	[tilespmem:s12], [sflag:$0x2] =	stream.indirect.gather [hbm4b:s30+s11], $0x80, s21, s11, $0xb8;
	[tilespmem:$0x1E000] =	vst v63  }
0x481: {  	_ =	swait.ge [sflag:s13], $0x4000  }
0x482: {  	[sflag:s13] =	ssyncset.done $0x0  }
0x483: {  	s21 =	simm.s32 $0x1D00;
	[sflag:s13] =	ssyncadd.s32 $0xFFFFC000  }
0x484: {  	[spmem:s28] =	stream.indirect.scatter.add.f32 [tilespmem:s5], [sflag:$0x4], $0x80, s21, s11, $0xb8;
	[tilespmem:$0x1E000] =	vst v63  }
0x485: {  	_ =	swait.ge [sflag:s6], $0x4000  }
0x486: {  	[sflag:s6] =	ssyncset.done $0x0  }
0x487: {  	s21 =	simm.s32 $0xE00;
	[sflag:s6] =	ssyncadd.s32 $0xFFFFC000  }
0x488: {  	[tilespmem:s5], [sflag:$0x1] =	stream.indirect.gather [hbm4b:s30+s11], $0x80, s21, s11, $0xb8;
	[tilespmem:$0x1E000] =	vst v63  }
0x489: {  	_ =	swait.ge [sflag:s15], $0x4000  }
0x48a: {  	[sflag:s15] =	ssyncset.done $0x0  }
0x48b: {  	s21 =	simm.s32 $0x1D80;
	[sflag:s15] =	ssyncadd.s32 $0xFFFFC000  }
0x48c: {  	[spmem:s28] =	stream.indirect.scatter.add.f32 [tilespmem:s12], [sflag:$0x4], $0x80, s21, s11, $0xb8;
	[tilespmem:$0x1E000] =	vst v63  }
0x48d: {  	_ =	swait.ge [sflag:s6], $0x4000  }
0x48e: {  	[sflag:s6] =	ssyncset.done $0x0  }
0x48f: {  	s21 =	simm.s32 $0xE80;
	[sflag:s6] =	ssyncadd.s32 $0xFFFFC000  }
0x490: {  	[tilespmem:s12], [sflag:$0x2] =	stream.indirect.gather [hbm4b:s30+s11], $0x80, s21, s11, $0xb8;
	[tilespmem:$0x1E000] =	vst v63  }
0x491: {  	_ =	swait.ge [sflag:s13], $0x4000  }
0x492: {  	[sflag:s13] =	ssyncset.done $0x0  }
0x493: {  	s21 =	simm.s32 $0x1E00;
	[sflag:s13] =	ssyncadd.s32 $0xFFFFC000  }
0x494: {  	[spmem:s28] =	stream.indirect.scatter.add.f32 [tilespmem:s5], [sflag:$0x4], $0x80, s21, s11, $0xb8;
	[tilespmem:$0x1E000] =	vst v63  }
0x495: {  	_ =	swait.ge [sflag:s6], $0x4000  }
0x496: {  	[sflag:s6] =	ssyncset.done $0x0  }
0x497: {  	s21 =	simm.s32 $0xF00;
	[sflag:s6] =	ssyncadd.s32 $0xFFFFC000  }
0x498: {  	[tilespmem:s5], [sflag:$0x1] =	stream.indirect.gather [hbm4b:s30+s11], $0x80, s21, s11, $0xb8;
	[tilespmem:$0x1E000] =	vst v63  }
0x499: {  	_ =	swait.ge [sflag:s15], $0x4000  }
0x49a: {  	[sflag:s15] =	ssyncset.done $0x0  }
0x49b: {  	s21 =	simm.s32 $0x1E80;
	[sflag:s15] =	ssyncadd.s32 $0xFFFFC000  }
0x49c: {  	[spmem:s28] =	stream.indirect.scatter.add.f32 [tilespmem:s12], [sflag:$0x4], $0x80, s21, s11, $0xb8;
	[tilespmem:$0x1E000] =	vst v63  }
0x49d: {  	_ =	swait.ge [sflag:s6], $0x4000  }
0x49e: {  	[sflag:s6] =	ssyncset.done $0x0  }
0x49f: {  	s21 =	simm.s32 $0xF80;
	[sflag:s6] =	ssyncadd.s32 $0xFFFFC000  }
0x4a0: {  	[tilespmem:s12], [sflag:$0x2] =	stream.indirect.gather [hbm4b:s30+s11], $0x80, s21, s11, $0xb8;
	[tilespmem:$0x1E000] =	vst v63  }
0x4a1: {  	_ =	swait.ge [sflag:s13], $0x4000  }
0x4a2: {  	[sflag:s13] =	ssyncset.done $0x0  }
0x4a3: {  	s21 =	simm.s32 $0x1F00;
	[sflag:s13] =	ssyncadd.s32 $0xFFFFC000  }
0x4a4: {  	[spmem:s28] =	stream.indirect.scatter.add.f32 [tilespmem:s5], [sflag:$0x4], $0x80, s21, s11, $0xb8;
	[tilespmem:$0x1E000] =	vst v63  }
0x4a5: {  	_ =	swait.ge [sflag:s6], $0x4000  }
0x4a6: {  	[sflag:s6] =	ssyncset.done $0x0  }
0x4a7: {  	[sflag:s6] =	ssyncadd.s32 $0xFFFFC000  }
0x4a8: {  	_ =	swait.ge [sflag:s15], $0x4000  }
0x4a9: {  	[sflag:s15] =	ssyncset.done $0x0  }
0x4aa: {  	s21 =	simm.s32 $0x1F80;
	[sflag:s15] =	ssyncadd.s32 $0xFFFFC000  }
0x4ab: {  	[spmem:s28] =	stream.indirect.scatter.add.f32 [tilespmem:s12], [sflag:$0x4], $0x80, s21, s11, $0xb8;
	[tilespmem:$0x1E000] =	vst v63  }
0x4ac: {  	_ =	swait.ge [sflag:s6], $0x4000  }
0x4ad: {  	[sflag:s6] =	ssyncset.done $0x0  }
0x4ae: {  	[sflag:s6] =	ssyncadd.s32 $0xFFFFC000  }
0x4af: {  	_ =	swait.ge [sflag:s8], $0x800  }
0x4b0: {  	[sflag:s8] =	ssyncset.done $0x0  }
0x4b1: {  	[sflag:s8] =	ssyncadd.s32 $0xFFFFF800  }
0x4b2: {  	_ =	swait.ge [sflag:s8], $0x800  }
0x4b3: {  	[sflag:s8] =	ssyncset.done $0x0  }
0x4b4: {  	s21 =	rddreg [dreg:$0xc];
	[sflag:s8] =	ssyncadd.s32 $0xFFFFF800  }
0x4b5: {  	[tilespmem:s9], [sflag:$0x3] =	stream.linear.gather [hbm4b:s21+s1], $0x800, $0x38;
	[tilespmem:$0x1E000] =	vst v63  }
0x4b6: {  	s21 =	rddreg [dreg:$0x16]  }
0x4b7: {  	[tilespmem:s10], [sflag:$0x3] =	stream.linear.gather [hbm4b:s21+s1], $0x800, $0x38;
	[tilespmem:$0x1E000] =	vst v63  }
0x4b8: {  	_ = 	snop  }
0x4b9: {  	[tilespmem:s5], [sflag:$0x1] =	stream.indirect.gather [hbm4b:s30+s11], $0x80, s1, s11, $0xb8;
	[tilespmem:$0x1E000] =	vst v63  }
0x4ba: {  	_ = 	snop  }
0x4bb: {  	[tilespmem:s12], [sflag:$0x2] =	stream.indirect.gather [hbm4b:s30+s11], $0x80, s11, s11, $0xb8;
	[tilespmem:$0x1E000] =	vst v63  }
0x4bc: {  	_ =	swait.ge [sflag:s13], $0x4000  }
0x4bd: {  	[sflag:s13] =	ssyncset.done $0x0  }
0x4be: {  	[sflag:s13] =	ssyncadd.s32 $0xFFFFC000  }
0x4bf: {  	[spmem:s28] =	stream.indirect.scatter.add.f32 [tilespmem:s5], [sflag:$0x4], $0x80, s4, s11, $0xb8;
	[tilespmem:$0x1E000] =	vst v63  }
0x4c0: {  	_ =	swait.ge [sflag:s6], $0x4000  }
0x4c1: {  	[sflag:s6] =	ssyncset.done $0x0  }
0x4c2: {  	s21 =	simm.s32 $0x100;
	[sflag:s6] =	ssyncadd.s32 $0xFFFFC000  }
0x4c3: {  	[tilespmem:s5], [sflag:$0x1] =	stream.indirect.gather [hbm4b:s30+s11], $0x80, s21, s11, $0xb8;
	[tilespmem:$0x1E000] =	vst v63  }
0x4c4: {  	_ =	swait.ge [sflag:s15], $0x4000  }
0x4c5: {  	[sflag:s15] =	ssyncset.done $0x0  }
0x4c6: {  	[sflag:s15] =	ssyncadd.s32 $0xFFFFC000  }
0x4c7: {  	[spmem:s28] =	stream.indirect.scatter.add.f32 [tilespmem:s12], [sflag:$0x4], $0x80, s0, s11, $0xb8;
	[tilespmem:$0x1E000] =	vst v63  }
0x4c8: {  	_ =	swait.ge [sflag:s6], $0x4000  }
0x4c9: {  	[sflag:s6] =	ssyncset.done $0x0  }
0x4ca: {  	s4 =	simm.s32 $0x180;
	[sflag:s6] =	ssyncadd.s32 $0xFFFFC000  }
0x4cb: {  	[tilespmem:s12], [sflag:$0x2] =	stream.indirect.gather [hbm4b:s30+s11], $0x80, s4, s11, $0xb8;
	[tilespmem:$0x1E000] =	vst v63  }
0x4cc: {  	_ =	swait.ge [sflag:s13], $0x4000  }
0x4cd: {  	[sflag:s13] =	ssyncset.done $0x0  }
0x4ce: {  	[sflag:s13] =	ssyncadd.s32 $0xFFFFC000  }
0x4cf: {  	[spmem:s28] =	stream.indirect.scatter.add.f32 [tilespmem:s5], [sflag:$0x4], $0x80, s2, s11, $0xb8;
	[tilespmem:$0x1E000] =	vst v63  }
0x4d0: {  	_ =	swait.ge [sflag:s6], $0x4000  }
0x4d1: {  	[sflag:s6] =	ssyncset.done $0x0  }
0x4d2: {  	[sflag:s6] =	ssyncadd.s32 $0xFFFFC000  }
0x4d3: {  	[tilespmem:s5], [sflag:$0x1] =	stream.indirect.gather [hbm4b:s30+s11], $0x80, s3, s11, $0xb8;
	[tilespmem:$0x1E000] =	vst v63  }
0x4d4: {  	_ =	swait.ge [sflag:s15], $0x4000  }
0x4d5: {  	[sflag:s15] =	ssyncset.done $0x0  }
0x4d6: {  	s21 =	simm.s32 $0x1180;
	[sflag:s15] =	ssyncadd.s32 $0xFFFFC000  }
0x4d7: {  	[spmem:s28] =	stream.indirect.scatter.add.f32 [tilespmem:s12], [sflag:$0x4], $0x80, s21, s11, $0xb8;
	[tilespmem:$0x1E000] =	vst v63  }
0x4d8: {  	_ =	swait.ge [sflag:s6], $0x4000  }
0x4d9: {  	[sflag:s6] =	ssyncset.done $0x0  }
0x4da: {  	s2 =	simm.s32 $0x280;
	[sflag:s6] =	ssyncadd.s32 $0xFFFFC000  }
0x4db: {  	[tilespmem:s12], [sflag:$0x2] =	stream.indirect.gather [hbm4b:s30+s11], $0x80, s2, s11, $0xb8;
	[tilespmem:$0x1E000] =	vst v63  }
0x4dc: {  	_ =	swait.ge [sflag:s13], $0x4000  }
0x4dd: {  	[sflag:s13] =	ssyncset.done $0x0  }
0x4de: {  	s3 =	simm.s32 $0x1200;
	[sflag:s13] =	ssyncadd.s32 $0xFFFFC000  }
0x4df: {  	[spmem:s28] =	stream.indirect.scatter.add.f32 [tilespmem:s5], [sflag:$0x4], $0x80, s3, s11, $0xb8;
	[tilespmem:$0x1E000] =	vst v63  }
0x4e0: {  	_ =	swait.ge [sflag:s6], $0x4000  }
0x4e1: {  	[sflag:s6] =	ssyncset.done $0x0  }
0x4e2: {  	s4 =	simm.s32 $0x300;
	[sflag:s6] =	ssyncadd.s32 $0xFFFFC000  }
0x4e3: {  	[tilespmem:s5], [sflag:$0x1] =	stream.indirect.gather [hbm4b:s30+s11], $0x80, s4, s11, $0xb8;
	[tilespmem:$0x1E000] =	vst v63  }
0x4e4: {  	_ =	swait.ge [sflag:s15], $0x4000  }
0x4e5: {  	[sflag:s15] =	ssyncset.done $0x0  }
0x4e6: {  	s21 =	simm.s32 $0x1280;
	[sflag:s15] =	ssyncadd.s32 $0xFFFFC000  }
0x4e7: {  	[spmem:s28] =	stream.indirect.scatter.add.f32 [tilespmem:s12], [sflag:$0x4], $0x80, s21, s11, $0xb8;
	[tilespmem:$0x1E000] =	vst v63  }
0x4e8: {  	_ =	swait.ge [sflag:s6], $0x4000  }
0x4e9: {  	[sflag:s6] =	ssyncset.done $0x0  }
0x4ea: {  	s2 =	simm.s32 $0x380;
	[sflag:s6] =	ssyncadd.s32 $0xFFFFC000  }
0x4eb: {  	[tilespmem:s12], [sflag:$0x2] =	stream.indirect.gather [hbm4b:s30+s11], $0x80, s2, s11, $0xb8;
	[tilespmem:$0x1E000] =	vst v63  }
0x4ec: {  	_ =	swait.ge [sflag:s13], $0x4000  }
0x4ed: {  	[sflag:s13] =	ssyncset.done $0x0  }
0x4ee: {  	s3 =	simm.s32 $0x1300;
	[sflag:s13] =	ssyncadd.s32 $0xFFFFC000  }
0x4ef: {  	[spmem:s28] =	stream.indirect.scatter.add.f32 [tilespmem:s5], [sflag:$0x4], $0x80, s3, s11, $0xb8;
	[tilespmem:$0x1E000] =	vst v63  }
0x4f0: {  	_ =	swait.ge [sflag:s6], $0x4000  }
0x4f1: {  	[sflag:s6] =	ssyncset.done $0x0  }
0x4f2: {  	s4 =	simm.s32 $0x400;
	[sflag:s6] =	ssyncadd.s32 $0xFFFFC000  }
0x4f3: {  	[tilespmem:s5], [sflag:$0x1] =	stream.indirect.gather [hbm4b:s30+s11], $0x80, s4, s11, $0xb8;
	[tilespmem:$0x1E000] =	vst v63  }
0x4f4: {  	_ =	swait.ge [sflag:s15], $0x4000  }
0x4f5: {  	[sflag:s15] =	ssyncset.done $0x0  }
0x4f6: {  	s21 =	simm.s32 $0x1380;
	[sflag:s15] =	ssyncadd.s32 $0xFFFFC000  }
0x4f7: {  	[spmem:s28] =	stream.indirect.scatter.add.f32 [tilespmem:s12], [sflag:$0x4], $0x80, s21, s11, $0xb8;
	[tilespmem:$0x1E000] =	vst v63  }
0x4f8: {  	_ =	swait.ge [sflag:s6], $0x4000  }
0x4f9: {  	[sflag:s6] =	ssyncset.done $0x0  }
0x4fa: {  	s2 =	simm.s32 $0x480;
	[sflag:s6] =	ssyncadd.s32 $0xFFFFC000  }
0x4fb: {  	[tilespmem:s12], [sflag:$0x2] =	stream.indirect.gather [hbm4b:s30+s11], $0x80, s2, s11, $0xb8;
	[tilespmem:$0x1E000] =	vst v63  }
0x4fc: {  	_ =	swait.ge [sflag:s13], $0x4000  }
0x4fd: {  	[sflag:s13] =	ssyncset.done $0x0  }
0x4fe: {  	s3 =	simm.s32 $0x1400;
	[sflag:s13] =	ssyncadd.s32 $0xFFFFC000  }
0x4ff: {  	[spmem:s28] =	stream.indirect.scatter.add.f32 [tilespmem:s5], [sflag:$0x4], $0x80, s3, s11, $0xb8;
	[tilespmem:$0x1E000] =	vst v63  }
0x500: {  	_ =	swait.ge [sflag:s6], $0x4000  }
0x501: {  	[sflag:s6] =	ssyncset.done $0x0  }
0x502: {  	s4 =	simm.s32 $0x500;
	[sflag:s6] =	ssyncadd.s32 $0xFFFFC000  }
0x503: {  	[tilespmem:s5], [sflag:$0x1] =	stream.indirect.gather [hbm4b:s30+s11], $0x80, s4, s11, $0xb8;
	[tilespmem:$0x1E000] =	vst v63  }
0x504: {  	_ =	swait.ge [sflag:s15], $0x4000  }
0x505: {  	[sflag:s15] =	ssyncset.done $0x0  }
0x506: {  	s21 =	simm.s32 $0x1480;
	[sflag:s15] =	ssyncadd.s32 $0xFFFFC000  }
0x507: {  	[spmem:s28] =	stream.indirect.scatter.add.f32 [tilespmem:s12], [sflag:$0x4], $0x80, s21, s11, $0xb8;
	[tilespmem:$0x1E000] =	vst v63  }
0x508: {  	_ =	swait.ge [sflag:s6], $0x4000  }
0x509: {  	[sflag:s6] =	ssyncset.done $0x0  }
0x50a: {  	s2 =	simm.s32 $0x580;
	[sflag:s6] =	ssyncadd.s32 $0xFFFFC000  }
0x50b: {  	[tilespmem:s12], [sflag:$0x2] =	stream.indirect.gather [hbm4b:s30+s11], $0x80, s2, s11, $0xb8;
	[tilespmem:$0x1E000] =	vst v63  }
0x50c: {  	_ =	swait.ge [sflag:s13], $0x4000  }
0x50d: {  	[sflag:s13] =	ssyncset.done $0x0  }
0x50e: {  	s3 =	simm.s32 $0x1500;
	[sflag:s13] =	ssyncadd.s32 $0xFFFFC000  }
0x50f: {  	[spmem:s28] =	stream.indirect.scatter.add.f32 [tilespmem:s5], [sflag:$0x4], $0x80, s3, s11, $0xb8;
	[tilespmem:$0x1E000] =	vst v63  }
0x510: {  	_ =	swait.ge [sflag:s6], $0x4000  }
0x511: {  	[sflag:s6] =	ssyncset.done $0x0  }
0x512: {  	s4 =	simm.s32 $0x600;
	[sflag:s6] =	ssyncadd.s32 $0xFFFFC000  }
0x513: {  	[tilespmem:s5], [sflag:$0x1] =	stream.indirect.gather [hbm4b:s30+s11], $0x80, s4, s11, $0xb8;
	[tilespmem:$0x1E000] =	vst v63  }
0x514: {  	_ =	swait.ge [sflag:s15], $0x4000  }
0x515: {  	[sflag:s15] =	ssyncset.done $0x0  }
0x516: {  	s21 =	simm.s32 $0x1580;
	[sflag:s15] =	ssyncadd.s32 $0xFFFFC000  }
0x517: {  	[spmem:s28] =	stream.indirect.scatter.add.f32 [tilespmem:s12], [sflag:$0x4], $0x80, s21, s11, $0xb8;
	[tilespmem:$0x1E000] =	vst v63  }
0x518: {  	_ =	swait.ge [sflag:s6], $0x4000  }
0x519: {  	[sflag:s6] =	ssyncset.done $0x0  }
0x51a: {  	s2 =	simm.s32 $0x680;
	[sflag:s6] =	ssyncadd.s32 $0xFFFFC000  }
0x51b: {  	[tilespmem:s12], [sflag:$0x2] =	stream.indirect.gather [hbm4b:s30+s11], $0x80, s2, s11, $0xb8;
	[tilespmem:$0x1E000] =	vst v63  }
0x51c: {  	_ =	swait.ge [sflag:s13], $0x4000  }
0x51d: {  	[sflag:s13] =	ssyncset.done $0x0  }
0x51e: {  	s3 =	simm.s32 $0x1600;
	[sflag:s13] =	ssyncadd.s32 $0xFFFFC000  }
0x51f: {  	[spmem:s28] =	stream.indirect.scatter.add.f32 [tilespmem:s5], [sflag:$0x4], $0x80, s3, s11, $0xb8;
	[tilespmem:$0x1E000] =	vst v63  }
0x520: {  	_ =	swait.ge [sflag:s6], $0x4000  }
0x521: {  	[sflag:s6] =	ssyncset.done $0x0  }
0x522: {  	s4 =	simm.s32 $0x700;
	[sflag:s6] =	ssyncadd.s32 $0xFFFFC000  }
0x523: {  	[tilespmem:s5], [sflag:$0x1] =	stream.indirect.gather [hbm4b:s30+s11], $0x80, s4, s11, $0xb8;
	[tilespmem:$0x1E000] =	vst v63  }
0x524: {  	_ =	swait.ge [sflag:s15], $0x4000  }
0x525: {  	[sflag:s15] =	ssyncset.done $0x0  }
0x526: {  	s21 =	simm.s32 $0x1680;
	[sflag:s15] =	ssyncadd.s32 $0xFFFFC000  }
0x527: {  	[spmem:s28] =	stream.indirect.scatter.add.f32 [tilespmem:s12], [sflag:$0x4], $0x80, s21, s11, $0xb8;
	[tilespmem:$0x1E000] =	vst v63  }
0x528: {  	_ =	swait.ge [sflag:s6], $0x4000  }
0x529: {  	[sflag:s6] =	ssyncset.done $0x0  }
0x52a: {  	s2 =	simm.s32 $0x780;
	[sflag:s6] =	ssyncadd.s32 $0xFFFFC000  }
0x52b: {  	[tilespmem:s12], [sflag:$0x2] =	stream.indirect.gather [hbm4b:s30+s11], $0x80, s2, s11, $0xb8;
	[tilespmem:$0x1E000] =	vst v63  }
0x52c: {  	_ =	swait.ge [sflag:s13], $0x4000  }
0x52d: {  	[sflag:s13] =	ssyncset.done $0x0  }
0x52e: {  	s3 =	simm.s32 $0x1700;
	[sflag:s13] =	ssyncadd.s32 $0xFFFFC000  }
0x52f: {  	[spmem:s28] =	stream.indirect.scatter.add.f32 [tilespmem:s5], [sflag:$0x4], $0x80, s3, s11, $0xb8;
	[tilespmem:$0x1E000] =	vst v63  }
0x530: {  	_ =	swait.ge [sflag:s6], $0x4000  }
0x531: {  	[sflag:s6] =	ssyncset.done $0x0  }
0x532: {  	[sflag:s6] =	ssyncadd.s32 $0xFFFFC000  }
0x533: {  	_ =	swait.ge [sflag:s15], $0x4000  }
0x534: {  	[sflag:s15] =	ssyncset.done $0x0  }
0x535: {  	s4 =	simm.s32 $0x1780;
	[sflag:s15] =	ssyncadd.s32 $0xFFFFC000  }
0x536: {  	[spmem:s28] =	stream.indirect.scatter.add.f32 [tilespmem:s12], [sflag:$0x4], $0x80, s4, s11, $0xb8;
	[tilespmem:$0x1E000] =	vst v63  }
0x537: {  	_ =	swait.ge [sflag:s6], $0x4000  }
0x538: {  	[sflag:s6] =	ssyncset.done $0x0  }
0x539: {  	[sflag:s6] =	ssyncadd.s32 $0xFFFFC000  }
0x53a: {  	_ =	swait.ge [sflag:s8], $0x800  }
0x53b: {  	[sflag:s8] =	ssyncset.done $0x0  }
0x53c: {  	[sflag:s8] =	ssyncadd.s32 $0xFFFFF800  }
0x53d: {  	_ =	swait.ge [sflag:s8], $0x800  }
0x53e: {  	[sflag:s8] =	ssyncset.done $0x0  }
0x53f: {  	[sflag:s8] =	ssyncadd.s32 $0xFFFFF800  }
0x540: {  	[tilespmem:s5], [sflag:$0x1] =	stream.indirect.gather [hbm4b:s30+s11], $0x80, s9, s11, $0xb8;
	[tilespmem:$0x1E000] =	vst v63  }
0x541: {  	s7 =	simm.s32 $0x880  }
0x542: {  	[tilespmem:s12], [sflag:$0x2] =	stream.indirect.gather [hbm4b:s30+s11], $0x80, s7, s11, $0xb8;
	[tilespmem:$0x1E000] =	vst v63  }
0x543: {  	_ =	swait.ge [sflag:s13], $0x4000  }
0x544: {  	[sflag:s13] =	ssyncset.done $0x0  }
0x545: {  	[sflag:s13] =	ssyncadd.s32 $0xFFFFC000  }
0x546: {  	[spmem:s28] =	stream.indirect.scatter.add.f32 [tilespmem:s5], [sflag:$0x4], $0x80, s10, s11, $0xb8;
	[tilespmem:$0x1E000] =	vst v63  }
0x547: {  	_ =	swait.ge [sflag:s6], $0x4000  }
0x548: {  	[sflag:s6] =	ssyncset.done $0x0  }
0x549: {  	s14 =	simm.s32 $0x900;
	[sflag:s6] =	ssyncadd.s32 $0xFFFFC000  }
0x54a: {  	[tilespmem:s5], [sflag:$0x1] =	stream.indirect.gather [hbm4b:s30+s11], $0x80, s14, s11, $0xb8;
	[tilespmem:$0x1E000] =	vst v63  }
0x54b: {  	_ =	swait.ge [sflag:s15], $0x4000  }
0x54c: {  	[sflag:s15] =	ssyncset.done $0x0  }
0x54d: {  	s16 =	simm.s32 $0x1880;
	[sflag:s15] =	ssyncadd.s32 $0xFFFFC000  }
0x54e: {  	[spmem:s28] =	stream.indirect.scatter.add.f32 [tilespmem:s12], [sflag:$0x4], $0x80, s16, s11, $0xb8;
	[tilespmem:$0x1E000] =	vst v63  }
0x54f: {  	_ =	swait.ge [sflag:s6], $0x4000  }
0x550: {  	[sflag:s6] =	ssyncset.done $0x0  }
0x551: {  	s17 =	simm.s32 $0x980;
	[sflag:s6] =	ssyncadd.s32 $0xFFFFC000  }
0x552: {  	[tilespmem:s12], [sflag:$0x2] =	stream.indirect.gather [hbm4b:s30+s11], $0x80, s17, s11, $0xb8;
	[tilespmem:$0x1E000] =	vst v63  }
0x553: {  	_ =	swait.ge [sflag:s13], $0x4000  }
0x554: {  	[sflag:s13] =	ssyncset.done $0x0  }
0x555: {  	s18 =	simm.s32 $0x1900;
	[sflag:s13] =	ssyncadd.s32 $0xFFFFC000  }
0x556: {  	[spmem:s28] =	stream.indirect.scatter.add.f32 [tilespmem:s5], [sflag:$0x4], $0x80, s18, s11, $0xb8;
	[tilespmem:$0x1E000] =	vst v63  }
0x557: {  	_ =	swait.ge [sflag:s6], $0x4000  }
0x558: {  	[sflag:s6] =	ssyncset.done $0x0  }
0x559: {  	s19 =	simm.s32 $0xA00;
	[sflag:s6] =	ssyncadd.s32 $0xFFFFC000  }
0x55a: {  	[tilespmem:s5], [sflag:$0x1] =	stream.indirect.gather [hbm4b:s30+s11], $0x80, s19, s11, $0xb8;
	[tilespmem:$0x1E000] =	vst v63  }
0x55b: {  	_ =	swait.ge [sflag:s15], $0x4000  }
0x55c: {  	[sflag:s15] =	ssyncset.done $0x0  }
0x55d: {  	s20 =	simm.s32 $0x1980;
	[sflag:s15] =	ssyncadd.s32 $0xFFFFC000  }
0x55e: {  	[spmem:s28] =	stream.indirect.scatter.add.f32 [tilespmem:s12], [sflag:$0x4], $0x80, s20, s11, $0xb8;
	[tilespmem:$0x1E000] =	vst v63  }
0x55f: {  	_ =	swait.ge [sflag:s6], $0x4000  }
0x560: {  	[sflag:s6] =	ssyncset.done $0x0  }
0x561: {  	s22 =	simm.s32 $0xA80;
	[sflag:s6] =	ssyncadd.s32 $0xFFFFC000  }
0x562: {  	[tilespmem:s12], [sflag:$0x2] =	stream.indirect.gather [hbm4b:s30+s11], $0x80, s22, s11, $0xb8;
	[tilespmem:$0x1E000] =	vst v63  }
0x563: {  	_ =	swait.ge [sflag:s13], $0x4000  }
0x564: {  	[sflag:s13] =	ssyncset.done $0x0  }
0x565: {  	s23 =	simm.s32 $0x1A00;
	[sflag:s13] =	ssyncadd.s32 $0xFFFFC000  }
0x566: {  	[spmem:s28] =	stream.indirect.scatter.add.f32 [tilespmem:s5], [sflag:$0x4], $0x80, s23, s11, $0xb8;
	[tilespmem:$0x1E000] =	vst v63  }
0x567: {  	_ =	swait.ge [sflag:s6], $0x4000  }
0x568: {  	[sflag:s6] =	ssyncset.done $0x0  }
0x569: {  	s24 =	simm.s32 $0xB00;
	[sflag:s6] =	ssyncadd.s32 $0xFFFFC000  }
0x56a: {  	[tilespmem:s5], [sflag:$0x1] =	stream.indirect.gather [hbm4b:s30+s11], $0x80, s24, s11, $0xb8;
	[tilespmem:$0x1E000] =	vst v63  }
0x56b: {  	_ =	swait.ge [sflag:s15], $0x4000  }
0x56c: {  	[sflag:s15] =	ssyncset.done $0x0  }
0x56d: {  	s25 =	simm.s32 $0x1A80;
	[sflag:s15] =	ssyncadd.s32 $0xFFFFC000  }
0x56e: {  	[spmem:s28] =	stream.indirect.scatter.add.f32 [tilespmem:s12], [sflag:$0x4], $0x80, s25, s11, $0xb8;
	[tilespmem:$0x1E000] =	vst v63  }
0x56f: {  	_ =	swait.ge [sflag:s6], $0x4000  }
0x570: {  	[sflag:s6] =	ssyncset.done $0x0  }
0x571: {  	s26 =	simm.s32 $0xB80;
	[sflag:s6] =	ssyncadd.s32 $0xFFFFC000  }
0x572: {  	[tilespmem:s12], [sflag:$0x2] =	stream.indirect.gather [hbm4b:s30+s11], $0x80, s26, s11, $0xb8;
	[tilespmem:$0x1E000] =	vst v63  }
0x573: {  	_ =	swait.ge [sflag:s13], $0x4000  }
0x574: {  	[sflag:s13] =	ssyncset.done $0x0  }
0x575: {  	s29 =	simm.s32 $0x1B00;
	[sflag:s13] =	ssyncadd.s32 $0xFFFFC000  }
0x576: {  	[spmem:s28] =	stream.indirect.scatter.add.f32 [tilespmem:s5], [sflag:$0x4], $0x80, s29, s11, $0xb8;
	[tilespmem:$0x1E000] =	vst v63  }
0x577: {  	_ =	swait.ge [sflag:s6], $0x4000  }
0x578: {  	[sflag:s6] =	ssyncset.done $0x0  }
0x579: {  	s31 =	simm.s32 $0xC00;
	[sflag:s6] =	ssyncadd.s32 $0xFFFFC000  }
0x57a: {  	[tilespmem:s5], [sflag:$0x1] =	stream.indirect.gather [hbm4b:s30+s11], $0x80, s31, s11, $0xb8;
	[tilespmem:$0x1E000] =	vst v63  }
0x57b: {  	_ =	swait.ge [sflag:s15], $0x4000  }
0x57c: {  	[sflag:s15] =	ssyncset.done $0x0  }
0x57d: {  	s21 =	simm.s32 $0x1B80;
	[sflag:s15] =	ssyncadd.s32 $0xFFFFC000  }
0x57e: {  	[spmem:s28] =	stream.indirect.scatter.add.f32 [tilespmem:s12], [sflag:$0x4], $0x80, s21, s11, $0xb8;
	[tilespmem:$0x1E000] =	vst v63  }
0x57f: {  	_ =	swait.ge [sflag:s6], $0x4000  }
0x580: {  	[sflag:s6] =	ssyncset.done $0x0  }
0x581: {  	s22 =	simm.s32 $0xC80;
	[sflag:s6] =	ssyncadd.s32 $0xFFFFC000  }
0x582: {  	[tilespmem:s12], [sflag:$0x2] =	stream.indirect.gather [hbm4b:s30+s11], $0x80, s22, s11, $0xb8;
	[tilespmem:$0x1E000] =	vst v63  }
0x583: {  	_ =	swait.ge [sflag:s13], $0x4000  }
0x584: {  	[sflag:s13] =	ssyncset.done $0x0  }
0x585: {  	s23 =	simm.s32 $0x1C00;
	[sflag:s13] =	ssyncadd.s32 $0xFFFFC000  }
0x586: {  	[spmem:s28] =	stream.indirect.scatter.add.f32 [tilespmem:s5], [sflag:$0x4], $0x80, s23, s11, $0xb8;
	[tilespmem:$0x1E000] =	vst v63  }
0x587: {  	_ =	swait.ge [sflag:s6], $0x4000  }
0x588: {  	[sflag:s6] =	ssyncset.done $0x0  }
0x589: {  	s24 =	simm.s32 $0xD00;
	[sflag:s6] =	ssyncadd.s32 $0xFFFFC000  }
0x58a: {  	[tilespmem:s5], [sflag:$0x1] =	stream.indirect.gather [hbm4b:s30+s11], $0x80, s24, s11, $0xb8;
	[tilespmem:$0x1E000] =	vst v63  }
0x58b: {  	_ =	swait.ge [sflag:s15], $0x4000  }
0x58c: {  	[sflag:s15] =	ssyncset.done $0x0  }
0x58d: {  	s25 =	simm.s32 $0x1C80;
	[sflag:s15] =	ssyncadd.s32 $0xFFFFC000  }
0x58e: {  	[spmem:s28] =	stream.indirect.scatter.add.f32 [tilespmem:s12], [sflag:$0x4], $0x80, s25, s11, $0xb8;
	[tilespmem:$0x1E000] =	vst v63  }
0x58f: {  	_ =	swait.ge [sflag:s6], $0x4000  }
0x590: {  	[sflag:s6] =	ssyncset.done $0x0  }
0x591: {  	s26 =	simm.s32 $0xD80;
	[sflag:s6] =	ssyncadd.s32 $0xFFFFC000  }
0x592: {  	[tilespmem:s12], [sflag:$0x2] =	stream.indirect.gather [hbm4b:s30+s11], $0x80, s26, s11, $0xb8;
	[tilespmem:$0x1E000] =	vst v63  }
0x593: {  	_ =	swait.ge [sflag:s13], $0x4000  }
0x594: {  	[sflag:s13] =	ssyncset.done $0x0  }
0x595: {  	s29 =	simm.s32 $0x1D00;
	[sflag:s13] =	ssyncadd.s32 $0xFFFFC000  }
0x596: {  	[spmem:s28] =	stream.indirect.scatter.add.f32 [tilespmem:s5], [sflag:$0x4], $0x80, s29, s11, $0xb8;
	[tilespmem:$0x1E000] =	vst v63  }
0x597: {  	_ =	swait.ge [sflag:s6], $0x4000  }
0x598: {  	[sflag:s6] =	ssyncset.done $0x0  }
0x599: {  	s31 =	simm.s32 $0xE00;
	[sflag:s6] =	ssyncadd.s32 $0xFFFFC000  }
0x59a: {  	[tilespmem:s5], [sflag:$0x1] =	stream.indirect.gather [hbm4b:s30+s11], $0x80, s31, s11, $0xb8;
	[tilespmem:$0x1E000] =	vst v63  }
0x59b: {  	_ =	swait.ge [sflag:s15], $0x4000  }
0x59c: {  	[sflag:s15] =	ssyncset.done $0x0  }
0x59d: {  	s2 =	simm.s32 $0x1D80;
	[sflag:s15] =	ssyncadd.s32 $0xFFFFC000  }
0x59e: {  	[spmem:s28] =	stream.indirect.scatter.add.f32 [tilespmem:s12], [sflag:$0x4], $0x80, s2, s11, $0xb8;
	[tilespmem:$0x1E000] =	vst v63  }
0x59f: {  	_ =	swait.ge [sflag:s6], $0x4000  }
0x5a0: {  	[sflag:s6] =	ssyncset.done $0x0  }
0x5a1: {  	s3 =	simm.s32 $0xE80;
	[sflag:s6] =	ssyncadd.s32 $0xFFFFC000  }
0x5a2: {  	[tilespmem:s12], [sflag:$0x2] =	stream.indirect.gather [hbm4b:s30+s11], $0x80, s3, s11, $0xb8;
	[tilespmem:$0x1E000] =	vst v63  }
0x5a3: {  	_ =	swait.ge [sflag:s13], $0x4000  }
0x5a4: {  	[sflag:s13] =	ssyncset.done $0x0  }
0x5a5: {  	s4 =	simm.s32 $0x1E00;
	[sflag:s13] =	ssyncadd.s32 $0xFFFFC000  }
0x5a6: {  	[spmem:s28] =	stream.indirect.scatter.add.f32 [tilespmem:s5], [sflag:$0x4], $0x80, s4, s11, $0xb8;
	[tilespmem:$0x1E000] =	vst v63  }
0x5a7: {  	_ =	swait.ge [sflag:s6], $0x4000  }
0x5a8: {  	[sflag:s6] =	ssyncset.done $0x0  }
0x5a9: {  	s7 =	simm.s32 $0xF00;
	[sflag:s6] =	ssyncadd.s32 $0xFFFFC000  }
0x5aa: {  	[tilespmem:s5], [sflag:$0x1] =	stream.indirect.gather [hbm4b:s30+s11], $0x80, s7, s11, $0xb8;
	[tilespmem:$0x1E000] =	vst v63  }
0x5ab: {  	_ =	swait.ge [sflag:s15], $0x4000  }
0x5ac: {  	[sflag:s15] =	ssyncset.done $0x0  }
0x5ad: {  	s9 =	simm.s32 $0x1E80;
	[sflag:s15] =	ssyncadd.s32 $0xFFFFC000  }
0x5ae: {  	[spmem:s28] =	stream.indirect.scatter.add.f32 [tilespmem:s12], [sflag:$0x4], $0x80, s9, s11, $0xb8;
	[tilespmem:$0x1E000] =	vst v63  }
0x5af: {  	_ =	swait.ge [sflag:s6], $0x4000  }
0x5b0: {  	[sflag:s6] =	ssyncset.done $0x0  }
0x5b1: {  	s10 =	simm.s32 $0xF80;
	[sflag:s6] =	ssyncadd.s32 $0xFFFFC000  }
0x5b2: {  	[tilespmem:s12], [sflag:$0x2] =	stream.indirect.gather [hbm4b:s30+s11], $0x80, s10, s11, $0xb8;
	[tilespmem:$0x1E000] =	vst v63  }
0x5b3: {  	_ =	swait.ge [sflag:s13], $0x4000  }
0x5b4: {  	[sflag:s13] =	ssyncset.done $0x0  }
0x5b5: {  	s14 =	simm.s32 $0x1F00;
	[sflag:s13] =	ssyncadd.s32 $0xFFFFC000  }
0x5b6: {  	[spmem:s28] =	stream.indirect.scatter.add.f32 [tilespmem:s5], [sflag:$0x4], $0x80, s14, s11, $0xb8;
	[tilespmem:$0x1E000] =	vst v63  }
0x5b7: {  	_ =	swait.ge [sflag:s6], $0x4000  }
0x5b8: {  	[sflag:s6] =	ssyncset.done $0x0  }
0x5b9: {  	[sflag:s6] =	ssyncadd.s32 $0xFFFFC000  }
0x5ba: {  	_ =	swait.ge [sflag:s15], $0x4000  }
0x5bb: {  	[sflag:s15] =	ssyncset.done $0x0  }
0x5bc: {  	s16 =	simm.s32 $0x1F80;
	[sflag:s15] =	ssyncadd.s32 $0xFFFFC000  }
0x5bd: {  	[spmem:s28] =	stream.indirect.scatter.add.f32 [tilespmem:s12], [sflag:$0x4], $0x80, s16, s11, $0xb8;
	[tilespmem:$0x1E000] =	vst v63  }
0x5be: {  	_ =	swait.ge [sflag:s6], $0x4000  }
0x5bf: {  	[sflag:s6] =	ssyncset.done $0x0  }
0x5c0: {  	[sflag:s6] =	ssyncadd.s32 $0xFFFFC000  }
0x5c1: {  	[bflag:$0x0] =	sbarrier.arrive $0xFFFF  }
0x5c2: {  	s17 =	rddreg [dreg:$0x1c]  }
0x5c3: {  	[tilespmem:s5], [sflag:$0x4] =	stream.linear.gather [spmem:s17], $0x4000, $0x38;
	[tilespmem:$0x1E000] =	vst v63  }
0x5c4: {  	_ =	swait.ge [sflag:s6], $0x4000  }
0x5c5: {  	[sflag:s6] =	ssyncset.done $0x0  }
0x5c6: {  	s18 =	rddreg [dreg:$0x17];
	[sflag:s6] =	ssyncadd.s32 $0xFFFFC000  }
0x5c7: {  	[hbm4b:s18+s1] =	stream.linear.scatter [tilespmem:s5], [sflag:$0x4], $0x4000, $0x38;
	[tilespmem:$0x1E000] =	vst v63  }
0x5c8: {  	_ =	swait.ge [sflag:s6], $0x4000  }
0x5c9: {  	[sflag:s6] =	ssyncset.done $0x0  }
0x5ca: {  	s19 =	rddreg [dreg:$0x1d];
	[sflag:s6] =	ssyncadd.s32 $0xFFFFC000  }
0x5cb: {  	[tilespmem:s5], [sflag:$0x4] =	stream.linear.gather [spmem:s19], $0x4000, $0x38;
	[tilespmem:$0x1E000] =	vst v63  }
0x5cc: {  	_ =	swait.ge [sflag:s6], $0x4000  }
0x5cd: {  	[sflag:s6] =	ssyncset.done $0x0  }
0x5ce: {  	s20 =	rddreg [dreg:$0x18];
	[sflag:s6] =	ssyncadd.s32 $0xFFFFC000  }
0x5cf: {  	[hbm4b:s20+s1] =	stream.linear.scatter [tilespmem:s5], [sflag:$0x4], $0x4000, $0x38;
	[tilespmem:$0x1E000] =	vst v63  }
0x5d0: {  	_ =	swait.ge [sflag:s6], $0x4000  }
0x5d1: {  	[sflag:s6] =	ssyncset.done $0x0  }
0x5d2: {  	s21 =	rddreg [dreg:$0x1e];
	[sflag:s6] =	ssyncadd.s32 $0xFFFFC000  }
0x5d3: {  	[tilespmem:s5], [sflag:$0x4] =	stream.linear.gather [spmem:s21], $0x4000, $0x38;
	[tilespmem:$0x1E000] =	vst v63  }
0x5d4: {  	_ =	swait.ge [sflag:s6], $0x4000  }
0x5d5: {  	[sflag:s6] =	ssyncset.done $0x0  }
0x5d6: {  	s22 =	rddreg [dreg:$0x19];
	[sflag:s6] =	ssyncadd.s32 $0xFFFFC000  }
0x5d7: {  	[hbm4b:s22+s1] =	stream.linear.scatter [tilespmem:s5], [sflag:$0x4], $0x4000, $0x38;
	[tilespmem:$0x1E000] =	vst v63  }
0x5d8: {  	_ =	swait.ge [sflag:s6], $0x4000  }
0x5d9: {  	[sflag:s6] =	ssyncset.done $0x0  }
0x5da: {  	s23 =	rddreg [dreg:$0x1f];
	[sflag:s6] =	ssyncadd.s32 $0xFFFFC000  }
0x5db: {  	[tilespmem:s5], [sflag:$0x4] =	stream.linear.gather [spmem:s23], $0x4000, $0x38;
	[tilespmem:$0x1E000] =	vst v63  }
0x5dc: {  	_ =	swait.ge [sflag:s6], $0x4000  }
0x5dd: {  	[sflag:s6] =	ssyncset.done $0x0  }
0x5de: {  	s24 =	rddreg [dreg:$0x1a];
	[sflag:s6] =	ssyncadd.s32 $0xFFFFC000  }
0x5df: {  	[hbm4b:s24+s1] =	stream.linear.scatter [tilespmem:s5], [sflag:$0x4], $0x4000, $0x38;
	[tilespmem:$0x1E000] =	vst v63  }
0x5e0: {  	_ =	swait.ge [sflag:s6], $0x4000  }
0x5e1: {  	s25 =	sld [smem:$0x7FC]  }
0x5e2: {  	[sflag:s6] =	ssyncset.done $0x0  }
0x5e3: {  	[sflag:s6] =	ssyncadd.s32 $0xFFFFC000  }
0x5e4: {  	[tilespmem:s5], [sflag:$0x4] =	stream.linear.gather [spmem:s25], $0x4000, $0x38;
	[tilespmem:$0x1E000] =	vst v63  }
0x5e5: {  	_ =	swait.ge [sflag:s6], $0x4000  }
0x5e6: {  	[sflag:s6] =	ssyncset.done $0x0  }
0x5e7: {  	s26 =	rddreg [dreg:$0x1b];
	[sflag:s6] =	ssyncadd.s32 $0xFFFFC000  }
0x5e8: {  	[hbm4b:s26+s1] =	stream.linear.scatter [tilespmem:s5], [sflag:$0x4], $0x4000, $0x38;
	[tilespmem:$0x1E000] =	vst v63  }
0x5e9: {  	_ =	swait.ge [sflag:s6], $0x4000  }
0x5ea: {  	s29 =	sld [smem:$0x7FB]  }
0x5eb: {  	s31 =	sld [smem:$0x7FD];
	_ =	sdelay $0x1  }
0x5ec: {  	s0 =	sadd.s32 $0x1, s29  }
0x5ed: {  	p0 =	sne.s32 s0, s31  }
.Ltmp1:
0x5ee: {  	_ = 	snop;
	(pc) =	sbr.rel @p0 .LBB2_1-.Ltmp1, $3  }
0x5ef: {  	_ =	sdelay $0x1  }
0x5f0: {  	[sflag:s6] =	ssyncset.done $0x0  }
0x5f1: {  	[sflag:s6] =	ssyncadd.s32 $0xFFFFC000  }
0x5f2: {  	_ =	sfence.sel $0x180000  }
0x5f3: {  	[bflag:$0x0] =	sbarrier.arrive $0xFFFF  }
0x5f4: {  	_ =	strace $0x9000004A  }
0x5f5: {  	s0 =	stileid.u32;
	[bflag:$0x2] =	sbarrier.arrive $0xFFFF  }
0x5f6: {  	p0 =	sne.s32 s0, $0x0;
	s0 =	rddreg [dreg:$0x2]  }
0x5f7: {  	s0 =	sadd.s32 @!p0 $0x100000, s0  }
0x5f8: {  	[sflag:s0] =	ssyncadd.tile.s32 @!p0 $0x1;
	_ =	shalt  }
.Lfunc_end2:
_tile_overlayer_lowered:
.L_overlay_start_2:
0x5f9: {  	(tag) =	ssettag $0x2  }
0x5fa: {  	s0 =	rddreg [dreg:$0x0];
	s2 =	stileid.u32  }
0x5fb: {  	s1 =	rddreg [dreg:$0x1];
	p0 =	sne.s32 s2, $0x0  }
0x5fc: {  	s3 =	rddreg [dreg:$0x2];
	[bflag:$0x3] =	sbarrier.arrive $0xFFFF;
	s2 =	simm.s32 @!p0 $0x1C04  }
0x5fd: {  	[timem:s3], [sflag:s2] =	dma.local @!p0 [hbm:s0], s1  }
0x5fe: {  	s0 =	simm.s32 @!p0 $0x4  }
0x5ff: {  	_ =	swait.ge @!p0 [sflag:s0], s1  }
0x600: {  	s1 =	ssub.s32 @!p0 $0x0, s1;
	[sflag:s0] =	ssyncset.done @!p0 $0x0  }
0x601: {  	[sflag:s0] =	ssyncadd.s32 @!p0 s1  }
0x602: {  	[bflag:$0x3] =	sbarrier.arrive $0xFFFF  }
0x603: {  	_ =	shalt  }

</sc_bundles>
